<compile_context>
chip_gen: v7x
topology: tpu7x:2x2x1
jax: 0.10.2.dev20260603
libtpu: 0.0.44.dev20260713+nightly
codegen_flags: <defaults>
</compile_context>

<pallas_src>
import functools

import jax
import jax.numpy as jnp
from jax import lax
from jax.experimental import pallas as pl
from jax.experimental.pallas import tpu as pltpu
from jax.experimental.pallas import tpu_sc as plsc

N = 10000
E = 320000
F = 128
D = 128

NC = 2
NS = 16
NW = NC * NS

EPT = E // NW
K = 80
NCHUNK = EPT // K
KA = 40
NCA = EPT // KA

NB = 6
G = 5
NPAD = 10240
DSL = NPAD // NS
DW = 16
NACC = 10240
TPTP = NACC // NS

_EPS = 1e-5


@functools.cache
def _sc_kernels():
    mesh = plsc.VectorSubcoreMesh(core_axis_name="c", subcore_axis_name="s")

    @functools.partial(
        pl.kernel,
        mesh=mesh,
        compiler_params=pltpu.CompilerParams(needs_layout_passes=False),
        out_type=jax.ShapeDtypeStruct((NW, 1, NPAD), jnp.float32),
        scratch_types=[
            pltpu.VMEM((EPT,), jnp.int32),
            pltpu.VMEM((NPAD,), jnp.float32),
        ],
    )
    def sc_degree(ei_hbm, zeros_hbm, out_hbm, colm, dacc):
        c = lax.axis_index("c")
        s = lax.axis_index("s")
        wid = s * NC + c
        pltpu.sync_copy(ei_hbm.at[pl.ds(E + wid * EPT, EPT)], colm)
        pltpu.sync_copy(zeros_hbm, dacc)
        ones16 = jnp.ones((16,), jnp.float32)

        def chunk(t, carry):
            idx = colm[pl.ds(t * 16, 16)]
            plsc.addupdate_scatter(dacc, [idx], ones16)
            return carry

        lax.fori_loop(0, EPT // 16, chunk, 0)
        pltpu.sync_copy(dacc, out_hbm.at[wid, 0])

    @functools.partial(
        pl.kernel,
        mesh=mesh,
        out_type=jax.ShapeDtypeStruct((NC, NACC, D), jnp.float32),
        scratch_types=[
            [pltpu.VMEM((KA,), jnp.int32) for _ in range(NB)],
            [pltpu.VMEM((KA,), jnp.int32) for _ in range(NB)],
            [pltpu.VMEM((KA, D), jnp.float32) for _ in range(NB)],
            pltpu.VMEM_SHARED((NACC, D), jnp.float32),
            [pltpu.SemaphoreType.DMA for _ in range(NB)],
            [pltpu.SemaphoreType.DMA for _ in range(NB)],
            [pltpu.SemaphoreType.DMA for _ in range(NB)],
            [pltpu.SemaphoreType.DMA for _ in range(NB)],
        ],
    )
    def sc_aggregate(h_hbm, ei_hbm, zeros_hbm, out_hbm,
                     r, c, buf, acc, g, sc, ir, ic):
        cc_ = lax.axis_index("c")
        ss_ = lax.axis_index("s")
        wid = ss_ * NC + cc_
        pltpu.sync_copy(zeros_hbm, acc.at[pl.ds(ss_ * TPTP, TPTP)])

        base = wid * EPT

        def ldrow(i, b):
            pltpu.async_copy(ei_hbm.at[pl.ds(base + i * KA, KA)], r[b], ir[b])

        def ldcol(i, b):
            pltpu.async_copy(ei_hbm.at[pl.ds(E + base + i * KA, KA)], c[b], ic[b])

        def irwait(b):
            pltpu.make_async_copy(ei_hbm.at[pl.ds(base, KA)], r[b], ir[b]).wait()

        def icwait(b):
            pltpu.make_async_copy(ei_hbm.at[pl.ds(E + base, KA)], c[b], ic[b]).wait()

        def gather(b):
            pltpu.async_copy(h_hbm.at[r[b]], buf[b], g[b])

        def gwait(b):
            pltpu.make_async_copy(h_hbm.at[r[0]], buf[b], g[b]).wait()

        def scat(b):
            pltpu.async_copy(buf[b], acc.at[c[b]], sc[b], add=True)

        def swait(b):
            pltpu.make_async_copy(buf[b], acc.at[c[0]], sc[b]).wait()

        for b in range(NB):
            ldrow(b, b)
        for b in range(G):
            ldcol(b, b)
        plsc.subcore_barrier()
        for b in range(G):
            irwait(b)
            gather(b)

        def step(i, b):
            b3 = (b + G) % NB
            gwait(b)
            @pl.when(i + NB < NCA)
            def _ldr():
                ldrow(i + NB, b)
            icwait(b)
            scat(b)
            @pl.when(i + G < NCA)
            def _nxt():
                @pl.when(i + G - NB >= 0)
                def _sw():
                    swait(b3)
                ldcol(i + G, b3)
                irwait(b3)
                gather(b3)

        def group(j, carry):
            i0 = NB * j
            for b in range(NB):
                step(i0 + b, b)
            return carry

        lax.fori_loop(0, NCA // NB, group, 0)
        for i in range(NCA - (NCA % NB), NCA):
            step(i, i % NB)
        for i in range(NCA - NB, NCA):
            swait(i % NB)
        plsc.subcore_barrier()
        pltpu.sync_copy(acc.at[pl.ds(ss_ * TPTP, TPTP)],
                        out_hbm.at[cc_, pl.ds(ss_ * TPTP, TPTP)])

    return sc_degree, sc_aggregate


def _tc_first_body(x_ref, w_ref, deg_ref, out_ref, dinv_ref):
    deg = jnp.sum(deg_ref[:, 0, :N], axis=0, keepdims=True) + 1.0
    dinv = lax.rsqrt(deg).reshape(N, 1)
    dinv_ref[...] = dinv
    h = jnp.dot(x_ref[...], w_ref[...], preferred_element_type=jnp.float32)
    out_ref[...] = h * dinv


def _tc_mid_body(s_ref, hp_ref, dinv_ref, b_ref, g_ref, be_ref, w_ref, out_ref):
    dinv = dinv_ref[...]
    conv = (s_ref[0, :N] + s_ref[1, :N] + hp_ref[...]) * dinv + b_ref[...]
    m = jnp.mean(conv, axis=0, keepdims=True)
    cc = conv - m
    v = jnp.mean(cc * cc, axis=0, keepdims=True)
    y = cc * lax.rsqrt(v + _EPS) * g_ref[...] + be_ref[...]
    y = jnp.maximum(y, 0.0)
    out_ref[...] = jnp.dot(y, w_ref[...],
                           preferred_element_type=jnp.float32) * dinv


def _tc_last_body(s_ref, hp_ref, dinv_ref, b_ref, g_ref, be_ref, out_ref):
    conv = (s_ref[0, :N] + s_ref[1, :N] + hp_ref[...]) * dinv_ref[...] + b_ref[...]
    m = jnp.mean(conv, axis=0, keepdims=True)
    cc = conv - m
    v = jnp.mean(cc * cc, axis=0, keepdims=True)
    out_ref[...] = cc * lax.rsqrt(v + _EPS) * g_ref[...] + be_ref[...]


_nd_f32 = jax.ShapeDtypeStruct((N, D), jnp.float32)

_tc_first = pl.pallas_call(
    _tc_first_body,
    out_shape=[_nd_f32, jax.ShapeDtypeStruct((N, 1), jnp.float32)])
_tc_mid = pl.pallas_call(_tc_mid_body, out_shape=_nd_f32)
_tc_last = pl.pallas_call(_tc_last_body, out_shape=_nd_f32)


def kernel(x, edge_index, W1, b1, g1, be1, W2, b2, g2, be2, W3, b3, g3, be3):
    sc_degree, sc_aggregate = _sc_kernels()
    ei_flat = edge_index.reshape(2 * E)

    zeros_deg = jnp.zeros((NPAD,), jnp.float32)
    zeros_acc = jnp.zeros((TPTP, D), jnp.float32)

    deg_part = sc_degree(ei_flat, zeros_deg)

    b1r, g1r, be1r = b1.reshape(1, D), g1.reshape(1, D), be1.reshape(1, D)
    b2r, g2r, be2r = b2.reshape(1, D), g2.reshape(1, D), be2.reshape(1, D)
    b3r, g3r, be3r = b3.reshape(1, D), g3.reshape(1, D), be3.reshape(1, D)

    hp, dinv = _tc_first(x, W1, deg_part)
    S = sc_aggregate(hp, ei_flat, zeros_acc)
    hp = _tc_mid(S, hp, dinv, b1r, g1r, be1r, W2)
    S = sc_aggregate(hp, ei_flat, zeros_acc)
    hp = _tc_mid(S, hp, dinv, b2r, g2r, be2r, W3)
    S = sc_aggregate(hp, ei_flat, zeros_acc)
    return _tc_last(S, hp, dinv, b3r, g3r, be3r)

# --- scband reference (transcript-rebuilt; emitter-appended) ---
"""Pipeline reference for scband-gcnencoder-batch-norm-22273700397756 (READ-ONLY COPY).

The authoritative reference and input builder live on the scoring server;
editing this copy changes nothing except your own understanding.
"""

import jax, jax.numpy as jnp
import numpy as np

N = 10000
E = 320000
F = 128
D = 128


def setup_inputs(seed: int = 0) -> dict:
    key = jax.random.key(seed)
    ks = jax.random.split(key, 16)
    inp = {}
    inp['x'] = jax.random.normal(ks[0], (N, F), dtype=jnp.float32)
    inp['edge_index'] = jax.random.randint(ks[1], (2, E), 0, N, dtype=jnp.int32)
    # GCNConv weights (glorot-ish scale) and BatchNorm affine params
    inp['W1'] = jax.random.normal(ks[2], (F, D), dtype=jnp.float32) * (1.0 / np.sqrt(F))
    inp['b1'] = jnp.zeros((D,), dtype=jnp.float32)
    inp['g1'] = jnp.ones((D,), dtype=jnp.float32)
    inp['be1'] = jnp.zeros((D,), dtype=jnp.float32)
    inp['W2'] = jax.random.normal(ks[3], (D, D), dtype=jnp.float32) * (1.0 / np.sqrt(D))
    inp['b2'] = jnp.zeros((D,), dtype=jnp.float32)
    inp['g2'] = jnp.ones((D,), dtype=jnp.float32)
    inp['be2'] = jnp.zeros((D,), dtype=jnp.float32)
    inp['W3'] = jax.random.normal(ks[4], (D, D), dtype=jnp.float32) * (1.0 / np.sqrt(D))
    inp['b3'] = jnp.zeros((D,), dtype=jnp.float32)
    inp['g3'] = jnp.ones((D,), dtype=jnp.float32)
    inp['be3'] = jnp.zeros((D,), dtype=jnp.float32)
    return inp


def gcn_conv(x, edge_index, W, b):
    # GCNConv with add_self_loops=True and symmetric normalization:
    # out = D^{-1/2} (A + I) D^{-1/2} X W + b
    n = x.shape[0]
    loop = jnp.arange(n, dtype=edge_index.dtype)
    row = jnp.concatenate([edge_index[0], loop])  # source
    col = jnp.concatenate([edge_index[1], loop])  # target
    deg = jax.ops.segment_sum(jnp.ones(row.shape[0], dtype=x.dtype), col, num_segments=n)
    dinv = jnp.where(deg > 0, deg ** -0.5, 0.0)
    norm = dinv[row] * dinv[col]
    h = x @ W
    msg = jnp.take(h, row, axis=0) * norm[:, None]
    out = jax.ops.segment_sum(msg, col, num_segments=n)
    return out + b


def batchnorm(x, g, be, eps=1e-5):
    m = jnp.mean(x, axis=0)
    v = jnp.var(x, axis=0)
    return (x - m) / jnp.sqrt(v + eps) * g + be


def reference(x, edge_index, W1, b1, g1, be1, W2, b2, g2, be2, W3, b3, g3, be3):
    h = gcn_conv(x, edge_index, W1, b1)
    h = batchnorm(h, g1, be1)
    h = jax.nn.relu(h)
    h = gcn_conv(h, edge_index, W2, b2)
    h = batchnorm(h, g2, be2)
    h = jax.nn.relu(h)
    h = gcn_conv(h, edge_index, W3, b3)
    h = batchnorm(h, g3, be3)
    return h

if __name__ == "__main__":
    import jax
    _d = setup_inputs()
    print(jax.jit(kernel)(*tuple(_d.values())))

</pallas_src>

<mosaic_0001>
#map = affine_map<(d0, d1) -> (0, 0)>
#map1 = affine_map<(d0, d1) -> (0)>
#map2 = affine_map<(d0, d1) -> (0, 0, 0)>
module attributes {stable_mosaic.version = 14 : i64} {
  func.func @sc_aggregate(%arg0: i32, %arg1: i32, %arg2: memref<10000x128xf32, #tpu.memory_space<hbm>>, %arg3: memref<640000xi32, #tpu.memory_space<hbm>>, %arg4: memref<640x128xf32, #tpu.memory_space<hbm>>, %arg5: memref<2x10240x128xf32, #tpu.memory_space<hbm>>, %arg6: memref<40xi32, #tpu.memory_space<vmem>>, %arg7: memref<40xi32, #tpu.memory_space<vmem>>, %arg8: memref<40xi32, #tpu.memory_space<vmem>>, %arg9: memref<40xi32, #tpu.memory_space<vmem>>, %arg10: memref<40xi32, #tpu.memory_space<vmem>>, %arg11: memref<40xi32, #tpu.memory_space<vmem>>, %arg12: memref<40xi32, #tpu.memory_space<vmem>>, %arg13: memref<40xi32, #tpu.memory_space<vmem>>, %arg14: memref<40xi32, #tpu.memory_space<vmem>>, %arg15: memref<40xi32, #tpu.memory_space<vmem>>, %arg16: memref<40xi32, #tpu.memory_space<vmem>>, %arg17: memref<40xi32, #tpu.memory_space<vmem>>, %arg18: memref<40x128xf32, #tpu.memory_space<vmem>>, %arg19: memref<40x128xf32, #tpu.memory_space<vmem>>, %arg20: memref<40x128xf32, #tpu.memory_space<vmem>>, %arg21: memref<40x128xf32, #tpu.memory_space<vmem>>, %arg22: memref<40x128xf32, #tpu.memory_space<vmem>>, %arg23: memref<40x128xf32, #tpu.memory_space<vmem>>, %arg24: memref<10240x128xf32, #tpu.memory_space<vmem_shared>>, %arg25: memref<!tpu.dma_semaphore, #tpu.memory_space<semaphore_mem>>, %arg26: memref<!tpu.dma_semaphore, #tpu.memory_space<semaphore_mem>>, %arg27: memref<!tpu.dma_semaphore, #tpu.memory_space<semaphore_mem>>, %arg28: memref<!tpu.dma_semaphore, #tpu.memory_space<semaphore_mem>>, %arg29: memref<!tpu.dma_semaphore, #tpu.memory_space<semaphore_mem>>, %arg30: memref<!tpu.dma_semaphore, #tpu.memory_space<semaphore_mem>>, %arg31: memref<!tpu.dma_semaphore, #tpu.memory_space<semaphore_mem>>, %arg32: memref<!tpu.dma_semaphore, #tpu.memory_space<semaphore_mem>>, %arg33: memref<!tpu.dma_semaphore, #tpu.memory_space<semaphore_mem>>, %arg34: memref<!tpu.dma_semaphore, #tpu.memory_space<semaphore_mem>>, %arg35: memref<!tpu.dma_semaphore, #tpu.memory_space<semaphore_mem>>, %arg36: memref<!tpu.dma_semaphore, #tpu.memory_space<semaphore_mem>>, %arg37: memref<!tpu.dma_semaphore, #tpu.memory_space<semaphore_mem>>, %arg38: memref<!tpu.dma_semaphore, #tpu.memory_space<semaphore_mem>>, %arg39: memref<!tpu.dma_semaphore, #tpu.memory_space<semaphore_mem>>, %arg40: memref<!tpu.dma_semaphore, #tpu.memory_space<semaphore_mem>>, %arg41: memref<!tpu.dma_semaphore, #tpu.memory_space<semaphore_mem>>, %arg42: memref<!tpu.dma_semaphore, #tpu.memory_space<semaphore_mem>>, %arg43: memref<!tpu.dma_semaphore, #tpu.memory_space<semaphore_mem>>, %arg44: memref<!tpu.dma_semaphore, #tpu.memory_space<semaphore_mem>>, %arg45: memref<!tpu.dma_semaphore, #tpu.memory_space<semaphore_mem>>, %arg46: memref<!tpu.dma_semaphore, #tpu.memory_space<semaphore_mem>>, %arg47: memref<!tpu.dma_semaphore, #tpu.memory_space<semaphore_mem>>, %arg48: memref<!tpu.dma_semaphore, #tpu.memory_space<semaphore_mem>>) attributes {dimension_semantics = [#tpu.dimension_semantics<core_parallel>, #tpu.dimension_semantics<subcore_parallel>], iteration_bounds = array<i64: 2, 16>, scalar_prefetch = 0 : i64, scratch_operands = 43 : i64, tpu.core_type = #tpu.core_type<sc_vector_subcore>, window_params = [{transform_indices = #map}, {transform_indices = #map1}, {transform_indices = #map}, {transform_indices = #map2}]} {
    %mul3A = arith.constant 2 : i32
    %mul3A_0 = arith.muli %arg1, %mul3A : i32
    %add3A = arith.addi %mul3A_0, %arg0 : i32
    %mul3A_1 = arith.constant 640 : i32
    %mul3A_2 = arith.muli %arg1, %mul3A_1 : i32
    "tpu.region"() ({
      %run_scoped3A = tpu.sem_alloc : memref<!tpu.dma_semaphore, #tpu.memory_space<semaphore_mem>>
      %dma_start3A_150 = arith.constant 0 : i32
      %dma_start3A_151 = tpu.memref_slice %arg24[%mul3A_2, %dma_start3A_150] : memref<10240x128xf32, #tpu.memory_space<vmem_shared>> -> memref<640x128xf32, #tpu.memory_space<vmem_shared>>
      tpu.enqueue_dma source(%arg4 : memref<640x128xf32, #tpu.memory_space<hbm>>) target(%dma_start3A_151 : memref<640x128xf32, #tpu.memory_space<vmem_shared>>) target_semaphore(%run_scoped3A : memref<!tpu.dma_semaphore, #tpu.memory_space<semaphore_mem>>)
      %dma_wait3A_152 = arith.constant 0 : i32
      %dma_wait3A_153 = tpu.memref_slice %arg24[%mul3A_2, %dma_wait3A_152] : memref<10240x128xf32, #tpu.memory_space<vmem_shared>> -> memref<640x128xf32, #tpu.memory_space<vmem_shared>>
      tpu.wait_dma2 semaphore(%run_scoped3A : memref<!tpu.dma_semaphore, #tpu.memory_space<semaphore_mem>>) src(%arg4 : memref<640x128xf32, #tpu.memory_space<hbm>>) dst(%dma_wait3A_153 : memref<640x128xf32, #tpu.memory_space<vmem_shared>>)
      tpu.yield
    }) : () -> ()
    %mul3A_3 = arith.constant 10000 : i32
    %mul3A_4 = arith.muli %add3A, %mul3A_3 : i32
    %add3A_5 = arith.constant 0 : i32
    %add3A_6 = arith.addi %mul3A_4, %add3A_5 : i32
    %dma_start3A = tpu.memref_slice %arg3[%add3A_6] : memref<640000xi32, #tpu.memory_space<hbm>> -> memref<40xi32, #tpu.memory_space<hbm>>
    %dma_start3A_7 = tpu.memref_slice %arg3[%add3A_6] : memref<640000xi32, #tpu.memory_space<hbm>> -> memref<40xi32, #tpu.memory_space<hbm>>
    tpu.enqueue_dma source(%dma_start3A_7 : memref<40xi32, #tpu.memory_space<hbm>>) target(%arg6 : memref<40xi32, #tpu.memory_space<vmem>>) target_semaphore(%arg37 : memref<!tpu.dma_semaphore, #tpu.memory_space<semaphore_mem>>)
    %add3A_8 = arith.constant 40 : i32
    %add3A_9 = arith.addi %mul3A_4, %add3A_8 : i32
    %dma_start3A_10 = tpu.memref_slice %arg3[%add3A_9] : memref<640000xi32, #tpu.memory_space<hbm>> -> memref<40xi32, #tpu.memory_space<hbm>>
    %dma_start3A_11 = tpu.memref_slice %arg3[%add3A_9] : memref<640000xi32, #tpu.memory_space<hbm>> -> memref<40xi32, #tpu.memory_space<hbm>>
    tpu.enqueue_dma source(%dma_start3A_11 : memref<40xi32, #tpu.memory_space<hbm>>) target(%arg7 : memref<40xi32, #tpu.memory_space<vmem>>) target_semaphore(%arg38 : memref<!tpu.dma_semaphore, #tpu.memory_space<semaphore_mem>>)
    %add3A_12 = arith.constant 80 : i32
    %add3A_13 = arith.addi %mul3A_4, %add3A_12 : i32
    %dma_start3A_14 = tpu.memref_slice %arg3[%add3A_13] : memref<640000xi32, #tpu.memory_space<hbm>> -> memref<40xi32, #tpu.memory_space<hbm>>
    %dma_start3A_15 = tpu.memref_slice %arg3[%add3A_13] : memref<640000xi32, #tpu.memory_space<hbm>> -> memref<40xi32, #tpu.memory_space<hbm>>
    tpu.enqueue_dma source(%dma_start3A_15 : memref<40xi32, #tpu.memory_space<hbm>>) target(%arg8 : memref<40xi32, #tpu.memory_space<vmem>>) target_semaphore(%arg39 : memref<!tpu.dma_semaphore, #tpu.memory_space<semaphore_mem>>)
    %add3A_16 = arith.constant 120 : i32
    %add3A_17 = arith.addi %mul3A_4, %add3A_16 : i32
    %dma_start3A_18 = tpu.memref_slice %arg3[%add3A_17] : memref<640000xi32, #tpu.memory_space<hbm>> -> memref<40xi32, #tpu.memory_space<hbm>>
    %dma_start3A_19 = tpu.memref_slice %arg3[%add3A_17] : memref<640000xi32, #tpu.memory_space<hbm>> -> memref<40xi32, #tpu.memory_space<hbm>>
    tpu.enqueue_dma source(%dma_start3A_19 : memref<40xi32, #tpu.memory_space<hbm>>) target(%arg9 : memref<40xi32, #tpu.memory_space<vmem>>) target_semaphore(%arg40 : memref<!tpu.dma_semaphore, #tpu.memory_space<semaphore_mem>>)
    %add3A_20 = arith.constant 160 : i32
    %add3A_21 = arith.addi %mul3A_4, %add3A_20 : i32
    %dma_start3A_22 = tpu.memref_slice %arg3[%add3A_21] : memref<640000xi32, #tpu.memory_space<hbm>> -> memref<40xi32, #tpu.memory_space<hbm>>
    %dma_start3A_23 = tpu.memref_slice %arg3[%add3A_21] : memref<640000xi32, #tpu.memory_space<hbm>> -> memref<40xi32, #tpu.memory_space<hbm>>
    tpu.enqueue_dma source(%dma_start3A_23 : memref<40xi32, #tpu.memory_space<hbm>>) target(%arg10 : memref<40xi32, #tpu.memory_space<vmem>>) target_semaphore(%arg41 : memref<!tpu.dma_semaphore, #tpu.memory_space<semaphore_mem>>)
    %add3A_24 = arith.constant 200 : i32
    %add3A_25 = arith.addi %mul3A_4, %add3A_24 : i32
    %dma_start3A_26 = tpu.memref_slice %arg3[%add3A_25] : memref<640000xi32, #tpu.memory_space<hbm>> -> memref<40xi32, #tpu.memory_space<hbm>>
    %dma_start3A_27 = tpu.memref_slice %arg3[%add3A_25] : memref<640000xi32, #tpu.memory_space<hbm>> -> memref<40xi32, #tpu.memory_space<hbm>>
    tpu.enqueue_dma source(%dma_start3A_27 : memref<40xi32, #tpu.memory_space<hbm>>) target(%arg11 : memref<40xi32, #tpu.memory_space<vmem>>) target_semaphore(%arg42 : memref<!tpu.dma_semaphore, #tpu.memory_space<semaphore_mem>>)
    %add3A_28 = arith.constant 320000 : i32
    %add3A_29 = arith.addi %add3A_28, %mul3A_4 : i32
    %add3A_30 = arith.constant 0 : i32
    %add3A_31 = arith.addi %add3A_29, %add3A_30 : i32
    %dma_start3A_32 = tpu.memref_slice %arg3[%add3A_31] : memref<640000xi32, #tpu.memory_space<hbm>> -> memref<40xi32, #tpu.memory_space<hbm>>
    %dma_start3A_33 = tpu.memref_slice %arg3[%add3A_31] : memref<640000xi32, #tpu.memory_space<hbm>> -> memref<40xi32, #tpu.memory_space<hbm>>
    tpu.enqueue_dma source(%dma_start3A_33 : memref<40xi32, #tpu.memory_space<hbm>>) target(%arg12 : memref<40xi32, #tpu.memory_space<vmem>>) target_semaphore(%arg43 : memref<!tpu.dma_semaphore, #tpu.memory_space<semaphore_mem>>)
    %add3A_34 = arith.constant 320000 : i32
    %add3A_35 = arith.addi %add3A_34, %mul3A_4 : i32
    %add3A_36 = arith.constant 40 : i32
    %add3A_37 = arith.addi %add3A_35, %add3A_36 : i32
    %dma_start3A_38 = tpu.memref_slice %arg3[%add3A_37] : memref<640000xi32, #tpu.memory_space<hbm>> -> memref<40xi32, #tpu.memory_space<hbm>>
    %dma_start3A_39 = tpu.memref_slice %arg3[%add3A_37] : memref<640000xi32, #tpu.memory_space<hbm>> -> memref<40xi32, #tpu.memory_space<hbm>>
    tpu.enqueue_dma source(%dma_start3A_39 : memref<40xi32, #tpu.memory_space<hbm>>) target(%arg13 : memref<40xi32, #tpu.memory_space<vmem>>) target_semaphore(%arg44 : memref<!tpu.dma_semaphore, #tpu.memory_space<semaphore_mem>>)
    %add3A_40 = arith.constant 320000 : i32
    %add3A_41 = arith.addi %add3A_40, %mul3A_4 : i32
    %add3A_42 = arith.constant 80 : i32
    %add3A_43 = arith.addi %add3A_41, %add3A_42 : i32
    %dma_start3A_44 = tpu.memref_slice %arg3[%add3A_43] : memref<640000xi32, #tpu.memory_space<hbm>> -> memref<40xi32, #tpu.memory_space<hbm>>
    %dma_start3A_45 = tpu.memref_slice %arg3[%add3A_43] : memref<640000xi32, #tpu.memory_space<hbm>> -> memref<40xi32, #tpu.memory_space<hbm>>
    tpu.enqueue_dma source(%dma_start3A_45 : memref<40xi32, #tpu.memory_space<hbm>>) target(%arg14 : memref<40xi32, #tpu.memory_space<vmem>>) target_semaphore(%arg45 : memref<!tpu.dma_semaphore, #tpu.memory_space<semaphore_mem>>)
    %add3A_46 = arith.constant 320000 : i32
    %add3A_47 = arith.addi %add3A_46, %mul3A_4 : i32
    %add3A_48 = arith.constant 120 : i32
    %add3A_49 = arith.addi %add3A_47, %add3A_48 : i32
    %dma_start3A_50 = tpu.memref_slice %arg3[%add3A_49] : memref<640000xi32, #tpu.memory_space<hbm>> -> memref<40xi32, #tpu.memory_space<hbm>>
    %dma_start3A_51 = tpu.memref_slice %arg3[%add3A_49] : memref<640000xi32, #tpu.memory_space<hbm>> -> memref<40xi32, #tpu.memory_space<hbm>>
    tpu.enqueue_dma source(%dma_start3A_51 : memref<40xi32, #tpu.memory_space<hbm>>) target(%arg15 : memref<40xi32, #tpu.memory_space<vmem>>) target_semaphore(%arg46 : memref<!tpu.dma_semaphore, #tpu.memory_space<semaphore_mem>>)
    %add3A_52 = arith.constant 320000 : i32
    %add3A_53 = arith.addi %add3A_52, %mul3A_4 : i32
    %add3A_54 = arith.constant 160 : i32
    %add3A_55 = arith.addi %add3A_53, %add3A_54 : i32
    %dma_start3A_56 = tpu.memref_slice %arg3[%add3A_55] : memref<640000xi32, #tpu.memory_space<hbm>> -> memref<40xi32, #tpu.memory_space<hbm>>
    %dma_start3A_57 = tpu.memref_slice %arg3[%add3A_55] : memref<640000xi32, #tpu.memory_space<hbm>> -> memref<40xi32, #tpu.memory_space<hbm>>
    tpu.enqueue_dma source(%dma_start3A_57 : memref<40xi32, #tpu.memory_space<hbm>>) target(%arg16 : memref<40xi32, #tpu.memory_space<vmem>>) target_semaphore(%arg47 : memref<!tpu.dma_semaphore, #tpu.memory_space<semaphore_mem>>)
    %barrier3A = arith.constant 0 : index
    tpu.barrier barrier_id(%barrier3A)
    %dma_wait3A = tpu.memref_slice %arg3[%mul3A_4] : memref<640000xi32, #tpu.memory_space<hbm>> -> memref<40xi32, #tpu.memory_space<hbm>>
    %dma_wait3A_58 = tpu.memref_slice %arg3[%mul3A_4] : memref<640000xi32, #tpu.memory_space<hbm>> -> memref<40xi32, #tpu.memory_space<hbm>>
    tpu.wait_dma2 semaphore(%arg37 : memref<!tpu.dma_semaphore, #tpu.memory_space<semaphore_mem>>) src(%dma_wait3A_58 : memref<40xi32, #tpu.memory_space<hbm>>) dst(%arg6 : memref<40xi32, #tpu.memory_space<vmem>>)
    %dma_start3A_59 = arith.constant 0 : i32
    %dma_start3A_60 = arith.constant 0 : i32
    %dma_start3A_61 = tpu.memref_slice %arg2[%dma_start3A_59, %dma_start3A_60] : memref<10000x128xf32, #tpu.memory_space<hbm>> -> memref<10000x128xf32, #tpu.memory_space<hbm>>
    tpu.enqueue_indirect_dma source(%dma_start3A_61 : memref<10000x128xf32, #tpu.memory_space<hbm>>) target(%arg18 : memref<40x128xf32, #tpu.memory_space<vmem>>) offsets(%arg6 : memref<40xi32, #tpu.memory_space<vmem>>) semaphore(%arg25 : memref<!tpu.dma_semaphore, #tpu.memory_space<semaphore_mem>>)
    %dma_wait3A_62 = tpu.memref_slice %arg3[%mul3A_4] : memref<640000xi32, #tpu.memory_space<hbm>> -> memref<40xi32, #tpu.memory_space<hbm>>
    %dma_wait3A_63 = tpu.memref_slice %arg3[%mul3A_4] : memref<640000xi32, #tpu.memory_space<hbm>> -> memref<40xi32, #tpu.memory_space<hbm>>
    tpu.wait_dma2 semaphore(%arg38 : memref<!tpu.dma_semaphore, #tpu.memory_space<semaphore_mem>>) src(%dma_wait3A_63 : memref<40xi32, #tpu.memory_space<hbm>>) dst(%arg7 : memref<40xi32, #tpu.memory_space<vmem>>)
    %dma_start3A_64 = arith.constant 0 : i32
    %dma_start3A_65 = arith.constant 0 : i32
    %dma_start3A_66 = tpu.memref_slice %arg2[%dma_start3A_64, %dma_start3A_65] : memref<10000x128xf32, #tpu.memory_space<hbm>> -> memref<10000x128xf32, #tpu.memory_space<hbm>>
    tpu.enqueue_indirect_dma source(%dma_start3A_66 : memref<10000x128xf32, #tpu.memory_space<hbm>>) target(%arg19 : memref<40x128xf32, #tpu.memory_space<vmem>>) offsets(%arg7 : memref<40xi32, #tpu.memory_space<vmem>>) semaphore(%arg26 : memref<!tpu.dma_semaphore, #tpu.memory_space<semaphore_mem>>)
    %dma_wait3A_67 = tpu.memref_slice %arg3[%mul3A_4] : memref<640000xi32, #tpu.memory_space<hbm>> -> memref<40xi32, #tpu.memory_space<hbm>>
    %dma_wait3A_68 = tpu.memref_slice %arg3[%mul3A_4] : memref<640000xi32, #tpu.memory_space<hbm>> -> memref<40xi32, #tpu.memory_space<hbm>>
    tpu.wait_dma2 semaphore(%arg39 : memref<!tpu.dma_semaphore, #tpu.memory_space<semaphore_mem>>) src(%dma_wait3A_68 : memref<40xi32, #tpu.memory_space<hbm>>) dst(%arg8 : memref<40xi32, #tpu.memory_space<vmem>>)
    %dma_start3A_69 = arith.constant 0 : i32
    %dma_start3A_70 = arith.constant 0 : i32
    %dma_start3A_71 = tpu.memref_slice %arg2[%dma_start3A_69, %dma_start3A_70] : memref<10000x128xf32, #tpu.memory_space<hbm>> -> memref<10000x128xf32, #tpu.memory_space<hbm>>
    tpu.enqueue_indirect_dma source(%dma_start3A_71 : memref<10000x128xf32, #tpu.memory_space<hbm>>) target(%arg20 : memref<40x128xf32, #tpu.memory_space<vmem>>) offsets(%arg8 : memref<40xi32, #tpu.memory_space<vmem>>) semaphore(%arg27 : memref<!tpu.dma_semaphore, #tpu.memory_space<semaphore_mem>>)
    %dma_wait3A_72 = tpu.memref_slice %arg3[%mul3A_4] : memref<640000xi32, #tpu.memory_space<hbm>> -> memref<40xi32, #tpu.memory_space<hbm>>
    %dma_wait3A_73 = tpu.memref_slice %arg3[%mul3A_4] : memref<640000xi32, #tpu.memory_space<hbm>> -> memref<40xi32, #tpu.memory_space<hbm>>
    tpu.wait_dma2 semaphore(%arg40 : memref<!tpu.dma_semaphore, #tpu.memory_space<semaphore_mem>>) src(%dma_wait3A_73 : memref<40xi32, #tpu.memory_space<hbm>>) dst(%arg9 : memref<40xi32, #tpu.memory_space<vmem>>)
    %dma_start3A_74 = arith.constant 0 : i32
    %dma_start3A_75 = arith.constant 0 : i32
    %dma_start3A_76 = tpu.memref_slice %arg2[%dma_start3A_74, %dma_start3A_75] : memref<10000x128xf32, #tpu.memory_space<hbm>> -> memref<10000x128xf32, #tpu.memory_space<hbm>>
    tpu.enqueue_indirect_dma source(%dma_start3A_76 : memref<10000x128xf32, #tpu.memory_space<hbm>>) target(%arg21 : memref<40x128xf32, #tpu.memory_space<vmem>>) offsets(%arg9 : memref<40xi32, #tpu.memory_space<vmem>>) semaphore(%arg28 : memref<!tpu.dma_semaphore, #tpu.memory_space<semaphore_mem>>)
    %dma_wait3A_77 = tpu.memref_slice %arg3[%mul3A_4] : memref<640000xi32, #tpu.memory_space<hbm>> -> memref<40xi32, #tpu.memory_space<hbm>>
    %dma_wait3A_78 = tpu.memref_slice %arg3[%mul3A_4] : memref<640000xi32, #tpu.memory_space<hbm>> -> memref<40xi32, #tpu.memory_space<hbm>>
    tpu.wait_dma2 semaphore(%arg41 : memref<!tpu.dma_semaphore, #tpu.memory_space<semaphore_mem>>) src(%dma_wait3A_78 : memref<40xi32, #tpu.memory_space<hbm>>) dst(%arg10 : memref<40xi32, #tpu.memory_space<vmem>>)
    %dma_start3A_79 = arith.constant 0 : i32
    %dma_start3A_80 = arith.constant 0 : i32
    %dma_start3A_81 = tpu.memref_slice %arg2[%dma_start3A_79, %dma_start3A_80] : memref<10000x128xf32, #tpu.memory_space<hbm>> -> memref<10000x128xf32, #tpu.memory_space<hbm>>
    tpu.enqueue_indirect_dma source(%dma_start3A_81 : memref<10000x128xf32, #tpu.memory_space<hbm>>) target(%arg22 : memref<40x128xf32, #tpu.memory_space<vmem>>) offsets(%arg10 : memref<40xi32, #tpu.memory_space<vmem>>) semaphore(%arg29 : memref<!tpu.dma_semaphore, #tpu.memory_space<semaphore_mem>>)
    %scan3A = arith.constant 0 : i32
    %scan3A_82 = arith.constant 0 : i32
    %scan3A_83 = arith.constant 41 : i32
    %scan3A_84 = arith.addi %scan3A_82, %scan3A_83 : i32
    %scan3A_85 = arith.constant 1 : i32
    scf.for %scan3A_150 = %scan3A_82 to %scan3A_84 step %scan3A_85  : i32 {
      %mul3A_151 = arith.constant 6 : i32
      %mul3A_152 = arith.muli %mul3A_151, %scan3A_150 : i32
      %add3A_153 = arith.constant 0 : i32
      %add3A_154 = arith.addi %mul3A_152, %add3A_153 : i32
      %dma_wait3A_155 = arith.constant 0 : i32
      %dma_wait3A_156 = arith.constant 0 : i32
      %dma_wait3A_157 = tpu.memref_slice %arg2[%dma_wait3A_155, %dma_wait3A_156] : memref<10000x128xf32, #tpu.memory_space<hbm>> -> memref<10000x128xf32, #tpu.memory_space<hbm>>
      tpu.wait_indirect_dma semaphore(%arg25 : memref<!tpu.dma_semaphore, #tpu.memory_space<semaphore_mem>>) src(%dma_wait3A_157 : memref<10000x128xf32, #tpu.memory_space<hbm>>) dst(%arg18 : memref<40x128xf32, #tpu.memory_space<vmem>>)
      %add3A_158 = arith.constant 6 : i32
      %add3A_159 = arith.addi %add3A_154, %add3A_158 : i32
      %lt3A = arith.constant 250 : i32
      %lt3A_160 = arith.cmpi slt, %add3A_159, %lt3A : i32
      %convert_element_type3A = arith.extui %lt3A_160 : i1 to i32
      %cond3A = arith.constant 0 : i32
      %cond3A_161 = arith.cmpi ne, %convert_element_type3A, %cond3A : i32
      scf.if %cond3A_161 {
        %add3A_306 = arith.constant 6 : i32
        %add3A_307 = arith.addi %add3A_154, %add3A_306 : i32
        %mul3A_308 = arith.constant 40 : i32
        %mul3A_309 = arith.muli %add3A_307, %mul3A_308 : i32
        %add3A_310 = arith.addi %mul3A_4, %mul3A_309 : i32
        %dma_start3A_311 = tpu.memref_slice %arg3[%add3A_310] : memref<640000xi32, #tpu.memory_space<hbm>> -> memref<40xi32, #tpu.memory_space<hbm>>
        %dma_start3A_312 = tpu.memref_slice %arg3[%add3A_310] : memref<640000xi32, #tpu.memory_space<hbm>> -> memref<40xi32, #tpu.memory_space<hbm>>
        tpu.enqueue_dma source(%dma_start3A_312 : memref<40xi32, #tpu.memory_space<hbm>>) target(%arg6 : memref<40xi32, #tpu.memory_space<vmem>>) target_semaphore(%arg37 : memref<!tpu.dma_semaphore, #tpu.memory_space<semaphore_mem>>)
      } else {
      }
      %add3A_162 = arith.constant 320000 : i32
      %add3A_163 = arith.addi %add3A_162, %mul3A_4 : i32
      %dma_wait3A_164 = tpu.memref_slice %arg3[%add3A_163] : memref<640000xi32, #tpu.memory_space<hbm>> -> memref<40xi32, #tpu.memory_space<hbm>>
      %dma_wait3A_165 = tpu.memref_slice %arg3[%add3A_163] : memref<640000xi32, #tpu.memory_space<hbm>> -> memref<40xi32, #tpu.memory_space<hbm>>
      tpu.wait_dma2 semaphore(%arg43 : memref<!tpu.dma_semaphore, #tpu.memory_space<semaphore_mem>>) src(%dma_wait3A_165 : memref<40xi32, #tpu.memory_space<hbm>>) dst(%arg12 : memref<40xi32, #tpu.memory_space<vmem>>)
      %dma_start3A_166 = arith.constant 0 : i32
      %dma_start3A_167 = arith.constant 0 : i32
      %dma_start3A_168 = tpu.memref_slice %arg24[%dma_start3A_166, %dma_start3A_167] : memref<10240x128xf32, #tpu.memory_space<vmem_shared>> -> memref<10240x128xf32, #tpu.memory_space<vmem_shared>>
      tpu.enqueue_indirect_dma source(%arg18 : memref<40x128xf32, #tpu.memory_space<vmem>>) target(%dma_start3A_168 : memref<10240x128xf32, #tpu.memory_space<vmem_shared>>) offsets(%arg12 : memref<40xi32, #tpu.memory_space<vmem>>) semaphore(%arg31 : memref<!tpu.dma_semaphore, #tpu.memory_space<semaphore_mem>>) {add = true}
      %add3A_169 = arith.constant 5 : i32
      %add3A_170 = arith.addi %add3A_154, %add3A_169 : i32
      %lt3A_171 = arith.constant 250 : i32
      %lt3A_172 = arith.cmpi slt, %add3A_170, %lt3A_171 : i32
      %convert_element_type3A_173 = arith.extui %lt3A_172 : i1 to i32
      %cond3A_174 = arith.constant 0 : i32
      %cond3A_175 = arith.cmpi ne, %convert_element_type3A_173, %cond3A_174 : i32
      scf.if %cond3A_175 {
        %add3A_306 = arith.constant 5 : i32
        %add3A_307 = arith.addi %add3A_154, %add3A_306 : i32
        %sub3A = arith.constant 6 : i32
        %sub3A_308 = arith.subi %add3A_307, %sub3A : i32
        %ge3A = arith.constant 0 : i32
        %ge3A_309 = arith.cmpi sge, %sub3A_308, %ge3A : i32
        %convert_element_type3A_310 = arith.extui %ge3A_309 : i1 to i32
        %cond3A_311 = arith.constant 0 : i32
        %cond3A_312 = arith.cmpi ne, %convert_element_type3A_310, %cond3A_311 : i32
        scf.if %cond3A_312 {
          %dma_wait3A_327 = arith.constant 0 : i32
          %dma_wait3A_328 = arith.constant 0 : i32
          %dma_wait3A_329 = tpu.memref_slice %arg24[%dma_wait3A_327, %dma_wait3A_328] : memref<10240x128xf32, #tpu.memory_space<vmem_shared>> -> memref<10240x128xf32, #tpu.memory_space<vmem_shared>>
          tpu.wait_indirect_dma semaphore(%arg36 : memref<!tpu.dma_semaphore, #tpu.memory_space<semaphore_mem>>) src(%arg23 : memref<40x128xf32, #tpu.memory_space<vmem>>) dst(%dma_wait3A_329 : memref<10240x128xf32, #tpu.memory_space<vmem_shared>>)
        } else {
        }
        %add3A_313 = arith.constant 5 : i32
        %add3A_314 = arith.addi %add3A_154, %add3A_313 : i32
        %add3A_315 = arith.constant 320000 : i32
        %add3A_316 = arith.addi %add3A_315, %mul3A_4 : i32
        %mul3A_317 = arith.constant 40 : i32
        %mul3A_318 = arith.muli %add3A_314, %mul3A_317 : i32
        %add3A_319 = arith.addi %add3A_316, %mul3A_318 : i32
        %dma_start3A_320 = tpu.memref_slice %arg3[%add3A_319] : memref<640000xi32, #tpu.memory_space<hbm>> -> memref<40xi32, #tpu.memory_space<hbm>>
        %dma_start3A_321 = tpu.memref_slice %arg3[%add3A_319] : memref<640000xi32, #tpu.memory_space<hbm>> -> memref<40xi32, #tpu.memory_space<hbm>>
        tpu.enqueue_dma source(%dma_start3A_321 : memref<40xi32, #tpu.memory_space<hbm>>) target(%arg17 : memref<40xi32, #tpu.memory_space<vmem>>) target_semaphore(%arg48 : memref<!tpu.dma_semaphore, #tpu.memory_space<semaphore_mem>>)
        %dma_wait3A_322 = tpu.memref_slice %arg3[%mul3A_4] : memref<640000xi32, #tpu.memory_space<hbm>> -> memref<40xi32, #tpu.memory_space<hbm>>
        %dma_wait3A_323 = tpu.memref_slice %arg3[%mul3A_4] : memref<640000xi32, #tpu.memory_space<hbm>> -> memref<40xi32, #tpu.memory_space<hbm>>
        tpu.wait_dma2 semaphore(%arg42 : memref<!tpu.dma_semaphore, #tpu.memory_space<semaphore_mem>>) src(%dma_wait3A_323 : memref<40xi32, #tpu.memory_space<hbm>>) dst(%arg11 : memref<40xi32, #tpu.memory_space<vmem>>)
        %dma_start3A_324 = arith.constant 0 : i32
        %dma_start3A_325 = arith.constant 0 : i32
        %dma_start3A_326 = tpu.memref_slice %arg2[%dma_start3A_324, %dma_start3A_325] : memref<10000x128xf32, #tpu.memory_space<hbm>> -> memref<10000x128xf32, #tpu.memory_space<hbm>>
        tpu.enqueue_indirect_dma source(%dma_start3A_326 : memref<10000x128xf32, #tpu.memory_space<hbm>>) target(%arg23 : memref<40x128xf32, #tpu.memory_space<vmem>>) offsets(%arg11 : memref<40xi32, #tpu.memory_space<vmem>>) semaphore(%arg30 : memref<!tpu.dma_semaphore, #tpu.memory_space<semaphore_mem>>)
      } else {
      }
      %add3A_176 = arith.constant 1 : i32
      %add3A_177 = arith.addi %mul3A_152, %add3A_176 : i32
      %dma_wait3A_178 = arith.constant 0 : i32
      %dma_wait3A_179 = arith.constant 0 : i32
      %dma_wait3A_180 = tpu.memref_slice %arg2[%dma_wait3A_178, %dma_wait3A_179] : memref<10000x128xf32, #tpu.memory_space<hbm>> -> memref<10000x128xf32, #tpu.memory_space<hbm>>
      tpu.wait_indirect_dma semaphore(%arg26 : memref<!tpu.dma_semaphore, #tpu.memory_space<semaphore_mem>>) src(%dma_wait3A_180 : memref<10000x128xf32, #tpu.memory_space<hbm>>) dst(%arg19 : memref<40x128xf32, #tpu.memory_space<vmem>>)
      %add3A_181 = arith.constant 6 : i32
      %add3A_182 = arith.addi %add3A_177, %add3A_181 : i32
      %lt3A_183 = arith.constant 250 : i32
      %lt3A_184 = arith.cmpi slt, %add3A_182, %lt3A_183 : i32
      %convert_element_type3A_185 = arith.extui %lt3A_184 : i1 to i32
      %cond3A_186 = arith.constant 0 : i32
      %cond3A_187 = arith.cmpi ne, %convert_element_type3A_185, %cond3A_186 : i32
      scf.if %cond3A_187 {
        %add3A_306 = arith.constant 6 : i32
        %add3A_307 = arith.addi %add3A_177, %add3A_306 : i32
        %mul3A_308 = arith.constant 40 : i32
        %mul3A_309 = arith.muli %add3A_307, %mul3A_308 : i32
        %add3A_310 = arith.addi %mul3A_4, %mul3A_309 : i32
        %dma_start3A_311 = tpu.memref_slice %arg3[%add3A_310] : memref<640000xi32, #tpu.memory_space<hbm>> -> memref<40xi32, #tpu.memory_space<hbm>>
        %dma_start3A_312 = tpu.memref_slice %arg3[%add3A_310] : memref<640000xi32, #tpu.memory_space<hbm>> -> memref<40xi32, #tpu.memory_space<hbm>>
        tpu.enqueue_dma source(%dma_start3A_312 : memref<40xi32, #tpu.memory_space<hbm>>) target(%arg7 : memref<40xi32, #tpu.memory_space<vmem>>) target_semaphore(%arg38 : memref<!tpu.dma_semaphore, #tpu.memory_space<semaphore_mem>>)
      } else {
      }
      %add3A_188 = arith.constant 320000 : i32
      %add3A_189 = arith.addi %add3A_188, %mul3A_4 : i32
      %dma_wait3A_190 = tpu.memref_slice %arg3[%add3A_189] : memref<640000xi32, #tpu.memory_space<hbm>> -> memref<40xi32, #tpu.memory_space<hbm>>
      %dma_wait3A_191 = tpu.memref_slice %arg3[%add3A_189] : memref<640000xi32, #tpu.memory_space<hbm>> -> memref<40xi32, #tpu.memory_space<hbm>>
      tpu.wait_dma2 semaphore(%arg44 : memref<!tpu.dma_semaphore, #tpu.memory_space<semaphore_mem>>) src(%dma_wait3A_191 : memref<40xi32, #tpu.memory_space<hbm>>) dst(%arg13 : memref<40xi32, #tpu.memory_space<vmem>>)
      %dma_start3A_192 = arith.constant 0 : i32
      %dma_start3A_193 = arith.constant 0 : i32
      %dma_start3A_194 = tpu.memref_slice %arg24[%dma_start3A_192, %dma_start3A_193] : memref<10240x128xf32, #tpu.memory_space<vmem_shared>> -> memref<10240x128xf32, #tpu.memory_space<vmem_shared>>
      tpu.enqueue_indirect_dma source(%arg19 : memref<40x128xf32, #tpu.memory_space<vmem>>) target(%dma_start3A_194 : memref<10240x128xf32, #tpu.memory_space<vmem_shared>>) offsets(%arg13 : memref<40xi32, #tpu.memory_space<vmem>>) semaphore(%arg32 : memref<!tpu.dma_semaphore, #tpu.memory_space<semaphore_mem>>) {add = true}
      %add3A_195 = arith.constant 5 : i32
      %add3A_196 = arith.addi %add3A_177, %add3A_195 : i32
      %lt3A_197 = arith.constant 250 : i32
      %lt3A_198 = arith.cmpi slt, %add3A_196, %lt3A_197 : i32
      %convert_element_type3A_199 = arith.extui %lt3A_198 : i1 to i32
      %cond3A_200 = arith.constant 0 : i32
      %cond3A_201 = arith.cmpi ne, %convert_element_type3A_199, %cond3A_200 : i32
      scf.if %cond3A_201 {
        %add3A_306 = arith.constant 5 : i32
        %add3A_307 = arith.addi %add3A_177, %add3A_306 : i32
        %sub3A = arith.constant 6 : i32
        %sub3A_308 = arith.subi %add3A_307, %sub3A : i32
        %ge3A = arith.constant 0 : i32
        %ge3A_309 = arith.cmpi sge, %sub3A_308, %ge3A : i32
        %convert_element_type3A_310 = arith.extui %ge3A_309 : i1 to i32
        %cond3A_311 = arith.constant 0 : i32
        %cond3A_312 = arith.cmpi ne, %convert_element_type3A_310, %cond3A_311 : i32
        scf.if %cond3A_312 {
          %dma_wait3A_327 = arith.constant 0 : i32
          %dma_wait3A_328 = arith.constant 0 : i32
          %dma_wait3A_329 = tpu.memref_slice %arg24[%dma_wait3A_327, %dma_wait3A_328] : memref<10240x128xf32, #tpu.memory_space<vmem_shared>> -> memref<10240x128xf32, #tpu.memory_space<vmem_shared>>
          tpu.wait_indirect_dma semaphore(%arg31 : memref<!tpu.dma_semaphore, #tpu.memory_space<semaphore_mem>>) src(%arg18 : memref<40x128xf32, #tpu.memory_space<vmem>>) dst(%dma_wait3A_329 : memref<10240x128xf32, #tpu.memory_space<vmem_shared>>)
        } else {
        }
        %add3A_313 = arith.constant 5 : i32
        %add3A_314 = arith.addi %add3A_177, %add3A_313 : i32
        %add3A_315 = arith.constant 320000 : i32
        %add3A_316 = arith.addi %add3A_315, %mul3A_4 : i32
        %mul3A_317 = arith.constant 40 : i32
        %mul3A_318 = arith.muli %add3A_314, %mul3A_317 : i32
        %add3A_319 = arith.addi %add3A_316, %mul3A_318 : i32
        %dma_start3A_320 = tpu.memref_slice %arg3[%add3A_319] : memref<640000xi32, #tpu.memory_space<hbm>> -> memref<40xi32, #tpu.memory_space<hbm>>
        %dma_start3A_321 = tpu.memref_slice %arg3[%add3A_319] : memref<640000xi32, #tpu.memory_space<hbm>> -> memref<40xi32, #tpu.memory_space<hbm>>
        tpu.enqueue_dma source(%dma_start3A_321 : memref<40xi32, #tpu.memory_space<hbm>>) target(%arg12 : memref<40xi32, #tpu.memory_space<vmem>>) target_semaphore(%arg43 : memref<!tpu.dma_semaphore, #tpu.memory_space<semaphore_mem>>)
        %dma_wait3A_322 = tpu.memref_slice %arg3[%mul3A_4] : memref<640000xi32, #tpu.memory_space<hbm>> -> memref<40xi32, #tpu.memory_space<hbm>>
        %dma_wait3A_323 = tpu.memref_slice %arg3[%mul3A_4] : memref<640000xi32, #tpu.memory_space<hbm>> -> memref<40xi32, #tpu.memory_space<hbm>>
        tpu.wait_dma2 semaphore(%arg37 : memref<!tpu.dma_semaphore, #tpu.memory_space<semaphore_mem>>) src(%dma_wait3A_323 : memref<40xi32, #tpu.memory_space<hbm>>) dst(%arg6 : memref<40xi32, #tpu.memory_space<vmem>>)
        %dma_start3A_324 = arith.constant 0 : i32
        %dma_start3A_325 = arith.constant 0 : i32
        %dma_start3A_326 = tpu.memref_slice %arg2[%dma_start3A_324, %dma_start3A_325] : memref<10000x128xf32, #tpu.memory_space<hbm>> -> memref<10000x128xf32, #tpu.memory_space<hbm>>
        tpu.enqueue_indirect_dma source(%dma_start3A_326 : memref<10000x128xf32, #tpu.memory_space<hbm>>) target(%arg18 : memref<40x128xf32, #tpu.memory_space<vmem>>) offsets(%arg6 : memref<40xi32, #tpu.memory_space<vmem>>) semaphore(%arg25 : memref<!tpu.dma_semaphore, #tpu.memory_space<semaphore_mem>>)
      } else {
      }
      %add3A_202 = arith.constant 2 : i32
      %add3A_203 = arith.addi %mul3A_152, %add3A_202 : i32
      %dma_wait3A_204 = arith.constant 0 : i32
      %dma_wait3A_205 = arith.constant 0 : i32
      %dma_wait3A_206 = tpu.memref_slice %arg2[%dma_wait3A_204, %dma_wait3A_205] : memref<10000x128xf32, #tpu.memory_space<hbm>> -> memref<10000x128xf32, #tpu.memory_space<hbm>>
      tpu.wait_indirect_dma semaphore(%arg27 : memref<!tpu.dma_semaphore, #tpu.memory_space<semaphore_mem>>) src(%dma_wait3A_206 : memref<10000x128xf32, #tpu.memory_space<hbm>>) dst(%arg20 : memref<40x128xf32, #tpu.memory_space<vmem>>)
      %add3A_207 = arith.constant 6 : i32
      %add3A_208 = arith.addi %add3A_203, %add3A_207 : i32
      %lt3A_209 = arith.constant 250 : i32
      %lt3A_210 = arith.cmpi slt, %add3A_208, %lt3A_209 : i32
      %convert_element_type3A_211 = arith.extui %lt3A_210 : i1 to i32
      %cond3A_212 = arith.constant 0 : i32
      %cond3A_213 = arith.cmpi ne, %convert_element_type3A_211, %cond3A_212 : i32
      scf.if %cond3A_213 {
        %add3A_306 = arith.constant 6 : i32
        %add3A_307 = arith.addi %add3A_203, %add3A_306 : i32
        %mul3A_308 = arith.constant 40 : i32
        %mul3A_309 = arith.muli %add3A_307, %mul3A_308 : i32
        %add3A_310 = arith.addi %mul3A_4, %mul3A_309 : i32
        %dma_start3A_311 = tpu.memref_slice %arg3[%add3A_310] : memref<640000xi32, #tpu.memory_space<hbm>> -> memref<40xi32, #tpu.memory_space<hbm>>
        %dma_start3A_312 = tpu.memref_slice %arg3[%add3A_310] : memref<640000xi32, #tpu.memory_space<hbm>> -> memref<40xi32, #tpu.memory_space<hbm>>
        tpu.enqueue_dma source(%dma_start3A_312 : memref<40xi32, #tpu.memory_space<hbm>>) target(%arg8 : memref<40xi32, #tpu.memory_space<vmem>>) target_semaphore(%arg39 : memref<!tpu.dma_semaphore, #tpu.memory_space<semaphore_mem>>)
      } else {
      }
      %add3A_214 = arith.constant 320000 : i32
      %add3A_215 = arith.addi %add3A_214, %mul3A_4 : i32
      %dma_wait3A_216 = tpu.memref_slice %arg3[%add3A_215] : memref<640000xi32, #tpu.memory_space<hbm>> -> memref<40xi32, #tpu.memory_space<hbm>>
      %dma_wait3A_217 = tpu.memref_slice %arg3[%add3A_215] : memref<640000xi32, #tpu.memory_space<hbm>> -> memref<40xi32, #tpu.memory_space<hbm>>
      tpu.wait_dma2 semaphore(%arg45 : memref<!tpu.dma_semaphore, #tpu.memory_space<semaphore_mem>>) src(%dma_wait3A_217 : memref<40xi32, #tpu.memory_space<hbm>>) dst(%arg14 : memref<40xi32, #tpu.memory_space<vmem>>)
      %dma_start3A_218 = arith.constant 0 : i32
      %dma_start3A_219 = arith.constant 0 : i32
      %dma_start3A_220 = tpu.memref_slice %arg24[%dma_start3A_218, %dma_start3A_219] : memref<10240x128xf32, #tpu.memory_space<vmem_shared>> -> memref<10240x128xf32, #tpu.memory_space<vmem_shared>>
      tpu.enqueue_indirect_dma source(%arg20 : memref<40x128xf32, #tpu.memory_space<vmem>>) target(%dma_start3A_220 : memref<10240x128xf32, #tpu.memory_space<vmem_shared>>) offsets(%arg14 : memref<40xi32, #tpu.memory_space<vmem>>) semaphore(%arg33 : memref<!tpu.dma_semaphore, #tpu.memory_space<semaphore_mem>>) {add = true}
      %add3A_221 = arith.constant 5 : i32
      %add3A_222 = arith.addi %add3A_203, %add3A_221 : i32
      %lt3A_223 = arith.constant 250 : i32
      %lt3A_224 = arith.cmpi slt, %add3A_222, %lt3A_223 : i32
      %convert_element_type3A_225 = arith.extui %lt3A_224 : i1 to i32
      %cond3A_226 = arith.constant 0 : i32
      %cond3A_227 = arith.cmpi ne, %convert_element_type3A_225, %cond3A_226 : i32
      scf.if %cond3A_227 {
        %add3A_306 = arith.constant 5 : i32
        %add3A_307 = arith.addi %add3A_203, %add3A_306 : i32
        %sub3A = arith.constant 6 : i32
        %sub3A_308 = arith.subi %add3A_307, %sub3A : i32
        %ge3A = arith.constant 0 : i32
        %ge3A_309 = arith.cmpi sge, %sub3A_308, %ge3A : i32
        %convert_element_type3A_310 = arith.extui %ge3A_309 : i1 to i32
        %cond3A_311 = arith.constant 0 : i32
        %cond3A_312 = arith.cmpi ne, %convert_element_type3A_310, %cond3A_311 : i32
        scf.if %cond3A_312 {
          %dma_wait3A_327 = arith.constant 0 : i32
          %dma_wait3A_328 = arith.constant 0 : i32
          %dma_wait3A_329 = tpu.memref_slice %arg24[%dma_wait3A_327, %dma_wait3A_328] : memref<10240x128xf32, #tpu.memory_space<vmem_shared>> -> memref<10240x128xf32, #tpu.memory_space<vmem_shared>>
          tpu.wait_indirect_dma semaphore(%arg32 : memref<!tpu.dma_semaphore, #tpu.memory_space<semaphore_mem>>) src(%arg19 : memref<40x128xf32, #tpu.memory_space<vmem>>) dst(%dma_wait3A_329 : memref<10240x128xf32, #tpu.memory_space<vmem_shared>>)
        } else {
        }
        %add3A_313 = arith.constant 5 : i32
        %add3A_314 = arith.addi %add3A_203, %add3A_313 : i32
        %add3A_315 = arith.constant 320000 : i32
        %add3A_316 = arith.addi %add3A_315, %mul3A_4 : i32
        %mul3A_317 = arith.constant 40 : i32
        %mul3A_318 = arith.muli %add3A_314, %mul3A_317 : i32
        %add3A_319 = arith.addi %add3A_316, %mul3A_318 : i32
        %dma_start3A_320 = tpu.memref_slice %arg3[%add3A_319] : memref<640000xi32, #tpu.memory_space<hbm>> -> memref<40xi32, #tpu.memory_space<hbm>>
        %dma_start3A_321 = tpu.memref_slice %arg3[%add3A_319] : memref<640000xi32, #tpu.memory_space<hbm>> -> memref<40xi32, #tpu.memory_space<hbm>>
        tpu.enqueue_dma source(%dma_start3A_321 : memref<40xi32, #tpu.memory_space<hbm>>) target(%arg13 : memref<40xi32, #tpu.memory_space<vmem>>) target_semaphore(%arg44 : memref<!tpu.dma_semaphore, #tpu.memory_space<semaphore_mem>>)
        %dma_wait3A_322 = tpu.memref_slice %arg3[%mul3A_4] : memref<640000xi32, #tpu.memory_space<hbm>> -> memref<40xi32, #tpu.memory_space<hbm>>
        %dma_wait3A_323 = tpu.memref_slice %arg3[%mul3A_4] : memref<640000xi32, #tpu.memory_space<hbm>> -> memref<40xi32, #tpu.memory_space<hbm>>
        tpu.wait_dma2 semaphore(%arg38 : memref<!tpu.dma_semaphore, #tpu.memory_space<semaphore_mem>>) src(%dma_wait3A_323 : memref<40xi32, #tpu.memory_space<hbm>>) dst(%arg7 : memref<40xi32, #tpu.memory_space<vmem>>)
        %dma_start3A_324 = arith.constant 0 : i32
        %dma_start3A_325 = arith.constant 0 : i32
        %dma_start3A_326 = tpu.memref_slice %arg2[%dma_start3A_324, %dma_start3A_325] : memref<10000x128xf32, #tpu.memory_space<hbm>> -> memref<10000x128xf32, #tpu.memory_space<hbm>>
        tpu.enqueue_indirect_dma source(%dma_start3A_326 : memref<10000x128xf32, #tpu.memory_space<hbm>>) target(%arg19 : memref<40x128xf32, #tpu.memory_space<vmem>>) offsets(%arg7 : memref<40xi32, #tpu.memory_space<vmem>>) semaphore(%arg26 : memref<!tpu.dma_semaphore, #tpu.memory_space<semaphore_mem>>)
      } else {
      }
      %add3A_228 = arith.constant 3 : i32
      %add3A_229 = arith.addi %mul3A_152, %add3A_228 : i32
      %dma_wait3A_230 = arith.constant 0 : i32
      %dma_wait3A_231 = arith.constant 0 : i32
      %dma_wait3A_232 = tpu.memref_slice %arg2[%dma_wait3A_230, %dma_wait3A_231] : memref<10000x128xf32, #tpu.memory_space<hbm>> -> memref<10000x128xf32, #tpu.memory_space<hbm>>
      tpu.wait_indirect_dma semaphore(%arg28 : memref<!tpu.dma_semaphore, #tpu.memory_space<semaphore_mem>>) src(%dma_wait3A_232 : memref<10000x128xf32, #tpu.memory_space<hbm>>) dst(%arg21 : memref<40x128xf32, #tpu.memory_space<vmem>>)
      %add3A_233 = arith.constant 6 : i32
      %add3A_234 = arith.addi %add3A_229, %add3A_233 : i32
      %lt3A_235 = arith.constant 250 : i32
      %lt3A_236 = arith.cmpi slt, %add3A_234, %lt3A_235 : i32
      %convert_element_type3A_237 = arith.extui %lt3A_236 : i1 to i32
      %cond3A_238 = arith.constant 0 : i32
      %cond3A_239 = arith.cmpi ne, %convert_element_type3A_237, %cond3A_238 : i32
      scf.if %cond3A_239 {
        %add3A_306 = arith.constant 6 : i32
        %add3A_307 = arith.addi %add3A_229, %add3A_306 : i32
        %mul3A_308 = arith.constant 40 : i32
        %mul3A_309 = arith.muli %add3A_307, %mul3A_308 : i32
        %add3A_310 = arith.addi %mul3A_4, %mul3A_309 : i32
        %dma_start3A_311 = tpu.memref_slice %arg3[%add3A_310] : memref<640000xi32, #tpu.memory_space<hbm>> -> memref<40xi32, #tpu.memory_space<hbm>>
        %dma_start3A_312 = tpu.memref_slice %arg3[%add3A_310] : memref<640000xi32, #tpu.memory_space<hbm>> -> memref<40xi32, #tpu.memory_space<hbm>>
        tpu.enqueue_dma source(%dma_start3A_312 : memref<40xi32, #tpu.memory_space<hbm>>) target(%arg9 : memref<40xi32, #tpu.memory_space<vmem>>) target_semaphore(%arg40 : memref<!tpu.dma_semaphore, #tpu.memory_space<semaphore_mem>>)
      } else {
      }
      %add3A_240 = arith.constant 320000 : i32
      %add3A_241 = arith.addi %add3A_240, %mul3A_4 : i32
      %dma_wait3A_242 = tpu.memref_slice %arg3[%add3A_241] : memref<640000xi32, #tpu.memory_space<hbm>> -> memref<40xi32, #tpu.memory_space<hbm>>
      %dma_wait3A_243 = tpu.memref_slice %arg3[%add3A_241] : memref<640000xi32, #tpu.memory_space<hbm>> -> memref<40xi32, #tpu.memory_space<hbm>>
      tpu.wait_dma2 semaphore(%arg46 : memref<!tpu.dma_semaphore, #tpu.memory_space<semaphore_mem>>) src(%dma_wait3A_243 : memref<40xi32, #tpu.memory_space<hbm>>) dst(%arg15 : memref<40xi32, #tpu.memory_space<vmem>>)
      %dma_start3A_244 = arith.constant 0 : i32
      %dma_start3A_245 = arith.constant 0 : i32
      %dma_start3A_246 = tpu.memref_slice %arg24[%dma_start3A_244, %dma_start3A_245] : memref<10240x128xf32, #tpu.memory_space<vmem_shared>> -> memref<10240x128xf32, #tpu.memory_space<vmem_shared>>
      tpu.enqueue_indirect_dma source(%arg21 : memref<40x128xf32, #tpu.memory_space<vmem>>) target(%dma_start3A_246 : memref<10240x128xf32, #tpu.memory_space<vmem_shared>>) offsets(%arg15 : memref<40xi32, #tpu.memory_space<vmem>>) semaphore(%arg34 : memref<!tpu.dma_semaphore, #tpu.memory_space<semaphore_mem>>) {add = true}
      %add3A_247 = arith.constant 5 : i32
      %add3A_248 = arith.addi %add3A_229, %add3A_247 : i32
      %lt3A_249 = arith.constant 250 : i32
      %lt3A_250 = arith.cmpi slt, %add3A_248, %lt3A_249 : i32
      %convert_element_type3A_251 = arith.extui %lt3A_250 : i1 to i32
      %cond3A_252 = arith.constant 0 : i32
      %cond3A_253 = arith.cmpi ne, %convert_element_type3A_251, %cond3A_252 : i32
      scf.if %cond3A_253 {
        %add3A_306 = arith.constant 5 : i32
        %add3A_307 = arith.addi %add3A_229, %add3A_306 : i32
        %sub3A = arith.constant 6 : i32
        %sub3A_308 = arith.subi %add3A_307, %sub3A : i32
        %ge3A = arith.constant 0 : i32
        %ge3A_309 = arith.cmpi sge, %sub3A_308, %ge3A : i32
        %convert_element_type3A_310 = arith.extui %ge3A_309 : i1 to i32
        %cond3A_311 = arith.constant 0 : i32
        %cond3A_312 = arith.cmpi ne, %convert_element_type3A_310, %cond3A_311 : i32
        scf.if %cond3A_312 {
          %dma_wait3A_327 = arith.constant 0 : i32
          %dma_wait3A_328 = arith.constant 0 : i32
          %dma_wait3A_329 = tpu.memref_slice %arg24[%dma_wait3A_327, %dma_wait3A_328] : memref<10240x128xf32, #tpu.memory_space<vmem_shared>> -> memref<10240x128xf32, #tpu.memory_space<vmem_shared>>
          tpu.wait_indirect_dma semaphore(%arg33 : memref<!tpu.dma_semaphore, #tpu.memory_space<semaphore_mem>>) src(%arg20 : memref<40x128xf32, #tpu.memory_space<vmem>>) dst(%dma_wait3A_329 : memref<10240x128xf32, #tpu.memory_space<vmem_shared>>)
        } else {
        }
        %add3A_313 = arith.constant 5 : i32
        %add3A_314 = arith.addi %add3A_229, %add3A_313 : i32
        %add3A_315 = arith.constant 320000 : i32
        %add3A_316 = arith.addi %add3A_315, %mul3A_4 : i32
        %mul3A_317 = arith.constant 40 : i32
        %mul3A_318 = arith.muli %add3A_314, %mul3A_317 : i32
        %add3A_319 = arith.addi %add3A_316, %mul3A_318 : i32
        %dma_start3A_320 = tpu.memref_slice %arg3[%add3A_319] : memref<640000xi32, #tpu.memory_space<hbm>> -> memref<40xi32, #tpu.memory_space<hbm>>
        %dma_start3A_321 = tpu.memref_slice %arg3[%add3A_319] : memref<640000xi32, #tpu.memory_space<hbm>> -> memref<40xi32, #tpu.memory_space<hbm>>
        tpu.enqueue_dma source(%dma_start3A_321 : memref<40xi32, #tpu.memory_space<hbm>>) target(%arg14 : memref<40xi32, #tpu.memory_space<vmem>>) target_semaphore(%arg45 : memref<!tpu.dma_semaphore, #tpu.memory_space<semaphore_mem>>)
        %dma_wait3A_322 = tpu.memref_slice %arg3[%mul3A_4] : memref<640000xi32, #tpu.memory_space<hbm>> -> memref<40xi32, #tpu.memory_space<hbm>>
        %dma_wait3A_323 = tpu.memref_slice %arg3[%mul3A_4] : memref<640000xi32, #tpu.memory_space<hbm>> -> memref<40xi32, #tpu.memory_space<hbm>>
        tpu.wait_dma2 semaphore(%arg39 : memref<!tpu.dma_semaphore, #tpu.memory_space<semaphore_mem>>) src(%dma_wait3A_323 : memref<40xi32, #tpu.memory_space<hbm>>) dst(%arg8 : memref<40xi32, #tpu.memory_space<vmem>>)
        %dma_start3A_324 = arith.constant 0 : i32
        %dma_start3A_325 = arith.constant 0 : i32
        %dma_start3A_326 = tpu.memref_slice %arg2[%dma_start3A_324, %dma_start3A_325] : memref<10000x128xf32, #tpu.memory_space<hbm>> -> memref<10000x128xf32, #tpu.memory_space<hbm>>
        tpu.enqueue_indirect_dma source(%dma_start3A_326 : memref<10000x128xf32, #tpu.memory_space<hbm>>) target(%arg20 : memref<40x128xf32, #tpu.memory_space<vmem>>) offsets(%arg8 : memref<40xi32, #tpu.memory_space<vmem>>) semaphore(%arg27 : memref<!tpu.dma_semaphore, #tpu.memory_space<semaphore_mem>>)
      } else {
      }
      %add3A_254 = arith.constant 4 : i32
      %add3A_255 = arith.addi %mul3A_152, %add3A_254 : i32
      %dma_wait3A_256 = arith.constant 0 : i32
      %dma_wait3A_257 = arith.constant 0 : i32
      %dma_wait3A_258 = tpu.memref_slice %arg2[%dma_wait3A_256, %dma_wait3A_257] : memref<10000x128xf32, #tpu.memory_space<hbm>> -> memref<10000x128xf32, #tpu.memory_space<hbm>>
      tpu.wait_indirect_dma semaphore(%arg29 : memref<!tpu.dma_semaphore, #tpu.memory_space<semaphore_mem>>) src(%dma_wait3A_258 : memref<10000x128xf32, #tpu.memory_space<hbm>>) dst(%arg22 : memref<40x128xf32, #tpu.memory_space<vmem>>)
      %add3A_259 = arith.constant 6 : i32
      %add3A_260 = arith.addi %add3A_255, %add3A_259 : i32
      %lt3A_261 = arith.constant 250 : i32
      %lt3A_262 = arith.cmpi slt, %add3A_260, %lt3A_261 : i32
      %convert_element_type3A_263 = arith.extui %lt3A_262 : i1 to i32
      %cond3A_264 = arith.constant 0 : i32
      %cond3A_265 = arith.cmpi ne, %convert_element_type3A_263, %cond3A_264 : i32
      scf.if %cond3A_265 {
        %add3A_306 = arith.constant 6 : i32
        %add3A_307 = arith.addi %add3A_255, %add3A_306 : i32
        %mul3A_308 = arith.constant 40 : i32
        %mul3A_309 = arith.muli %add3A_307, %mul3A_308 : i32
        %add3A_310 = arith.addi %mul3A_4, %mul3A_309 : i32
        %dma_start3A_311 = tpu.memref_slice %arg3[%add3A_310] : memref<640000xi32, #tpu.memory_space<hbm>> -> memref<40xi32, #tpu.memory_space<hbm>>
        %dma_start3A_312 = tpu.memref_slice %arg3[%add3A_310] : memref<640000xi32, #tpu.memory_space<hbm>> -> memref<40xi32, #tpu.memory_space<hbm>>
        tpu.enqueue_dma source(%dma_start3A_312 : memref<40xi32, #tpu.memory_space<hbm>>) target(%arg10 : memref<40xi32, #tpu.memory_space<vmem>>) target_semaphore(%arg41 : memref<!tpu.dma_semaphore, #tpu.memory_space<semaphore_mem>>)
      } else {
      }
      %add3A_266 = arith.constant 320000 : i32
      %add3A_267 = arith.addi %add3A_266, %mul3A_4 : i32
      %dma_wait3A_268 = tpu.memref_slice %arg3[%add3A_267] : memref<640000xi32, #tpu.memory_space<hbm>> -> memref<40xi32, #tpu.memory_space<hbm>>
      %dma_wait3A_269 = tpu.memref_slice %arg3[%add3A_267] : memref<640000xi32, #tpu.memory_space<hbm>> -> memref<40xi32, #tpu.memory_space<hbm>>
      tpu.wait_dma2 semaphore(%arg47 : memref<!tpu.dma_semaphore, #tpu.memory_space<semaphore_mem>>) src(%dma_wait3A_269 : memref<40xi32, #tpu.memory_space<hbm>>) dst(%arg16 : memref<40xi32, #tpu.memory_space<vmem>>)
      %dma_start3A_270 = arith.constant 0 : i32
      %dma_start3A_271 = arith.constant 0 : i32
      %dma_start3A_272 = tpu.memref_slice %arg24[%dma_start3A_270, %dma_start3A_271] : memref<10240x128xf32, #tpu.memory_space<vmem_shared>> -> memref<10240x128xf32, #tpu.memory_space<vmem_shared>>
      tpu.enqueue_indirect_dma source(%arg22 : memref<40x128xf32, #tpu.memory_space<vmem>>) target(%dma_start3A_272 : memref<10240x128xf32, #tpu.memory_space<vmem_shared>>) offsets(%arg16 : memref<40xi32, #tpu.memory_space<vmem>>) semaphore(%arg35 : memref<!tpu.dma_semaphore, #tpu.memory_space<semaphore_mem>>) {add = true}
      %add3A_273 = arith.constant 5 : i32
      %add3A_274 = arith.addi %add3A_255, %add3A_273 : i32
      %lt3A_275 = arith.constant 250 : i32
      %lt3A_276 = arith.cmpi slt, %add3A_274, %lt3A_275 : i32
      %convert_element_type3A_277 = arith.extui %lt3A_276 : i1 to i32
      %cond3A_278 = arith.constant 0 : i32
      %cond3A_279 = arith.cmpi ne, %convert_element_type3A_277, %cond3A_278 : i32
      scf.if %cond3A_279 {
        %add3A_306 = arith.constant 5 : i32
        %add3A_307 = arith.addi %add3A_255, %add3A_306 : i32
        %sub3A = arith.constant 6 : i32
        %sub3A_308 = arith.subi %add3A_307, %sub3A : i32
        %ge3A = arith.constant 0 : i32
        %ge3A_309 = arith.cmpi sge, %sub3A_308, %ge3A : i32
        %convert_element_type3A_310 = arith.extui %ge3A_309 : i1 to i32
        %cond3A_311 = arith.constant 0 : i32
        %cond3A_312 = arith.cmpi ne, %convert_element_type3A_310, %cond3A_311 : i32
        scf.if %cond3A_312 {
          %dma_wait3A_327 = arith.constant 0 : i32
          %dma_wait3A_328 = arith.constant 0 : i32
          %dma_wait3A_329 = tpu.memref_slice %arg24[%dma_wait3A_327, %dma_wait3A_328] : memref<10240x128xf32, #tpu.memory_space<vmem_shared>> -> memref<10240x128xf32, #tpu.memory_space<vmem_shared>>
          tpu.wait_indirect_dma semaphore(%arg34 : memref<!tpu.dma_semaphore, #tpu.memory_space<semaphore_mem>>) src(%arg21 : memref<40x128xf32, #tpu.memory_space<vmem>>) dst(%dma_wait3A_329 : memref<10240x128xf32, #tpu.memory_space<vmem_shared>>)
        } else {
        }
        %add3A_313 = arith.constant 5 : i32
        %add3A_314 = arith.addi %add3A_255, %add3A_313 : i32
        %add3A_315 = arith.constant 320000 : i32
        %add3A_316 = arith.addi %add3A_315, %mul3A_4 : i32
        %mul3A_317 = arith.constant 40 : i32
        %mul3A_318 = arith.muli %add3A_314, %mul3A_317 : i32
        %add3A_319 = arith.addi %add3A_316, %mul3A_318 : i32
        %dma_start3A_320 = tpu.memref_slice %arg3[%add3A_319] : memref<640000xi32, #tpu.memory_space<hbm>> -> memref<40xi32, #tpu.memory_space<hbm>>
        %dma_start3A_321 = tpu.memref_slice %arg3[%add3A_319] : memref<640000xi32, #tpu.memory_space<hbm>> -> memref<40xi32, #tpu.memory_space<hbm>>
        tpu.enqueue_dma source(%dma_start3A_321 : memref<40xi32, #tpu.memory_space<hbm>>) target(%arg15 : memref<40xi32, #tpu.memory_space<vmem>>) target_semaphore(%arg46 : memref<!tpu.dma_semaphore, #tpu.memory_space<semaphore_mem>>)
        %dma_wait3A_322 = tpu.memref_slice %arg3[%mul3A_4] : memref<640000xi32, #tpu.memory_space<hbm>> -> memref<40xi32, #tpu.memory_space<hbm>>
        %dma_wait3A_323 = tpu.memref_slice %arg3[%mul3A_4] : memref<640000xi32, #tpu.memory_space<hbm>> -> memref<40xi32, #tpu.memory_space<hbm>>
        tpu.wait_dma2 semaphore(%arg40 : memref<!tpu.dma_semaphore, #tpu.memory_space<semaphore_mem>>) src(%dma_wait3A_323 : memref<40xi32, #tpu.memory_space<hbm>>) dst(%arg9 : memref<40xi32, #tpu.memory_space<vmem>>)
        %dma_start3A_324 = arith.constant 0 : i32
        %dma_start3A_325 = arith.constant 0 : i32
        %dma_start3A_326 = tpu.memref_slice %arg2[%dma_start3A_324, %dma_start3A_325] : memref<10000x128xf32, #tpu.memory_space<hbm>> -> memref<10000x128xf32, #tpu.memory_space<hbm>>
        tpu.enqueue_indirect_dma source(%dma_start3A_326 : memref<10000x128xf32, #tpu.memory_space<hbm>>) target(%arg21 : memref<40x128xf32, #tpu.memory_space<vmem>>) offsets(%arg9 : memref<40xi32, #tpu.memory_space<vmem>>) semaphore(%arg28 : memref<!tpu.dma_semaphore, #tpu.memory_space<semaphore_mem>>)
      } else {
      }
      %add3A_280 = arith.constant 5 : i32
      %add3A_281 = arith.addi %mul3A_152, %add3A_280 : i32
      %dma_wait3A_282 = arith.constant 0 : i32
      %dma_wait3A_283 = arith.constant 0 : i32
      %dma_wait3A_284 = tpu.memref_slice %arg2[%dma_wait3A_282, %dma_wait3A_283] : memref<10000x128xf32, #tpu.memory_space<hbm>> -> memref<10000x128xf32, #tpu.memory_space<hbm>>
      tpu.wait_indirect_dma semaphore(%arg30 : memref<!tpu.dma_semaphore, #tpu.memory_space<semaphore_mem>>) src(%dma_wait3A_284 : memref<10000x128xf32, #tpu.memory_space<hbm>>) dst(%arg23 : memref<40x128xf32, #tpu.memory_space<vmem>>)
      %add3A_285 = arith.constant 6 : i32
      %add3A_286 = arith.addi %add3A_281, %add3A_285 : i32
      %lt3A_287 = arith.constant 250 : i32
      %lt3A_288 = arith.cmpi slt, %add3A_286, %lt3A_287 : i32
      %convert_element_type3A_289 = arith.extui %lt3A_288 : i1 to i32
      %cond3A_290 = arith.constant 0 : i32
      %cond3A_291 = arith.cmpi ne, %convert_element_type3A_289, %cond3A_290 : i32
      scf.if %cond3A_291 {
        %add3A_306 = arith.constant 6 : i32
        %add3A_307 = arith.addi %add3A_281, %add3A_306 : i32
        %mul3A_308 = arith.constant 40 : i32
        %mul3A_309 = arith.muli %add3A_307, %mul3A_308 : i32
        %add3A_310 = arith.addi %mul3A_4, %mul3A_309 : i32
        %dma_start3A_311 = tpu.memref_slice %arg3[%add3A_310] : memref<640000xi32, #tpu.memory_space<hbm>> -> memref<40xi32, #tpu.memory_space<hbm>>
        %dma_start3A_312 = tpu.memref_slice %arg3[%add3A_310] : memref<640000xi32, #tpu.memory_space<hbm>> -> memref<40xi32, #tpu.memory_space<hbm>>
        tpu.enqueue_dma source(%dma_start3A_312 : memref<40xi32, #tpu.memory_space<hbm>>) target(%arg11 : memref<40xi32, #tpu.memory_space<vmem>>) target_semaphore(%arg42 : memref<!tpu.dma_semaphore, #tpu.memory_space<semaphore_mem>>)
      } else {
      }
      %add3A_292 = arith.constant 320000 : i32
      %add3A_293 = arith.addi %add3A_292, %mul3A_4 : i32
      %dma_wait3A_294 = tpu.memref_slice %arg3[%add3A_293] : memref<640000xi32, #tpu.memory_space<hbm>> -> memref<40xi32, #tpu.memory_space<hbm>>
      %dma_wait3A_295 = tpu.memref_slice %arg3[%add3A_293] : memref<640000xi32, #tpu.memory_space<hbm>> -> memref<40xi32, #tpu.memory_space<hbm>>
      tpu.wait_dma2 semaphore(%arg48 : memref<!tpu.dma_semaphore, #tpu.memory_space<semaphore_mem>>) src(%dma_wait3A_295 : memref<40xi32, #tpu.memory_space<hbm>>) dst(%arg17 : memref<40xi32, #tpu.memory_space<vmem>>)
      %dma_start3A_296 = arith.constant 0 : i32
      %dma_start3A_297 = arith.constant 0 : i32
      %dma_start3A_298 = tpu.memref_slice %arg24[%dma_start3A_296, %dma_start3A_297] : memref<10240x128xf32, #tpu.memory_space<vmem_shared>> -> memref<10240x128xf32, #tpu.memory_space<vmem_shared>>
      tpu.enqueue_indirect_dma source(%arg23 : memref<40x128xf32, #tpu.memory_space<vmem>>) target(%dma_start3A_298 : memref<10240x128xf32, #tpu.memory_space<vmem_shared>>) offsets(%arg17 : memref<40xi32, #tpu.memory_space<vmem>>) semaphore(%arg36 : memref<!tpu.dma_semaphore, #tpu.memory_space<semaphore_mem>>) {add = true}
      %add3A_299 = arith.constant 5 : i32
      %add3A_300 = arith.addi %add3A_281, %add3A_299 : i32
      %lt3A_301 = arith.constant 250 : i32
      %lt3A_302 = arith.cmpi slt, %add3A_300, %lt3A_301 : i32
      %convert_element_type3A_303 = arith.extui %lt3A_302 : i1 to i32
      %cond3A_304 = arith.constant 0 : i32
      %cond3A_305 = arith.cmpi ne, %convert_element_type3A_303, %cond3A_304 : i32
      scf.if %cond3A_305 {
        %add3A_306 = arith.constant 5 : i32
        %add3A_307 = arith.addi %add3A_281, %add3A_306 : i32
        %sub3A = arith.constant 6 : i32
        %sub3A_308 = arith.subi %add3A_307, %sub3A : i32
        %ge3A = arith.constant 0 : i32
        %ge3A_309 = arith.cmpi sge, %sub3A_308, %ge3A : i32
        %convert_element_type3A_310 = arith.extui %ge3A_309 : i1 to i32
        %cond3A_311 = arith.constant 0 : i32
        %cond3A_312 = arith.cmpi ne, %convert_element_type3A_310, %cond3A_311 : i32
        scf.if %cond3A_312 {
          %dma_wait3A_327 = arith.constant 0 : i32
          %dma_wait3A_328 = arith.constant 0 : i32
          %dma_wait3A_329 = tpu.memref_slice %arg24[%dma_wait3A_327, %dma_wait3A_328] : memref<10240x128xf32, #tpu.memory_space<vmem_shared>> -> memref<10240x128xf32, #tpu.memory_space<vmem_shared>>
          tpu.wait_indirect_dma semaphore(%arg35 : memref<!tpu.dma_semaphore, #tpu.memory_space<semaphore_mem>>) src(%arg22 : memref<40x128xf32, #tpu.memory_space<vmem>>) dst(%dma_wait3A_329 : memref<10240x128xf32, #tpu.memory_space<vmem_shared>>)
        } else {
        }
        %add3A_313 = arith.constant 5 : i32
        %add3A_314 = arith.addi %add3A_281, %add3A_313 : i32
        %add3A_315 = arith.constant 320000 : i32
        %add3A_316 = arith.addi %add3A_315, %mul3A_4 : i32
        %mul3A_317 = arith.constant 40 : i32
        %mul3A_318 = arith.muli %add3A_314, %mul3A_317 : i32
        %add3A_319 = arith.addi %add3A_316, %mul3A_318 : i32
        %dma_start3A_320 = tpu.memref_slice %arg3[%add3A_319] : memref<640000xi32, #tpu.memory_space<hbm>> -> memref<40xi32, #tpu.memory_space<hbm>>
        %dma_start3A_321 = tpu.memref_slice %arg3[%add3A_319] : memref<640000xi32, #tpu.memory_space<hbm>> -> memref<40xi32, #tpu.memory_space<hbm>>
        tpu.enqueue_dma source(%dma_start3A_321 : memref<40xi32, #tpu.memory_space<hbm>>) target(%arg16 : memref<40xi32, #tpu.memory_space<vmem>>) target_semaphore(%arg47 : memref<!tpu.dma_semaphore, #tpu.memory_space<semaphore_mem>>)
        %dma_wait3A_322 = tpu.memref_slice %arg3[%mul3A_4] : memref<640000xi32, #tpu.memory_space<hbm>> -> memref<40xi32, #tpu.memory_space<hbm>>
        %dma_wait3A_323 = tpu.memref_slice %arg3[%mul3A_4] : memref<640000xi32, #tpu.memory_space<hbm>> -> memref<40xi32, #tpu.memory_space<hbm>>
        tpu.wait_dma2 semaphore(%arg41 : memref<!tpu.dma_semaphore, #tpu.memory_space<semaphore_mem>>) src(%dma_wait3A_323 : memref<40xi32, #tpu.memory_space<hbm>>) dst(%arg10 : memref<40xi32, #tpu.memory_space<vmem>>)
        %dma_start3A_324 = arith.constant 0 : i32
        %dma_start3A_325 = arith.constant 0 : i32
        %dma_start3A_326 = tpu.memref_slice %arg2[%dma_start3A_324, %dma_start3A_325] : memref<10000x128xf32, #tpu.memory_space<hbm>> -> memref<10000x128xf32, #tpu.memory_space<hbm>>
        tpu.enqueue_indirect_dma source(%dma_start3A_326 : memref<10000x128xf32, #tpu.memory_space<hbm>>) target(%arg22 : memref<40x128xf32, #tpu.memory_space<vmem>>) offsets(%arg10 : memref<40xi32, #tpu.memory_space<vmem>>) semaphore(%arg29 : memref<!tpu.dma_semaphore, #tpu.memory_space<semaphore_mem>>)
      } else {
      }
    }
    %scan3A_86 = arith.constant 41 : i32
    %dma_wait3A_87 = arith.constant 0 : i32
    %dma_wait3A_88 = arith.constant 0 : i32
    %dma_wait3A_89 = tpu.memref_slice %arg2[%dma_wait3A_87, %dma_wait3A_88] : memref<10000x128xf32, #tpu.memory_space<hbm>> -> memref<10000x128xf32, #tpu.memory_space<hbm>>
    tpu.wait_indirect_dma semaphore(%arg25 : memref<!tpu.dma_semaphore, #tpu.memory_space<semaphore_mem>>) src(%dma_wait3A_89 : memref<10000x128xf32, #tpu.memory_space<hbm>>) dst(%arg18 : memref<40x128xf32, #tpu.memory_space<vmem>>)
    %add3A_90 = arith.constant 320000 : i32
    %add3A_91 = arith.addi %add3A_90, %mul3A_4 : i32
    %dma_wait3A_92 = tpu.memref_slice %arg3[%add3A_91] : memref<640000xi32, #tpu.memory_space<hbm>> -> memref<40xi32, #tpu.memory_space<hbm>>
    %dma_wait3A_93 = tpu.memref_slice %arg3[%add3A_91] : memref<640000xi32, #tpu.memory_space<hbm>> -> memref<40xi32, #tpu.memory_space<hbm>>
    tpu.wait_dma2 semaphore(%arg43 : memref<!tpu.dma_semaphore, #tpu.memory_space<semaphore_mem>>) src(%dma_wait3A_93 : memref<40xi32, #tpu.memory_space<hbm>>) dst(%arg12 : memref<40xi32, #tpu.memory_space<vmem>>)
    %dma_start3A_94 = arith.constant 0 : i32
    %dma_start3A_95 = arith.constant 0 : i32
    %dma_start3A_96 = tpu.memref_slice %arg24[%dma_start3A_94, %dma_start3A_95] : memref<10240x128xf32, #tpu.memory_space<vmem_shared>> -> memref<10240x128xf32, #tpu.memory_space<vmem_shared>>
    tpu.enqueue_indirect_dma source(%arg18 : memref<40x128xf32, #tpu.memory_space<vmem>>) target(%dma_start3A_96 : memref<10240x128xf32, #tpu.memory_space<vmem_shared>>) offsets(%arg12 : memref<40xi32, #tpu.memory_space<vmem>>) semaphore(%arg31 : memref<!tpu.dma_semaphore, #tpu.memory_space<semaphore_mem>>) {add = true}
    %dma_wait3A_97 = arith.constant 0 : i32
    %dma_wait3A_98 = arith.constant 0 : i32
    %dma_wait3A_99 = tpu.memref_slice %arg2[%dma_wait3A_97, %dma_wait3A_98] : memref<10000x128xf32, #tpu.memory_space<hbm>> -> memref<10000x128xf32, #tpu.memory_space<hbm>>
    tpu.wait_indirect_dma semaphore(%arg26 : memref<!tpu.dma_semaphore, #tpu.memory_space<semaphore_mem>>) src(%dma_wait3A_99 : memref<10000x128xf32, #tpu.memory_space<hbm>>) dst(%arg19 : memref<40x128xf32, #tpu.memory_space<vmem>>)
    %add3A_100 = arith.constant 320000 : i32
    %add3A_101 = arith.addi %add3A_100, %mul3A_4 : i32
    %dma_wait3A_102 = tpu.memref_slice %arg3[%add3A_101] : memref<640000xi32, #tpu.memory_space<hbm>> -> memref<40xi32, #tpu.memory_space<hbm>>
    %dma_wait3A_103 = tpu.memref_slice %arg3[%add3A_101] : memref<640000xi32, #tpu.memory_space<hbm>> -> memref<40xi32, #tpu.memory_space<hbm>>
    tpu.wait_dma2 semaphore(%arg44 : memref<!tpu.dma_semaphore, #tpu.memory_space<semaphore_mem>>) src(%dma_wait3A_103 : memref<40xi32, #tpu.memory_space<hbm>>) dst(%arg13 : memref<40xi32, #tpu.memory_space<vmem>>)
    %dma_start3A_104 = arith.constant 0 : i32
    %dma_start3A_105 = arith.constant 0 : i32
    %dma_start3A_106 = tpu.memref_slice %arg24[%dma_start3A_104, %dma_start3A_105] : memref<10240x128xf32, #tpu.memory_space<vmem_shared>> -> memref<10240x128xf32, #tpu.memory_space<vmem_shared>>
    tpu.enqueue_indirect_dma source(%arg19 : memref<40x128xf32, #tpu.memory_space<vmem>>) target(%dma_start3A_106 : memref<10240x128xf32, #tpu.memory_space<vmem_shared>>) offsets(%arg13 : memref<40xi32, #tpu.memory_space<vmem>>) semaphore(%arg32 : memref<!tpu.dma_semaphore, #tpu.memory_space<semaphore_mem>>) {add = true}
    %dma_wait3A_107 = arith.constant 0 : i32
    %dma_wait3A_108 = arith.constant 0 : i32
    %dma_wait3A_109 = tpu.memref_slice %arg2[%dma_wait3A_107, %dma_wait3A_108] : memref<10000x128xf32, #tpu.memory_space<hbm>> -> memref<10000x128xf32, #tpu.memory_space<hbm>>
    tpu.wait_indirect_dma semaphore(%arg27 : memref<!tpu.dma_semaphore, #tpu.memory_space<semaphore_mem>>) src(%dma_wait3A_109 : memref<10000x128xf32, #tpu.memory_space<hbm>>) dst(%arg20 : memref<40x128xf32, #tpu.memory_space<vmem>>)
    %add3A_110 = arith.constant 320000 : i32
    %add3A_111 = arith.addi %add3A_110, %mul3A_4 : i32
    %dma_wait3A_112 = tpu.memref_slice %arg3[%add3A_111] : memref<640000xi32, #tpu.memory_space<hbm>> -> memref<40xi32, #tpu.memory_space<hbm>>
    %dma_wait3A_113 = tpu.memref_slice %arg3[%add3A_111] : memref<640000xi32, #tpu.memory_space<hbm>> -> memref<40xi32, #tpu.memory_space<hbm>>
    tpu.wait_dma2 semaphore(%arg45 : memref<!tpu.dma_semaphore, #tpu.memory_space<semaphore_mem>>) src(%dma_wait3A_113 : memref<40xi32, #tpu.memory_space<hbm>>) dst(%arg14 : memref<40xi32, #tpu.memory_space<vmem>>)
    %dma_start3A_114 = arith.constant 0 : i32
    %dma_start3A_115 = arith.constant 0 : i32
    %dma_start3A_116 = tpu.memref_slice %arg24[%dma_start3A_114, %dma_start3A_115] : memref<10240x128xf32, #tpu.memory_space<vmem_shared>> -> memref<10240x128xf32, #tpu.memory_space<vmem_shared>>
    tpu.enqueue_indirect_dma source(%arg20 : memref<40x128xf32, #tpu.memory_space<vmem>>) target(%dma_start3A_116 : memref<10240x128xf32, #tpu.memory_space<vmem_shared>>) offsets(%arg14 : memref<40xi32, #tpu.memory_space<vmem>>) semaphore(%arg33 : memref<!tpu.dma_semaphore, #tpu.memory_space<semaphore_mem>>) {add = true}
    %dma_wait3A_117 = arith.constant 0 : i32
    %dma_wait3A_118 = arith.constant 0 : i32
    %dma_wait3A_119 = tpu.memref_slice %arg2[%dma_wait3A_117, %dma_wait3A_118] : memref<10000x128xf32, #tpu.memory_space<hbm>> -> memref<10000x128xf32, #tpu.memory_space<hbm>>
    tpu.wait_indirect_dma semaphore(%arg28 : memref<!tpu.dma_semaphore, #tpu.memory_space<semaphore_mem>>) src(%dma_wait3A_119 : memref<10000x128xf32, #tpu.memory_space<hbm>>) dst(%arg21 : memref<40x128xf32, #tpu.memory_space<vmem>>)
    %add3A_120 = arith.constant 320000 : i32
    %add3A_121 = arith.addi %add3A_120, %mul3A_4 : i32
    %dma_wait3A_122 = tpu.memref_slice %arg3[%add3A_121] : memref<640000xi32, #tpu.memory_space<hbm>> -> memref<40xi32, #tpu.memory_space<hbm>>
    %dma_wait3A_123 = tpu.memref_slice %arg3[%add3A_121] : memref<640000xi32, #tpu.memory_space<hbm>> -> memref<40xi32, #tpu.memory_space<hbm>>
    tpu.wait_dma2 semaphore(%arg46 : memref<!tpu.dma_semaphore, #tpu.memory_space<semaphore_mem>>) src(%dma_wait3A_123 : memref<40xi32, #tpu.memory_space<hbm>>) dst(%arg15 : memref<40xi32, #tpu.memory_space<vmem>>)
    %dma_start3A_124 = arith.constant 0 : i32
    %dma_start3A_125 = arith.constant 0 : i32
    %dma_start3A_126 = tpu.memref_slice %arg24[%dma_start3A_124, %dma_start3A_125] : memref<10240x128xf32, #tpu.memory_space<vmem_shared>> -> memref<10240x128xf32, #tpu.memory_space<vmem_shared>>
    tpu.enqueue_indirect_dma source(%arg21 : memref<40x128xf32, #tpu.memory_space<vmem>>) target(%dma_start3A_126 : memref<10240x128xf32, #tpu.memory_space<vmem_shared>>) offsets(%arg15 : memref<40xi32, #tpu.memory_space<vmem>>) semaphore(%arg34 : memref<!tpu.dma_semaphore, #tpu.memory_space<semaphore_mem>>) {add = true}
    %dma_wait3A_127 = arith.constant 0 : i32
    %dma_wait3A_128 = arith.constant 0 : i32
    %dma_wait3A_129 = tpu.memref_slice %arg24[%dma_wait3A_127, %dma_wait3A_128] : memref<10240x128xf32, #tpu.memory_space<vmem_shared>> -> memref<10240x128xf32, #tpu.memory_space<vmem_shared>>
    tpu.wait_indirect_dma semaphore(%arg35 : memref<!tpu.dma_semaphore, #tpu.memory_space<semaphore_mem>>) src(%arg22 : memref<40x128xf32, #tpu.memory_space<vmem>>) dst(%dma_wait3A_129 : memref<10240x128xf32, #tpu.memory_space<vmem_shared>>)
    %dma_wait3A_130 = arith.constant 0 : i32
    %dma_wait3A_131 = arith.constant 0 : i32
    %dma_wait3A_132 = tpu.memref_slice %arg24[%dma_wait3A_130, %dma_wait3A_131] : memref<10240x128xf32, #tpu.memory_space<vmem_shared>> -> memref<10240x128xf32, #tpu.memory_space<vmem_shared>>
    tpu.wait_indirect_dma semaphore(%arg36 : memref<!tpu.dma_semaphore, #tpu.memory_space<semaphore_mem>>) src(%arg23 : memref<40x128xf32, #tpu.memory_space<vmem>>) dst(%dma_wait3A_132 : memref<10240x128xf32, #tpu.memory_space<vmem_shared>>)
    %dma_wait3A_133 = arith.constant 0 : i32
    %dma_wait3A_134 = arith.constant 0 : i32
    %dma_wait3A_135 = tpu.memref_slice %arg24[%dma_wait3A_133, %dma_wait3A_134] : memref<10240x128xf32, #tpu.memory_space<vmem_shared>> -> memref<10240x128xf32, #tpu.memory_space<vmem_shared>>
    tpu.wait_indirect_dma semaphore(%arg31 : memref<!tpu.dma_semaphore, #tpu.memory_space<semaphore_mem>>) src(%arg18 : memref<40x128xf32, #tpu.memory_space<vmem>>) dst(%dma_wait3A_135 : memref<10240x128xf32, #tpu.memory_space<vmem_shared>>)
    %dma_wait3A_136 = arith.constant 0 : i32
    %dma_wait3A_137 = arith.constant 0 : i32
    %dma_wait3A_138 = tpu.memref_slice %arg24[%dma_wait3A_136, %dma_wait3A_137] : memref<10240x128xf32, #tpu.memory_space<vmem_shared>> -> memref<10240x128xf32, #tpu.memory_space<vmem_shared>>
    tpu.wait_indirect_dma semaphore(%arg32 : memref<!tpu.dma_semaphore, #tpu.memory_space<semaphore_mem>>) src(%arg19 : memref<40x128xf32, #tpu.memory_space<vmem>>) dst(%dma_wait3A_138 : memref<10240x128xf32, #tpu.memory_space<vmem_shared>>)
    %dma_wait3A_139 = arith.constant 0 : i32
    %dma_wait3A_140 = arith.constant 0 : i32
    %dma_wait3A_141 = tpu.memref_slice %arg24[%dma_wait3A_139, %dma_wait3A_140] : memref<10240x128xf32, #tpu.memory_space<vmem_shared>> -> memref<10240x128xf32, #tpu.memory_space<vmem_shared>>
    tpu.wait_indirect_dma semaphore(%arg33 : memref<!tpu.dma_semaphore, #tpu.memory_space<semaphore_mem>>) src(%arg20 : memref<40x128xf32, #tpu.memory_space<vmem>>) dst(%dma_wait3A_141 : memref<10240x128xf32, #tpu.memory_space<vmem_shared>>)
    %dma_wait3A_142 = arith.constant 0 : i32
    %dma_wait3A_143 = arith.constant 0 : i32
    %dma_wait3A_144 = tpu.memref_slice %arg24[%dma_wait3A_142, %dma_wait3A_143] : memref<10240x128xf32, #tpu.memory_space<vmem_shared>> -> memref<10240x128xf32, #tpu.memory_space<vmem_shared>>
    tpu.wait_indirect_dma semaphore(%arg34 : memref<!tpu.dma_semaphore, #tpu.memory_space<semaphore_mem>>) src(%arg21 : memref<40x128xf32, #tpu.memory_space<vmem>>) dst(%dma_wait3A_144 : memref<10240x128xf32, #tpu.memory_space<vmem_shared>>)
    %barrier3A_145 = arith.constant 0 : index
    tpu.barrier barrier_id(%barrier3A_145)
    %mul3A_146 = arith.constant 640 : i32
    %mul3A_147 = arith.muli %arg1, %mul3A_146 : i32
    %mul3A_148 = arith.constant 640 : i32
    %mul3A_149 = arith.muli %arg1, %mul3A_148 : i32
    "tpu.region"() ({
      %run_scoped3A = tpu.sem_alloc : memref<!tpu.dma_semaphore, #tpu.memory_space<semaphore_mem>>
      %dma_start3A_150 = arith.constant 0 : i32
      %dma_start3A_151 = tpu.memref_slice %arg5[%arg0, %mul3A_149, %dma_start3A_150] : memref<2x10240x128xf32, #tpu.memory_space<hbm>> -> memref<1x640x128xf32, #tpu.memory_space<hbm>>
      %dma_start3A_152 = tpu.memref_squeeze %dma_start3A_151 : memref<1x640x128xf32, #tpu.memory_space<hbm>> -> memref<640x128xf32, #tpu.memory_space<hbm>>
      %dma_start3A_153 = arith.constant 0 : i32
      %dma_start3A_154 = tpu.memref_slice %arg24[%mul3A_147, %dma_start3A_153] : memref<10240x128xf32, #tpu.memory_space<vmem_shared>> -> memref<640x128xf32, #tpu.memory_space<vmem_shared>>
      tpu.enqueue_dma source(%dma_start3A_154 : memref<640x128xf32, #tpu.memory_space<vmem_shared>>) target(%dma_start3A_152 : memref<640x128xf32, #tpu.memory_space<hbm>>) target_semaphore(%run_scoped3A : memref<!tpu.dma_semaphore, #tpu.memory_space<semaphore_mem>>)
      %dma_wait3A_155 = arith.constant 0 : i32
      %dma_wait3A_156 = tpu.memref_slice %arg5[%arg0, %mul3A_149, %dma_wait3A_155] : memref<2x10240x128xf32, #tpu.memory_space<hbm>> -> memref<1x640x128xf32, #tpu.memory_space<hbm>>
      %dma_wait3A_157 = tpu.memref_squeeze %dma_wait3A_156 : memref<1x640x128xf32, #tpu.memory_space<hbm>> -> memref<640x128xf32, #tpu.memory_space<hbm>>
      %dma_wait3A_158 = arith.constant 0 : i32
      %dma_wait3A_159 = tpu.memref_slice %arg24[%mul3A_147, %dma_wait3A_158] : memref<10240x128xf32, #tpu.memory_space<vmem_shared>> -> memref<640x128xf32, #tpu.memory_space<vmem_shared>>
      tpu.wait_dma2 semaphore(%run_scoped3A : memref<!tpu.dma_semaphore, #tpu.memory_space<semaphore_mem>>) src(%dma_wait3A_159 : memref<640x128xf32, #tpu.memory_space<vmem_shared>>) dst(%dma_wait3A_157 : memref<640x128xf32, #tpu.memory_space<hbm>>)
      tpu.yield
    }) : () -> ()
    return
  }
}

#map = affine_map<(d0, d1) -> (0, 0)>
#map1 = affine_map<(d0, d1) -> (0)>
#map2 = affine_map<(d0, d1) -> (0, 0, 0)>
module attributes {stable_mosaic.version = 14 : i64} {
  func.func @sc_aggregate(%arg0: i32, %arg1: i32, %arg2: memref<10000x128xf32, #tpu.memory_space<hbm>>, %arg3: memref<640000xi32, #tpu.memory_space<hbm>>, %arg4: memref<640x128xf32, #tpu.memory_space<hbm>>, %arg5: memref<2x10240x128xf32, #tpu.memory_space<hbm>>, %arg6: memref<40xi32, #tpu.memory_space<vmem>>, %arg7: memref<40xi32, #tpu.memory_space<vmem>>, %arg8: memref<40xi32, #tpu.memory_space<vmem>>, %arg9: memref<40xi32, #tpu.memory_space<vmem>>, %arg10: memref<40xi32, #tpu.memory_space<vmem>>, %arg11: memref<40xi32, #tpu.memory_space<vmem>>, %arg12: memref<40xi32, #tpu.memory_space<vmem>>, %arg13: memref<40xi32, #tpu.memory_space<vmem>>, %arg14: memref<40xi32, #tpu.memory_space<vmem>>, %arg15: memref<40xi32, #tpu.memory_space<vmem>>, %arg16: memref<40xi32, #tpu.memory_space<vmem>>, %arg17: memref<40xi32, #tpu.memory_space<vmem>>, %arg18: memref<40x128xf32, #tpu.memory_space<vmem>>, %arg19: memref<40x128xf32, #tpu.memory_space<vmem>>, %arg20: memref<40x128xf32, #tpu.memory_space<vmem>>, %arg21: memref<40x128xf32, #tpu.memory_space<vmem>>, %arg22: memref<40x128xf32, #tpu.memory_space<vmem>>, %arg23: memref<40x128xf32, #tpu.memory_space<vmem>>, %arg24: memref<10240x128xf32, #tpu.memory_space<vmem_shared>>, %arg25: memref<!tpu.dma_semaphore, #tpu.memory_space<semaphore_mem>>, %arg26: memref<!tpu.dma_semaphore, #tpu.memory_space<semaphore_mem>>, %arg27: memref<!tpu.dma_semaphore, #tpu.memory_space<semaphore_mem>>, %arg28: memref<!tpu.dma_semaphore, #tpu.memory_space<semaphore_mem>>, %arg29: memref<!tpu.dma_semaphore, #tpu.memory_space<semaphore_mem>>, %arg30: memref<!tpu.dma_semaphore, #tpu.memory_space<semaphore_mem>>, %arg31: memref<!tpu.dma_semaphore, #tpu.memory_space<semaphore_mem>>, %arg32: memref<!tpu.dma_semaphore, #tpu.memory_space<semaphore_mem>>, %arg33: memref<!tpu.dma_semaphore, #tpu.memory_space<semaphore_mem>>, %arg34: memref<!tpu.dma_semaphore, #tpu.memory_space<semaphore_mem>>, %arg35: memref<!tpu.dma_semaphore, #tpu.memory_space<semaphore_mem>>, %arg36: memref<!tpu.dma_semaphore, #tpu.memory_space<semaphore_mem>>, %arg37: memref<!tpu.dma_semaphore, #tpu.memory_space<semaphore_mem>>, %arg38: memref<!tpu.dma_semaphore, #tpu.memory_space<semaphore_mem>>, %arg39: memref<!tpu.dma_semaphore, #tpu.memory_space<semaphore_mem>>, %arg40: memref<!tpu.dma_semaphore, #tpu.memory_space<semaphore_mem>>, %arg41: memref<!tpu.dma_semaphore, #tpu.memory_space<semaphore_mem>>, %arg42: memref<!tpu.dma_semaphore, #tpu.memory_space<semaphore_mem>>, %arg43: memref<!tpu.dma_semaphore, #tpu.memory_space<semaphore_mem>>, %arg44: memref<!tpu.dma_semaphore, #tpu.memory_space<semaphore_mem>>, %arg45: memref<!tpu.dma_semaphore, #tpu.memory_space<semaphore_mem>>, %arg46: memref<!tpu.dma_semaphore, #tpu.memory_space<semaphore_mem>>, %arg47: memref<!tpu.dma_semaphore, #tpu.memory_space<semaphore_mem>>, %arg48: memref<!tpu.dma_semaphore, #tpu.memory_space<semaphore_mem>>) attributes {dimension_semantics = [#tpu.dimension_semantics<core_parallel>, #tpu.dimension_semantics<subcore_parallel>], iteration_bounds = array<i64: 2, 16>, scalar_prefetch = 0 : i64, scratch_operands = 43 : i64, tpu.core_type = #tpu.core_type<sc_vector_subcore>, window_params = [{transform_indices = #map}, {transform_indices = #map1}, {transform_indices = #map}, {transform_indices = #map2}]} {
    %mul3A = arith.constant 2 : i32
    %mul3A_0 = arith.muli %arg1, %mul3A : i32
    %add3A = arith.addi %mul3A_0, %arg0 : i32
    %mul3A_1 = arith.constant 640 : i32
    %mul3A_2 = arith.muli %arg1, %mul3A_1 : i32
    "tpu.region"() ({
      %run_scoped3A = tpu.sem_alloc : memref<!tpu.dma_semaphore, #tpu.memory_space<semaphore_mem>>
      %dma_start3A_150 = arith.constant 0 : i32
      %dma_start3A_151 = tpu.memref_slice %arg24[%mul3A_2, %dma_start3A_150] : memref<10240x128xf32, #tpu.memory_space<vmem_shared>> -> memref<640x128xf32, #tpu.memory_space<vmem_shared>>
      tpu.enqueue_dma source(%arg4 : memref<640x128xf32, #tpu.memory_space<hbm>>) target(%dma_start3A_151 : memref<640x128xf32, #tpu.memory_space<vmem_shared>>) target_semaphore(%run_scoped3A : memref<!tpu.dma_semaphore, #tpu.memory_space<semaphore_mem>>)
      %dma_wait3A_152 = arith.constant 0 : i32
      %dma_wait3A_153 = tpu.memref_slice %arg24[%mul3A_2, %dma_wait3A_152] : memref<10240x128xf32, #tpu.memory_space<vmem_shared>> -> memref<640x128xf32, #tpu.memory_space<vmem_shared>>
      tpu.wait_dma2 semaphore(%run_scoped3A : memref<!tpu.dma_semaphore, #tpu.memory_space<semaphore_mem>>) src(%arg4 : memref<640x128xf32, #tpu.memory_space<hbm>>) dst(%dma_wait3A_153 : memref<640x128xf32, #tpu.memory_space<vmem_shared>>)
      tpu.yield
    }) : () -> ()
    %mul3A_3 = arith.constant 10000 : i32
    %mul3A_4 = arith.muli %add3A, %mul3A_3 : i32
    %add3A_5 = arith.constant 0 : i32
    %add3A_6 = arith.addi %mul3A_4, %add3A_5 : i32
    %dma_start3A = tpu.memref_slice %arg3[%add3A_6] : memref<640000xi32, #tpu.memory_space<hbm>> -> memref<40xi32, #tpu.memory_space<hbm>>
    %dma_start3A_7 = tpu.memref_slice %arg3[%add3A_6] : memref<640000xi32, #tpu.memory_space<hbm>> -> memref<40xi32, #tpu.memory_space<hbm>>
    tpu.enqueue_dma source(%dma_start3A_7 : memref<40xi32, #tpu.memory_space<hbm>>) target(%arg6 : memref<40xi32, #tpu.memory_space<vmem>>) target_semaphore(%arg37 : memref<!tpu.dma_semaphore, #tpu.memory_space<semaphore_mem>>)
    %add3A_8 = arith.constant 40 : i32
    %add3A_9 = arith.addi %mul3A_4, %add3A_8 : i32
    %dma_start3A_10 = tpu.memref_slice %arg3[%add3A_9] : memref<640000xi32, #tpu.memory_space<hbm>> -> memref<40xi32, #tpu.memory_space<hbm>>
    %dma_start3A_11 = tpu.memref_slice %arg3[%add3A_9] : memref<640000xi32, #tpu.memory_space<hbm>> -> memref<40xi32, #tpu.memory_space<hbm>>
    tpu.enqueue_dma source(%dma_start3A_11 : memref<40xi32, #tpu.memory_space<hbm>>) target(%arg7 : memref<40xi32, #tpu.memory_space<vmem>>) target_semaphore(%arg38 : memref<!tpu.dma_semaphore, #tpu.memory_space<semaphore_mem>>)
    %add3A_12 = arith.constant 80 : i32
    %add3A_13 = arith.addi %mul3A_4, %add3A_12 : i32
    %dma_start3A_14 = tpu.memref_slice %arg3[%add3A_13] : memref<640000xi32, #tpu.memory_space<hbm>> -> memref<40xi32, #tpu.memory_space<hbm>>
    %dma_start3A_15 = tpu.memref_slice %arg3[%add3A_13] : memref<640000xi32, #tpu.memory_space<hbm>> -> memref<40xi32, #tpu.memory_space<hbm>>
    tpu.enqueue_dma source(%dma_start3A_15 : memref<40xi32, #tpu.memory_space<hbm>>) target(%arg8 : memref<40xi32, #tpu.memory_space<vmem>>) target_semaphore(%arg39 : memref<!tpu.dma_semaphore, #tpu.memory_space<semaphore_mem>>)
    %add3A_16 = arith.constant 120 : i32
    %add3A_17 = arith.addi %mul3A_4, %add3A_16 : i32
    %dma_start3A_18 = tpu.memref_slice %arg3[%add3A_17] : memref<640000xi32, #tpu.memory_space<hbm>> -> memref<40xi32, #tpu.memory_space<hbm>>
    %dma_start3A_19 = tpu.memref_slice %arg3[%add3A_17] : memref<640000xi32, #tpu.memory_space<hbm>> -> memref<40xi32, #tpu.memory_space<hbm>>
    tpu.enqueue_dma source(%dma_start3A_19 : memref<40xi32, #tpu.memory_space<hbm>>) target(%arg9 : memref<40xi32, #tpu.memory_space<vmem>>) target_semaphore(%arg40 : memref<!tpu.dma_semaphore, #tpu.memory_space<semaphore_mem>>)
    %add3A_20 = arith.constant 160 : i32
    %add3A_21 = arith.addi %mul3A_4, %add3A_20 : i32
    %dma_start3A_22 = tpu.memref_slice %arg3[%add3A_21] : memref<640000xi32, #tpu.memory_space<hbm>> -> memref<40xi32, #tpu.memory_space<hbm>>
    %dma_start3A_23 = tpu.memref_slice %arg3[%add3A_21] : memref<640000xi32, #tpu.memory_space<hbm>> -> memref<40xi32, #tpu.memory_space<hbm>>
    tpu.enqueue_dma source(%dma_start3A_23 : memref<40xi32, #tpu.memory_space<hbm>>) target(%arg10 : memref<40xi32, #tpu.memory_space<vmem>>) target_semaphore(%arg41 : memref<!tpu.dma_semaphore, #tpu.memory_space<semaphore_mem>>)
    %add3A_24 = arith.constant 200 : i32
    %add3A_25 = arith.addi %mul3A_4, %add3A_24 : i32
    %dma_start3A_26 = tpu.memref_slice %arg3[%add3A_25] : memref<640000xi32, #tpu.memory_space<hbm>> -> memref<40xi32, #tpu.memory_space<hbm>>
    %dma_start3A_27 = tpu.memref_slice %arg3[%add3A_25] : memref<640000xi32, #tpu.memory_space<hbm>> -> memref<40xi32, #tpu.memory_space<hbm>>
    tpu.enqueue_dma source(%dma_start3A_27 : memref<40xi32, #tpu.memory_space<hbm>>) target(%arg11 : memref<40xi32, #tpu.memory_space<vmem>>) target_semaphore(%arg42 : memref<!tpu.dma_semaphore, #tpu.memory_space<semaphore_mem>>)
    %add3A_28 = arith.constant 320000 : i32
    %add3A_29 = arith.addi %add3A_28, %mul3A_4 : i32
    %add3A_30 = arith.constant 0 : i32
    %add3A_31 = arith.addi %add3A_29, %add3A_30 : i32
    %dma_start3A_32 = tpu.memref_slice %arg3[%add3A_31] : memref<640000xi32, #tpu.memory_space<hbm>> -> memref<40xi32, #tpu.memory_space<hbm>>
    %dma_start3A_33 = tpu.memref_slice %arg3[%add3A_31] : memref<640000xi32, #tpu.memory_space<hbm>> -> memref<40xi32, #tpu.memory_space<hbm>>
    tpu.enqueue_dma source(%dma_start3A_33 : memref<40xi32, #tpu.memory_space<hbm>>) target(%arg12 : memref<40xi32, #tpu.memory_space<vmem>>) target_semaphore(%arg43 : memref<!tpu.dma_semaphore, #tpu.memory_space<semaphore_mem>>)
    %add3A_34 = arith.constant 320000 : i32
    %add3A_35 = arith.addi %add3A_34, %mul3A_4 : i32
    %add3A_36 = arith.constant 40 : i32
    %add3A_37 = arith.addi %add3A_35, %add3A_36 : i32
    %dma_start3A_38 = tpu.memref_slice %arg3[%add3A_37] : memref<640000xi32, #tpu.memory_space<hbm>> -> memref<40xi32, #tpu.memory_space<hbm>>
    %dma_start3A_39 = tpu.memref_slice %arg3[%add3A_37] : memref<640000xi32, #tpu.memory_space<hbm>> -> memref<40xi32, #tpu.memory_space<hbm>>
    tpu.enqueue_dma source(%dma_start3A_39 : memref<40xi32, #tpu.memory_space<hbm>>) target(%arg13 : memref<40xi32, #tpu.memory_space<vmem>>) target_semaphore(%arg44 : memref<!tpu.dma_semaphore, #tpu.memory_space<semaphore_mem>>)
    %add3A_40 = arith.constant 320000 : i32
    %add3A_41 = arith.addi %add3A_40, %mul3A_4 : i32
    %add3A_42 = arith.constant 80 : i32
    %add3A_43 = arith.addi %add3A_41, %add3A_42 : i32
    %dma_start3A_44 = tpu.memref_slice %arg3[%add3A_43] : memref<640000xi32, #tpu.memory_space<hbm>> -> memref<40xi32, #tpu.memory_space<hbm>>
    %dma_start3A_45 = tpu.memref_slice %arg3[%add3A_43] : memref<640000xi32, #tpu.memory_space<hbm>> -> memref<40xi32, #tpu.memory_space<hbm>>
    tpu.enqueue_dma source(%dma_start3A_45 : memref<40xi32, #tpu.memory_space<hbm>>) target(%arg14 : memref<40xi32, #tpu.memory_space<vmem>>) target_semaphore(%arg45 : memref<!tpu.dma_semaphore, #tpu.memory_space<semaphore_mem>>)
    %add3A_46 = arith.constant 320000 : i32
    %add3A_47 = arith.addi %add3A_46, %mul3A_4 : i32
    %add3A_48 = arith.constant 120 : i32
    %add3A_49 = arith.addi %add3A_47, %add3A_48 : i32
    %dma_start3A_50 = tpu.memref_slice %arg3[%add3A_49] : memref<640000xi32, #tpu.memory_space<hbm>> -> memref<40xi32, #tpu.memory_space<hbm>>
    %dma_start3A_51 = tpu.memref_slice %arg3[%add3A_49] : memref<640000xi32, #tpu.memory_space<hbm>> -> memref<40xi32, #tpu.memory_space<hbm>>
    tpu.enqueue_dma source(%dma_start3A_51 : memref<40xi32, #tpu.memory_space<hbm>>) target(%arg15 : memref<40xi32, #tpu.memory_space<vmem>>) target_semaphore(%arg46 : memref<!tpu.dma_semaphore, #tpu.memory_space<semaphore_mem>>)
    %add3A_52 = arith.constant 320000 : i32
    %add3A_53 = arith.addi %add3A_52, %mul3A_4 : i32
    %add3A_54 = arith.constant 160 : i32
    %add3A_55 = arith.addi %add3A_53, %add3A_54 : i32
    %dma_start3A_56 = tpu.memref_slice %arg3[%add3A_55] : memref<640000xi32, #tpu.memory_space<hbm>> -> memref<40xi32, #tpu.memory_space<hbm>>
    %dma_start3A_57 = tpu.memref_slice %arg3[%add3A_55] : memref<640000xi32, #tpu.memory_space<hbm>> -> memref<40xi32, #tpu.memory_space<hbm>>
    tpu.enqueue_dma source(%dma_start3A_57 : memref<40xi32, #tpu.memory_space<hbm>>) target(%arg16 : memref<40xi32, #tpu.memory_space<vmem>>) target_semaphore(%arg47 : memref<!tpu.dma_semaphore, #tpu.memory_space<semaphore_mem>>)
    %barrier3A = arith.constant 0 : index
    tpu.barrier barrier_id(%barrier3A)
    %dma_wait3A = tpu.memref_slice %arg3[%mul3A_4] : memref<640000xi32, #tpu.memory_space<hbm>> -> memref<40xi32, #tpu.memory_space<hbm>>
    %dma_wait3A_58 = tpu.memref_slice %arg3[%mul3A_4] : memref<640000xi32, #tpu.memory_space<hbm>> -> memref<40xi32, #tpu.memory_space<hbm>>
    tpu.wait_dma2 semaphore(%arg37 : memref<!tpu.dma_semaphore, #tpu.memory_space<semaphore_mem>>) src(%dma_wait3A_58 : memref<40xi32, #tpu.memory_space<hbm>>) dst(%arg6 : memref<40xi32, #tpu.memory_space<vmem>>)
    %dma_start3A_59 = arith.constant 0 : i32
    %dma_start3A_60 = arith.constant 0 : i32
    %dma_start3A_61 = tpu.memref_slice %arg2[%dma_start3A_59, %dma_start3A_60] : memref<10000x128xf32, #tpu.memory_space<hbm>> -> memref<10000x128xf32, #tpu.memory_space<hbm>>
    tpu.enqueue_indirect_dma source(%dma_start3A_61 : memref<10000x128xf32, #tpu.memory_space<hbm>>) target(%arg18 : memref<40x128xf32, #tpu.memory_space<vmem>>) offsets(%arg6 : memref<40xi32, #tpu.memory_space<vmem>>) semaphore(%arg25 : memref<!tpu.dma_semaphore, #tpu.memory_space<semaphore_mem>>)
    %dma_wait3A_62 = tpu.memref_slice %arg3[%mul3A_4] : memref<640000xi32, #tpu.memory_space<hbm>> -> memref<40xi32, #tpu.memory_space<hbm>>
    %dma_wait3A_63 = tpu.memref_slice %arg3[%mul3A_4] : memref<640000xi32, #tpu.memory_space<hbm>> -> memref<40xi32, #tpu.memory_space<hbm>>
    tpu.wait_dma2 semaphore(%arg38 : memref<!tpu.dma_semaphore, #tpu.memory_space<semaphore_mem>>) src(%dma_wait3A_63 : memref<40xi32, #tpu.memory_space<hbm>>) dst(%arg7 : memref<40xi32, #tpu.memory_space<vmem>>)
    %dma_start3A_64 = arith.constant 0 : i32
    %dma_start3A_65 = arith.constant 0 : i32
    %dma_start3A_66 = tpu.memref_slice %arg2[%dma_start3A_64, %dma_start3A_65] : memref<10000x128xf32, #tpu.memory_space<hbm>> -> memref<10000x128xf32, #tpu.memory_space<hbm>>
    tpu.enqueue_indirect_dma source(%dma_start3A_66 : memref<10000x128xf32, #tpu.memory_space<hbm>>) target(%arg19 : memref<40x128xf32, #tpu.memory_space<vmem>>) offsets(%arg7 : memref<40xi32, #tpu.memory_space<vmem>>) semaphore(%arg26 : memref<!tpu.dma_semaphore, #tpu.memory_space<semaphore_mem>>)
    %dma_wait3A_67 = tpu.memref_slice %arg3[%mul3A_4] : memref<640000xi32, #tpu.memory_space<hbm>> -> memref<40xi32, #tpu.memory_space<hbm>>
    %dma_wait3A_68 = tpu.memref_slice %arg3[%mul3A_4] : memref<640000xi32, #tpu.memory_space<hbm>> -> memref<40xi32, #tpu.memory_space<hbm>>
    tpu.wait_dma2 semaphore(%arg39 : memref<!tpu.dma_semaphore, #tpu.memory_space<semaphore_mem>>) src(%dma_wait3A_68 : memref<40xi32, #tpu.memory_space<hbm>>) dst(%arg8 : memref<40xi32, #tpu.memory_space<vmem>>)
    %dma_start3A_69 = arith.constant 0 : i32
    %dma_start3A_70 = arith.constant 0 : i32
    %dma_start3A_71 = tpu.memref_slice %arg2[%dma_start3A_69, %dma_start3A_70] : memref<10000x128xf32, #tpu.memory_space<hbm>> -> memref<10000x128xf32, #tpu.memory_space<hbm>>
    tpu.enqueue_indirect_dma source(%dma_start3A_71 : memref<10000x128xf32, #tpu.memory_space<hbm>>) target(%arg20 : memref<40x128xf32, #tpu.memory_space<vmem>>) offsets(%arg8 : memref<40xi32, #tpu.memory_space<vmem>>) semaphore(%arg27 : memref<!tpu.dma_semaphore, #tpu.memory_space<semaphore_mem>>)
    %dma_wait3A_72 = tpu.memref_slice %arg3[%mul3A_4] : memref<640000xi32, #tpu.memory_space<hbm>> -> memref<40xi32, #tpu.memory_space<hbm>>
    %dma_wait3A_73 = tpu.memref_slice %arg3[%mul3A_4] : memref<640000xi32, #tpu.memory_space<hbm>> -> memref<40xi32, #tpu.memory_space<hbm>>
    tpu.wait_dma2 semaphore(%arg40 : memref<!tpu.dma_semaphore, #tpu.memory_space<semaphore_mem>>) src(%dma_wait3A_73 : memref<40xi32, #tpu.memory_space<hbm>>) dst(%arg9 : memref<40xi32, #tpu.memory_space<vmem>>)
    %dma_start3A_74 = arith.constant 0 : i32
    %dma_start3A_75 = arith.constant 0 : i32
    %dma_start3A_76 = tpu.memref_slice %arg2[%dma_start3A_74, %dma_start3A_75] : memref<10000x128xf32, #tpu.memory_space<hbm>> -> memref<10000x128xf32, #tpu.memory_space<hbm>>
    tpu.enqueue_indirect_dma source(%dma_start3A_76 : memref<10000x128xf32, #tpu.memory_space<hbm>>) target(%arg21 : memref<40x128xf32, #tpu.memory_space<vmem>>) offsets(%arg9 : memref<40xi32, #tpu.memory_space<vmem>>) semaphore(%arg28 : memref<!tpu.dma_semaphore, #tpu.memory_space<semaphore_mem>>)
    %dma_wait3A_77 = tpu.memref_slice %arg3[%mul3A_4] : memref<640000xi32, #tpu.memory_space<hbm>> -> memref<40xi32, #tpu.memory_space<hbm>>
    %dma_wait3A_78 = tpu.memref_slice %arg3[%mul3A_4] : memref<640000xi32, #tpu.memory_space<hbm>> -> memref<40xi32, #tpu.memory_space<hbm>>
    tpu.wait_dma2 semaphore(%arg41 : memref<!tpu.dma_semaphore, #tpu.memory_space<semaphore_mem>>) src(%dma_wait3A_78 : memref<40xi32, #tpu.memory_space<hbm>>) dst(%arg10 : memref<40xi32, #tpu.memory_space<vmem>>)
    %dma_start3A_79 = arith.constant 0 : i32
    %dma_start3A_80 = arith.constant 0 : i32
    %dma_start3A_81 = tpu.memref_slice %arg2[%dma_start3A_79, %dma_start3A_80] : memref<10000x128xf32, #tpu.memory_space<hbm>> -> memref<10000x128xf32, #tpu.memory_space<hbm>>
    tpu.enqueue_indirect_dma source(%dma_start3A_81 : memref<10000x128xf32, #tpu.memory_space<hbm>>) target(%arg22 : memref<40x128xf32, #tpu.memory_space<vmem>>) offsets(%arg10 : memref<40xi32, #tpu.memory_space<vmem>>) semaphore(%arg29 : memref<!tpu.dma_semaphore, #tpu.memory_space<semaphore_mem>>)
    %scan3A = arith.constant 0 : i32
    %scan3A_82 = arith.constant 0 : i32
    %scan3A_83 = arith.constant 41 : i32
    %scan3A_84 = arith.addi %scan3A_82, %scan3A_83 : i32
    %scan3A_85 = arith.constant 1 : i32
    scf.for %scan3A_150 = %scan3A_82 to %scan3A_84 step %scan3A_85  : i32 {
      %mul3A_151 = arith.constant 6 : i32
      %mul3A_152 = arith.muli %mul3A_151, %scan3A_150 : i32
      %add3A_153 = arith.constant 0 : i32
      %add3A_154 = arith.addi %mul3A_152, %add3A_153 : i32
      %dma_wait3A_155 = arith.constant 0 : i32
      %dma_wait3A_156 = arith.constant 0 : i32
      %dma_wait3A_157 = tpu.memref_slice %arg2[%dma_wait3A_155, %dma_wait3A_156] : memref<10000x128xf32, #tpu.memory_space<hbm>> -> memref<10000x128xf32, #tpu.memory_space<hbm>>
      tpu.wait_indirect_dma semaphore(%arg25 : memref<!tpu.dma_semaphore, #tpu.memory_space<semaphore_mem>>) src(%dma_wait3A_157 : memref<10000x128xf32, #tpu.memory_space<hbm>>) dst(%arg18 : memref<40x128xf32, #tpu.memory_space<vmem>>)
      %add3A_158 = arith.constant 6 : i32
      %add3A_159 = arith.addi %add3A_154, %add3A_158 : i32
      %lt3A = arith.constant 250 : i32
      %lt3A_160 = arith.cmpi slt, %add3A_159, %lt3A : i32
      %convert_element_type3A = arith.extui %lt3A_160 : i1 to i32
      %cond3A = arith.constant 0 : i32
      %cond3A_161 = arith.cmpi ne, %convert_element_type3A, %cond3A : i32
      scf.if %cond3A_161 {
        %add3A_306 = arith.constant 6 : i32
        %add3A_307 = arith.addi %add3A_154, %add3A_306 : i32
        %mul3A_308 = arith.constant 40 : i32
        %mul3A_309 = arith.muli %add3A_307, %mul3A_308 : i32
        %add3A_310 = arith.addi %mul3A_4, %mul3A_309 : i32
        %dma_start3A_311 = tpu.memref_slice %arg3[%add3A_310] : memref<640000xi32, #tpu.memory_space<hbm>> -> memref<40xi32, #tpu.memory_space<hbm>>
        %dma_start3A_312 = tpu.memref_slice %arg3[%add3A_310] : memref<640000xi32, #tpu.memory_space<hbm>> -> memref<40xi32, #tpu.memory_space<hbm>>
        tpu.enqueue_dma source(%dma_start3A_312 : memref<40xi32, #tpu.memory_space<hbm>>) target(%arg6 : memref<40xi32, #tpu.memory_space<vmem>>) target_semaphore(%arg37 : memref<!tpu.dma_semaphore, #tpu.memory_space<semaphore_mem>>)
      } else {
      }
      %add3A_162 = arith.constant 320000 : i32
      %add3A_163 = arith.addi %add3A_162, %mul3A_4 : i32
      %dma_wait3A_164 = tpu.memref_slice %arg3[%add3A_163] : memref<640000xi32, #tpu.memory_space<hbm>> -> memref<40xi32, #tpu.memory_space<hbm>>
      %dma_wait3A_165 = tpu.memref_slice %arg3[%add3A_163] : memref<640000xi32, #tpu.memory_space<hbm>> -> memref<40xi32, #tpu.memory_space<hbm>>
      tpu.wait_dma2 semaphore(%arg43 : memref<!tpu.dma_semaphore, #tpu.memory_space<semaphore_mem>>) src(%dma_wait3A_165 : memref<40xi32, #tpu.memory_space<hbm>>) dst(%arg12 : memref<40xi32, #tpu.memory_space<vmem>>)
      %dma_start3A_166 = arith.constant 0 : i32
      %dma_start3A_167 = arith.constant 0 : i32
      %dma_start3A_168 = tpu.memref_slice %arg24[%dma_start3A_166, %dma_start3A_167] : memref<10240x128xf32, #tpu.memory_space<vmem_shared>> -> memref<10240x128xf32, #tpu.memory_space<vmem_shared>>
      tpu.enqueue_indirect_dma source(%arg18 : memref<40x128xf32, #tpu.memory_space<vmem>>) target(%dma_start3A_168 : memref<10240x128xf32, #tpu.memory_space<vmem_shared>>) offsets(%arg12 : memref<40xi32, #tpu.memory_space<vmem>>) semaphore(%arg31 : memref<!tpu.dma_semaphore, #tpu.memory_space<semaphore_mem>>) {add = true}
      %add3A_169 = arith.constant 5 : i32
      %add3A_170 = arith.addi %add3A_154, %add3A_169 : i32
      %lt3A_171 = arith.constant 250 : i32
      %lt3A_172 = arith.cmpi slt, %add3A_170, %lt3A_171 : i32
      %convert_element_type3A_173 = arith.extui %lt3A_172 : i1 to i32
      %cond3A_174 = arith.constant 0 : i32
      %cond3A_175 = arith.cmpi ne, %convert_element_type3A_173, %cond3A_174 : i32
      scf.if %cond3A_175 {
        %add3A_306 = arith.constant 5 : i32
        %add3A_307 = arith.addi %add3A_154, %add3A_306 : i32
        %sub3A = arith.constant 6 : i32
        %sub3A_308 = arith.subi %add3A_307, %sub3A : i32
        %ge3A = arith.constant 0 : i32
        %ge3A_309 = arith.cmpi sge, %sub3A_308, %ge3A : i32
        %convert_element_type3A_310 = arith.extui %ge3A_309 : i1 to i32
        %cond3A_311 = arith.constant 0 : i32
        %cond3A_312 = arith.cmpi ne, %convert_element_type3A_310, %cond3A_311 : i32
        scf.if %cond3A_312 {
          %dma_wait3A_327 = arith.constant 0 : i32
          %dma_wait3A_328 = arith.constant 0 : i32
          %dma_wait3A_329 = tpu.memref_slice %arg24[%dma_wait3A_327, %dma_wait3A_328] : memref<10240x128xf32, #tpu.memory_space<vmem_shared>> -> memref<10240x128xf32, #tpu.memory_space<vmem_shared>>
          tpu.wait_indirect_dma semaphore(%arg36 : memref<!tpu.dma_semaphore, #tpu.memory_space<semaphore_mem>>) src(%arg23 : memref<40x128xf32, #tpu.memory_space<vmem>>) dst(%dma_wait3A_329 : memref<10240x128xf32, #tpu.memory_space<vmem_shared>>)
        } else {
        }
        %add3A_313 = arith.constant 5 : i32
        %add3A_314 = arith.addi %add3A_154, %add3A_313 : i32
        %add3A_315 = arith.constant 320000 : i32
        %add3A_316 = arith.addi %add3A_315, %mul3A_4 : i32
        %mul3A_317 = arith.constant 40 : i32
        %mul3A_318 = arith.muli %add3A_314, %mul3A_317 : i32
        %add3A_319 = arith.addi %add3A_316, %mul3A_318 : i32
        %dma_start3A_320 = tpu.memref_slice %arg3[%add3A_319] : memref<640000xi32, #tpu.memory_space<hbm>> -> memref<40xi32, #tpu.memory_space<hbm>>
        %dma_start3A_321 = tpu.memref_slice %arg3[%add3A_319] : memref<640000xi32, #tpu.memory_space<hbm>> -> memref<40xi32, #tpu.memory_space<hbm>>
        tpu.enqueue_dma source(%dma_start3A_321 : memref<40xi32, #tpu.memory_space<hbm>>) target(%arg17 : memref<40xi32, #tpu.memory_space<vmem>>) target_semaphore(%arg48 : memref<!tpu.dma_semaphore, #tpu.memory_space<semaphore_mem>>)
        %dma_wait3A_322 = tpu.memref_slice %arg3[%mul3A_4] : memref<640000xi32, #tpu.memory_space<hbm>> -> memref<40xi32, #tpu.memory_space<hbm>>
        %dma_wait3A_323 = tpu.memref_slice %arg3[%mul3A_4] : memref<640000xi32, #tpu.memory_space<hbm>> -> memref<40xi32, #tpu.memory_space<hbm>>
        tpu.wait_dma2 semaphore(%arg42 : memref<!tpu.dma_semaphore, #tpu.memory_space<semaphore_mem>>) src(%dma_wait3A_323 : memref<40xi32, #tpu.memory_space<hbm>>) dst(%arg11 : memref<40xi32, #tpu.memory_space<vmem>>)
        %dma_start3A_324 = arith.constant 0 : i32
        %dma_start3A_325 = arith.constant 0 : i32
        %dma_start3A_326 = tpu.memref_slice %arg2[%dma_start3A_324, %dma_start3A_325] : memref<10000x128xf32, #tpu.memory_space<hbm>> -> memref<10000x128xf32, #tpu.memory_space<hbm>>
        tpu.enqueue_indirect_dma source(%dma_start3A_326 : memref<10000x128xf32, #tpu.memory_space<hbm>>) target(%arg23 : memref<40x128xf32, #tpu.memory_space<vmem>>) offsets(%arg11 : memref<40xi32, #tpu.memory_space<vmem>>) semaphore(%arg30 : memref<!tpu.dma_semaphore, #tpu.memory_space<semaphore_mem>>)
      } else {
      }
      %add3A_176 = arith.constant 1 : i32
      %add3A_177 = arith.addi %mul3A_152, %add3A_176 : i32
      %dma_wait3A_178 = arith.constant 0 : i32
      %dma_wait3A_179 = arith.constant 0 : i32
      %dma_wait3A_180 = tpu.memref_slice %arg2[%dma_wait3A_178, %dma_wait3A_179] : memref<10000x128xf32, #tpu.memory_space<hbm>> -> memref<10000x128xf32, #tpu.memory_space<hbm>>
      tpu.wait_indirect_dma semaphore(%arg26 : memref<!tpu.dma_semaphore, #tpu.memory_space<semaphore_mem>>) src(%dma_wait3A_180 : memref<10000x128xf32, #tpu.memory_space<hbm>>) dst(%arg19 : memref<40x128xf32, #tpu.memory_space<vmem>>)
      %add3A_181 = arith.constant 6 : i32
      %add3A_182 = arith.addi %add3A_177, %add3A_181 : i32
      %lt3A_183 = arith.constant 250 : i32
      %lt3A_184 = arith.cmpi slt, %add3A_182, %lt3A_183 : i32
      %convert_element_type3A_185 = arith.extui %lt3A_184 : i1 to i32
      %cond3A_186 = arith.constant 0 : i32
      %cond3A_187 = arith.cmpi ne, %convert_element_type3A_185, %cond3A_186 : i32
      scf.if %cond3A_187 {
        %add3A_306 = arith.constant 6 : i32
        %add3A_307 = arith.addi %add3A_177, %add3A_306 : i32
        %mul3A_308 = arith.constant 40 : i32
        %mul3A_309 = arith.muli %add3A_307, %mul3A_308 : i32
        %add3A_310 = arith.addi %mul3A_4, %mul3A_309 : i32
        %dma_start3A_311 = tpu.memref_slice %arg3[%add3A_310] : memref<640000xi32, #tpu.memory_space<hbm>> -> memref<40xi32, #tpu.memory_space<hbm>>
        %dma_start3A_312 = tpu.memref_slice %arg3[%add3A_310] : memref<640000xi32, #tpu.memory_space<hbm>> -> memref<40xi32, #tpu.memory_space<hbm>>
        tpu.enqueue_dma source(%dma_start3A_312 : memref<40xi32, #tpu.memory_space<hbm>>) target(%arg7 : memref<40xi32, #tpu.memory_space<vmem>>) target_semaphore(%arg38 : memref<!tpu.dma_semaphore, #tpu.memory_space<semaphore_mem>>)
      } else {
      }
      %add3A_188 = arith.constant 320000 : i32
      %add3A_189 = arith.addi %add3A_188, %mul3A_4 : i32
      %dma_wait3A_190 = tpu.memref_slice %arg3[%add3A_189] : memref<640000xi32, #tpu.memory_space<hbm>> -> memref<40xi32, #tpu.memory_space<hbm>>
      %dma_wait3A_191 = tpu.memref_slice %arg3[%add3A_189] : memref<640000xi32, #tpu.memory_space<hbm>> -> memref<40xi32, #tpu.memory_space<hbm>>
      tpu.wait_dma2 semaphore(%arg44 : memref<!tpu.dma_semaphore, #tpu.memory_space<semaphore_mem>>) src(%dma_wait3A_191 : memref<40xi32, #tpu.memory_space<hbm>>) dst(%arg13 : memref<40xi32, #tpu.memory_space<vmem>>)
      %dma_start3A_192 = arith.constant 0 : i32
      %dma_start3A_193 = arith.constant 0 : i32
      %dma_start3A_194 = tpu.memref_slice %arg24[%dma_start3A_192, %dma_start3A_193] : memref<10240x128xf32, #tpu.memory_space<vmem_shared>> -> memref<10240x128xf32, #tpu.memory_space<vmem_shared>>
      tpu.enqueue_indirect_dma source(%arg19 : memref<40x128xf32, #tpu.memory_space<vmem>>) target(%dma_start3A_194 : memref<10240x128xf32, #tpu.memory_space<vmem_shared>>) offsets(%arg13 : memref<40xi32, #tpu.memory_space<vmem>>) semaphore(%arg32 : memref<!tpu.dma_semaphore, #tpu.memory_space<semaphore_mem>>) {add = true}
      %add3A_195 = arith.constant 5 : i32
      %add3A_196 = arith.addi %add3A_177, %add3A_195 : i32
      %lt3A_197 = arith.constant 250 : i32
      %lt3A_198 = arith.cmpi slt, %add3A_196, %lt3A_197 : i32
      %convert_element_type3A_199 = arith.extui %lt3A_198 : i1 to i32
      %cond3A_200 = arith.constant 0 : i32
      %cond3A_201 = arith.cmpi ne, %convert_element_type3A_199, %cond3A_200 : i32
      scf.if %cond3A_201 {
        %add3A_306 = arith.constant 5 : i32
        %add3A_307 = arith.addi %add3A_177, %add3A_306 : i32
        %sub3A = arith.constant 6 : i32
        %sub3A_308 = arith.subi %add3A_307, %sub3A : i32
        %ge3A = arith.constant 0 : i32
        %ge3A_309 = arith.cmpi sge, %sub3A_308, %ge3A : i32
        %convert_element_type3A_310 = arith.extui %ge3A_309 : i1 to i32
        %cond3A_311 = arith.constant 0 : i32
        %cond3A_312 = arith.cmpi ne, %convert_element_type3A_310, %cond3A_311 : i32
        scf.if %cond3A_312 {
          %dma_wait3A_327 = arith.constant 0 : i32
          %dma_wait3A_328 = arith.constant 0 : i32
          %dma_wait3A_329 = tpu.memref_slice %arg24[%dma_wait3A_327, %dma_wait3A_328] : memref<10240x128xf32, #tpu.memory_space<vmem_shared>> -> memref<10240x128xf32, #tpu.memory_space<vmem_shared>>
          tpu.wait_indirect_dma semaphore(%arg31 : memref<!tpu.dma_semaphore, #tpu.memory_space<semaphore_mem>>) src(%arg18 : memref<40x128xf32, #tpu.memory_space<vmem>>) dst(%dma_wait3A_329 : memref<10240x128xf32, #tpu.memory_space<vmem_shared>>)
        } else {
        }
        %add3A_313 = arith.constant 5 : i32
        %add3A_314 = arith.addi %add3A_177, %add3A_313 : i32
        %add3A_315 = arith.constant 320000 : i32
        %add3A_316 = arith.addi %add3A_315, %mul3A_4 : i32
        %mul3A_317 = arith.constant 40 : i32
        %mul3A_318 = arith.muli %add3A_314, %mul3A_317 : i32
        %add3A_319 = arith.addi %add3A_316, %mul3A_318 : i32
        %dma_start3A_320 = tpu.memref_slice %arg3[%add3A_319] : memref<640000xi32, #tpu.memory_space<hbm>> -> memref<40xi32, #tpu.memory_space<hbm>>
        %dma_start3A_321 = tpu.memref_slice %arg3[%add3A_319] : memref<640000xi32, #tpu.memory_space<hbm>> -> memref<40xi32, #tpu.memory_space<hbm>>
        tpu.enqueue_dma source(%dma_start3A_321 : memref<40xi32, #tpu.memory_space<hbm>>) target(%arg12 : memref<40xi32, #tpu.memory_space<vmem>>) target_semaphore(%arg43 : memref<!tpu.dma_semaphore, #tpu.memory_space<semaphore_mem>>)
        %dma_wait3A_322 = tpu.memref_slice %arg3[%mul3A_4] : memref<640000xi32, #tpu.memory_space<hbm>> -> memref<40xi32, #tpu.memory_space<hbm>>
        %dma_wait3A_323 = tpu.memref_slice %arg3[%mul3A_4] : memref<640000xi32, #tpu.memory_space<hbm>> -> memref<40xi32, #tpu.memory_space<hbm>>
        tpu.wait_dma2 semaphore(%arg37 : memref<!tpu.dma_semaphore, #tpu.memory_space<semaphore_mem>>) src(%dma_wait3A_323 : memref<40xi32, #tpu.memory_space<hbm>>) dst(%arg6 : memref<40xi32, #tpu.memory_space<vmem>>)
        %dma_start3A_324 = arith.constant 0 : i32
        %dma_start3A_325 = arith.constant 0 : i32
        %dma_start3A_326 = tpu.memref_slice %arg2[%dma_start3A_324, %dma_start3A_325] : memref<10000x128xf32, #tpu.memory_space<hbm>> -> memref<10000x128xf32, #tpu.memory_space<hbm>>
        tpu.enqueue_indirect_dma source(%dma_start3A_326 : memref<10000x128xf32, #tpu.memory_space<hbm>>) target(%arg18 : memref<40x128xf32, #tpu.memory_space<vmem>>) offsets(%arg6 : memref<40xi32, #tpu.memory_space<vmem>>) semaphore(%arg25 : memref<!tpu.dma_semaphore, #tpu.memory_space<semaphore_mem>>)
      } else {
      }
      %add3A_202 = arith.constant 2 : i32
      %add3A_203 = arith.addi %mul3A_152, %add3A_202 : i32
      %dma_wait3A_204 = arith.constant 0 : i32
      %dma_wait3A_205 = arith.constant 0 : i32
      %dma_wait3A_206 = tpu.memref_slice %arg2[%dma_wait3A_204, %dma_wait3A_205] : memref<10000x128xf32, #tpu.memory_space<hbm>> -> memref<10000x128xf32, #tpu.memory_space<hbm>>
      tpu.wait_indirect_dma semaphore(%arg27 : memref<!tpu.dma_semaphore, #tpu.memory_space<semaphore_mem>>) src(%dma_wait3A_206 : memref<10000x128xf32, #tpu.memory_space<hbm>>) dst(%arg20 : memref<40x128xf32, #tpu.memory_space<vmem>>)
      %add3A_207 = arith.constant 6 : i32
      %add3A_208 = arith.addi %add3A_203, %add3A_207 : i32
      %lt3A_209 = arith.constant 250 : i32
      %lt3A_210 = arith.cmpi slt, %add3A_208, %lt3A_209 : i32
      %convert_element_type3A_211 = arith.extui %lt3A_210 : i1 to i32
      %cond3A_212 = arith.constant 0 : i32
      %cond3A_213 = arith.cmpi ne, %convert_element_type3A_211, %cond3A_212 : i32
      scf.if %cond3A_213 {
        %add3A_306 = arith.constant 6 : i32
        %add3A_307 = arith.addi %add3A_203, %add3A_306 : i32
        %mul3A_308 = arith.constant 40 : i32
        %mul3A_309 = arith.muli %add3A_307, %mul3A_308 : i32
        %add3A_310 = arith.addi %mul3A_4, %mul3A_309 : i32
        %dma_start3A_311 = tpu.memref_slice %arg3[%add3A_310] : memref<640000xi32, #tpu.memory_space<hbm>> -> memref<40xi32, #tpu.memory_space<hbm>>
        %dma_start3A_312 = tpu.memref_slice %arg3[%add3A_310] : memref<640000xi32, #tpu.memory_space<hbm>> -> memref<40xi32, #tpu.memory_space<hbm>>
        tpu.enqueue_dma source(%dma_start3A_312 : memref<40xi32, #tpu.memory_space<hbm>>) target(%arg8 : memref<40xi32, #tpu.memory_space<vmem>>) target_semaphore(%arg39 : memref<!tpu.dma_semaphore, #tpu.memory_space<semaphore_mem>>)
      } else {
      }
      %add3A_214 = arith.constant 320000 : i32
      %add3A_215 = arith.addi %add3A_214, %mul3A_4 : i32
      %dma_wait3A_216 = tpu.memref_slice %arg3[%add3A_215] : memref<640000xi32, #tpu.memory_space<hbm>> -> memref<40xi32, #tpu.memory_space<hbm>>
      %dma_wait3A_217 = tpu.memref_slice %arg3[%add3A_215] : memref<640000xi32, #tpu.memory_space<hbm>> -> memref<40xi32, #tpu.memory_space<hbm>>
      tpu.wait_dma2 semaphore(%arg45 : memref<!tpu.dma_semaphore, #tpu.memory_space<semaphore_mem>>) src(%dma_wait3A_217 : memref<40xi32, #tpu.memory_space<hbm>>) dst(%arg14 : memref<40xi32, #tpu.memory_space<vmem>>)
      %dma_start3A_218 = arith.constant 0 : i32
      %dma_start3A_219 = arith.constant 0 : i32
      %dma_start3A_220 = tpu.memref_slice %arg24[%dma_start3A_218, %dma_start3A_219] : memref<10240x128xf32, #tpu.memory_space<vmem_shared>> -> memref<10240x128xf32, #tpu.memory_space<vmem_shared>>
      tpu.enqueue_indirect_dma source(%arg20 : memref<40x128xf32, #tpu.memory_space<vmem>>) target(%dma_start3A_220 : memref<10240x128xf32, #tpu.memory_space<vmem_shared>>) offsets(%arg14 : memref<40xi32, #tpu.memory_space<vmem>>) semaphore(%arg33 : memref<!tpu.dma_semaphore, #tpu.memory_space<semaphore_mem>>) {add = true}
      %add3A_221 = arith.constant 5 : i32
      %add3A_222 = arith.addi %add3A_203, %add3A_221 : i32
      %lt3A_223 = arith.constant 250 : i32
      %lt3A_224 = arith.cmpi slt, %add3A_222, %lt3A_223 : i32
      %convert_element_type3A_225 = arith.extui %lt3A_224 : i1 to i32
      %cond3A_226 = arith.constant 0 : i32
      %cond3A_227 = arith.cmpi ne, %convert_element_type3A_225, %cond3A_226 : i32
      scf.if %cond3A_227 {
        %add3A_306 = arith.constant 5 : i32
        %add3A_307 = arith.addi %add3A_203, %add3A_306 : i32
        %sub3A = arith.constant 6 : i32
        %sub3A_308 = arith.subi %add3A_307, %sub3A : i32
        %ge3A = arith.constant 0 : i32
        %ge3A_309 = arith.cmpi sge, %sub3A_308, %ge3A : i32
        %convert_element_type3A_310 = arith.extui %ge3A_309 : i1 to i32
        %cond3A_311 = arith.constant 0 : i32
        %cond3A_312 = arith.cmpi ne, %convert_element_type3A_310, %cond3A_311 : i32
        scf.if %cond3A_312 {
          %dma_wait3A_327 = arith.constant 0 : i32
          %dma_wait3A_328 = arith.constant 0 : i32
          %dma_wait3A_329 = tpu.memref_slice %arg24[%dma_wait3A_327, %dma_wait3A_328] : memref<10240x128xf32, #tpu.memory_space<vmem_shared>> -> memref<10240x128xf32, #tpu.memory_space<vmem_shared>>
          tpu.wait_indirect_dma semaphore(%arg32 : memref<!tpu.dma_semaphore, #tpu.memory_space<semaphore_mem>>) src(%arg19 : memref<40x128xf32, #tpu.memory_space<vmem>>) dst(%dma_wait3A_329 : memref<10240x128xf32, #tpu.memory_space<vmem_shared>>)
        } else {
        }
        %add3A_313 = arith.constant 5 : i32
        %add3A_314 = arith.addi %add3A_203, %add3A_313 : i32
        %add3A_315 = arith.constant 320000 : i32
        %add3A_316 = arith.addi %add3A_315, %mul3A_4 : i32
        %mul3A_317 = arith.constant 40 : i32
        %mul3A_318 = arith.muli %add3A_314, %mul3A_317 : i32
        %add3A_319 = arith.addi %add3A_316, %mul3A_318 : i32
        %dma_start3A_320 = tpu.memref_slice %arg3[%add3A_319] : memref<640000xi32, #tpu.memory_space<hbm>> -> memref<40xi32, #tpu.memory_space<hbm>>
        %dma_start3A_321 = tpu.memref_slice %arg3[%add3A_319] : memref<640000xi32, #tpu.memory_space<hbm>> -> memref<40xi32, #tpu.memory_space<hbm>>
        tpu.enqueue_dma source(%dma_start3A_321 : memref<40xi32, #tpu.memory_space<hbm>>) target(%arg13 : memref<40xi32, #tpu.memory_space<vmem>>) target_semaphore(%arg44 : memref<!tpu.dma_semaphore, #tpu.memory_space<semaphore_mem>>)
        %dma_wait3A_322 = tpu.memref_slice %arg3[%mul3A_4] : memref<640000xi32, #tpu.memory_space<hbm>> -> memref<40xi32, #tpu.memory_space<hbm>>
        %dma_wait3A_323 = tpu.memref_slice %arg3[%mul3A_4] : memref<640000xi32, #tpu.memory_space<hbm>> -> memref<40xi32, #tpu.memory_space<hbm>>
        tpu.wait_dma2 semaphore(%arg38 : memref<!tpu.dma_semaphore, #tpu.memory_space<semaphore_mem>>) src(%dma_wait3A_323 : memref<40xi32, #tpu.memory_space<hbm>>) dst(%arg7 : memref<40xi32, #tpu.memory_space<vmem>>)
        %dma_start3A_324 = arith.constant 0 : i32
        %dma_start3A_325 = arith.constant 0 : i32
        %dma_start3A_326 = tpu.memref_slice %arg2[%dma_start3A_324, %dma_start3A_325] : memref<10000x128xf32, #tpu.memory_space<hbm>> -> memref<10000x128xf32, #tpu.memory_space<hbm>>
        tpu.enqueue_indirect_dma source(%dma_start3A_326 : memref<10000x128xf32, #tpu.memory_space<hbm>>) target(%arg19 : memref<40x128xf32, #tpu.memory_space<vmem>>) offsets(%arg7 : memref<40xi32, #tpu.memory_space<vmem>>) semaphore(%arg26 : memref<!tpu.dma_semaphore, #tpu.memory_space<semaphore_mem>>)
      } else {
      }
      %add3A_228 = arith.constant 3 : i32
      %add3A_229 = arith.addi %mul3A_152, %add3A_228 : i32
      %dma_wait3A_230 = arith.constant 0 : i32
      %dma_wait3A_231 = arith.constant 0 : i32
      %dma_wait3A_232 = tpu.memref_slice %arg2[%dma_wait3A_230, %dma_wait3A_231] : memref<10000x128xf32, #tpu.memory_space<hbm>> -> memref<10000x128xf32, #tpu.memory_space<hbm>>
      tpu.wait_indirect_dma semaphore(%arg28 : memref<!tpu.dma_semaphore, #tpu.memory_space<semaphore_mem>>) src(%dma_wait3A_232 : memref<10000x128xf32, #tpu.memory_space<hbm>>) dst(%arg21 : memref<40x128xf32, #tpu.memory_space<vmem>>)
      %add3A_233 = arith.constant 6 : i32
      %add3A_234 = arith.addi %add3A_229, %add3A_233 : i32
      %lt3A_235 = arith.constant 250 : i32
      %lt3A_236 = arith.cmpi slt, %add3A_234, %lt3A_235 : i32
      %convert_element_type3A_237 = arith.extui %lt3A_236 : i1 to i32
      %cond3A_238 = arith.constant 0 : i32
      %cond3A_239 = arith.cmpi ne, %convert_element_type3A_237, %cond3A_238 : i32
      scf.if %cond3A_239 {
        %add3A_306 = arith.constant 6 : i32
        %add3A_307 = arith.addi %add3A_229, %add3A_306 : i32
        %mul3A_308 = arith.constant 40 : i32
        %mul3A_309 = arith.muli %add3A_307, %mul3A_308 : i32
        %add3A_310 = arith.addi %mul3A_4, %mul3A_309 : i32
        %dma_start3A_311 = tpu.memref_slice %arg3[%add3A_310] : memref<640000xi32, #tpu.memory_space<hbm>> -> memref<40xi32, #tpu.memory_space<hbm>>
        %dma_start3A_312 = tpu.memref_slice %arg3[%add3A_310] : memref<640000xi32, #tpu.memory_space<hbm>> -> memref<40xi32, #tpu.memory_space<hbm>>
        tpu.enqueue_dma source(%dma_start3A_312 : memref<40xi32, #tpu.memory_space<hbm>>) target(%arg9 : memref<40xi32, #tpu.memory_space<vmem>>) target_semaphore(%arg40 : memref<!tpu.dma_semaphore, #tpu.memory_space<semaphore_mem>>)
      } else {
      }
      %add3A_240 = arith.constant 320000 : i32
      %add3A_241 = arith.addi %add3A_240, %mul3A_4 : i32
      %dma_wait3A_242 = tpu.memref_slice %arg3[%add3A_241] : memref<640000xi32, #tpu.memory_space<hbm>> -> memref<40xi32, #tpu.memory_space<hbm>>
      %dma_wait3A_243 = tpu.memref_slice %arg3[%add3A_241] : memref<640000xi32, #tpu.memory_space<hbm>> -> memref<40xi32, #tpu.memory_space<hbm>>
      tpu.wait_dma2 semaphore(%arg46 : memref<!tpu.dma_semaphore, #tpu.memory_space<semaphore_mem>>) src(%dma_wait3A_243 : memref<40xi32, #tpu.memory_space<hbm>>) dst(%arg15 : memref<40xi32, #tpu.memory_space<vmem>>)
      %dma_start3A_244 = arith.constant 0 : i32
      %dma_start3A_245 = arith.constant 0 : i32
      %dma_start3A_246 = tpu.memref_slice %arg24[%dma_start3A_244, %dma_start3A_245] : memref<10240x128xf32, #tpu.memory_space<vmem_shared>> -> memref<10240x128xf32, #tpu.memory_space<vmem_shared>>
      tpu.enqueue_indirect_dma source(%arg21 : memref<40x128xf32, #tpu.memory_space<vmem>>) target(%dma_start3A_246 : memref<10240x128xf32, #tpu.memory_space<vmem_shared>>) offsets(%arg15 : memref<40xi32, #tpu.memory_space<vmem>>) semaphore(%arg34 : memref<!tpu.dma_semaphore, #tpu.memory_space<semaphore_mem>>) {add = true}
      %add3A_247 = arith.constant 5 : i32
      %add3A_248 = arith.addi %add3A_229, %add3A_247 : i32
      %lt3A_249 = arith.constant 250 : i32
      %lt3A_250 = arith.cmpi slt, %add3A_248, %lt3A_249 : i32
      %convert_element_type3A_251 = arith.extui %lt3A_250 : i1 to i32
      %cond3A_252 = arith.constant 0 : i32
      %cond3A_253 = arith.cmpi ne, %convert_element_type3A_251, %cond3A_252 : i32
      scf.if %cond3A_253 {
        %add3A_306 = arith.constant 5 : i32
        %add3A_307 = arith.addi %add3A_229, %add3A_306 : i32
        %sub3A = arith.constant 6 : i32
        %sub3A_308 = arith.subi %add3A_307, %sub3A : i32
        %ge3A = arith.constant 0 : i32
        %ge3A_309 = arith.cmpi sge, %sub3A_308, %ge3A : i32
        %convert_element_type3A_310 = arith.extui %ge3A_309 : i1 to i32
        %cond3A_311 = arith.constant 0 : i32
        %cond3A_312 = arith.cmpi ne, %convert_element_type3A_310, %cond3A_311 : i32
        scf.if %cond3A_312 {
          %dma_wait3A_327 = arith.constant 0 : i32
          %dma_wait3A_328 = arith.constant 0 : i32
          %dma_wait3A_329 = tpu.memref_slice %arg24[%dma_wait3A_327, %dma_wait3A_328] : memref<10240x128xf32, #tpu.memory_space<vmem_shared>> -> memref<10240x128xf32, #tpu.memory_space<vmem_shared>>
          tpu.wait_indirect_dma semaphore(%arg33 : memref<!tpu.dma_semaphore, #tpu.memory_space<semaphore_mem>>) src(%arg20 : memref<40x128xf32, #tpu.memory_space<vmem>>) dst(%dma_wait3A_329 : memref<10240x128xf32, #tpu.memory_space<vmem_shared>>)
        } else {
        }
        %add3A_313 = arith.constant 5 : i32
        %add3A_314 = arith.addi %add3A_229, %add3A_313 : i32
        %add3A_315 = arith.constant 320000 : i32
        %add3A_316 = arith.addi %add3A_315, %mul3A_4 : i32
        %mul3A_317 = arith.constant 40 : i32
        %mul3A_318 = arith.muli %add3A_314, %mul3A_317 : i32
        %add3A_319 = arith.addi %add3A_316, %mul3A_318 : i32
        %dma_start3A_320 = tpu.memref_slice %arg3[%add3A_319] : memref<640000xi32, #tpu.memory_space<hbm>> -> memref<40xi32, #tpu.memory_space<hbm>>
        %dma_start3A_321 = tpu.memref_slice %arg3[%add3A_319] : memref<640000xi32, #tpu.memory_space<hbm>> -> memref<40xi32, #tpu.memory_space<hbm>>
        tpu.enqueue_dma source(%dma_start3A_321 : memref<40xi32, #tpu.memory_space<hbm>>) target(%arg14 : memref<40xi32, #tpu.memory_space<vmem>>) target_semaphore(%arg45 : memref<!tpu.dma_semaphore, #tpu.memory_space<semaphore_mem>>)
        %dma_wait3A_322 = tpu.memref_slice %arg3[%mul3A_4] : memref<640000xi32, #tpu.memory_space<hbm>> -> memref<40xi32, #tpu.memory_space<hbm>>
        %dma_wait3A_323 = tpu.memref_slice %arg3[%mul3A_4] : memref<640000xi32, #tpu.memory_space<hbm>> -> memref<40xi32, #tpu.memory_space<hbm>>
        tpu.wait_dma2 semaphore(%arg39 : memref<!tpu.dma_semaphore, #tpu.memory_space<semaphore_mem>>) src(%dma_wait3A_323 : memref<40xi32, #tpu.memory_space<hbm>>) dst(%arg8 : memref<40xi32, #tpu.memory_space<vmem>>)
        %dma_start3A_324 = arith.constant 0 : i32
        %dma_start3A_325 = arith.constant 0 : i32
        %dma_start3A_326 = tpu.memref_slice %arg2[%dma_start3A_324, %dma_start3A_325] : memref<10000x128xf32, #tpu.memory_space<hbm>> -> memref<10000x128xf32, #tpu.memory_space<hbm>>
        tpu.enqueue_indirect_dma source(%dma_start3A_326 : memref<10000x128xf32, #tpu.memory_space<hbm>>) target(%arg20 : memref<40x128xf32, #tpu.memory_space<vmem>>) offsets(%arg8 : memref<40xi32, #tpu.memory_space<vmem>>) semaphore(%arg27 : memref<!tpu.dma_semaphore, #tpu.memory_space<semaphore_mem>>)
      } else {
      }
      %add3A_254 = arith.constant 4 : i32
      %add3A_255 = arith.addi %mul3A_152, %add3A_254 : i32
      %dma_wait3A_256 = arith.constant 0 : i32
      %dma_wait3A_257 = arith.constant 0 : i32
      %dma_wait3A_258 = tpu.memref_slice %arg2[%dma_wait3A_256, %dma_wait3A_257] : memref<10000x128xf32, #tpu.memory_space<hbm>> -> memref<10000x128xf32, #tpu.memory_space<hbm>>
      tpu.wait_indirect_dma semaphore(%arg29 : memref<!tpu.dma_semaphore, #tpu.memory_space<semaphore_mem>>) src(%dma_wait3A_258 : memref<10000x128xf32, #tpu.memory_space<hbm>>) dst(%arg22 : memref<40x128xf32, #tpu.memory_space<vmem>>)
      %add3A_259 = arith.constant 6 : i32
      %add3A_260 = arith.addi %add3A_255, %add3A_259 : i32
      %lt3A_261 = arith.constant 250 : i32
      %lt3A_262 = arith.cmpi slt, %add3A_260, %lt3A_261 : i32
      %convert_element_type3A_263 = arith.extui %lt3A_262 : i1 to i32
      %cond3A_264 = arith.constant 0 : i32
      %cond3A_265 = arith.cmpi ne, %convert_element_type3A_263, %cond3A_264 : i32
      scf.if %cond3A_265 {
        %add3A_306 = arith.constant 6 : i32
        %add3A_307 = arith.addi %add3A_255, %add3A_306 : i32
        %mul3A_308 = arith.constant 40 : i32
        %mul3A_309 = arith.muli %add3A_307, %mul3A_308 : i32
        %add3A_310 = arith.addi %mul3A_4, %mul3A_309 : i32
        %dma_start3A_311 = tpu.memref_slice %arg3[%add3A_310] : memref<640000xi32, #tpu.memory_space<hbm>> -> memref<40xi32, #tpu.memory_space<hbm>>
        %dma_start3A_312 = tpu.memref_slice %arg3[%add3A_310] : memref<640000xi32, #tpu.memory_space<hbm>> -> memref<40xi32, #tpu.memory_space<hbm>>
        tpu.enqueue_dma source(%dma_start3A_312 : memref<40xi32, #tpu.memory_space<hbm>>) target(%arg10 : memref<40xi32, #tpu.memory_space<vmem>>) target_semaphore(%arg41 : memref<!tpu.dma_semaphore, #tpu.memory_space<semaphore_mem>>)
      } else {
      }
      %add3A_266 = arith.constant 320000 : i32
      %add3A_267 = arith.addi %add3A_266, %mul3A_4 : i32
      %dma_wait3A_268 = tpu.memref_slice %arg3[%add3A_267] : memref<640000xi32, #tpu.memory_space<hbm>> -> memref<40xi32, #tpu.memory_space<hbm>>
      %dma_wait3A_269 = tpu.memref_slice %arg3[%add3A_267] : memref<640000xi32, #tpu.memory_space<hbm>> -> memref<40xi32, #tpu.memory_space<hbm>>
      tpu.wait_dma2 semaphore(%arg47 : memref<!tpu.dma_semaphore, #tpu.memory_space<semaphore_mem>>) src(%dma_wait3A_269 : memref<40xi32, #tpu.memory_space<hbm>>) dst(%arg16 : memref<40xi32, #tpu.memory_space<vmem>>)
      %dma_start3A_270 = arith.constant 0 : i32
      %dma_start3A_271 = arith.constant 0 : i32
      %dma_start3A_272 = tpu.memref_slice %arg24[%dma_start3A_270, %dma_start3A_271] : memref<10240x128xf32, #tpu.memory_space<vmem_shared>> -> memref<10240x128xf32, #tpu.memory_space<vmem_shared>>
      tpu.enqueue_indirect_dma source(%arg22 : memref<40x128xf32, #tpu.memory_space<vmem>>) target(%dma_start3A_272 : memref<10240x128xf32, #tpu.memory_space<vmem_shared>>) offsets(%arg16 : memref<40xi32, #tpu.memory_space<vmem>>) semaphore(%arg35 : memref<!tpu.dma_semaphore, #tpu.memory_space<semaphore_mem>>) {add = true}
      %add3A_273 = arith.constant 5 : i32
      %add3A_274 = arith.addi %add3A_255, %add3A_273 : i32
      %lt3A_275 = arith.constant 250 : i32
      %lt3A_276 = arith.cmpi slt, %add3A_274, %lt3A_275 : i32
      %convert_element_type3A_277 = arith.extui %lt3A_276 : i1 to i32
      %cond3A_278 = arith.constant 0 : i32
      %cond3A_279 = arith.cmpi ne, %convert_element_type3A_277, %cond3A_278 : i32
      scf.if %cond3A_279 {
        %add3A_306 = arith.constant 5 : i32
        %add3A_307 = arith.addi %add3A_255, %add3A_306 : i32
        %sub3A = arith.constant 6 : i32
        %sub3A_308 = arith.subi %add3A_307, %sub3A : i32
        %ge3A = arith.constant 0 : i32
        %ge3A_309 = arith.cmpi sge, %sub3A_308, %ge3A : i32
        %convert_element_type3A_310 = arith.extui %ge3A_309 : i1 to i32
        %cond3A_311 = arith.constant 0 : i32
        %cond3A_312 = arith.cmpi ne, %convert_element_type3A_310, %cond3A_311 : i32
        scf.if %cond3A_312 {
          %dma_wait3A_327 = arith.constant 0 : i32
          %dma_wait3A_328 = arith.constant 0 : i32
          %dma_wait3A_329 = tpu.memref_slice %arg24[%dma_wait3A_327, %dma_wait3A_328] : memref<10240x128xf32, #tpu.memory_space<vmem_shared>> -> memref<10240x128xf32, #tpu.memory_space<vmem_shared>>
          tpu.wait_indirect_dma semaphore(%arg34 : memref<!tpu.dma_semaphore, #tpu.memory_space<semaphore_mem>>) src(%arg21 : memref<40x128xf32, #tpu.memory_space<vmem>>) dst(%dma_wait3A_329 : memref<10240x128xf32, #tpu.memory_space<vmem_shared>>)
        } else {
        }
        %add3A_313 = arith.constant 5 : i32
        %add3A_314 = arith.addi %add3A_255, %add3A_313 : i32
        %add3A_315 = arith.constant 320000 : i32
        %add3A_316 = arith.addi %add3A_315, %mul3A_4 : i32
        %mul3A_317 = arith.constant 40 : i32
        %mul3A_318 = arith.muli %add3A_314, %mul3A_317 : i32
        %add3A_319 = arith.addi %add3A_316, %mul3A_318 : i32
        %dma_start3A_320 = tpu.memref_slice %arg3[%add3A_319] : memref<640000xi32, #tpu.memory_space<hbm>> -> memref<40xi32, #tpu.memory_space<hbm>>
        %dma_start3A_321 = tpu.memref_slice %arg3[%add3A_319] : memref<640000xi32, #tpu.memory_space<hbm>> -> memref<40xi32, #tpu.memory_space<hbm>>
        tpu.enqueue_dma source(%dma_start3A_321 : memref<40xi32, #tpu.memory_space<hbm>>) target(%arg15 : memref<40xi32, #tpu.memory_space<vmem>>) target_semaphore(%arg46 : memref<!tpu.dma_semaphore, #tpu.memory_space<semaphore_mem>>)
        %dma_wait3A_322 = tpu.memref_slice %arg3[%mul3A_4] : memref<640000xi32, #tpu.memory_space<hbm>> -> memref<40xi32, #tpu.memory_space<hbm>>
        %dma_wait3A_323 = tpu.memref_slice %arg3[%mul3A_4] : memref<640000xi32, #tpu.memory_space<hbm>> -> memref<40xi32, #tpu.memory_space<hbm>>
        tpu.wait_dma2 semaphore(%arg40 : memref<!tpu.dma_semaphore, #tpu.memory_space<semaphore_mem>>) src(%dma_wait3A_323 : memref<40xi32, #tpu.memory_space<hbm>>) dst(%arg9 : memref<40xi32, #tpu.memory_space<vmem>>)
        %dma_start3A_324 = arith.constant 0 : i32
        %dma_start3A_325 = arith.constant 0 : i32
        %dma_start3A_326 = tpu.memref_slice %arg2[%dma_start3A_324, %dma_start3A_325] : memref<10000x128xf32, #tpu.memory_space<hbm>> -> memref<10000x128xf32, #tpu.memory_space<hbm>>
        tpu.enqueue_indirect_dma source(%dma_start3A_326 : memref<10000x128xf32, #tpu.memory_space<hbm>>) target(%arg21 : memref<40x128xf32, #tpu.memory_space<vmem>>) offsets(%arg9 : memref<40xi32, #tpu.memory_space<vmem>>) semaphore(%arg28 : memref<!tpu.dma_semaphore, #tpu.memory_space<semaphore_mem>>)
      } else {
      }
      %add3A_280 = arith.constant 5 : i32
      %add3A_281 = arith.addi %mul3A_152, %add3A_280 : i32
      %dma_wait3A_282 = arith.constant 0 : i32
      %dma_wait3A_283 = arith.constant 0 : i32
      %dma_wait3A_284 = tpu.memref_slice %arg2[%dma_wait3A_282, %dma_wait3A_283] : memref<10000x128xf32, #tpu.memory_space<hbm>> -> memref<10000x128xf32, #tpu.memory_space<hbm>>
      tpu.wait_indirect_dma semaphore(%arg30 : memref<!tpu.dma_semaphore, #tpu.memory_space<semaphore_mem>>) src(%dma_wait3A_284 : memref<10000x128xf32, #tpu.memory_space<hbm>>) dst(%arg23 : memref<40x128xf32, #tpu.memory_space<vmem>>)
      %add3A_285 = arith.constant 6 : i32
      %add3A_286 = arith.addi %add3A_281, %add3A_285 : i32
      %lt3A_287 = arith.constant 250 : i32
      %lt3A_288 = arith.cmpi slt, %add3A_286, %lt3A_287 : i32
      %convert_element_type3A_289 = arith.extui %lt3A_288 : i1 to i32
      %cond3A_290 = arith.constant 0 : i32
      %cond3A_291 = arith.cmpi ne, %convert_element_type3A_289, %cond3A_290 : i32
      scf.if %cond3A_291 {
        %add3A_306 = arith.constant 6 : i32
        %add3A_307 = arith.addi %add3A_281, %add3A_306 : i32
        %mul3A_308 = arith.constant 40 : i32
        %mul3A_309 = arith.muli %add3A_307, %mul3A_308 : i32
        %add3A_310 = arith.addi %mul3A_4, %mul3A_309 : i32
        %dma_start3A_311 = tpu.memref_slice %arg3[%add3A_310] : memref<640000xi32, #tpu.memory_space<hbm>> -> memref<40xi32, #tpu.memory_space<hbm>>
        %dma_start3A_312 = tpu.memref_slice %arg3[%add3A_310] : memref<640000xi32, #tpu.memory_space<hbm>> -> memref<40xi32, #tpu.memory_space<hbm>>
        tpu.enqueue_dma source(%dma_start3A_312 : memref<40xi32, #tpu.memory_space<hbm>>) target(%arg11 : memref<40xi32, #tpu.memory_space<vmem>>) target_semaphore(%arg42 : memref<!tpu.dma_semaphore, #tpu.memory_space<semaphore_mem>>)
      } else {
      }
      %add3A_292 = arith.constant 320000 : i32
      %add3A_293 = arith.addi %add3A_292, %mul3A_4 : i32
      %dma_wait3A_294 = tpu.memref_slice %arg3[%add3A_293] : memref<640000xi32, #tpu.memory_space<hbm>> -> memref<40xi32, #tpu.memory_space<hbm>>
      %dma_wait3A_295 = tpu.memref_slice %arg3[%add3A_293] : memref<640000xi32, #tpu.memory_space<hbm>> -> memref<40xi32, #tpu.memory_space<hbm>>
      tpu.wait_dma2 semaphore(%arg48 : memref<!tpu.dma_semaphore, #tpu.memory_space<semaphore_mem>>) src(%dma_wait3A_295 : memref<40xi32, #tpu.memory_space<hbm>>) dst(%arg17 : memref<40xi32, #tpu.memory_space<vmem>>)
      %dma_start3A_296 = arith.constant 0 : i32
      %dma_start3A_297 = arith.constant 0 : i32
      %dma_start3A_298 = tpu.memref_slice %arg24[%dma_start3A_296, %dma_start3A_297] : memref<10240x128xf32, #tpu.memory_space<vmem_shared>> -> memref<10240x128xf32, #tpu.memory_space<vmem_shared>>
      tpu.enqueue_indirect_dma source(%arg23 : memref<40x128xf32, #tpu.memory_space<vmem>>) target(%dma_start3A_298 : memref<10240x128xf32, #tpu.memory_space<vmem_shared>>) offsets(%arg17 : memref<40xi32, #tpu.memory_space<vmem>>) semaphore(%arg36 : memref<!tpu.dma_semaphore, #tpu.memory_space<semaphore_mem>>) {add = true}
      %add3A_299 = arith.constant 5 : i32
      %add3A_300 = arith.addi %add3A_281, %add3A_299 : i32
      %lt3A_301 = arith.constant 250 : i32
      %lt3A_302 = arith.cmpi slt, %add3A_300, %lt3A_301 : i32
      %convert_element_type3A_303 = arith.extui %lt3A_302 : i1 to i32
      %cond3A_304 = arith.constant 0 : i32
      %cond3A_305 = arith.cmpi ne, %convert_element_type3A_303, %cond3A_304 : i32
      scf.if %cond3A_305 {
        %add3A_306 = arith.constant 5 : i32
        %add3A_307 = arith.addi %add3A_281, %add3A_306 : i32
        %sub3A = arith.constant 6 : i32
        %sub3A_308 = arith.subi %add3A_307, %sub3A : i32
        %ge3A = arith.constant 0 : i32
        %ge3A_309 = arith.cmpi sge, %sub3A_308, %ge3A : i32
        %convert_element_type3A_310 = arith.extui %ge3A_309 : i1 to i32
        %cond3A_311 = arith.constant 0 : i32
        %cond3A_312 = arith.cmpi ne, %convert_element_type3A_310, %cond3A_311 : i32
        scf.if %cond3A_312 {
          %dma_wait3A_327 = arith.constant 0 : i32
          %dma_wait3A_328 = arith.constant 0 : i32
          %dma_wait3A_329 = tpu.memref_slice %arg24[%dma_wait3A_327, %dma_wait3A_328] : memref<10240x128xf32, #tpu.memory_space<vmem_shared>> -> memref<10240x128xf32, #tpu.memory_space<vmem_shared>>
          tpu.wait_indirect_dma semaphore(%arg35 : memref<!tpu.dma_semaphore, #tpu.memory_space<semaphore_mem>>) src(%arg22 : memref<40x128xf32, #tpu.memory_space<vmem>>) dst(%dma_wait3A_329 : memref<10240x128xf32, #tpu.memory_space<vmem_shared>>)
        } else {
        }
        %add3A_313 = arith.constant 5 : i32
        %add3A_314 = arith.addi %add3A_281, %add3A_313 : i32
        %add3A_315 = arith.constant 320000 : i32
        %add3A_316 = arith.addi %add3A_315, %mul3A_4 : i32
        %mul3A_317 = arith.constant 40 : i32
        %mul3A_318 = arith.muli %add3A_314, %mul3A_317 : i32
        %add3A_319 = arith.addi %add3A_316, %mul3A_318 : i32
        %dma_start3A_320 = tpu.memref_slice %arg3[%add3A_319] : memref<640000xi32, #tpu.memory_space<hbm>> -> memref<40xi32, #tpu.memory_space<hbm>>
        %dma_start3A_321 = tpu.memref_slice %arg3[%add3A_319] : memref<640000xi32, #tpu.memory_space<hbm>> -> memref<40xi32, #tpu.memory_space<hbm>>
        tpu.enqueue_dma source(%dma_start3A_321 : memref<40xi32, #tpu.memory_space<hbm>>) target(%arg16 : memref<40xi32, #tpu.memory_space<vmem>>) target_semaphore(%arg47 : memref<!tpu.dma_semaphore, #tpu.memory_space<semaphore_mem>>)
        %dma_wait3A_322 = tpu.memref_slice %arg3[%mul3A_4] : memref<640000xi32, #tpu.memory_space<hbm>> -> memref<40xi32, #tpu.memory_space<hbm>>
        %dma_wait3A_323 = tpu.memref_slice %arg3[%mul3A_4] : memref<640000xi32, #tpu.memory_space<hbm>> -> memref<40xi32, #tpu.memory_space<hbm>>
        tpu.wait_dma2 semaphore(%arg41 : memref<!tpu.dma_semaphore, #tpu.memory_space<semaphore_mem>>) src(%dma_wait3A_323 : memref<40xi32, #tpu.memory_space<hbm>>) dst(%arg10 : memref<40xi32, #tpu.memory_space<vmem>>)
        %dma_start3A_324 = arith.constant 0 : i32
        %dma_start3A_325 = arith.constant 0 : i32
        %dma_start3A_326 = tpu.memref_slice %arg2[%dma_start3A_324, %dma_start3A_325] : memref<10000x128xf32, #tpu.memory_space<hbm>> -> memref<10000x128xf32, #tpu.memory_space<hbm>>
        tpu.enqueue_indirect_dma source(%dma_start3A_326 : memref<10000x128xf32, #tpu.memory_space<hbm>>) target(%arg22 : memref<40x128xf32, #tpu.memory_space<vmem>>) offsets(%arg10 : memref<40xi32, #tpu.memory_space<vmem>>) semaphore(%arg29 : memref<!tpu.dma_semaphore, #tpu.memory_space<semaphore_mem>>)
      } else {
      }
    }
    %scan3A_86 = arith.constant 41 : i32
    %dma_wait3A_87 = arith.constant 0 : i32
    %dma_wait3A_88 = arith.constant 0 : i32
    %dma_wait3A_89 = tpu.memref_slice %arg2[%dma_wait3A_87, %dma_wait3A_88] : memref<10000x128xf32, #tpu.memory_space<hbm>> -> memref<10000x128xf32, #tpu.memory_space<hbm>>
    tpu.wait_indirect_dma semaphore(%arg25 : memref<!tpu.dma_semaphore, #tpu.memory_space<semaphore_mem>>) src(%dma_wait3A_89 : memref<10000x128xf32, #tpu.memory_space<hbm>>) dst(%arg18 : memref<40x128xf32, #tpu.memory_space<vmem>>)
    %add3A_90 = arith.constant 320000 : i32
    %add3A_91 = arith.addi %add3A_90, %mul3A_4 : i32
    %dma_wait3A_92 = tpu.memref_slice %arg3[%add3A_91] : memref<640000xi32, #tpu.memory_space<hbm>> -> memref<40xi32, #tpu.memory_space<hbm>>
    %dma_wait3A_93 = tpu.memref_slice %arg3[%add3A_91] : memref<640000xi32, #tpu.memory_space<hbm>> -> memref<40xi32, #tpu.memory_space<hbm>>
    tpu.wait_dma2 semaphore(%arg43 : memref<!tpu.dma_semaphore, #tpu.memory_space<semaphore_mem>>) src(%dma_wait3A_93 : memref<40xi32, #tpu.memory_space<hbm>>) dst(%arg12 : memref<40xi32, #tpu.memory_space<vmem>>)
    %dma_start3A_94 = arith.constant 0 : i32
    %dma_start3A_95 = arith.constant 0 : i32
    %dma_start3A_96 = tpu.memref_slice %arg24[%dma_start3A_94, %dma_start3A_95] : memref<10240x128xf32, #tpu.memory_space<vmem_shared>> -> memref<10240x128xf32, #tpu.memory_space<vmem_shared>>
    tpu.enqueue_indirect_dma source(%arg18 : memref<40x128xf32, #tpu.memory_space<vmem>>) target(%dma_start3A_96 : memref<10240x128xf32, #tpu.memory_space<vmem_shared>>) offsets(%arg12 : memref<40xi32, #tpu.memory_space<vmem>>) semaphore(%arg31 : memref<!tpu.dma_semaphore, #tpu.memory_space<semaphore_mem>>) {add = true}
    %dma_wait3A_97 = arith.constant 0 : i32
    %dma_wait3A_98 = arith.constant 0 : i32
    %dma_wait3A_99 = tpu.memref_slice %arg2[%dma_wait3A_97, %dma_wait3A_98] : memref<10000x128xf32, #tpu.memory_space<hbm>> -> memref<10000x128xf32, #tpu.memory_space<hbm>>
    tpu.wait_indirect_dma semaphore(%arg26 : memref<!tpu.dma_semaphore, #tpu.memory_space<semaphore_mem>>) src(%dma_wait3A_99 : memref<10000x128xf32, #tpu.memory_space<hbm>>) dst(%arg19 : memref<40x128xf32, #tpu.memory_space<vmem>>)
    %add3A_100 = arith.constant 320000 : i32
    %add3A_101 = arith.addi %add3A_100, %mul3A_4 : i32
    %dma_wait3A_102 = tpu.memref_slice %arg3[%add3A_101] : memref<640000xi32, #tpu.memory_space<hbm>> -> memref<40xi32, #tpu.memory_space<hbm>>
    %dma_wait3A_103 = tpu.memref_slice %arg3[%add3A_101] : memref<640000xi32, #tpu.memory_space<hbm>> -> memref<40xi32, #tpu.memory_space<hbm>>
    tpu.wait_dma2 semaphore(%arg44 : memref<!tpu.dma_semaphore, #tpu.memory_space<semaphore_mem>>) src(%dma_wait3A_103 : memref<40xi32, #tpu.memory_space<hbm>>) dst(%arg13 : memref<40xi32, #tpu.memory_space<vmem>>)
    %dma_start3A_104 = arith.constant 0 : i32
    %dma_start3A_105 = arith.constant 0 : i32
    %dma_start3A_106 = tpu.memref_slice %arg24[%dma_start3A_104, %dma_start3A_105] : memref<10240x128xf32, #tpu.memory_space<vmem_shared>> -> memref<10240x128xf32, #tpu.memory_space<vmem_shared>>
    tpu.enqueue_indirect_dma source(%arg19 : memref<40x128xf32, #tpu.memory_space<vmem>>) target(%dma_start3A_106 : memref<10240x128xf32, #tpu.memory_space<vmem_shared>>) offsets(%arg13 : memref<40xi32, #tpu.memory_space<vmem>>) semaphore(%arg32 : memref<!tpu.dma_semaphore, #tpu.memory_space<semaphore_mem>>) {add = true}
    %dma_wait3A_107 = arith.constant 0 : i32
    %dma_wait3A_108 = arith.constant 0 : i32
    %dma_wait3A_109 = tpu.memref_slice %arg2[%dma_wait3A_107, %dma_wait3A_108] : memref<10000x128xf32, #tpu.memory_space<hbm>> -> memref<10000x128xf32, #tpu.memory_space<hbm>>
    tpu.wait_indirect_dma semaphore(%arg27 : memref<!tpu.dma_semaphore, #tpu.memory_space<semaphore_mem>>) src(%dma_wait3A_109 : memref<10000x128xf32, #tpu.memory_space<hbm>>) dst(%arg20 : memref<40x128xf32, #tpu.memory_space<vmem>>)
    %add3A_110 = arith.constant 320000 : i32
    %add3A_111 = arith.addi %add3A_110, %mul3A_4 : i32
    %dma_wait3A_112 = tpu.memref_slice %arg3[%add3A_111] : memref<640000xi32, #tpu.memory_space<hbm>> -> memref<40xi32, #tpu.memory_space<hbm>>
    %dma_wait3A_113 = tpu.memref_slice %arg3[%add3A_111] : memref<640000xi32, #tpu.memory_space<hbm>> -> memref<40xi32, #tpu.memory_space<hbm>>
    tpu.wait_dma2 semaphore(%arg45 : memref<!tpu.dma_semaphore, #tpu.memory_space<semaphore_mem>>) src(%dma_wait3A_113 : memref<40xi32, #tpu.memory_space<hbm>>) dst(%arg14 : memref<40xi32, #tpu.memory_space<vmem>>)
    %dma_start3A_114 = arith.constant 0 : i32
    %dma_start3A_115 = arith.constant 0 : i32
    %dma_start3A_116 = tpu.memref_slice %arg24[%dma_start3A_114, %dma_start3A_115] : memref<10240x128xf32, #tpu.memory_space<vmem_shared>> -> memref<10240x128xf32, #tpu.memory_space<vmem_shared>>
    tpu.enqueue_indirect_dma source(%arg20 : memref<40x128xf32, #tpu.memory_space<vmem>>) target(%dma_start3A_116 : memref<10240x128xf32, #tpu.memory_space<vmem_shared>>) offsets(%arg14 : memref<40xi32, #tpu.memory_space<vmem>>) semaphore(%arg33 : memref<!tpu.dma_semaphore, #tpu.memory_space<semaphore_mem>>) {add = true}
    %dma_wait3A_117 = arith.constant 0 : i32
    %dma_wait3A_118 = arith.constant 0 : i32
    %dma_wait3A_119 = tpu.memref_slice %arg2[%dma_wait3A_117, %dma_wait3A_118] : memref<10000x128xf32, #tpu.memory_space<hbm>> -> memref<10000x128xf32, #tpu.memory_space<hbm>>
    tpu.wait_indirect_dma semaphore(%arg28 : memref<!tpu.dma_semaphore, #tpu.memory_space<semaphore_mem>>) src(%dma_wait3A_119 : memref<10000x128xf32, #tpu.memory_space<hbm>>) dst(%arg21 : memref<40x128xf32, #tpu.memory_space<vmem>>)
    %add3A_120 = arith.constant 320000 : i32
    %add3A_121 = arith.addi %add3A_120, %mul3A_4 : i32
    %dma_wait3A_122 = tpu.memref_slice %arg3[%add3A_121] : memref<640000xi32, #tpu.memory_space<hbm>> -> memref<40xi32, #tpu.memory_space<hbm>>
    %dma_wait3A_123 = tpu.memref_slice %arg3[%add3A_121] : memref<640000xi32, #tpu.memory_space<hbm>> -> memref<40xi32, #tpu.memory_space<hbm>>
    tpu.wait_dma2 semaphore(%arg46 : memref<!tpu.dma_semaphore, #tpu.memory_space<semaphore_mem>>) src(%dma_wait3A_123 : memref<40xi32, #tpu.memory_space<hbm>>) dst(%arg15 : memref<40xi32, #tpu.memory_space<vmem>>)
    %dma_start3A_124 = arith.constant 0 : i32
    %dma_start3A_125 = arith.constant 0 : i32
    %dma_start3A_126 = tpu.memref_slice %arg24[%dma_start3A_124, %dma_start3A_125] : memref<10240x128xf32, #tpu.memory_space<vmem_shared>> -> memref<10240x128xf32, #tpu.memory_space<vmem_shared>>
    tpu.enqueue_indirect_dma source(%arg21 : memref<40x128xf32, #tpu.memory_space<vmem>>) target(%dma_start3A_126 : memref<10240x128xf32, #tpu.memory_space<vmem_shared>>) offsets(%arg15 : memref<40xi32, #tpu.memory_space<vmem>>) semaphore(%arg34 : memref<!tpu.dma_semaphore, #tpu.memory_space<semaphore_mem>>) {add = true}
    %dma_wait3A_127 = arith.constant 0 : i32
    %dma_wait3A_128 = arith.constant 0 : i32
    %dma_wait3A_129 = tpu.memref_slice %arg24[%dma_wait3A_127, %dma_wait3A_128] : memref<10240x128xf32, #tpu.memory_space<vmem_shared>> -> memref<10240x128xf32, #tpu.memory_space<vmem_shared>>
    tpu.wait_indirect_dma semaphore(%arg35 : memref<!tpu.dma_semaphore, #tpu.memory_space<semaphore_mem>>) src(%arg22 : memref<40x128xf32, #tpu.memory_space<vmem>>) dst(%dma_wait3A_129 : memref<10240x128xf32, #tpu.memory_space<vmem_shared>>)
    %dma_wait3A_130 = arith.constant 0 : i32
    %dma_wait3A_131 = arith.constant 0 : i32
    %dma_wait3A_132 = tpu.memref_slice %arg24[%dma_wait3A_130, %dma_wait3A_131] : memref<10240x128xf32, #tpu.memory_space<vmem_shared>> -> memref<10240x128xf32, #tpu.memory_space<vmem_shared>>
    tpu.wait_indirect_dma semaphore(%arg36 : memref<!tpu.dma_semaphore, #tpu.memory_space<semaphore_mem>>) src(%arg23 : memref<40x128xf32, #tpu.memory_space<vmem>>) dst(%dma_wait3A_132 : memref<10240x128xf32, #tpu.memory_space<vmem_shared>>)
    %dma_wait3A_133 = arith.constant 0 : i32
    %dma_wait3A_134 = arith.constant 0 : i32
    %dma_wait3A_135 = tpu.memref_slice %arg24[%dma_wait3A_133, %dma_wait3A_134] : memref<10240x128xf32, #tpu.memory_space<vmem_shared>> -> memref<10240x128xf32, #tpu.memory_space<vmem_shared>>
    tpu.wait_indirect_dma semaphore(%arg31 : memref<!tpu.dma_semaphore, #tpu.memory_space<semaphore_mem>>) src(%arg18 : memref<40x128xf32, #tpu.memory_space<vmem>>) dst(%dma_wait3A_135 : memref<10240x128xf32, #tpu.memory_space<vmem_shared>>)
    %dma_wait3A_136 = arith.constant 0 : i32
    %dma_wait3A_137 = arith.constant 0 : i32
    %dma_wait3A_138 = tpu.memref_slice %arg24[%dma_wait3A_136, %dma_wait3A_137] : memref<10240x128xf32, #tpu.memory_space<vmem_shared>> -> memref<10240x128xf32, #tpu.memory_space<vmem_shared>>
    tpu.wait_indirect_dma semaphore(%arg32 : memref<!tpu.dma_semaphore, #tpu.memory_space<semaphore_mem>>) src(%arg19 : memref<40x128xf32, #tpu.memory_space<vmem>>) dst(%dma_wait3A_138 : memref<10240x128xf32, #tpu.memory_space<vmem_shared>>)
    %dma_wait3A_139 = arith.constant 0 : i32
    %dma_wait3A_140 = arith.constant 0 : i32
    %dma_wait3A_141 = tpu.memref_slice %arg24[%dma_wait3A_139, %dma_wait3A_140] : memref<10240x128xf32, #tpu.memory_space<vmem_shared>> -> memref<10240x128xf32, #tpu.memory_space<vmem_shared>>
    tpu.wait_indirect_dma semaphore(%arg33 : memref<!tpu.dma_semaphore, #tpu.memory_space<semaphore_mem>>) src(%arg20 : memref<40x128xf32, #tpu.memory_space<vmem>>) dst(%dma_wait3A_141 : memref<10240x128xf32, #tpu.memory_space<vmem_shared>>)
    %dma_wait3A_142 = arith.constant 0 : i32
    %dma_wait3A_143 = arith.constant 0 : i32
    %dma_wait3A_144 = tpu.memref_slice %arg24[%dma_wait3A_142, %dma_wait3A_143] : memref<10240x128xf32, #tpu.memory_space<vmem_shared>> -> memref<10240x128xf32, #tpu.memory_space<vmem_shared>>
    tpu.wait_indirect_dma semaphore(%arg34 : memref<!tpu.dma_semaphore, #tpu.memory_space<semaphore_mem>>) src(%arg21 : memref<40x128xf32, #tpu.memory_space<vmem>>) dst(%dma_wait3A_144 : memref<10240x128xf32, #tpu.memory_space<vmem_shared>>)
    %barrier3A_145 = arith.constant 0 : index
    tpu.barrier barrier_id(%barrier3A_145)
    %mul3A_146 = arith.constant 640 : i32
    %mul3A_147 = arith.muli %arg1, %mul3A_146 : i32
    %mul3A_148 = arith.constant 640 : i32
    %mul3A_149 = arith.muli %arg1, %mul3A_148 : i32
    "tpu.region"() ({
      %run_scoped3A = tpu.sem_alloc : memref<!tpu.dma_semaphore, #tpu.memory_space<semaphore_mem>>
      %dma_start3A_150 = arith.constant 0 : i32
      %dma_start3A_151 = tpu.memref_slice %arg5[%arg0, %mul3A_149, %dma_start3A_150] : memref<2x10240x128xf32, #tpu.memory_space<hbm>> -> memref<1x640x128xf32, #tpu.memory_space<hbm>>
      %dma_start3A_152 = tpu.memref_squeeze %dma_start3A_151 : memref<1x640x128xf32, #tpu.memory_space<hbm>> -> memref<640x128xf32, #tpu.memory_space<hbm>>
      %dma_start3A_153 = arith.constant 0 : i32
      %dma_start3A_154 = tpu.memref_slice %arg24[%mul3A_147, %dma_start3A_153] : memref<10240x128xf32, #tpu.memory_space<vmem_shared>> -> memref<640x128xf32, #tpu.memory_space<vmem_shared>>
      tpu.enqueue_dma source(%dma_start3A_154 : memref<640x128xf32, #tpu.memory_space<vmem_shared>>) target(%dma_start3A_152 : memref<640x128xf32, #tpu.memory_space<hbm>>) target_semaphore(%run_scoped3A : memref<!tpu.dma_semaphore, #tpu.memory_space<semaphore_mem>>)
      %dma_wait3A_155 = arith.constant 0 : i32
      %dma_wait3A_156 = tpu.memref_slice %arg5[%arg0, %mul3A_149, %dma_wait3A_155] : memref<2x10240x128xf32, #tpu.memory_space<hbm>> -> memref<1x640x128xf32, #tpu.memory_space<hbm>>
      %dma_wait3A_157 = tpu.memref_squeeze %dma_wait3A_156 : memref<1x640x128xf32, #tpu.memory_space<hbm>> -> memref<640x128xf32, #tpu.memory_space<hbm>>
      %dma_wait3A_158 = arith.constant 0 : i32
      %dma_wait3A_159 = tpu.memref_slice %arg24[%mul3A_147, %dma_wait3A_158] : memref<10240x128xf32, #tpu.memory_space<vmem_shared>> -> memref<640x128xf32, #tpu.memory_space<vmem_shared>>
      tpu.wait_dma2 semaphore(%run_scoped3A : memref<!tpu.dma_semaphore, #tpu.memory_space<semaphore_mem>>) src(%dma_wait3A_159 : memref<640x128xf32, #tpu.memory_space<vmem_shared>>) dst(%dma_wait3A_157 : memref<640x128xf32, #tpu.memory_space<hbm>>)
      tpu.yield
    }) : () -> ()
    return
  }
}

#map = affine_map<(d0, d1) -> (0)>
#map1 = affine_map<(d0, d1) -> (0, 0, 0)>
module attributes {stable_mosaic.version = 14 : i64} {
  func.func @sc_degree(%arg0: i32, %arg1: i32, %arg2: memref<640000xi32, #tpu.memory_space<hbm>>, %arg3: memref<10240xf32, #tpu.memory_space<hbm>>, %arg4: memref<32x1x10240xf32, #tpu.memory_space<hbm>>, %arg5: memref<10000xi32, #tpu.memory_space<vmem>>, %arg6: memref<10240xf32, #tpu.memory_space<vmem>>) attributes {dimension_semantics = [#tpu.dimension_semantics<core_parallel>, #tpu.dimension_semantics<subcore_parallel>], iteration_bounds = array<i64: 2, 16>, scalar_prefetch = 0 : i64, scratch_operands = 2 : i64, tpu.core_type = #tpu.core_type<sc_vector_subcore>, window_params = [{transform_indices = #map}, {transform_indices = #map}, {transform_indices = #map1}]} {
    %mul3A = arith.constant 2 : i32
    %mul3A_0 = arith.muli %arg1, %mul3A : i32
    %add3A = arith.addi %mul3A_0, %arg0 : i32
    %mul3A_1 = arith.constant 10000 : i32
    %mul3A_2 = arith.muli %add3A, %mul3A_1 : i32
    %add3A_3 = arith.constant 320000 : i32
    %add3A_4 = arith.addi %add3A_3, %mul3A_2 : i32
    "tpu.region"() ({
      %run_scoped3A_11 = tpu.sem_alloc : memref<!tpu.dma_semaphore, #tpu.memory_space<semaphore_mem>>
      %dma_start3A = tpu.memref_slice %arg2[%add3A_4] : memref<640000xi32, #tpu.memory_space<hbm>> -> memref<10000xi32, #tpu.memory_space<hbm>>
      %dma_start3A_12 = tpu.memref_slice %arg2[%add3A_4] : memref<640000xi32, #tpu.memory_space<hbm>> -> memref<10000xi32, #tpu.memory_space<hbm>>
      tpu.enqueue_dma source(%dma_start3A_12 : memref<10000xi32, #tpu.memory_space<hbm>>) target(%arg5 : memref<10000xi32, #tpu.memory_space<vmem>>) target_semaphore(%run_scoped3A_11 : memref<!tpu.dma_semaphore, #tpu.memory_space<semaphore_mem>>)
      %dma_wait3A = tpu.memref_slice %arg2[%add3A_4] : memref<640000xi32, #tpu.memory_space<hbm>> -> memref<10000xi32, #tpu.memory_space<hbm>>
      %dma_wait3A_13 = tpu.memref_slice %arg2[%add3A_4] : memref<640000xi32, #tpu.memory_space<hbm>> -> memref<10000xi32, #tpu.memory_space<hbm>>
      tpu.wait_dma2 semaphore(%run_scoped3A_11 : memref<!tpu.dma_semaphore, #tpu.memory_space<semaphore_mem>>) src(%dma_wait3A_13 : memref<10000xi32, #tpu.memory_space<hbm>>) dst(%arg5 : memref<10000xi32, #tpu.memory_space<vmem>>)
      tpu.yield
    }) : () -> ()
    "tpu.region"() ({
      %run_scoped3A_11 = tpu.sem_alloc : memref<!tpu.dma_semaphore, #tpu.memory_space<semaphore_mem>>
      tpu.enqueue_dma source(%arg3 : memref<10240xf32, #tpu.memory_space<hbm>>) target(%arg6 : memref<10240xf32, #tpu.memory_space<vmem>>) target_semaphore(%run_scoped3A_11 : memref<!tpu.dma_semaphore, #tpu.memory_space<semaphore_mem>>)
      tpu.wait_dma2 semaphore(%run_scoped3A_11 : memref<!tpu.dma_semaphore, #tpu.memory_space<semaphore_mem>>) src(%arg3 : memref<10240xf32, #tpu.memory_space<hbm>>) dst(%arg6 : memref<10240xf32, #tpu.memory_space<vmem>>)
      tpu.yield
    }) : () -> ()
    %broadcast_in_dim3A = arith.constant 1.000000e+00 : f32
    %broadcast_in_dim3A_5 = vector.broadcast %broadcast_in_dim3A : f32 to vector<16xf32>
    %scan3A = arith.constant 0 : i32
    %scan3A_6 = arith.constant 0 : i32
    %scan3A_7 = arith.constant 625 : i32
    %scan3A_8 = arith.addi %scan3A_6, %scan3A_7 : i32
    %scan3A_9 = arith.constant 1 : i32
    scf.for %scan3A_11 = %scan3A_6 to %scan3A_8 step %scan3A_9  : i32 {
      %mul3A_12 = arith.constant 16 : i32
      %mul3A_13 = arith.muli %scan3A_11, %mul3A_12 : i32
      %get3A = arith.index_cast %mul3A_13 : i32 to index
      %get3A_14 = tpu.vector_load %arg5[%get3A] {strides = array<i32>} : memref<10000xi32, #tpu.memory_space<vmem>>, vector<16xi32>,
      tpu.vector_store_idx %arg6[%get3A_14], %broadcast_in_dim3A_5 {add = true} : memref<10240xf32, #tpu.memory_space<vmem>>[vector<16xi32>], vector<16xf32>,
    }
    %scan3A_10 = arith.constant 625 : i32
    %run_scoped3A = arith.constant 0 : i32
    "tpu.region"() ({
      %run_scoped3A_11 = tpu.sem_alloc : memref<!tpu.dma_semaphore, #tpu.memory_space<semaphore_mem>>
      %dma_start3A = arith.constant 0 : i32
      %dma_start3A_12 = tpu.memref_slice %arg4[%add3A, %run_scoped3A, %dma_start3A] : memref<32x1x10240xf32, #tpu.memory_space<hbm>> -> memref<1x1x10240xf32, #tpu.memory_space<hbm>>
      %dma_start3A_13 = tpu.memref_squeeze %dma_start3A_12 : memref<1x1x10240xf32, #tpu.memory_space<hbm>> -> memref<10240xf32, #tpu.memory_space<hbm>>
      %dma_start3A_14 = arith.constant 0 : i32
      %dma_start3A_15 = tpu.memref_slice %arg4[%add3A, %run_scoped3A, %dma_start3A_14] : memref<32x1x10240xf32, #tpu.memory_space<hbm>> -> memref<1x1x10240xf32, #tpu.memory_space<hbm>>
      %dma_start3A_16 = tpu.memref_squeeze %dma_start3A_15 : memref<1x1x10240xf32, #tpu.memory_space<hbm>> -> memref<10240xf32, #tpu.memory_space<hbm>>
      tpu.enqueue_dma source(%arg6 : memref<10240xf32, #tpu.memory_space<vmem>>) target(%dma_start3A_16 : memref<10240xf32, #tpu.memory_space<hbm>>) target_semaphore(%run_scoped3A_11 : memref<!tpu.dma_semaphore, #tpu.memory_space<semaphore_mem>>)
      %dma_wait3A = arith.constant 0 : i32
      %dma_wait3A_17 = tpu.memref_slice %arg4[%add3A, %run_scoped3A, %dma_wait3A] : memref<32x1x10240xf32, #tpu.memory_space<hbm>> -> memref<1x1x10240xf32, #tpu.memory_space<hbm>>
      %dma_wait3A_18 = tpu.memref_squeeze %dma_wait3A_17 : memref<1x1x10240xf32, #tpu.memory_space<hbm>> -> memref<10240xf32, #tpu.memory_space<hbm>>
      %dma_wait3A_19 = arith.constant 0 : i32
      %dma_wait3A_20 = tpu.memref_slice %arg4[%add3A, %run_scoped3A, %dma_wait3A_19] : memref<32x1x10240xf32, #tpu.memory_space<hbm>> -> memref<1x1x10240xf32, #tpu.memory_space<hbm>>
      %dma_wait3A_21 = tpu.memref_squeeze %dma_wait3A_20 : memref<1x1x10240xf32, #tpu.memory_space<hbm>> -> memref<10240xf32, #tpu.memory_space<hbm>>
      tpu.wait_dma2 semaphore(%run_scoped3A_11 : memref<!tpu.dma_semaphore, #tpu.memory_space<semaphore_mem>>) src(%arg6 : memref<10240xf32, #tpu.memory_space<vmem>>) dst(%dma_wait3A_21 : memref<10240xf32, #tpu.memory_space<hbm>>)
      tpu.yield
    }) : () -> ()
    return
  }
}

#map = affine_map<(d0, d1) -> (0, 0)>
#map1 = affine_map<(d0, d1) -> (0)>
#map2 = affine_map<(d0, d1) -> (0, 0, 0)>
module attributes {stable_mosaic.version = 14 : i64} {
  func.func @sc_aggregate(%arg0: i32, %arg1: i32, %arg2: memref<10000x128xf32, #tpu.memory_space<hbm>>, %arg3: memref<640000xi32, #tpu.memory_space<hbm>>, %arg4: memref<640x128xf32, #tpu.memory_space<hbm>>, %arg5: memref<2x10240x128xf32, #tpu.memory_space<hbm>>, %arg6: memref<40xi32, #tpu.memory_space<vmem>>, %arg7: memref<40xi32, #tpu.memory_space<vmem>>, %arg8: memref<40xi32, #tpu.memory_space<vmem>>, %arg9: memref<40xi32, #tpu.memory_space<vmem>>, %arg10: memref<40xi32, #tpu.memory_space<vmem>>, %arg11: memref<40xi32, #tpu.memory_space<vmem>>, %arg12: memref<40xi32, #tpu.memory_space<vmem>>, %arg13: memref<40xi32, #tpu.memory_space<vmem>>, %arg14: memref<40xi32, #tpu.memory_space<vmem>>, %arg15: memref<40xi32, #tpu.memory_space<vmem>>, %arg16: memref<40xi32, #tpu.memory_space<vmem>>, %arg17: memref<40xi32, #tpu.memory_space<vmem>>, %arg18: memref<40x128xf32, #tpu.memory_space<vmem>>, %arg19: memref<40x128xf32, #tpu.memory_space<vmem>>, %arg20: memref<40x128xf32, #tpu.memory_space<vmem>>, %arg21: memref<40x128xf32, #tpu.memory_space<vmem>>, %arg22: memref<40x128xf32, #tpu.memory_space<vmem>>, %arg23: memref<40x128xf32, #tpu.memory_space<vmem>>, %arg24: memref<10240x128xf32, #tpu.memory_space<vmem_shared>>, %arg25: memref<!tpu.dma_semaphore, #tpu.memory_space<semaphore_mem>>, %arg26: memref<!tpu.dma_semaphore, #tpu.memory_space<semaphore_mem>>, %arg27: memref<!tpu.dma_semaphore, #tpu.memory_space<semaphore_mem>>, %arg28: memref<!tpu.dma_semaphore, #tpu.memory_space<semaphore_mem>>, %arg29: memref<!tpu.dma_semaphore, #tpu.memory_space<semaphore_mem>>, %arg30: memref<!tpu.dma_semaphore, #tpu.memory_space<semaphore_mem>>, %arg31: memref<!tpu.dma_semaphore, #tpu.memory_space<semaphore_mem>>, %arg32: memref<!tpu.dma_semaphore, #tpu.memory_space<semaphore_mem>>, %arg33: memref<!tpu.dma_semaphore, #tpu.memory_space<semaphore_mem>>, %arg34: memref<!tpu.dma_semaphore, #tpu.memory_space<semaphore_mem>>, %arg35: memref<!tpu.dma_semaphore, #tpu.memory_space<semaphore_mem>>, %arg36: memref<!tpu.dma_semaphore, #tpu.memory_space<semaphore_mem>>, %arg37: memref<!tpu.dma_semaphore, #tpu.memory_space<semaphore_mem>>, %arg38: memref<!tpu.dma_semaphore, #tpu.memory_space<semaphore_mem>>, %arg39: memref<!tpu.dma_semaphore, #tpu.memory_space<semaphore_mem>>, %arg40: memref<!tpu.dma_semaphore, #tpu.memory_space<semaphore_mem>>, %arg41: memref<!tpu.dma_semaphore, #tpu.memory_space<semaphore_mem>>, %arg42: memref<!tpu.dma_semaphore, #tpu.memory_space<semaphore_mem>>, %arg43: memref<!tpu.dma_semaphore, #tpu.memory_space<semaphore_mem>>, %arg44: memref<!tpu.dma_semaphore, #tpu.memory_space<semaphore_mem>>, %arg45: memref<!tpu.dma_semaphore, #tpu.memory_space<semaphore_mem>>, %arg46: memref<!tpu.dma_semaphore, #tpu.memory_space<semaphore_mem>>, %arg47: memref<!tpu.dma_semaphore, #tpu.memory_space<semaphore_mem>>, %arg48: memref<!tpu.dma_semaphore, #tpu.memory_space<semaphore_mem>>) attributes {dimension_semantics = [#tpu.dimension_semantics<core_parallel>, #tpu.dimension_semantics<subcore_parallel>], iteration_bounds = array<i64: 2, 16>, scalar_prefetch = 0 : i64, scratch_operands = 43 : i64, tpu.core_type = #tpu.core_type<sc_vector_subcore>, window_params = [{transform_indices = #map}, {transform_indices = #map1}, {transform_indices = #map}, {transform_indices = #map2}]} {
    %mul3A = arith.constant 2 : i32
    %mul3A_0 = arith.muli %arg1, %mul3A : i32
    %add3A = arith.addi %mul3A_0, %arg0 : i32
    %mul3A_1 = arith.constant 640 : i32
    %mul3A_2 = arith.muli %arg1, %mul3A_1 : i32
    "tpu.region"() ({
      %run_scoped3A = tpu.sem_alloc : memref<!tpu.dma_semaphore, #tpu.memory_space<semaphore_mem>>
      %dma_start3A_150 = arith.constant 0 : i32
      %dma_start3A_151 = tpu.memref_slice %arg24[%mul3A_2, %dma_start3A_150] : memref<10240x128xf32, #tpu.memory_space<vmem_shared>> -> memref<640x128xf32, #tpu.memory_space<vmem_shared>>
      tpu.enqueue_dma source(%arg4 : memref<640x128xf32, #tpu.memory_space<hbm>>) target(%dma_start3A_151 : memref<640x128xf32, #tpu.memory_space<vmem_shared>>) target_semaphore(%run_scoped3A : memref<!tpu.dma_semaphore, #tpu.memory_space<semaphore_mem>>)
      %dma_wait3A_152 = arith.constant 0 : i32
      %dma_wait3A_153 = tpu.memref_slice %arg24[%mul3A_2, %dma_wait3A_152] : memref<10240x128xf32, #tpu.memory_space<vmem_shared>> -> memref<640x128xf32, #tpu.memory_space<vmem_shared>>
      tpu.wait_dma2 semaphore(%run_scoped3A : memref<!tpu.dma_semaphore, #tpu.memory_space<semaphore_mem>>) src(%arg4 : memref<640x128xf32, #tpu.memory_space<hbm>>) dst(%dma_wait3A_153 : memref<640x128xf32, #tpu.memory_space<vmem_shared>>)
      tpu.yield
    }) : () -> ()
    %mul3A_3 = arith.constant 10000 : i32
    %mul3A_4 = arith.muli %add3A, %mul3A_3 : i32
    %add3A_5 = arith.constant 0 : i32
    %add3A_6 = arith.addi %mul3A_4, %add3A_5 : i32
    %dma_start3A = tpu.memref_slice %arg3[%add3A_6] : memref<640000xi32, #tpu.memory_space<hbm>> -> memref<40xi32, #tpu.memory_space<hbm>>
    %dma_start3A_7 = tpu.memref_slice %arg3[%add3A_6] : memref<640000xi32, #tpu.memory_space<hbm>> -> memref<40xi32, #tpu.memory_space<hbm>>
    tpu.enqueue_dma source(%dma_start3A_7 : memref<40xi32, #tpu.memory_space<hbm>>) target(%arg6 : memref<40xi32, #tpu.memory_space<vmem>>) target_semaphore(%arg37 : memref<!tpu.dma_semaphore, #tpu.memory_space<semaphore_mem>>)
    %add3A_8 = arith.constant 40 : i32
    %add3A_9 = arith.addi %mul3A_4, %add3A_8 : i32
    %dma_start3A_10 = tpu.memref_slice %arg3[%add3A_9] : memref<640000xi32, #tpu.memory_space<hbm>> -> memref<40xi32, #tpu.memory_space<hbm>>
    %dma_start3A_11 = tpu.memref_slice %arg3[%add3A_9] : memref<640000xi32, #tpu.memory_space<hbm>> -> memref<40xi32, #tpu.memory_space<hbm>>
    tpu.enqueue_dma source(%dma_start3A_11 : memref<40xi32, #tpu.memory_space<hbm>>) target(%arg7 : memref<40xi32, #tpu.memory_space<vmem>>) target_semaphore(%arg38 : memref<!tpu.dma_semaphore, #tpu.memory_space<semaphore_mem>>)
    %add3A_12 = arith.constant 80 : i32
    %add3A_13 = arith.addi %mul3A_4, %add3A_12 : i32
    %dma_start3A_14 = tpu.memref_slice %arg3[%add3A_13] : memref<640000xi32, #tpu.memory_space<hbm>> -> memref<40xi32, #tpu.memory_space<hbm>>
    %dma_start3A_15 = tpu.memref_slice %arg3[%add3A_13] : memref<640000xi32, #tpu.memory_space<hbm>> -> memref<40xi32, #tpu.memory_space<hbm>>
    tpu.enqueue_dma source(%dma_start3A_15 : memref<40xi32, #tpu.memory_space<hbm>>) target(%arg8 : memref<40xi32, #tpu.memory_space<vmem>>) target_semaphore(%arg39 : memref<!tpu.dma_semaphore, #tpu.memory_space<semaphore_mem>>)
    %add3A_16 = arith.constant 120 : i32
    %add3A_17 = arith.addi %mul3A_4, %add3A_16 : i32
    %dma_start3A_18 = tpu.memref_slice %arg3[%add3A_17] : memref<640000xi32, #tpu.memory_space<hbm>> -> memref<40xi32, #tpu.memory_space<hbm>>
    %dma_start3A_19 = tpu.memref_slice %arg3[%add3A_17] : memref<640000xi32, #tpu.memory_space<hbm>> -> memref<40xi32, #tpu.memory_space<hbm>>
    tpu.enqueue_dma source(%dma_start3A_19 : memref<40xi32, #tpu.memory_space<hbm>>) target(%arg9 : memref<40xi32, #tpu.memory_space<vmem>>) target_semaphore(%arg40 : memref<!tpu.dma_semaphore, #tpu.memory_space<semaphore_mem>>)
    %add3A_20 = arith.constant 160 : i32
    %add3A_21 = arith.addi %mul3A_4, %add3A_20 : i32
    %dma_start3A_22 = tpu.memref_slice %arg3[%add3A_21] : memref<640000xi32, #tpu.memory_space<hbm>> -> memref<40xi32, #tpu.memory_space<hbm>>
    %dma_start3A_23 = tpu.memref_slice %arg3[%add3A_21] : memref<640000xi32, #tpu.memory_space<hbm>> -> memref<40xi32, #tpu.memory_space<hbm>>
    tpu.enqueue_dma source(%dma_start3A_23 : memref<40xi32, #tpu.memory_space<hbm>>) target(%arg10 : memref<40xi32, #tpu.memory_space<vmem>>) target_semaphore(%arg41 : memref<!tpu.dma_semaphore, #tpu.memory_space<semaphore_mem>>)
    %add3A_24 = arith.constant 200 : i32
    %add3A_25 = arith.addi %mul3A_4, %add3A_24 : i32
    %dma_start3A_26 = tpu.memref_slice %arg3[%add3A_25] : memref<640000xi32, #tpu.memory_space<hbm>> -> memref<40xi32, #tpu.memory_space<hbm>>
    %dma_start3A_27 = tpu.memref_slice %arg3[%add3A_25] : memref<640000xi32, #tpu.memory_space<hbm>> -> memref<40xi32, #tpu.memory_space<hbm>>
    tpu.enqueue_dma source(%dma_start3A_27 : memref<40xi32, #tpu.memory_space<hbm>>) target(%arg11 : memref<40xi32, #tpu.memory_space<vmem>>) target_semaphore(%arg42 : memref<!tpu.dma_semaphore, #tpu.memory_space<semaphore_mem>>)
    %add3A_28 = arith.constant 320000 : i32
    %add3A_29 = arith.addi %add3A_28, %mul3A_4 : i32
    %add3A_30 = arith.constant 0 : i32
    %add3A_31 = arith.addi %add3A_29, %add3A_30 : i32
    %dma_start3A_32 = tpu.memref_slice %arg3[%add3A_31] : memref<640000xi32, #tpu.memory_space<hbm>> -> memref<40xi32, #tpu.memory_space<hbm>>
    %dma_start3A_33 = tpu.memref_slice %arg3[%add3A_31] : memref<640000xi32, #tpu.memory_space<hbm>> -> memref<40xi32, #tpu.memory_space<hbm>>
    tpu.enqueue_dma source(%dma_start3A_33 : memref<40xi32, #tpu.memory_space<hbm>>) target(%arg12 : memref<40xi32, #tpu.memory_space<vmem>>) target_semaphore(%arg43 : memref<!tpu.dma_semaphore, #tpu.memory_space<semaphore_mem>>)
    %add3A_34 = arith.constant 320000 : i32
    %add3A_35 = arith.addi %add3A_34, %mul3A_4 : i32
    %add3A_36 = arith.constant 40 : i32
    %add3A_37 = arith.addi %add3A_35, %add3A_36 : i32
    %dma_start3A_38 = tpu.memref_slice %arg3[%add3A_37] : memref<640000xi32, #tpu.memory_space<hbm>> -> memref<40xi32, #tpu.memory_space<hbm>>
    %dma_start3A_39 = tpu.memref_slice %arg3[%add3A_37] : memref<640000xi32, #tpu.memory_space<hbm>> -> memref<40xi32, #tpu.memory_space<hbm>>
    tpu.enqueue_dma source(%dma_start3A_39 : memref<40xi32, #tpu.memory_space<hbm>>) target(%arg13 : memref<40xi32, #tpu.memory_space<vmem>>) target_semaphore(%arg44 : memref<!tpu.dma_semaphore, #tpu.memory_space<semaphore_mem>>)
    %add3A_40 = arith.constant 320000 : i32
    %add3A_41 = arith.addi %add3A_40, %mul3A_4 : i32
    %add3A_42 = arith.constant 80 : i32
    %add3A_43 = arith.addi %add3A_41, %add3A_42 : i32
    %dma_start3A_44 = tpu.memref_slice %arg3[%add3A_43] : memref<640000xi32, #tpu.memory_space<hbm>> -> memref<40xi32, #tpu.memory_space<hbm>>
    %dma_start3A_45 = tpu.memref_slice %arg3[%add3A_43] : memref<640000xi32, #tpu.memory_space<hbm>> -> memref<40xi32, #tpu.memory_space<hbm>>
    tpu.enqueue_dma source(%dma_start3A_45 : memref<40xi32, #tpu.memory_space<hbm>>) target(%arg14 : memref<40xi32, #tpu.memory_space<vmem>>) target_semaphore(%arg45 : memref<!tpu.dma_semaphore, #tpu.memory_space<semaphore_mem>>)
    %add3A_46 = arith.constant 320000 : i32
    %add3A_47 = arith.addi %add3A_46, %mul3A_4 : i32
    %add3A_48 = arith.constant 120 : i32
    %add3A_49 = arith.addi %add3A_47, %add3A_48 : i32
    %dma_start3A_50 = tpu.memref_slice %arg3[%add3A_49] : memref<640000xi32, #tpu.memory_space<hbm>> -> memref<40xi32, #tpu.memory_space<hbm>>
    %dma_start3A_51 = tpu.memref_slice %arg3[%add3A_49] : memref<640000xi32, #tpu.memory_space<hbm>> -> memref<40xi32, #tpu.memory_space<hbm>>
    tpu.enqueue_dma source(%dma_start3A_51 : memref<40xi32, #tpu.memory_space<hbm>>) target(%arg15 : memref<40xi32, #tpu.memory_space<vmem>>) target_semaphore(%arg46 : memref<!tpu.dma_semaphore, #tpu.memory_space<semaphore_mem>>)
    %add3A_52 = arith.constant 320000 : i32
    %add3A_53 = arith.addi %add3A_52, %mul3A_4 : i32
    %add3A_54 = arith.constant 160 : i32
    %add3A_55 = arith.addi %add3A_53, %add3A_54 : i32
    %dma_start3A_56 = tpu.memref_slice %arg3[%add3A_55] : memref<640000xi32, #tpu.memory_space<hbm>> -> memref<40xi32, #tpu.memory_space<hbm>>
    %dma_start3A_57 = tpu.memref_slice %arg3[%add3A_55] : memref<640000xi32, #tpu.memory_space<hbm>> -> memref<40xi32, #tpu.memory_space<hbm>>
    tpu.enqueue_dma source(%dma_start3A_57 : memref<40xi32, #tpu.memory_space<hbm>>) target(%arg16 : memref<40xi32, #tpu.memory_space<vmem>>) target_semaphore(%arg47 : memref<!tpu.dma_semaphore, #tpu.memory_space<semaphore_mem>>)
    %barrier3A = arith.constant 0 : index
    tpu.barrier barrier_id(%barrier3A)
    %dma_wait3A = tpu.memref_slice %arg3[%mul3A_4] : memref<640000xi32, #tpu.memory_space<hbm>> -> memref<40xi32, #tpu.memory_space<hbm>>
    %dma_wait3A_58 = tpu.memref_slice %arg3[%mul3A_4] : memref<640000xi32, #tpu.memory_space<hbm>> -> memref<40xi32, #tpu.memory_space<hbm>>
    tpu.wait_dma2 semaphore(%arg37 : memref<!tpu.dma_semaphore, #tpu.memory_space<semaphore_mem>>) src(%dma_wait3A_58 : memref<40xi32, #tpu.memory_space<hbm>>) dst(%arg6 : memref<40xi32, #tpu.memory_space<vmem>>)
    %dma_start3A_59 = arith.constant 0 : i32
    %dma_start3A_60 = arith.constant 0 : i32
    %dma_start3A_61 = tpu.memref_slice %arg2[%dma_start3A_59, %dma_start3A_60] : memref<10000x128xf32, #tpu.memory_space<hbm>> -> memref<10000x128xf32, #tpu.memory_space<hbm>>
    tpu.enqueue_indirect_dma source(%dma_start3A_61 : memref<10000x128xf32, #tpu.memory_space<hbm>>) target(%arg18 : memref<40x128xf32, #tpu.memory_space<vmem>>) offsets(%arg6 : memref<40xi32, #tpu.memory_space<vmem>>) semaphore(%arg25 : memref<!tpu.dma_semaphore, #tpu.memory_space<semaphore_mem>>)
    %dma_wait3A_62 = tpu.memref_slice %arg3[%mul3A_4] : memref<640000xi32, #tpu.memory_space<hbm>> -> memref<40xi32, #tpu.memory_space<hbm>>
    %dma_wait3A_63 = tpu.memref_slice %arg3[%mul3A_4] : memref<640000xi32, #tpu.memory_space<hbm>> -> memref<40xi32, #tpu.memory_space<hbm>>
    tpu.wait_dma2 semaphore(%arg38 : memref<!tpu.dma_semaphore, #tpu.memory_space<semaphore_mem>>) src(%dma_wait3A_63 : memref<40xi32, #tpu.memory_space<hbm>>) dst(%arg7 : memref<40xi32, #tpu.memory_space<vmem>>)
    %dma_start3A_64 = arith.constant 0 : i32
    %dma_start3A_65 = arith.constant 0 : i32
    %dma_start3A_66 = tpu.memref_slice %arg2[%dma_start3A_64, %dma_start3A_65] : memref<10000x128xf32, #tpu.memory_space<hbm>> -> memref<10000x128xf32, #tpu.memory_space<hbm>>
    tpu.enqueue_indirect_dma source(%dma_start3A_66 : memref<10000x128xf32, #tpu.memory_space<hbm>>) target(%arg19 : memref<40x128xf32, #tpu.memory_space<vmem>>) offsets(%arg7 : memref<40xi32, #tpu.memory_space<vmem>>) semaphore(%arg26 : memref<!tpu.dma_semaphore, #tpu.memory_space<semaphore_mem>>)
    %dma_wait3A_67 = tpu.memref_slice %arg3[%mul3A_4] : memref<640000xi32, #tpu.memory_space<hbm>> -> memref<40xi32, #tpu.memory_space<hbm>>
    %dma_wait3A_68 = tpu.memref_slice %arg3[%mul3A_4] : memref<640000xi32, #tpu.memory_space<hbm>> -> memref<40xi32, #tpu.memory_space<hbm>>
    tpu.wait_dma2 semaphore(%arg39 : memref<!tpu.dma_semaphore, #tpu.memory_space<semaphore_mem>>) src(%dma_wait3A_68 : memref<40xi32, #tpu.memory_space<hbm>>) dst(%arg8 : memref<40xi32, #tpu.memory_space<vmem>>)
    %dma_start3A_69 = arith.constant 0 : i32
    %dma_start3A_70 = arith.constant 0 : i32
    %dma_start3A_71 = tpu.memref_slice %arg2[%dma_start3A_69, %dma_start3A_70] : memref<10000x128xf32, #tpu.memory_space<hbm>> -> memref<10000x128xf32, #tpu.memory_space<hbm>>
    tpu.enqueue_indirect_dma source(%dma_start3A_71 : memref<10000x128xf32, #tpu.memory_space<hbm>>) target(%arg20 : memref<40x128xf32, #tpu.memory_space<vmem>>) offsets(%arg8 : memref<40xi32, #tpu.memory_space<vmem>>) semaphore(%arg27 : memref<!tpu.dma_semaphore, #tpu.memory_space<semaphore_mem>>)
    %dma_wait3A_72 = tpu.memref_slice %arg3[%mul3A_4] : memref<640000xi32, #tpu.memory_space<hbm>> -> memref<40xi32, #tpu.memory_space<hbm>>
    %dma_wait3A_73 = tpu.memref_slice %arg3[%mul3A_4] : memref<640000xi32, #tpu.memory_space<hbm>> -> memref<40xi32, #tpu.memory_space<hbm>>
    tpu.wait_dma2 semaphore(%arg40 : memref<!tpu.dma_semaphore, #tpu.memory_space<semaphore_mem>>) src(%dma_wait3A_73 : memref<40xi32, #tpu.memory_space<hbm>>) dst(%arg9 : memref<40xi32, #tpu.memory_space<vmem>>)
    %dma_start3A_74 = arith.constant 0 : i32
    %dma_start3A_75 = arith.constant 0 : i32
    %dma_start3A_76 = tpu.memref_slice %arg2[%dma_start3A_74, %dma_start3A_75] : memref<10000x128xf32, #tpu.memory_space<hbm>> -> memref<10000x128xf32, #tpu.memory_space<hbm>>
    tpu.enqueue_indirect_dma source(%dma_start3A_76 : memref<10000x128xf32, #tpu.memory_space<hbm>>) target(%arg21 : memref<40x128xf32, #tpu.memory_space<vmem>>) offsets(%arg9 : memref<40xi32, #tpu.memory_space<vmem>>) semaphore(%arg28 : memref<!tpu.dma_semaphore, #tpu.memory_space<semaphore_mem>>)
    %dma_wait3A_77 = tpu.memref_slice %arg3[%mul3A_4] : memref<640000xi32, #tpu.memory_space<hbm>> -> memref<40xi32, #tpu.memory_space<hbm>>
    %dma_wait3A_78 = tpu.memref_slice %arg3[%mul3A_4] : memref<640000xi32, #tpu.memory_space<hbm>> -> memref<40xi32, #tpu.memory_space<hbm>>
    tpu.wait_dma2 semaphore(%arg41 : memref<!tpu.dma_semaphore, #tpu.memory_space<semaphore_mem>>) src(%dma_wait3A_78 : memref<40xi32, #tpu.memory_space<hbm>>) dst(%arg10 : memref<40xi32, #tpu.memory_space<vmem>>)
    %dma_start3A_79 = arith.constant 0 : i32
    %dma_start3A_80 = arith.constant 0 : i32
    %dma_start3A_81 = tpu.memref_slice %arg2[%dma_start3A_79, %dma_start3A_80] : memref<10000x128xf32, #tpu.memory_space<hbm>> -> memref<10000x128xf32, #tpu.memory_space<hbm>>
    tpu.enqueue_indirect_dma source(%dma_start3A_81 : memref<10000x128xf32, #tpu.memory_space<hbm>>) target(%arg22 : memref<40x128xf32, #tpu.memory_space<vmem>>) offsets(%arg10 : memref<40xi32, #tpu.memory_space<vmem>>) semaphore(%arg29 : memref<!tpu.dma_semaphore, #tpu.memory_space<semaphore_mem>>)
    %scan3A = arith.constant 0 : i32
    %scan3A_82 = arith.constant 0 : i32
    %scan3A_83 = arith.constant 41 : i32
    %scan3A_84 = arith.addi %scan3A_82, %scan3A_83 : i32
    %scan3A_85 = arith.constant 1 : i32
    scf.for %scan3A_150 = %scan3A_82 to %scan3A_84 step %scan3A_85  : i32 {
      %mul3A_151 = arith.constant 6 : i32
      %mul3A_152 = arith.muli %mul3A_151, %scan3A_150 : i32
      %add3A_153 = arith.constant 0 : i32
      %add3A_154 = arith.addi %mul3A_152, %add3A_153 : i32
      %dma_wait3A_155 = arith.constant 0 : i32
      %dma_wait3A_156 = arith.constant 0 : i32
      %dma_wait3A_157 = tpu.memref_slice %arg2[%dma_wait3A_155, %dma_wait3A_156] : memref<10000x128xf32, #tpu.memory_space<hbm>> -> memref<10000x128xf32, #tpu.memory_space<hbm>>
      tpu.wait_indirect_dma semaphore(%arg25 : memref<!tpu.dma_semaphore, #tpu.memory_space<semaphore_mem>>) src(%dma_wait3A_157 : memref<10000x128xf32, #tpu.memory_space<hbm>>) dst(%arg18 : memref<40x128xf32, #tpu.memory_space<vmem>>)
      %add3A_158 = arith.constant 6 : i32
      %add3A_159 = arith.addi %add3A_154, %add3A_158 : i32
      %lt3A = arith.constant 250 : i32
      %lt3A_160 = arith.cmpi slt, %add3A_159, %lt3A : i32
      %convert_element_type3A = arith.extui %lt3A_160 : i1 to i32
      %cond3A = arith.constant 0 : i32
      %cond3A_161 = arith.cmpi ne, %convert_element_type3A, %cond3A : i32
      scf.if %cond3A_161 {
        %add3A_306 = arith.constant 6 : i32
        %add3A_307 = arith.addi %add3A_154, %add3A_306 : i32
        %mul3A_308 = arith.constant 40 : i32
        %mul3A_309 = arith.muli %add3A_307, %mul3A_308 : i32
        %add3A_310 = arith.addi %mul3A_4, %mul3A_309 : i32
        %dma_start3A_311 = tpu.memref_slice %arg3[%add3A_310] : memref<640000xi32, #tpu.memory_space<hbm>> -> memref<40xi32, #tpu.memory_space<hbm>>
        %dma_start3A_312 = tpu.memref_slice %arg3[%add3A_310] : memref<640000xi32, #tpu.memory_space<hbm>> -> memref<40xi32, #tpu.memory_space<hbm>>
        tpu.enqueue_dma source(%dma_start3A_312 : memref<40xi32, #tpu.memory_space<hbm>>) target(%arg6 : memref<40xi32, #tpu.memory_space<vmem>>) target_semaphore(%arg37 : memref<!tpu.dma_semaphore, #tpu.memory_space<semaphore_mem>>)
      } else {
      }
      %add3A_162 = arith.constant 320000 : i32
      %add3A_163 = arith.addi %add3A_162, %mul3A_4 : i32
      %dma_wait3A_164 = tpu.memref_slice %arg3[%add3A_163] : memref<640000xi32, #tpu.memory_space<hbm>> -> memref<40xi32, #tpu.memory_space<hbm>>
      %dma_wait3A_165 = tpu.memref_slice %arg3[%add3A_163] : memref<640000xi32, #tpu.memory_space<hbm>> -> memref<40xi32, #tpu.memory_space<hbm>>
      tpu.wait_dma2 semaphore(%arg43 : memref<!tpu.dma_semaphore, #tpu.memory_space<semaphore_mem>>) src(%dma_wait3A_165 : memref<40xi32, #tpu.memory_space<hbm>>) dst(%arg12 : memref<40xi32, #tpu.memory_space<vmem>>)
      %dma_start3A_166 = arith.constant 0 : i32
      %dma_start3A_167 = arith.constant 0 : i32
      %dma_start3A_168 = tpu.memref_slice %arg24[%dma_start3A_166, %dma_start3A_167] : memref<10240x128xf32, #tpu.memory_space<vmem_shared>> -> memref<10240x128xf32, #tpu.memory_space<vmem_shared>>
      tpu.enqueue_indirect_dma source(%arg18 : memref<40x128xf32, #tpu.memory_space<vmem>>) target(%dma_start3A_168 : memref<10240x128xf32, #tpu.memory_space<vmem_shared>>) offsets(%arg12 : memref<40xi32, #tpu.memory_space<vmem>>) semaphore(%arg31 : memref<!tpu.dma_semaphore, #tpu.memory_space<semaphore_mem>>) {add = true}
      %add3A_169 = arith.constant 5 : i32
      %add3A_170 = arith.addi %add3A_154, %add3A_169 : i32
      %lt3A_171 = arith.constant 250 : i32
      %lt3A_172 = arith.cmpi slt, %add3A_170, %lt3A_171 : i32
      %convert_element_type3A_173 = arith.extui %lt3A_172 : i1 to i32
      %cond3A_174 = arith.constant 0 : i32
      %cond3A_175 = arith.cmpi ne, %convert_element_type3A_173, %cond3A_174 : i32
      scf.if %cond3A_175 {
        %add3A_306 = arith.constant 5 : i32
        %add3A_307 = arith.addi %add3A_154, %add3A_306 : i32
        %sub3A = arith.constant 6 : i32
        %sub3A_308 = arith.subi %add3A_307, %sub3A : i32
        %ge3A = arith.constant 0 : i32
        %ge3A_309 = arith.cmpi sge, %sub3A_308, %ge3A : i32
        %convert_element_type3A_310 = arith.extui %ge3A_309 : i1 to i32
        %cond3A_311 = arith.constant 0 : i32
        %cond3A_312 = arith.cmpi ne, %convert_element_type3A_310, %cond3A_311 : i32
        scf.if %cond3A_312 {
          %dma_wait3A_327 = arith.constant 0 : i32
          %dma_wait3A_328 = arith.constant 0 : i32
          %dma_wait3A_329 = tpu.memref_slice %arg24[%dma_wait3A_327, %dma_wait3A_328] : memref<10240x128xf32, #tpu.memory_space<vmem_shared>> -> memref<10240x128xf32, #tpu.memory_space<vmem_shared>>
          tpu.wait_indirect_dma semaphore(%arg36 : memref<!tpu.dma_semaphore, #tpu.memory_space<semaphore_mem>>) src(%arg23 : memref<40x128xf32, #tpu.memory_space<vmem>>) dst(%dma_wait3A_329 : memref<10240x128xf32, #tpu.memory_space<vmem_shared>>)
        } else {
        }
        %add3A_313 = arith.constant 5 : i32
        %add3A_314 = arith.addi %add3A_154, %add3A_313 : i32
        %add3A_315 = arith.constant 320000 : i32
        %add3A_316 = arith.addi %add3A_315, %mul3A_4 : i32
        %mul3A_317 = arith.constant 40 : i32
        %mul3A_318 = arith.muli %add3A_314, %mul3A_317 : i32
        %add3A_319 = arith.addi %add3A_316, %mul3A_318 : i32
        %dma_start3A_320 = tpu.memref_slice %arg3[%add3A_319] : memref<640000xi32, #tpu.memory_space<hbm>> -> memref<40xi32, #tpu.memory_space<hbm>>
        %dma_start3A_321 = tpu.memref_slice %arg3[%add3A_319] : memref<640000xi32, #tpu.memory_space<hbm>> -> memref<40xi32, #tpu.memory_space<hbm>>
        tpu.enqueue_dma source(%dma_start3A_321 : memref<40xi32, #tpu.memory_space<hbm>>) target(%arg17 : memref<40xi32, #tpu.memory_space<vmem>>) target_semaphore(%arg48 : memref<!tpu.dma_semaphore, #tpu.memory_space<semaphore_mem>>)
        %dma_wait3A_322 = tpu.memref_slice %arg3[%mul3A_4] : memref<640000xi32, #tpu.memory_space<hbm>> -> memref<40xi32, #tpu.memory_space<hbm>>
        %dma_wait3A_323 = tpu.memref_slice %arg3[%mul3A_4] : memref<640000xi32, #tpu.memory_space<hbm>> -> memref<40xi32, #tpu.memory_space<hbm>>
        tpu.wait_dma2 semaphore(%arg42 : memref<!tpu.dma_semaphore, #tpu.memory_space<semaphore_mem>>) src(%dma_wait3A_323 : memref<40xi32, #tpu.memory_space<hbm>>) dst(%arg11 : memref<40xi32, #tpu.memory_space<vmem>>)
        %dma_start3A_324 = arith.constant 0 : i32
        %dma_start3A_325 = arith.constant 0 : i32
        %dma_start3A_326 = tpu.memref_slice %arg2[%dma_start3A_324, %dma_start3A_325] : memref<10000x128xf32, #tpu.memory_space<hbm>> -> memref<10000x128xf32, #tpu.memory_space<hbm>>
        tpu.enqueue_indirect_dma source(%dma_start3A_326 : memref<10000x128xf32, #tpu.memory_space<hbm>>) target(%arg23 : memref<40x128xf32, #tpu.memory_space<vmem>>) offsets(%arg11 : memref<40xi32, #tpu.memory_space<vmem>>) semaphore(%arg30 : memref<!tpu.dma_semaphore, #tpu.memory_space<semaphore_mem>>)
      } else {
      }
      %add3A_176 = arith.constant 1 : i32
      %add3A_177 = arith.addi %mul3A_152, %add3A_176 : i32
      %dma_wait3A_178 = arith.constant 0 : i32
      %dma_wait3A_179 = arith.constant 0 : i32
      %dma_wait3A_180 = tpu.memref_slice %arg2[%dma_wait3A_178, %dma_wait3A_179] : memref<10000x128xf32, #tpu.memory_space<hbm>> -> memref<10000x128xf32, #tpu.memory_space<hbm>>
      tpu.wait_indirect_dma semaphore(%arg26 : memref<!tpu.dma_semaphore, #tpu.memory_space<semaphore_mem>>) src(%dma_wait3A_180 : memref<10000x128xf32, #tpu.memory_space<hbm>>) dst(%arg19 : memref<40x128xf32, #tpu.memory_space<vmem>>)
      %add3A_181 = arith.constant 6 : i32
      %add3A_182 = arith.addi %add3A_177, %add3A_181 : i32
      %lt3A_183 = arith.constant 250 : i32
      %lt3A_184 = arith.cmpi slt, %add3A_182, %lt3A_183 : i32
      %convert_element_type3A_185 = arith.extui %lt3A_184 : i1 to i32
      %cond3A_186 = arith.constant 0 : i32
      %cond3A_187 = arith.cmpi ne, %convert_element_type3A_185, %cond3A_186 : i32
      scf.if %cond3A_187 {
        %add3A_306 = arith.constant 6 : i32
        %add3A_307 = arith.addi %add3A_177, %add3A_306 : i32
        %mul3A_308 = arith.constant 40 : i32
        %mul3A_309 = arith.muli %add3A_307, %mul3A_308 : i32
        %add3A_310 = arith.addi %mul3A_4, %mul3A_309 : i32
        %dma_start3A_311 = tpu.memref_slice %arg3[%add3A_310] : memref<640000xi32, #tpu.memory_space<hbm>> -> memref<40xi32, #tpu.memory_space<hbm>>
        %dma_start3A_312 = tpu.memref_slice %arg3[%add3A_310] : memref<640000xi32, #tpu.memory_space<hbm>> -> memref<40xi32, #tpu.memory_space<hbm>>
        tpu.enqueue_dma source(%dma_start3A_312 : memref<40xi32, #tpu.memory_space<hbm>>) target(%arg7 : memref<40xi32, #tpu.memory_space<vmem>>) target_semaphore(%arg38 : memref<!tpu.dma_semaphore, #tpu.memory_space<semaphore_mem>>)
      } else {
      }
      %add3A_188 = arith.constant 320000 : i32
      %add3A_189 = arith.addi %add3A_188, %mul3A_4 : i32
      %dma_wait3A_190 = tpu.memref_slice %arg3[%add3A_189] : memref<640000xi32, #tpu.memory_space<hbm>> -> memref<40xi32, #tpu.memory_space<hbm>>
      %dma_wait3A_191 = tpu.memref_slice %arg3[%add3A_189] : memref<640000xi32, #tpu.memory_space<hbm>> -> memref<40xi32, #tpu.memory_space<hbm>>
      tpu.wait_dma2 semaphore(%arg44 : memref<!tpu.dma_semaphore, #tpu.memory_space<semaphore_mem>>) src(%dma_wait3A_191 : memref<40xi32, #tpu.memory_space<hbm>>) dst(%arg13 : memref<40xi32, #tpu.memory_space<vmem>>)
      %dma_start3A_192 = arith.constant 0 : i32
      %dma_start3A_193 = arith.constant 0 : i32
      %dma_start3A_194 = tpu.memref_slice %arg24[%dma_start3A_192, %dma_start3A_193] : memref<10240x128xf32, #tpu.memory_space<vmem_shared>> -> memref<10240x128xf32, #tpu.memory_space<vmem_shared>>
      tpu.enqueue_indirect_dma source(%arg19 : memref<40x128xf32, #tpu.memory_space<vmem>>) target(%dma_start3A_194 : memref<10240x128xf32, #tpu.memory_space<vmem_shared>>) offsets(%arg13 : memref<40xi32, #tpu.memory_space<vmem>>) semaphore(%arg32 : memref<!tpu.dma_semaphore, #tpu.memory_space<semaphore_mem>>) {add = true}
      %add3A_195 = arith.constant 5 : i32
      %add3A_196 = arith.addi %add3A_177, %add3A_195 : i32
      %lt3A_197 = arith.constant 250 : i32
      %lt3A_198 = arith.cmpi slt, %add3A_196, %lt3A_197 : i32
      %convert_element_type3A_199 = arith.extui %lt3A_198 : i1 to i32
      %cond3A_200 = arith.constant 0 : i32
      %cond3A_201 = arith.cmpi ne, %convert_element_type3A_199, %cond3A_200 : i32
      scf.if %cond3A_201 {
        %add3A_306 = arith.constant 5 : i32
        %add3A_307 = arith.addi %add3A_177, %add3A_306 : i32
        %sub3A = arith.constant 6 : i32
        %sub3A_308 = arith.subi %add3A_307, %sub3A : i32
        %ge3A = arith.constant 0 : i32
        %ge3A_309 = arith.cmpi sge, %sub3A_308, %ge3A : i32
        %convert_element_type3A_310 = arith.extui %ge3A_309 : i1 to i32
        %cond3A_311 = arith.constant 0 : i32
        %cond3A_312 = arith.cmpi ne, %convert_element_type3A_310, %cond3A_311 : i32
        scf.if %cond3A_312 {
          %dma_wait3A_327 = arith.constant 0 : i32
          %dma_wait3A_328 = arith.constant 0 : i32
          %dma_wait3A_329 = tpu.memref_slice %arg24[%dma_wait3A_327, %dma_wait3A_328] : memref<10240x128xf32, #tpu.memory_space<vmem_shared>> -> memref<10240x128xf32, #tpu.memory_space<vmem_shared>>
          tpu.wait_indirect_dma semaphore(%arg31 : memref<!tpu.dma_semaphore, #tpu.memory_space<semaphore_mem>>) src(%arg18 : memref<40x128xf32, #tpu.memory_space<vmem>>) dst(%dma_wait3A_329 : memref<10240x128xf32, #tpu.memory_space<vmem_shared>>)
        } else {
        }
        %add3A_313 = arith.constant 5 : i32
        %add3A_314 = arith.addi %add3A_177, %add3A_313 : i32
        %add3A_315 = arith.constant 320000 : i32
        %add3A_316 = arith.addi %add3A_315, %mul3A_4 : i32
        %mul3A_317 = arith.constant 40 : i32
        %mul3A_318 = arith.muli %add3A_314, %mul3A_317 : i32
        %add3A_319 = arith.addi %add3A_316, %mul3A_318 : i32
        %dma_start3A_320 = tpu.memref_slice %arg3[%add3A_319] : memref<640000xi32, #tpu.memory_space<hbm>> -> memref<40xi32, #tpu.memory_space<hbm>>
        %dma_start3A_321 = tpu.memref_slice %arg3[%add3A_319] : memref<640000xi32, #tpu.memory_space<hbm>> -> memref<40xi32, #tpu.memory_space<hbm>>
        tpu.enqueue_dma source(%dma_start3A_321 : memref<40xi32, #tpu.memory_space<hbm>>) target(%arg12 : memref<40xi32, #tpu.memory_space<vmem>>) target_semaphore(%arg43 : memref<!tpu.dma_semaphore, #tpu.memory_space<semaphore_mem>>)
        %dma_wait3A_322 = tpu.memref_slice %arg3[%mul3A_4] : memref<640000xi32, #tpu.memory_space<hbm>> -> memref<40xi32, #tpu.memory_space<hbm>>
        %dma_wait3A_323 = tpu.memref_slice %arg3[%mul3A_4] : memref<640000xi32, #tpu.memory_space<hbm>> -> memref<40xi32, #tpu.memory_space<hbm>>
        tpu.wait_dma2 semaphore(%arg37 : memref<!tpu.dma_semaphore, #tpu.memory_space<semaphore_mem>>) src(%dma_wait3A_323 : memref<40xi32, #tpu.memory_space<hbm>>) dst(%arg6 : memref<40xi32, #tpu.memory_space<vmem>>)
        %dma_start3A_324 = arith.constant 0 : i32
        %dma_start3A_325 = arith.constant 0 : i32
        %dma_start3A_326 = tpu.memref_slice %arg2[%dma_start3A_324, %dma_start3A_325] : memref<10000x128xf32, #tpu.memory_space<hbm>> -> memref<10000x128xf32, #tpu.memory_space<hbm>>
        tpu.enqueue_indirect_dma source(%dma_start3A_326 : memref<10000x128xf32, #tpu.memory_space<hbm>>) target(%arg18 : memref<40x128xf32, #tpu.memory_space<vmem>>) offsets(%arg6 : memref<40xi32, #tpu.memory_space<vmem>>) semaphore(%arg25 : memref<!tpu.dma_semaphore, #tpu.memory_space<semaphore_mem>>)
      } else {
      }
      %add3A_202 = arith.constant 2 : i32
      %add3A_203 = arith.addi %mul3A_152, %add3A_202 : i32
      %dma_wait3A_204 = arith.constant 0 : i32
      %dma_wait3A_205 = arith.constant 0 : i32
      %dma_wait3A_206 = tpu.memref_slice %arg2[%dma_wait3A_204, %dma_wait3A_205] : memref<10000x128xf32, #tpu.memory_space<hbm>> -> memref<10000x128xf32, #tpu.memory_space<hbm>>
      tpu.wait_indirect_dma semaphore(%arg27 : memref<!tpu.dma_semaphore, #tpu.memory_space<semaphore_mem>>) src(%dma_wait3A_206 : memref<10000x128xf32, #tpu.memory_space<hbm>>) dst(%arg20 : memref<40x128xf32, #tpu.memory_space<vmem>>)
      %add3A_207 = arith.constant 6 : i32
      %add3A_208 = arith.addi %add3A_203, %add3A_207 : i32
      %lt3A_209 = arith.constant 250 : i32
      %lt3A_210 = arith.cmpi slt, %add3A_208, %lt3A_209 : i32
      %convert_element_type3A_211 = arith.extui %lt3A_210 : i1 to i32
      %cond3A_212 = arith.constant 0 : i32
      %cond3A_213 = arith.cmpi ne, %convert_element_type3A_211, %cond3A_212 : i32
      scf.if %cond3A_213 {
        %add3A_306 = arith.constant 6 : i32
        %add3A_307 = arith.addi %add3A_203, %add3A_306 : i32
        %mul3A_308 = arith.constant 40 : i32
        %mul3A_309 = arith.muli %add3A_307, %mul3A_308 : i32
        %add3A_310 = arith.addi %mul3A_4, %mul3A_309 : i32
        %dma_start3A_311 = tpu.memref_slice %arg3[%add3A_310] : memref<640000xi32, #tpu.memory_space<hbm>> -> memref<40xi32, #tpu.memory_space<hbm>>
        %dma_start3A_312 = tpu.memref_slice %arg3[%add3A_310] : memref<640000xi32, #tpu.memory_space<hbm>> -> memref<40xi32, #tpu.memory_space<hbm>>
        tpu.enqueue_dma source(%dma_start3A_312 : memref<40xi32, #tpu.memory_space<hbm>>) target(%arg8 : memref<40xi32, #tpu.memory_space<vmem>>) target_semaphore(%arg39 : memref<!tpu.dma_semaphore, #tpu.memory_space<semaphore_mem>>)
      } else {
      }
      %add3A_214 = arith.constant 320000 : i32
      %add3A_215 = arith.addi %add3A_214, %mul3A_4 : i32
      %dma_wait3A_216 = tpu.memref_slice %arg3[%add3A_215] : memref<640000xi32, #tpu.memory_space<hbm>> -> memref<40xi32, #tpu.memory_space<hbm>>
      %dma_wait3A_217 = tpu.memref_slice %arg3[%add3A_215] : memref<640000xi32, #tpu.memory_space<hbm>> -> memref<40xi32, #tpu.memory_space<hbm>>
      tpu.wait_dma2 semaphore(%arg45 : memref<!tpu.dma_semaphore, #tpu.memory_space<semaphore_mem>>) src(%dma_wait3A_217 : memref<40xi32, #tpu.memory_space<hbm>>) dst(%arg14 : memref<40xi32, #tpu.memory_space<vmem>>)
      %dma_start3A_218 = arith.constant 0 : i32
      %dma_start3A_219 = arith.constant 0 : i32
      %dma_start3A_220 = tpu.memref_slice %arg24[%dma_start3A_218, %dma_start3A_219] : memref<10240x128xf32, #tpu.memory_space<vmem_shared>> -> memref<10240x128xf32, #tpu.memory_space<vmem_shared>>
      tpu.enqueue_indirect_dma source(%arg20 : memref<40x128xf32, #tpu.memory_space<vmem>>) target(%dma_start3A_220 : memref<10240x128xf32, #tpu.memory_space<vmem_shared>>) offsets(%arg14 : memref<40xi32, #tpu.memory_space<vmem>>) semaphore(%arg33 : memref<!tpu.dma_semaphore, #tpu.memory_space<semaphore_mem>>) {add = true}
      %add3A_221 = arith.constant 5 : i32
      %add3A_222 = arith.addi %add3A_203, %add3A_221 : i32
      %lt3A_223 = arith.constant 250 : i32
      %lt3A_224 = arith.cmpi slt, %add3A_222, %lt3A_223 : i32
      %convert_element_type3A_225 = arith.extui %lt3A_224 : i1 to i32
      %cond3A_226 = arith.constant 0 : i32
      %cond3A_227 = arith.cmpi ne, %convert_element_type3A_225, %cond3A_226 : i32
      scf.if %cond3A_227 {
        %add3A_306 = arith.constant 5 : i32
        %add3A_307 = arith.addi %add3A_203, %add3A_306 : i32
        %sub3A = arith.constant 6 : i32
        %sub3A_308 = arith.subi %add3A_307, %sub3A : i32
        %ge3A = arith.constant 0 : i32
        %ge3A_309 = arith.cmpi sge, %sub3A_308, %ge3A : i32
        %convert_element_type3A_310 = arith.extui %ge3A_309 : i1 to i32
        %cond3A_311 = arith.constant 0 : i32
        %cond3A_312 = arith.cmpi ne, %convert_element_type3A_310, %cond3A_311 : i32
        scf.if %cond3A_312 {
          %dma_wait3A_327 = arith.constant 0 : i32
          %dma_wait3A_328 = arith.constant 0 : i32
          %dma_wait3A_329 = tpu.memref_slice %arg24[%dma_wait3A_327, %dma_wait3A_328] : memref<10240x128xf32, #tpu.memory_space<vmem_shared>> -> memref<10240x128xf32, #tpu.memory_space<vmem_shared>>
          tpu.wait_indirect_dma semaphore(%arg32 : memref<!tpu.dma_semaphore, #tpu.memory_space<semaphore_mem>>) src(%arg19 : memref<40x128xf32, #tpu.memory_space<vmem>>) dst(%dma_wait3A_329 : memref<10240x128xf32, #tpu.memory_space<vmem_shared>>)
        } else {
        }
        %add3A_313 = arith.constant 5 : i32
        %add3A_314 = arith.addi %add3A_203, %add3A_313 : i32
        %add3A_315 = arith.constant 320000 : i32
        %add3A_316 = arith.addi %add3A_315, %mul3A_4 : i32
        %mul3A_317 = arith.constant 40 : i32
        %mul3A_318 = arith.muli %add3A_314, %mul3A_317 : i32
        %add3A_319 = arith.addi %add3A_316, %mul3A_318 : i32
        %dma_start3A_320 = tpu.memref_slice %arg3[%add3A_319] : memref<640000xi32, #tpu.memory_space<hbm>> -> memref<40xi32, #tpu.memory_space<hbm>>
        %dma_start3A_321 = tpu.memref_slice %arg3[%add3A_319] : memref<640000xi32, #tpu.memory_space<hbm>> -> memref<40xi32, #tpu.memory_space<hbm>>
        tpu.enqueue_dma source(%dma_start3A_321 : memref<40xi32, #tpu.memory_space<hbm>>) target(%arg13 : memref<40xi32, #tpu.memory_space<vmem>>) target_semaphore(%arg44 : memref<!tpu.dma_semaphore, #tpu.memory_space<semaphore_mem>>)
        %dma_wait3A_322 = tpu.memref_slice %arg3[%mul3A_4] : memref<640000xi32, #tpu.memory_space<hbm>> -> memref<40xi32, #tpu.memory_space<hbm>>
        %dma_wait3A_323 = tpu.memref_slice %arg3[%mul3A_4] : memref<640000xi32, #tpu.memory_space<hbm>> -> memref<40xi32, #tpu.memory_space<hbm>>
        tpu.wait_dma2 semaphore(%arg38 : memref<!tpu.dma_semaphore, #tpu.memory_space<semaphore_mem>>) src(%dma_wait3A_323 : memref<40xi32, #tpu.memory_space<hbm>>) dst(%arg7 : memref<40xi32, #tpu.memory_space<vmem>>)
        %dma_start3A_324 = arith.constant 0 : i32
        %dma_start3A_325 = arith.constant 0 : i32
        %dma_start3A_326 = tpu.memref_slice %arg2[%dma_start3A_324, %dma_start3A_325] : memref<10000x128xf32, #tpu.memory_space<hbm>> -> memref<10000x128xf32, #tpu.memory_space<hbm>>
        tpu.enqueue_indirect_dma source(%dma_start3A_326 : memref<10000x128xf32, #tpu.memory_space<hbm>>) target(%arg19 : memref<40x128xf32, #tpu.memory_space<vmem>>) offsets(%arg7 : memref<40xi32, #tpu.memory_space<vmem>>) semaphore(%arg26 : memref<!tpu.dma_semaphore, #tpu.memory_space<semaphore_mem>>)
      } else {
      }
      %add3A_228 = arith.constant 3 : i32
      %add3A_229 = arith.addi %mul3A_152, %add3A_228 : i32
      %dma_wait3A_230 = arith.constant 0 : i32
      %dma_wait3A_231 = arith.constant 0 : i32
      %dma_wait3A_232 = tpu.memref_slice %arg2[%dma_wait3A_230, %dma_wait3A_231] : memref<10000x128xf32, #tpu.memory_space<hbm>> -> memref<10000x128xf32, #tpu.memory_space<hbm>>
      tpu.wait_indirect_dma semaphore(%arg28 : memref<!tpu.dma_semaphore, #tpu.memory_space<semaphore_mem>>) src(%dma_wait3A_232 : memref<10000x128xf32, #tpu.memory_space<hbm>>) dst(%arg21 : memref<40x128xf32, #tpu.memory_space<vmem>>)
      %add3A_233 = arith.constant 6 : i32
      %add3A_234 = arith.addi %add3A_229, %add3A_233 : i32
      %lt3A_235 = arith.constant 250 : i32
      %lt3A_236 = arith.cmpi slt, %add3A_234, %lt3A_235 : i32
      %convert_element_type3A_237 = arith.extui %lt3A_236 : i1 to i32
      %cond3A_238 = arith.constant 0 : i32
      %cond3A_239 = arith.cmpi ne, %convert_element_type3A_237, %cond3A_238 : i32
      scf.if %cond3A_239 {
        %add3A_306 = arith.constant 6 : i32
        %add3A_307 = arith.addi %add3A_229, %add3A_306 : i32
        %mul3A_308 = arith.constant 40 : i32
        %mul3A_309 = arith.muli %add3A_307, %mul3A_308 : i32
        %add3A_310 = arith.addi %mul3A_4, %mul3A_309 : i32
        %dma_start3A_311 = tpu.memref_slice %arg3[%add3A_310] : memref<640000xi32, #tpu.memory_space<hbm>> -> memref<40xi32, #tpu.memory_space<hbm>>
        %dma_start3A_312 = tpu.memref_slice %arg3[%add3A_310] : memref<640000xi32, #tpu.memory_space<hbm>> -> memref<40xi32, #tpu.memory_space<hbm>>
        tpu.enqueue_dma source(%dma_start3A_312 : memref<40xi32, #tpu.memory_space<hbm>>) target(%arg9 : memref<40xi32, #tpu.memory_space<vmem>>) target_semaphore(%arg40 : memref<!tpu.dma_semaphore, #tpu.memory_space<semaphore_mem>>)
      } else {
      }
      %add3A_240 = arith.constant 320000 : i32
      %add3A_241 = arith.addi %add3A_240, %mul3A_4 : i32
      %dma_wait3A_242 = tpu.memref_slice %arg3[%add3A_241] : memref<640000xi32, #tpu.memory_space<hbm>> -> memref<40xi32, #tpu.memory_space<hbm>>
      %dma_wait3A_243 = tpu.memref_slice %arg3[%add3A_241] : memref<640000xi32, #tpu.memory_space<hbm>> -> memref<40xi32, #tpu.memory_space<hbm>>
      tpu.wait_dma2 semaphore(%arg46 : memref<!tpu.dma_semaphore, #tpu.memory_space<semaphore_mem>>) src(%dma_wait3A_243 : memref<40xi32, #tpu.memory_space<hbm>>) dst(%arg15 : memref<40xi32, #tpu.memory_space<vmem>>)
      %dma_start3A_244 = arith.constant 0 : i32
      %dma_start3A_245 = arith.constant 0 : i32
      %dma_start3A_246 = tpu.memref_slice %arg24[%dma_start3A_244, %dma_start3A_245] : memref<10240x128xf32, #tpu.memory_space<vmem_shared>> -> memref<10240x128xf32, #tpu.memory_space<vmem_shared>>
      tpu.enqueue_indirect_dma source(%arg21 : memref<40x128xf32, #tpu.memory_space<vmem>>) target(%dma_start3A_246 : memref<10240x128xf32, #tpu.memory_space<vmem_shared>>) offsets(%arg15 : memref<40xi32, #tpu.memory_space<vmem>>) semaphore(%arg34 : memref<!tpu.dma_semaphore, #tpu.memory_space<semaphore_mem>>) {add = true}
      %add3A_247 = arith.constant 5 : i32
      %add3A_248 = arith.addi %add3A_229, %add3A_247 : i32
      %lt3A_249 = arith.constant 250 : i32
      %lt3A_250 = arith.cmpi slt, %add3A_248, %lt3A_249 : i32
      %convert_element_type3A_251 = arith.extui %lt3A_250 : i1 to i32
      %cond3A_252 = arith.constant 0 : i32
      %cond3A_253 = arith.cmpi ne, %convert_element_type3A_251, %cond3A_252 : i32
      scf.if %cond3A_253 {
        %add3A_306 = arith.constant 5 : i32
        %add3A_307 = arith.addi %add3A_229, %add3A_306 : i32
        %sub3A = arith.constant 6 : i32
        %sub3A_308 = arith.subi %add3A_307, %sub3A : i32
        %ge3A = arith.constant 0 : i32
        %ge3A_309 = arith.cmpi sge, %sub3A_308, %ge3A : i32
        %convert_element_type3A_310 = arith.extui %ge3A_309 : i1 to i32
        %cond3A_311 = arith.constant 0 : i32
        %cond3A_312 = arith.cmpi ne, %convert_element_type3A_310, %cond3A_311 : i32
        scf.if %cond3A_312 {
          %dma_wait3A_327 = arith.constant 0 : i32
          %dma_wait3A_328 = arith.constant 0 : i32
          %dma_wait3A_329 = tpu.memref_slice %arg24[%dma_wait3A_327, %dma_wait3A_328] : memref<10240x128xf32, #tpu.memory_space<vmem_shared>> -> memref<10240x128xf32, #tpu.memory_space<vmem_shared>>
          tpu.wait_indirect_dma semaphore(%arg33 : memref<!tpu.dma_semaphore, #tpu.memory_space<semaphore_mem>>) src(%arg20 : memref<40x128xf32, #tpu.memory_space<vmem>>) dst(%dma_wait3A_329 : memref<10240x128xf32, #tpu.memory_space<vmem_shared>>)
        } else {
        }
        %add3A_313 = arith.constant 5 : i32
        %add3A_314 = arith.addi %add3A_229, %add3A_313 : i32
        %add3A_315 = arith.constant 320000 : i32
        %add3A_316 = arith.addi %add3A_315, %mul3A_4 : i32
        %mul3A_317 = arith.constant 40 : i32
        %mul3A_318 = arith.muli %add3A_314, %mul3A_317 : i32
        %add3A_319 = arith.addi %add3A_316, %mul3A_318 : i32
        %dma_start3A_320 = tpu.memref_slice %arg3[%add3A_319] : memref<640000xi32, #tpu.memory_space<hbm>> -> memref<40xi32, #tpu.memory_space<hbm>>
        %dma_start3A_321 = tpu.memref_slice %arg3[%add3A_319] : memref<640000xi32, #tpu.memory_space<hbm>> -> memref<40xi32, #tpu.memory_space<hbm>>
        tpu.enqueue_dma source(%dma_start3A_321 : memref<40xi32, #tpu.memory_space<hbm>>) target(%arg14 : memref<40xi32, #tpu.memory_space<vmem>>) target_semaphore(%arg45 : memref<!tpu.dma_semaphore, #tpu.memory_space<semaphore_mem>>)
        %dma_wait3A_322 = tpu.memref_slice %arg3[%mul3A_4] : memref<640000xi32, #tpu.memory_space<hbm>> -> memref<40xi32, #tpu.memory_space<hbm>>
        %dma_wait3A_323 = tpu.memref_slice %arg3[%mul3A_4] : memref<640000xi32, #tpu.memory_space<hbm>> -> memref<40xi32, #tpu.memory_space<hbm>>
        tpu.wait_dma2 semaphore(%arg39 : memref<!tpu.dma_semaphore, #tpu.memory_space<semaphore_mem>>) src(%dma_wait3A_323 : memref<40xi32, #tpu.memory_space<hbm>>) dst(%arg8 : memref<40xi32, #tpu.memory_space<vmem>>)
        %dma_start3A_324 = arith.constant 0 : i32
        %dma_start3A_325 = arith.constant 0 : i32
        %dma_start3A_326 = tpu.memref_slice %arg2[%dma_start3A_324, %dma_start3A_325] : memref<10000x128xf32, #tpu.memory_space<hbm>> -> memref<10000x128xf32, #tpu.memory_space<hbm>>
        tpu.enqueue_indirect_dma source(%dma_start3A_326 : memref<10000x128xf32, #tpu.memory_space<hbm>>) target(%arg20 : memref<40x128xf32, #tpu.memory_space<vmem>>) offsets(%arg8 : memref<40xi32, #tpu.memory_space<vmem>>) semaphore(%arg27 : memref<!tpu.dma_semaphore, #tpu.memory_space<semaphore_mem>>)
      } else {
      }
      %add3A_254 = arith.constant 4 : i32
      %add3A_255 = arith.addi %mul3A_152, %add3A_254 : i32
      %dma_wait3A_256 = arith.constant 0 : i32
      %dma_wait3A_257 = arith.constant 0 : i32
      %dma_wait3A_258 = tpu.memref_slice %arg2[%dma_wait3A_256, %dma_wait3A_257] : memref<10000x128xf32, #tpu.memory_space<hbm>> -> memref<10000x128xf32, #tpu.memory_space<hbm>>
      tpu.wait_indirect_dma semaphore(%arg29 : memref<!tpu.dma_semaphore, #tpu.memory_space<semaphore_mem>>) src(%dma_wait3A_258 : memref<10000x128xf32, #tpu.memory_space<hbm>>) dst(%arg22 : memref<40x128xf32, #tpu.memory_space<vmem>>)
      %add3A_259 = arith.constant 6 : i32
      %add3A_260 = arith.addi %add3A_255, %add3A_259 : i32
      %lt3A_261 = arith.constant 250 : i32
      %lt3A_262 = arith.cmpi slt, %add3A_260, %lt3A_261 : i32
      %convert_element_type3A_263 = arith.extui %lt3A_262 : i1 to i32
      %cond3A_264 = arith.constant 0 : i32
      %cond3A_265 = arith.cmpi ne, %convert_element_type3A_263, %cond3A_264 : i32
      scf.if %cond3A_265 {
        %add3A_306 = arith.constant 6 : i32
        %add3A_307 = arith.addi %add3A_255, %add3A_306 : i32
        %mul3A_308 = arith.constant 40 : i32
        %mul3A_309 = arith.muli %add3A_307, %mul3A_308 : i32
        %add3A_310 = arith.addi %mul3A_4, %mul3A_309 : i32
        %dma_start3A_311 = tpu.memref_slice %arg3[%add3A_310] : memref<640000xi32, #tpu.memory_space<hbm>> -> memref<40xi32, #tpu.memory_space<hbm>>
        %dma_start3A_312 = tpu.memref_slice %arg3[%add3A_310] : memref<640000xi32, #tpu.memory_space<hbm>> -> memref<40xi32, #tpu.memory_space<hbm>>
        tpu.enqueue_dma source(%dma_start3A_312 : memref<40xi32, #tpu.memory_space<hbm>>) target(%arg10 : memref<40xi32, #tpu.memory_space<vmem>>) target_semaphore(%arg41 : memref<!tpu.dma_semaphore, #tpu.memory_space<semaphore_mem>>)
      } else {
      }
      %add3A_266 = arith.constant 320000 : i32
      %add3A_267 = arith.addi %add3A_266, %mul3A_4 : i32
      %dma_wait3A_268 = tpu.memref_slice %arg3[%add3A_267] : memref<640000xi32, #tpu.memory_space<hbm>> -> memref<40xi32, #tpu.memory_space<hbm>>
      %dma_wait3A_269 = tpu.memref_slice %arg3[%add3A_267] : memref<640000xi32, #tpu.memory_space<hbm>> -> memref<40xi32, #tpu.memory_space<hbm>>
      tpu.wait_dma2 semaphore(%arg47 : memref<!tpu.dma_semaphore, #tpu.memory_space<semaphore_mem>>) src(%dma_wait3A_269 : memref<40xi32, #tpu.memory_space<hbm>>) dst(%arg16 : memref<40xi32, #tpu.memory_space<vmem>>)
      %dma_start3A_270 = arith.constant 0 : i32
      %dma_start3A_271 = arith.constant 0 : i32
      %dma_start3A_272 = tpu.memref_slice %arg24[%dma_start3A_270, %dma_start3A_271] : memref<10240x128xf32, #tpu.memory_space<vmem_shared>> -> memref<10240x128xf32, #tpu.memory_space<vmem_shared>>
      tpu.enqueue_indirect_dma source(%arg22 : memref<40x128xf32, #tpu.memory_space<vmem>>) target(%dma_start3A_272 : memref<10240x128xf32, #tpu.memory_space<vmem_shared>>) offsets(%arg16 : memref<40xi32, #tpu.memory_space<vmem>>) semaphore(%arg35 : memref<!tpu.dma_semaphore, #tpu.memory_space<semaphore_mem>>) {add = true}
      %add3A_273 = arith.constant 5 : i32
      %add3A_274 = arith.addi %add3A_255, %add3A_273 : i32
      %lt3A_275 = arith.constant 250 : i32
      %lt3A_276 = arith.cmpi slt, %add3A_274, %lt3A_275 : i32
      %convert_element_type3A_277 = arith.extui %lt3A_276 : i1 to i32
      %cond3A_278 = arith.constant 0 : i32
      %cond3A_279 = arith.cmpi ne, %convert_element_type3A_277, %cond3A_278 : i32
      scf.if %cond3A_279 {
        %add3A_306 = arith.constant 5 : i32
        %add3A_307 = arith.addi %add3A_255, %add3A_306 : i32
        %sub3A = arith.constant 6 : i32
        %sub3A_308 = arith.subi %add3A_307, %sub3A : i32
        %ge3A = arith.constant 0 : i32
        %ge3A_309 = arith.cmpi sge, %sub3A_308, %ge3A : i32
        %convert_element_type3A_310 = arith.extui %ge3A_309 : i1 to i32
        %cond3A_311 = arith.constant 0 : i32
        %cond3A_312 = arith.cmpi ne, %convert_element_type3A_310, %cond3A_311 : i32
        scf.if %cond3A_312 {
          %dma_wait3A_327 = arith.constant 0 : i32
          %dma_wait3A_328 = arith.constant 0 : i32
          %dma_wait3A_329 = tpu.memref_slice %arg24[%dma_wait3A_327, %dma_wait3A_328] : memref<10240x128xf32, #tpu.memory_space<vmem_shared>> -> memref<10240x128xf32, #tpu.memory_space<vmem_shared>>
          tpu.wait_indirect_dma semaphore(%arg34 : memref<!tpu.dma_semaphore, #tpu.memory_space<semaphore_mem>>) src(%arg21 : memref<40x128xf32, #tpu.memory_space<vmem>>) dst(%dma_wait3A_329 : memref<10240x128xf32, #tpu.memory_space<vmem_shared>>)
        } else {
        }
        %add3A_313 = arith.constant 5 : i32
        %add3A_314 = arith.addi %add3A_255, %add3A_313 : i32
        %add3A_315 = arith.constant 320000 : i32
        %add3A_316 = arith.addi %add3A_315, %mul3A_4 : i32
        %mul3A_317 = arith.constant 40 : i32
        %mul3A_318 = arith.muli %add3A_314, %mul3A_317 : i32
        %add3A_319 = arith.addi %add3A_316, %mul3A_318 : i32
        %dma_start3A_320 = tpu.memref_slice %arg3[%add3A_319] : memref<640000xi32, #tpu.memory_space<hbm>> -> memref<40xi32, #tpu.memory_space<hbm>>
        %dma_start3A_321 = tpu.memref_slice %arg3[%add3A_319] : memref<640000xi32, #tpu.memory_space<hbm>> -> memref<40xi32, #tpu.memory_space<hbm>>
        tpu.enqueue_dma source(%dma_start3A_321 : memref<40xi32, #tpu.memory_space<hbm>>) target(%arg15 : memref<40xi32, #tpu.memory_space<vmem>>) target_semaphore(%arg46 : memref<!tpu.dma_semaphore, #tpu.memory_space<semaphore_mem>>)
        %dma_wait3A_322 = tpu.memref_slice %arg3[%mul3A_4] : memref<640000xi32, #tpu.memory_space<hbm>> -> memref<40xi32, #tpu.memory_space<hbm>>
        %dma_wait3A_323 = tpu.memref_slice %arg3[%mul3A_4] : memref<640000xi32, #tpu.memory_space<hbm>> -> memref<40xi32, #tpu.memory_space<hbm>>
        tpu.wait_dma2 semaphore(%arg40 : memref<!tpu.dma_semaphore, #tpu.memory_space<semaphore_mem>>) src(%dma_wait3A_323 : memref<40xi32, #tpu.memory_space<hbm>>) dst(%arg9 : memref<40xi32, #tpu.memory_space<vmem>>)
        %dma_start3A_324 = arith.constant 0 : i32
        %dma_start3A_325 = arith.constant 0 : i32
        %dma_start3A_326 = tpu.memref_slice %arg2[%dma_start3A_324, %dma_start3A_325] : memref<10000x128xf32, #tpu.memory_space<hbm>> -> memref<10000x128xf32, #tpu.memory_space<hbm>>
        tpu.enqueue_indirect_dma source(%dma_start3A_326 : memref<10000x128xf32, #tpu.memory_space<hbm>>) target(%arg21 : memref<40x128xf32, #tpu.memory_space<vmem>>) offsets(%arg9 : memref<40xi32, #tpu.memory_space<vmem>>) semaphore(%arg28 : memref<!tpu.dma_semaphore, #tpu.memory_space<semaphore_mem>>)
      } else {
      }
      %add3A_280 = arith.constant 5 : i32
      %add3A_281 = arith.addi %mul3A_152, %add3A_280 : i32
      %dma_wait3A_282 = arith.constant 0 : i32
      %dma_wait3A_283 = arith.constant 0 : i32
      %dma_wait3A_284 = tpu.memref_slice %arg2[%dma_wait3A_282, %dma_wait3A_283] : memref<10000x128xf32, #tpu.memory_space<hbm>> -> memref<10000x128xf32, #tpu.memory_space<hbm>>
      tpu.wait_indirect_dma semaphore(%arg30 : memref<!tpu.dma_semaphore, #tpu.memory_space<semaphore_mem>>) src(%dma_wait3A_284 : memref<10000x128xf32, #tpu.memory_space<hbm>>) dst(%arg23 : memref<40x128xf32, #tpu.memory_space<vmem>>)
      %add3A_285 = arith.constant 6 : i32
      %add3A_286 = arith.addi %add3A_281, %add3A_285 : i32
      %lt3A_287 = arith.constant 250 : i32
      %lt3A_288 = arith.cmpi slt, %add3A_286, %lt3A_287 : i32
      %convert_element_type3A_289 = arith.extui %lt3A_288 : i1 to i32
      %cond3A_290 = arith.constant 0 : i32
      %cond3A_291 = arith.cmpi ne, %convert_element_type3A_289, %cond3A_290 : i32
      scf.if %cond3A_291 {
        %add3A_306 = arith.constant 6 : i32
        %add3A_307 = arith.addi %add3A_281, %add3A_306 : i32
        %mul3A_308 = arith.constant 40 : i32
        %mul3A_309 = arith.muli %add3A_307, %mul3A_308 : i32
        %add3A_310 = arith.addi %mul3A_4, %mul3A_309 : i32
        %dma_start3A_311 = tpu.memref_slice %arg3[%add3A_310] : memref<640000xi32, #tpu.memory_space<hbm>> -> memref<40xi32, #tpu.memory_space<hbm>>
        %dma_start3A_312 = tpu.memref_slice %arg3[%add3A_310] : memref<640000xi32, #tpu.memory_space<hbm>> -> memref<40xi32, #tpu.memory_space<hbm>>
        tpu.enqueue_dma source(%dma_start3A_312 : memref<40xi32, #tpu.memory_space<hbm>>) target(%arg11 : memref<40xi32, #tpu.memory_space<vmem>>) target_semaphore(%arg42 : memref<!tpu.dma_semaphore, #tpu.memory_space<semaphore_mem>>)
      } else {
      }
      %add3A_292 = arith.constant 320000 : i32
      %add3A_293 = arith.addi %add3A_292, %mul3A_4 : i32
      %dma_wait3A_294 = tpu.memref_slice %arg3[%add3A_293] : memref<640000xi32, #tpu.memory_space<hbm>> -> memref<40xi32, #tpu.memory_space<hbm>>
      %dma_wait3A_295 = tpu.memref_slice %arg3[%add3A_293] : memref<640000xi32, #tpu.memory_space<hbm>> -> memref<40xi32, #tpu.memory_space<hbm>>
      tpu.wait_dma2 semaphore(%arg48 : memref<!tpu.dma_semaphore, #tpu.memory_space<semaphore_mem>>) src(%dma_wait3A_295 : memref<40xi32, #tpu.memory_space<hbm>>) dst(%arg17 : memref<40xi32, #tpu.memory_space<vmem>>)
      %dma_start3A_296 = arith.constant 0 : i32
      %dma_start3A_297 = arith.constant 0 : i32
      %dma_start3A_298 = tpu.memref_slice %arg24[%dma_start3A_296, %dma_start3A_297] : memref<10240x128xf32, #tpu.memory_space<vmem_shared>> -> memref<10240x128xf32, #tpu.memory_space<vmem_shared>>
      tpu.enqueue_indirect_dma source(%arg23 : memref<40x128xf32, #tpu.memory_space<vmem>>) target(%dma_start3A_298 : memref<10240x128xf32, #tpu.memory_space<vmem_shared>>) offsets(%arg17 : memref<40xi32, #tpu.memory_space<vmem>>) semaphore(%arg36 : memref<!tpu.dma_semaphore, #tpu.memory_space<semaphore_mem>>) {add = true}
      %add3A_299 = arith.constant 5 : i32
      %add3A_300 = arith.addi %add3A_281, %add3A_299 : i32
      %lt3A_301 = arith.constant 250 : i32
      %lt3A_302 = arith.cmpi slt, %add3A_300, %lt3A_301 : i32
      %convert_element_type3A_303 = arith.extui %lt3A_302 : i1 to i32
      %cond3A_304 = arith.constant 0 : i32
      %cond3A_305 = arith.cmpi ne, %convert_element_type3A_303, %cond3A_304 : i32
      scf.if %cond3A_305 {
        %add3A_306 = arith.constant 5 : i32
        %add3A_307 = arith.addi %add3A_281, %add3A_306 : i32
        %sub3A = arith.constant 6 : i32
        %sub3A_308 = arith.subi %add3A_307, %sub3A : i32
        %ge3A = arith.constant 0 : i32
        %ge3A_309 = arith.cmpi sge, %sub3A_308, %ge3A : i32
        %convert_element_type3A_310 = arith.extui %ge3A_309 : i1 to i32
        %cond3A_311 = arith.constant 0 : i32
        %cond3A_312 = arith.cmpi ne, %convert_element_type3A_310, %cond3A_311 : i32
        scf.if %cond3A_312 {
          %dma_wait3A_327 = arith.constant 0 : i32
          %dma_wait3A_328 = arith.constant 0 : i32
          %dma_wait3A_329 = tpu.memref_slice %arg24[%dma_wait3A_327, %dma_wait3A_328] : memref<10240x128xf32, #tpu.memory_space<vmem_shared>> -> memref<10240x128xf32, #tpu.memory_space<vmem_shared>>
          tpu.wait_indirect_dma semaphore(%arg35 : memref<!tpu.dma_semaphore, #tpu.memory_space<semaphore_mem>>) src(%arg22 : memref<40x128xf32, #tpu.memory_space<vmem>>) dst(%dma_wait3A_329 : memref<10240x128xf32, #tpu.memory_space<vmem_shared>>)
        } else {
        }
        %add3A_313 = arith.constant 5 : i32
        %add3A_314 = arith.addi %add3A_281, %add3A_313 : i32
        %add3A_315 = arith.constant 320000 : i32
        %add3A_316 = arith.addi %add3A_315, %mul3A_4 : i32
        %mul3A_317 = arith.constant 40 : i32
        %mul3A_318 = arith.muli %add3A_314, %mul3A_317 : i32
        %add3A_319 = arith.addi %add3A_316, %mul3A_318 : i32
        %dma_start3A_320 = tpu.memref_slice %arg3[%add3A_319] : memref<640000xi32, #tpu.memory_space<hbm>> -> memref<40xi32, #tpu.memory_space<hbm>>
        %dma_start3A_321 = tpu.memref_slice %arg3[%add3A_319] : memref<640000xi32, #tpu.memory_space<hbm>> -> memref<40xi32, #tpu.memory_space<hbm>>
        tpu.enqueue_dma source(%dma_start3A_321 : memref<40xi32, #tpu.memory_space<hbm>>) target(%arg16 : memref<40xi32, #tpu.memory_space<vmem>>) target_semaphore(%arg47 : memref<!tpu.dma_semaphore, #tpu.memory_space<semaphore_mem>>)
        %dma_wait3A_322 = tpu.memref_slice %arg3[%mul3A_4] : memref<640000xi32, #tpu.memory_space<hbm>> -> memref<40xi32, #tpu.memory_space<hbm>>
        %dma_wait3A_323 = tpu.memref_slice %arg3[%mul3A_4] : memref<640000xi32, #tpu.memory_space<hbm>> -> memref<40xi32, #tpu.memory_space<hbm>>
        tpu.wait_dma2 semaphore(%arg41 : memref<!tpu.dma_semaphore, #tpu.memory_space<semaphore_mem>>) src(%dma_wait3A_323 : memref<40xi32, #tpu.memory_space<hbm>>) dst(%arg10 : memref<40xi32, #tpu.memory_space<vmem>>)
        %dma_start3A_324 = arith.constant 0 : i32
        %dma_start3A_325 = arith.constant 0 : i32
        %dma_start3A_326 = tpu.memref_slice %arg2[%dma_start3A_324, %dma_start3A_325] : memref<10000x128xf32, #tpu.memory_space<hbm>> -> memref<10000x128xf32, #tpu.memory_space<hbm>>
        tpu.enqueue_indirect_dma source(%dma_start3A_326 : memref<10000x128xf32, #tpu.memory_space<hbm>>) target(%arg22 : memref<40x128xf32, #tpu.memory_space<vmem>>) offsets(%arg10 : memref<40xi32, #tpu.memory_space<vmem>>) semaphore(%arg29 : memref<!tpu.dma_semaphore, #tpu.memory_space<semaphore_mem>>)
      } else {
      }
    }
    %scan3A_86 = arith.constant 41 : i32
    %dma_wait3A_87 = arith.constant 0 : i32
    %dma_wait3A_88 = arith.constant 0 : i32
    %dma_wait3A_89 = tpu.memref_slice %arg2[%dma_wait3A_87, %dma_wait3A_88] : memref<10000x128xf32, #tpu.memory_space<hbm>> -> memref<10000x128xf32, #tpu.memory_space<hbm>>
    tpu.wait_indirect_dma semaphore(%arg25 : memref<!tpu.dma_semaphore, #tpu.memory_space<semaphore_mem>>) src(%dma_wait3A_89 : memref<10000x128xf32, #tpu.memory_space<hbm>>) dst(%arg18 : memref<40x128xf32, #tpu.memory_space<vmem>>)
    %add3A_90 = arith.constant 320000 : i32
    %add3A_91 = arith.addi %add3A_90, %mul3A_4 : i32
    %dma_wait3A_92 = tpu.memref_slice %arg3[%add3A_91] : memref<640000xi32, #tpu.memory_space<hbm>> -> memref<40xi32, #tpu.memory_space<hbm>>
    %dma_wait3A_93 = tpu.memref_slice %arg3[%add3A_91] : memref<640000xi32, #tpu.memory_space<hbm>> -> memref<40xi32, #tpu.memory_space<hbm>>
    tpu.wait_dma2 semaphore(%arg43 : memref<!tpu.dma_semaphore, #tpu.memory_space<semaphore_mem>>) src(%dma_wait3A_93 : memref<40xi32, #tpu.memory_space<hbm>>) dst(%arg12 : memref<40xi32, #tpu.memory_space<vmem>>)
    %dma_start3A_94 = arith.constant 0 : i32
    %dma_start3A_95 = arith.constant 0 : i32
    %dma_start3A_96 = tpu.memref_slice %arg24[%dma_start3A_94, %dma_start3A_95] : memref<10240x128xf32, #tpu.memory_space<vmem_shared>> -> memref<10240x128xf32, #tpu.memory_space<vmem_shared>>
    tpu.enqueue_indirect_dma source(%arg18 : memref<40x128xf32, #tpu.memory_space<vmem>>) target(%dma_start3A_96 : memref<10240x128xf32, #tpu.memory_space<vmem_shared>>) offsets(%arg12 : memref<40xi32, #tpu.memory_space<vmem>>) semaphore(%arg31 : memref<!tpu.dma_semaphore, #tpu.memory_space<semaphore_mem>>) {add = true}
    %dma_wait3A_97 = arith.constant 0 : i32
    %dma_wait3A_98 = arith.constant 0 : i32
    %dma_wait3A_99 = tpu.memref_slice %arg2[%dma_wait3A_97, %dma_wait3A_98] : memref<10000x128xf32, #tpu.memory_space<hbm>> -> memref<10000x128xf32, #tpu.memory_space<hbm>>
    tpu.wait_indirect_dma semaphore(%arg26 : memref<!tpu.dma_semaphore, #tpu.memory_space<semaphore_mem>>) src(%dma_wait3A_99 : memref<10000x128xf32, #tpu.memory_space<hbm>>) dst(%arg19 : memref<40x128xf32, #tpu.memory_space<vmem>>)
    %add3A_100 = arith.constant 320000 : i32
    %add3A_101 = arith.addi %add3A_100, %mul3A_4 : i32
    %dma_wait3A_102 = tpu.memref_slice %arg3[%add3A_101] : memref<640000xi32, #tpu.memory_space<hbm>> -> memref<40xi32, #tpu.memory_space<hbm>>
    %dma_wait3A_103 = tpu.memref_slice %arg3[%add3A_101] : memref<640000xi32, #tpu.memory_space<hbm>> -> memref<40xi32, #tpu.memory_space<hbm>>
    tpu.wait_dma2 semaphore(%arg44 : memref<!tpu.dma_semaphore, #tpu.memory_space<semaphore_mem>>) src(%dma_wait3A_103 : memref<40xi32, #tpu.memory_space<hbm>>) dst(%arg13 : memref<40xi32, #tpu.memory_space<vmem>>)
    %dma_start3A_104 = arith.constant 0 : i32
    %dma_start3A_105 = arith.constant 0 : i32
    %dma_start3A_106 = tpu.memref_slice %arg24[%dma_start3A_104, %dma_start3A_105] : memref<10240x128xf32, #tpu.memory_space<vmem_shared>> -> memref<10240x128xf32, #tpu.memory_space<vmem_shared>>
    tpu.enqueue_indirect_dma source(%arg19 : memref<40x128xf32, #tpu.memory_space<vmem>>) target(%dma_start3A_106 : memref<10240x128xf32, #tpu.memory_space<vmem_shared>>) offsets(%arg13 : memref<40xi32, #tpu.memory_space<vmem>>) semaphore(%arg32 : memref<!tpu.dma_semaphore, #tpu.memory_space<semaphore_mem>>) {add = true}
    %dma_wait3A_107 = arith.constant 0 : i32
    %dma_wait3A_108 = arith.constant 0 : i32
    %dma_wait3A_109 = tpu.memref_slice %arg2[%dma_wait3A_107, %dma_wait3A_108] : memref<10000x128xf32, #tpu.memory_space<hbm>> -> memref<10000x128xf32, #tpu.memory_space<hbm>>
    tpu.wait_indirect_dma semaphore(%arg27 : memref<!tpu.dma_semaphore, #tpu.memory_space<semaphore_mem>>) src(%dma_wait3A_109 : memref<10000x128xf32, #tpu.memory_space<hbm>>) dst(%arg20 : memref<40x128xf32, #tpu.memory_space<vmem>>)
    %add3A_110 = arith.constant 320000 : i32
    %add3A_111 = arith.addi %add3A_110, %mul3A_4 : i32
    %dma_wait3A_112 = tpu.memref_slice %arg3[%add3A_111] : memref<640000xi32, #tpu.memory_space<hbm>> -> memref<40xi32, #tpu.memory_space<hbm>>
    %dma_wait3A_113 = tpu.memref_slice %arg3[%add3A_111] : memref<640000xi32, #tpu.memory_space<hbm>> -> memref<40xi32, #tpu.memory_space<hbm>>
    tpu.wait_dma2 semaphore(%arg45 : memref<!tpu.dma_semaphore, #tpu.memory_space<semaphore_mem>>) src(%dma_wait3A_113 : memref<40xi32, #tpu.memory_space<hbm>>) dst(%arg14 : memref<40xi32, #tpu.memory_space<vmem>>)
    %dma_start3A_114 = arith.constant 0 : i32
    %dma_start3A_115 = arith.constant 0 : i32
    %dma_start3A_116 = tpu.memref_slice %arg24[%dma_start3A_114, %dma_start3A_115] : memref<10240x128xf32, #tpu.memory_space<vmem_shared>> -> memref<10240x128xf32, #tpu.memory_space<vmem_shared>>
    tpu.enqueue_indirect_dma source(%arg20 : memref<40x128xf32, #tpu.memory_space<vmem>>) target(%dma_start3A_116 : memref<10240x128xf32, #tpu.memory_space<vmem_shared>>) offsets(%arg14 : memref<40xi32, #tpu.memory_space<vmem>>) semaphore(%arg33 : memref<!tpu.dma_semaphore, #tpu.memory_space<semaphore_mem>>) {add = true}
    %dma_wait3A_117 = arith.constant 0 : i32
    %dma_wait3A_118 = arith.constant 0 : i32
    %dma_wait3A_119 = tpu.memref_slice %arg2[%dma_wait3A_117, %dma_wait3A_118] : memref<10000x128xf32, #tpu.memory_space<hbm>> -> memref<10000x128xf32, #tpu.memory_space<hbm>>
    tpu.wait_indirect_dma semaphore(%arg28 : memref<!tpu.dma_semaphore, #tpu.memory_space<semaphore_mem>>) src(%dma_wait3A_119 : memref<10000x128xf32, #tpu.memory_space<hbm>>) dst(%arg21 : memref<40x128xf32, #tpu.memory_space<vmem>>)
    %add3A_120 = arith.constant 320000 : i32
    %add3A_121 = arith.addi %add3A_120, %mul3A_4 : i32
    %dma_wait3A_122 = tpu.memref_slice %arg3[%add3A_121] : memref<640000xi32, #tpu.memory_space<hbm>> -> memref<40xi32, #tpu.memory_space<hbm>>
    %dma_wait3A_123 = tpu.memref_slice %arg3[%add3A_121] : memref<640000xi32, #tpu.memory_space<hbm>> -> memref<40xi32, #tpu.memory_space<hbm>>
    tpu.wait_dma2 semaphore(%arg46 : memref<!tpu.dma_semaphore, #tpu.memory_space<semaphore_mem>>) src(%dma_wait3A_123 : memref<40xi32, #tpu.memory_space<hbm>>) dst(%arg15 : memref<40xi32, #tpu.memory_space<vmem>>)
    %dma_start3A_124 = arith.constant 0 : i32
    %dma_start3A_125 = arith.constant 0 : i32
    %dma_start3A_126 = tpu.memref_slice %arg24[%dma_start3A_124, %dma_start3A_125] : memref<10240x128xf32, #tpu.memory_space<vmem_shared>> -> memref<10240x128xf32, #tpu.memory_space<vmem_shared>>
    tpu.enqueue_indirect_dma source(%arg21 : memref<40x128xf32, #tpu.memory_space<vmem>>) target(%dma_start3A_126 : memref<10240x128xf32, #tpu.memory_space<vmem_shared>>) offsets(%arg15 : memref<40xi32, #tpu.memory_space<vmem>>) semaphore(%arg34 : memref<!tpu.dma_semaphore, #tpu.memory_space<semaphore_mem>>) {add = true}
    %dma_wait3A_127 = arith.constant 0 : i32
    %dma_wait3A_128 = arith.constant 0 : i32
    %dma_wait3A_129 = tpu.memref_slice %arg24[%dma_wait3A_127, %dma_wait3A_128] : memref<10240x128xf32, #tpu.memory_space<vmem_shared>> -> memref<10240x128xf32, #tpu.memory_space<vmem_shared>>
    tpu.wait_indirect_dma semaphore(%arg35 : memref<!tpu.dma_semaphore, #tpu.memory_space<semaphore_mem>>) src(%arg22 : memref<40x128xf32, #tpu.memory_space<vmem>>) dst(%dma_wait3A_129 : memref<10240x128xf32, #tpu.memory_space<vmem_shared>>)
    %dma_wait3A_130 = arith.constant 0 : i32
    %dma_wait3A_131 = arith.constant 0 : i32
    %dma_wait3A_132 = tpu.memref_slice %arg24[%dma_wait3A_130, %dma_wait3A_131] : memref<10240x128xf32, #tpu.memory_space<vmem_shared>> -> memref<10240x128xf32, #tpu.memory_space<vmem_shared>>
    tpu.wait_indirect_dma semaphore(%arg36 : memref<!tpu.dma_semaphore, #tpu.memory_space<semaphore_mem>>) src(%arg23 : memref<40x128xf32, #tpu.memory_space<vmem>>) dst(%dma_wait3A_132 : memref<10240x128xf32, #tpu.memory_space<vmem_shared>>)
    %dma_wait3A_133 = arith.constant 0 : i32
    %dma_wait3A_134 = arith.constant 0 : i32
    %dma_wait3A_135 = tpu.memref_slice %arg24[%dma_wait3A_133, %dma_wait3A_134] : memref<10240x128xf32, #tpu.memory_space<vmem_shared>> -> memref<10240x128xf32, #tpu.memory_space<vmem_shared>>
    tpu.wait_indirect_dma semaphore(%arg31 : memref<!tpu.dma_semaphore, #tpu.memory_space<semaphore_mem>>) src(%arg18 : memref<40x128xf32, #tpu.memory_space<vmem>>) dst(%dma_wait3A_135 : memref<10240x128xf32, #tpu.memory_space<vmem_shared>>)
    %dma_wait3A_136 = arith.constant 0 : i32
    %dma_wait3A_137 = arith.constant 0 : i32
    %dma_wait3A_138 = tpu.memref_slice %arg24[%dma_wait3A_136, %dma_wait3A_137] : memref<10240x128xf32, #tpu.memory_space<vmem_shared>> -> memref<10240x128xf32, #tpu.memory_space<vmem_shared>>
    tpu.wait_indirect_dma semaphore(%arg32 : memref<!tpu.dma_semaphore, #tpu.memory_space<semaphore_mem>>) src(%arg19 : memref<40x128xf32, #tpu.memory_space<vmem>>) dst(%dma_wait3A_138 : memref<10240x128xf32, #tpu.memory_space<vmem_shared>>)
    %dma_wait3A_139 = arith.constant 0 : i32
    %dma_wait3A_140 = arith.constant 0 : i32
    %dma_wait3A_141 = tpu.memref_slice %arg24[%dma_wait3A_139, %dma_wait3A_140] : memref<10240x128xf32, #tpu.memory_space<vmem_shared>> -> memref<10240x128xf32, #tpu.memory_space<vmem_shared>>
    tpu.wait_indirect_dma semaphore(%arg33 : memref<!tpu.dma_semaphore, #tpu.memory_space<semaphore_mem>>) src(%arg20 : memref<40x128xf32, #tpu.memory_space<vmem>>) dst(%dma_wait3A_141 : memref<10240x128xf32, #tpu.memory_space<vmem_shared>>)
    %dma_wait3A_142 = arith.constant 0 : i32
    %dma_wait3A_143 = arith.constant 0 : i32
    %dma_wait3A_144 = tpu.memref_slice %arg24[%dma_wait3A_142, %dma_wait3A_143] : memref<10240x128xf32, #tpu.memory_space<vmem_shared>> -> memref<10240x128xf32, #tpu.memory_space<vmem_shared>>
    tpu.wait_indirect_dma semaphore(%arg34 : memref<!tpu.dma_semaphore, #tpu.memory_space<semaphore_mem>>) src(%arg21 : memref<40x128xf32, #tpu.memory_space<vmem>>) dst(%dma_wait3A_144 : memref<10240x128xf32, #tpu.memory_space<vmem_shared>>)
    %barrier3A_145 = arith.constant 0 : index
    tpu.barrier barrier_id(%barrier3A_145)
    %mul3A_146 = arith.constant 640 : i32
    %mul3A_147 = arith.muli %arg1, %mul3A_146 : i32
    %mul3A_148 = arith.constant 640 : i32
    %mul3A_149 = arith.muli %arg1, %mul3A_148 : i32
    "tpu.region"() ({
      %run_scoped3A = tpu.sem_alloc : memref<!tpu.dma_semaphore, #tpu.memory_space<semaphore_mem>>
      %dma_start3A_150 = arith.constant 0 : i32
      %dma_start3A_151 = tpu.memref_slice %arg5[%arg0, %mul3A_149, %dma_start3A_150] : memref<2x10240x128xf32, #tpu.memory_space<hbm>> -> memref<1x640x128xf32, #tpu.memory_space<hbm>>
      %dma_start3A_152 = tpu.memref_squeeze %dma_start3A_151 : memref<1x640x128xf32, #tpu.memory_space<hbm>> -> memref<640x128xf32, #tpu.memory_space<hbm>>
      %dma_start3A_153 = arith.constant 0 : i32
      %dma_start3A_154 = tpu.memref_slice %arg24[%mul3A_147, %dma_start3A_153] : memref<10240x128xf32, #tpu.memory_space<vmem_shared>> -> memref<640x128xf32, #tpu.memory_space<vmem_shared>>
      tpu.enqueue_dma source(%dma_start3A_154 : memref<640x128xf32, #tpu.memory_space<vmem_shared>>) target(%dma_start3A_152 : memref<640x128xf32, #tpu.memory_space<hbm>>) target_semaphore(%run_scoped3A : memref<!tpu.dma_semaphore, #tpu.memory_space<semaphore_mem>>)
      %dma_wait3A_155 = arith.constant 0 : i32
      %dma_wait3A_156 = tpu.memref_slice %arg5[%arg0, %mul3A_149, %dma_wait3A_155] : memref<2x10240x128xf32, #tpu.memory_space<hbm>> -> memref<1x640x128xf32, #tpu.memory_space<hbm>>
      %dma_wait3A_157 = tpu.memref_squeeze %dma_wait3A_156 : memref<1x640x128xf32, #tpu.memory_space<hbm>> -> memref<640x128xf32, #tpu.memory_space<hbm>>
      %dma_wait3A_158 = arith.constant 0 : i32
      %dma_wait3A_159 = tpu.memref_slice %arg24[%mul3A_147, %dma_wait3A_158] : memref<10240x128xf32, #tpu.memory_space<vmem_shared>> -> memref<640x128xf32, #tpu.memory_space<vmem_shared>>
      tpu.wait_dma2 semaphore(%run_scoped3A : memref<!tpu.dma_semaphore, #tpu.memory_space<semaphore_mem>>) src(%dma_wait3A_159 : memref<640x128xf32, #tpu.memory_space<vmem_shared>>) dst(%dma_wait3A_157 : memref<640x128xf32, #tpu.memory_space<hbm>>)
      tpu.yield
    }) : () -> ()
    return
  }
}

module attributes {stable_mosaic.version = 14 : i64} {
  func.func @_tc_mid_body(%arg0: memref<2x10240x128xf32, #tpu.memory_space<vmem>>, %arg1: memref<10000x128xf32, #tpu.memory_space<vmem>>, %arg2: memref<10000x1xf32, #tpu.memory_space<vmem>>, %arg3: memref<1x128xf32, #tpu.memory_space<vmem>>, %arg4: memref<1x128xf32, #tpu.memory_space<vmem>>, %arg5: memref<1x128xf32, #tpu.memory_space<vmem>>, %arg6: memref<128x128xf32, #tpu.memory_space<vmem>>, %arg7: memref<10000x128xf32, #tpu.memory_space<vmem>>) attributes {dimension_semantics = [], scalar_prefetch = 0 : i64, scratch_operands = 0 : i64, tpu.core_type = #tpu.core_type<tc>} {
    %get3A = arith.constant 0 : index
    %get3A_0 = arith.constant 0 : index
    %get3A_1 = vector.load %arg2[%get3A, %get3A_0] : memref<10000x1xf32, #tpu.memory_space<vmem>>, vector<10000x1xf32>
    %get3A_2 = arith.constant 0 : index
    %get3A_3 = arith.constant 0 : index
    %get3A_4 = arith.constant 0 : index
    %get3A_5 = vector.load %arg0[%get3A_2, %get3A_3, %get3A_4] : memref<2x10240x128xf32, #tpu.memory_space<vmem>>, vector<1x10000x128xf32>
    %get3A_6 = vector.shape_cast %get3A_5 : vector<1x10000x128xf32> to vector<10000x128xf32>
    %get3A_7 = arith.constant 1 : index
    %get3A_8 = arith.constant 0 : index
    %get3A_9 = arith.constant 0 : index
    %get3A_10 = vector.load %arg0[%get3A_7, %get3A_8, %get3A_9] : memref<2x10240x128xf32, #tpu.memory_space<vmem>>, vector<1x10000x128xf32>
    %get3A_11 = vector.shape_cast %get3A_10 : vector<1x10000x128xf32> to vector<10000x128xf32>
    %add3A = arith.addf %get3A_6, %get3A_11 : vector<10000x128xf32>
    %get3A_12 = arith.constant 0 : index
    %get3A_13 = arith.constant 0 : index
    %get3A_14 = vector.load %arg1[%get3A_12, %get3A_13] : memref<10000x128xf32, #tpu.memory_space<vmem>>, vector<10000x128xf32>
    %add3A_15 = arith.addf %add3A, %get3A_14 : vector<10000x128xf32>
    %mul3A = vector.broadcast %get3A_1 : vector<10000x1xf32> to vector<10000x128xf32>
    %mul3A_16 = arith.mulf %add3A_15, %mul3A : vector<10000x128xf32>
    %get3A_17 = arith.constant 0 : index
    %get3A_18 = arith.constant 0 : index
    %get3A_19 = vector.load %arg3[%get3A_17, %get3A_18] : memref<1x128xf32, #tpu.memory_space<vmem>>, vector<1x128xf32>
    %add3A_20 = vector.broadcast %get3A_19 : vector<1x128xf32> to vector<10000x128xf32>
    %add3A_21 = arith.addf %mul3A_16, %add3A_20 : vector<10000x128xf32>
    %reduce_sum3A = arith.constant dense<0.000000e+00> : vector<128xf32>
    %reduce_sum3A_22 = vector.multi_reduction <add>, %add3A_21, %reduce_sum3A [0] : vector<10000x128xf32> to vector<128xf32>
    %broadcast_in_dim3A = vector.shape_cast %reduce_sum3A_22 : vector<128xf32> to vector<1x128xf32>
    %div3A = arith.constant 1.000000e+04 : f32
    %div3A_23 = vector.broadcast %div3A : f32 to vector<1x128xf32>
    %div3A_24 = arith.divf %broadcast_in_dim3A, %div3A_23 : vector<1x128xf32>
    %sub3A = vector.broadcast %div3A_24 : vector<1x128xf32> to vector<10000x128xf32>
    %sub3A_25 = arith.subf %add3A_21, %sub3A : vector<10000x128xf32>
    %mul3A_26 = arith.mulf %sub3A_25, %sub3A_25 : vector<10000x128xf32>
    %reduce_sum3A_27 = arith.constant dense<0.000000e+00> : vector<128xf32>
    %reduce_sum3A_28 = vector.multi_reduction <add>, %mul3A_26, %reduce_sum3A_27 [0] : vector<10000x128xf32> to vector<128xf32>
    %broadcast_in_dim3A_29 = vector.shape_cast %reduce_sum3A_28 : vector<128xf32> to vector<1x128xf32>
    %div3A_30 = arith.constant 1.000000e+04 : f32
    %div3A_31 = vector.broadcast %div3A_30 : f32 to vector<1x128xf32>
    %div3A_32 = arith.divf %broadcast_in_dim3A_29, %div3A_31 : vector<1x128xf32>
    %add3A_33 = arith.constant 9.99999974E-6 : f32
    %add3A_34 = vector.broadcast %add3A_33 : f32 to vector<1x128xf32>
    %add3A_35 = arith.addf %div3A_32, %add3A_34 : vector<1x128xf32>
    %rsqrt3A = math.rsqrt %add3A_35 : vector<1x128xf32>
    %mul3A_36 = vector.broadcast %rsqrt3A : vector<1x128xf32> to vector<10000x128xf32>
    %mul3A_37 = arith.mulf %sub3A_25, %mul3A_36 : vector<10000x128xf32>
    %get3A_38 = arith.constant 0 : index
    %get3A_39 = arith.constant 0 : index
    %get3A_40 = vector.load %arg4[%get3A_38, %get3A_39] : memref<1x128xf32, #tpu.memory_space<vmem>>, vector<1x128xf32>
    %mul3A_41 = vector.broadcast %get3A_40 : vector<1x128xf32> to vector<10000x128xf32>
    %mul3A_42 = arith.mulf %mul3A_37, %mul3A_41 : vector<10000x128xf32>
    %get3A_43 = arith.constant 0 : index
    %get3A_44 = arith.constant 0 : index
    %get3A_45 = vector.load %arg5[%get3A_43, %get3A_44] : memref<1x128xf32, #tpu.memory_space<vmem>>, vector<1x128xf32>
    %add3A_46 = vector.broadcast %get3A_45 : vector<1x128xf32> to vector<10000x128xf32>
    %add3A_47 = arith.addf %mul3A_42, %add3A_46 : vector<10000x128xf32>
    %max3A = arith.constant 0.000000e+00 : f32
    %max3A_48 = vector.broadcast %max3A : f32 to vector<10000x128xf32>
    %max3A_49 = arith.maximumf %add3A_47, %max3A_48 : vector<10000x128xf32>
    %get3A_50 = arith.constant 0 : index
    %get3A_51 = arith.constant 0 : index
    %get3A_52 = vector.load %arg6[%get3A_50, %get3A_51] : memref<128x128xf32, #tpu.memory_space<vmem>>, vector<128x128xf32>
    %dot_general3A = arith.constant dense<0.000000e+00> : vector<10000x128xf32>
    %dot_general3A_53 = tpu.matmul %max3A_49, %get3A_52, %dot_general3A {dimension_numbers = #tpu.dot_dimension_numbers<[1], [0], [0], [1], [0, 0, 1, 1], [], []>, transpose_lhs_hint = false} : vector<10000x128xf32>, vector<128x128xf32>, vector<10000x128xf32> -> vector<10000x128xf32>
    %mul3A_54 = vector.broadcast %get3A_1 : vector<10000x1xf32> to vector<10000x128xf32>
    %mul3A_55 = arith.mulf %dot_general3A_53, %mul3A_54 : vector<10000x128xf32>
    %swap3A = arith.constant 0 : index
    %swap3A_56 = arith.constant 0 : index
    %swap3A_57 = vector.load %arg7[%swap3A, %swap3A_56] : memref<10000x128xf32, #tpu.memory_space<vmem>>, vector<10000x128xf32>
    tpu.vector_store %arg7[%swap3A, %swap3A_56], %mul3A_55 {strides = array<i32>} : memref<10000x128xf32, #tpu.memory_space<vmem>>, vector<10000x128xf32>,
    return
  }
}

module attributes {stable_mosaic.version = 14 : i64} {
  func.func @_tc_first_body(%arg0: memref<10000x128xf32, #tpu.memory_space<vmem>>, %arg1: memref<128x128xf32, #tpu.memory_space<vmem>>, %arg2: memref<32x1x10240xf32, #tpu.memory_space<vmem>>, %arg3: memref<10000x128xf32, #tpu.memory_space<vmem>>, %arg4: memref<10000x1xf32, #tpu.memory_space<vmem>>) attributes {dimension_semantics = [], scalar_prefetch = 0 : i64, scratch_operands = 0 : i64, tpu.core_type = #tpu.core_type<tc>} {
    %get3A = arith.constant 0 : index
    %get3A_0 = arith.constant 0 : index
    %get3A_1 = arith.constant 0 : index
    %get3A_2 = vector.load %arg2[%get3A, %get3A_0, %get3A_1] : memref<32x1x10240xf32, #tpu.memory_space<vmem>>, vector<32x1x10000xf32>
    %get3A_3 = vector.shape_cast %get3A_2 : vector<32x1x10000xf32> to vector<32x10000xf32>
    %reduce_sum3A = arith.constant dense<0.000000e+00> : vector<10000xf32>
    %reduce_sum3A_4 = vector.multi_reduction <add>, %get3A_3, %reduce_sum3A [0] : vector<32x10000xf32> to vector<10000xf32>
    %broadcast_in_dim3A = vector.shape_cast %reduce_sum3A_4 : vector<10000xf32> to vector<1x10000xf32>
    %add3A = arith.constant 1.000000e+00 : f32
    %add3A_5 = vector.broadcast %add3A : f32 to vector<1x10000xf32>
    %add3A_6 = arith.addf %broadcast_in_dim3A, %add3A_5 : vector<1x10000xf32>
    %rsqrt3A = math.rsqrt %add3A_6 : vector<1x10000xf32>
    %reshape3A = vector.shape_cast %rsqrt3A : vector<1x10000xf32> to vector<10000x1xf32>
    %swap3A = arith.constant 0 : index
    %swap3A_7 = arith.constant 0 : index
    %swap3A_8 = vector.load %arg4[%swap3A, %swap3A_7] : memref<10000x1xf32, #tpu.memory_space<vmem>>, vector<10000x1xf32>
    tpu.vector_store %arg4[%swap3A, %swap3A_7], %reshape3A {strides = array<i32>} : memref<10000x1xf32, #tpu.memory_space<vmem>>, vector<10000x1xf32>,
    %get3A_9 = arith.constant 0 : index
    %get3A_10 = arith.constant 0 : index
    %get3A_11 = vector.load %arg0[%get3A_9, %get3A_10] : memref<10000x128xf32, #tpu.memory_space<vmem>>, vector<10000x128xf32>
    %get3A_12 = arith.constant 0 : index
    %get3A_13 = arith.constant 0 : index
    %get3A_14 = vector.load %arg1[%get3A_12, %get3A_13] : memref<128x128xf32, #tpu.memory_space<vmem>>, vector<128x128xf32>
    %dot_general3A = arith.constant dense<0.000000e+00> : vector<10000x128xf32>
    %dot_general3A_15 = tpu.matmul %get3A_11, %get3A_14, %dot_general3A {dimension_numbers = #tpu.dot_dimension_numbers<[1], [0], [0], [1], [0, 0, 1, 1], [], []>, transpose_lhs_hint = false} : vector<10000x128xf32>, vector<128x128xf32>, vector<10000x128xf32> -> vector<10000x128xf32>
    %mul3A = vector.broadcast %reshape3A : vector<10000x1xf32> to vector<10000x128xf32>
    %mul3A_16 = arith.mulf %dot_general3A_15, %mul3A : vector<10000x128xf32>
    %swap3A_17 = arith.constant 0 : index
    %swap3A_18 = arith.constant 0 : index
    %swap3A_19 = vector.load %arg3[%swap3A_17, %swap3A_18] : memref<10000x128xf32, #tpu.memory_space<vmem>>, vector<10000x128xf32>
    tpu.vector_store %arg3[%swap3A_17, %swap3A_18], %mul3A_16 {strides = array<i32>} : memref<10000x128xf32, #tpu.memory_space<vmem>>, vector<10000x128xf32>,
    return
  }
}

module attributes {stable_mosaic.version = 14 : i64} {
  func.func @_tc_last_body(%arg0: memref<2x10240x128xf32, #tpu.memory_space<vmem>>, %arg1: memref<10000x128xf32, #tpu.memory_space<vmem>>, %arg2: memref<10000x1xf32, #tpu.memory_space<vmem>>, %arg3: memref<1x128xf32, #tpu.memory_space<vmem>>, %arg4: memref<1x128xf32, #tpu.memory_space<vmem>>, %arg5: memref<1x128xf32, #tpu.memory_space<vmem>>, %arg6: memref<10000x128xf32, #tpu.memory_space<vmem>>) attributes {dimension_semantics = [], scalar_prefetch = 0 : i64, scratch_operands = 0 : i64, tpu.core_type = #tpu.core_type<tc>} {
    %get3A = arith.constant 0 : index
    %get3A_0 = arith.constant 0 : index
    %get3A_1 = arith.constant 0 : index
    %get3A_2 = vector.load %arg0[%get3A, %get3A_0, %get3A_1] : memref<2x10240x128xf32, #tpu.memory_space<vmem>>, vector<1x10000x128xf32>
    %get3A_3 = vector.shape_cast %get3A_2 : vector<1x10000x128xf32> to vector<10000x128xf32>
    %get3A_4 = arith.constant 1 : index
    %get3A_5 = arith.constant 0 : index
    %get3A_6 = arith.constant 0 : index
    %get3A_7 = vector.load %arg0[%get3A_4, %get3A_5, %get3A_6] : memref<2x10240x128xf32, #tpu.memory_space<vmem>>, vector<1x10000x128xf32>
    %get3A_8 = vector.shape_cast %get3A_7 : vector<1x10000x128xf32> to vector<10000x128xf32>
    %add3A = arith.addf %get3A_3, %get3A_8 : vector<10000x128xf32>
    %get3A_9 = arith.constant 0 : index
    %get3A_10 = arith.constant 0 : index
    %get3A_11 = vector.load %arg1[%get3A_9, %get3A_10] : memref<10000x128xf32, #tpu.memory_space<vmem>>, vector<10000x128xf32>
    %add3A_12 = arith.addf %add3A, %get3A_11 : vector<10000x128xf32>
    %get3A_13 = arith.constant 0 : index
    %get3A_14 = arith.constant 0 : index
    %get3A_15 = vector.load %arg2[%get3A_13, %get3A_14] : memref<10000x1xf32, #tpu.memory_space<vmem>>, vector<10000x1xf32>
    %mul3A = vector.broadcast %get3A_15 : vector<10000x1xf32> to vector<10000x128xf32>
    %mul3A_16 = arith.mulf %add3A_12, %mul3A : vector<10000x128xf32>
    %get3A_17 = arith.constant 0 : index
    %get3A_18 = arith.constant 0 : index
    %get3A_19 = vector.load %arg3[%get3A_17, %get3A_18] : memref<1x128xf32, #tpu.memory_space<vmem>>, vector<1x128xf32>
    %add3A_20 = vector.broadcast %get3A_19 : vector<1x128xf32> to vector<10000x128xf32>
    %add3A_21 = arith.addf %mul3A_16, %add3A_20 : vector<10000x128xf32>
    %reduce_sum3A = arith.constant dense<0.000000e+00> : vector<128xf32>
    %reduce_sum3A_22 = vector.multi_reduction <add>, %add3A_21, %reduce_sum3A [0] : vector<10000x128xf32> to vector<128xf32>
    %broadcast_in_dim3A = vector.shape_cast %reduce_sum3A_22 : vector<128xf32> to vector<1x128xf32>
    %div3A = arith.constant 1.000000e+04 : f32
    %div3A_23 = vector.broadcast %div3A : f32 to vector<1x128xf32>
    %div3A_24 = arith.divf %broadcast_in_dim3A, %div3A_23 : vector<1x128xf32>
    %sub3A = vector.broadcast %div3A_24 : vector<1x128xf32> to vector<10000x128xf32>
    %sub3A_25 = arith.subf %add3A_21, %sub3A : vector<10000x128xf32>
    %mul3A_26 = arith.mulf %sub3A_25, %sub3A_25 : vector<10000x128xf32>
    %reduce_sum3A_27 = arith.constant dense<0.000000e+00> : vector<128xf32>
    %reduce_sum3A_28 = vector.multi_reduction <add>, %mul3A_26, %reduce_sum3A_27 [0] : vector<10000x128xf32> to vector<128xf32>
    %broadcast_in_dim3A_29 = vector.shape_cast %reduce_sum3A_28 : vector<128xf32> to vector<1x128xf32>
    %div3A_30 = arith.constant 1.000000e+04 : f32
    %div3A_31 = vector.broadcast %div3A_30 : f32 to vector<1x128xf32>
    %div3A_32 = arith.divf %broadcast_in_dim3A_29, %div3A_31 : vector<1x128xf32>
    %add3A_33 = arith.constant 9.99999974E-6 : f32
    %add3A_34 = vector.broadcast %add3A_33 : f32 to vector<1x128xf32>
    %add3A_35 = arith.addf %div3A_32, %add3A_34 : vector<1x128xf32>
    %rsqrt3A = math.rsqrt %add3A_35 : vector<1x128xf32>
    %mul3A_36 = vector.broadcast %rsqrt3A : vector<1x128xf32> to vector<10000x128xf32>
    %mul3A_37 = arith.mulf %sub3A_25, %mul3A_36 : vector<10000x128xf32>
    %get3A_38 = arith.constant 0 : index
    %get3A_39 = arith.constant 0 : index
    %get3A_40 = vector.load %arg4[%get3A_38, %get3A_39] : memref<1x128xf32, #tpu.memory_space<vmem>>, vector<1x128xf32>
    %mul3A_41 = vector.broadcast %get3A_40 : vector<1x128xf32> to vector<10000x128xf32>
    %mul3A_42 = arith.mulf %mul3A_37, %mul3A_41 : vector<10000x128xf32>
    %get3A_43 = arith.constant 0 : index
    %get3A_44 = arith.constant 0 : index
    %get3A_45 = vector.load %arg5[%get3A_43, %get3A_44] : memref<1x128xf32, #tpu.memory_space<vmem>>, vector<1x128xf32>
    %add3A_46 = vector.broadcast %get3A_45 : vector<1x128xf32> to vector<10000x128xf32>
    %add3A_47 = arith.addf %mul3A_42, %add3A_46 : vector<10000x128xf32>
    %swap3A = arith.constant 0 : index
    %swap3A_48 = arith.constant 0 : index
    %swap3A_49 = vector.load %arg6[%swap3A, %swap3A_48] : memref<10000x128xf32, #tpu.memory_space<vmem>>, vector<10000x128xf32>
    tpu.vector_store %arg6[%swap3A, %swap3A_48], %add3A_47 {strides = array<i32>} : memref<10000x128xf32, #tpu.memory_space<vmem>>, vector<10000x128xf32>,
    return
  }
}

</mosaic_0001>

<sc_bundles>
// kernel: kernel.10.cloned.1.call-start
scs
__scs_entry_jumppad:
0x0: {  	(pc) =	sbr.rel $0x88, $3  }
0x1: {  	(tag) =	ssettag $0x0;
	lr =	simm.s32 $0x1  }
0x2: {  	[smem:$0x3F93] =	sst lr;
	_ =	strace $0xD0000000  }
0x3: {  	_ = 	snop  }
0x4: {  	_ = 	snop  }
0x5: {  	_ = 	snop  }
0x6: {  	_ = 	snop  }
0x7: {  	_ = 	snop  }
__scs_overlays_trampoline_lowered:
0x8: {  	[smem:$0x3FA2] =	sst s0  }
0x9: {  	[smem:$0x3FA3] =	sst s1  }
0xa: {  	[smem:$0x3FA4] =	sst s2  }
0xb: {  	[smem:$0x3FA5] =	sst s3  }
0xc: {  	[smem:$0x3FA6] =	sst s4  }
0xd: {  	[smem:$0x3FA7] =	sst s5  }
0xe: {  	[smem:$0x3FA8] =	sst s6  }
0xf: {  	[smem:$0x3FA9] =	sst s7  }
0x10: {  	[smem:$0x3FAA] =	sst s8  }
0x11: {  	[smem:$0x3FAB] =	sst s9;
	s0 =	simm.s32 @!p0 $0x0  }
0x12: {  	s1 =	sld [smem:$0x3F91];
	s0 =	simm.s32 @p0 $0x1  }
0x13: {  	[smem:$0x3FAC] =	sst s0;
	s0 =	simm.s32 @!p1 $0x0  }
0x14: {  	s2 =	sld [smem:$0x3F90];
	s0 =	simm.s32 @p1 $0x1  }
0x15: {  	[smem:$0x3FAD] =	sst s0;
	s0 =	simm.s32 @!p2 $0x0  }
0x16: {  	s3 =	sld [smem:$0x3FDB];
	s0 =	simm.s32 @p2 $0x1  }
0x17: {  	s4 =	simm.s32 $0x1BF5;
	[smem:$0x3FAF] =	sst s0  }
0x18: {  	s0 =	sld [smem:$0x3F92];
	_ =	swait.ge [sflag:s4], $0x0  }
0x19: {  	s7 =	sld [smem:$0x3F93]  }
0x1a: {  	s8 =	sadd.s32 $0xFFFFE003, lr  }
0x1b: {  	s9 =	sadd.s32 $0xFFFFFEF7, lr;
	s5 =	simm.s32 $0xFFFFFFFF;
	p2 =	slt.u32 s8, $0xFFFFF086  }
0x1c: {  	p1 =	slt.u32 s9, $0xF7A;
	s5 =	simm.s32 @!p2 $0x0  }
0x1d: {  	s5 =	simm.s32 @p1 $0x1;
	p0 =	seq.s32 s7, s2  }
0x1e: {  	s7 =	smul.u32 @!p0 $0xF7A, s2;
	p2 =	seq.s32 @!p0 s5, $0x0  }
0x1f: {  	s9 =	smul.u32 $0xF7A, s1;
	s8 =	simm.s32 @!p0 $0x1BF5;
	p2 =	por !p2, p0  }
0x20: {  	[sflag:s8] =	ssyncset.s32 @!p0 $0xFFFFF086;
	s6 =	sadd.s32 @!p0 s3, s7;
	s7 =	simm.s32 @!p0 $0x108  }
0x21: {  	s3 =	sadd.s32 s3, s9;
	s6 =	sadd.s32 @!p0 $0x88, s6;
	s7 =	simm.s32 @p2 $0x1082  }
0x22: {  	[simem:s7], [sflag:s8] =	dma.local @!p0 [hbm:s6], $0xF7A  }
0x23: {  	s9 =	sor.u32 $0xD0000000, s2;
	s6 =	simm.s32 $0x108;
	_ =	swait.ge @!p0 [sflag:s8], $0x0  }
0x24: {  	s3 =	sadd.s32 $0x88, s3;
	s6 =	simm.s32 @!p1 $0x1082;
	[sflag:s4] =	ssyncset.s32 $0xFFFFF086  }
0x25: {  	[simem:s6], [sflag:s4] =	dma.local [hbm:s3], $0xF7A  }
0x26: {  	[smem:$0x3F93] =	sst s1;
	(tag) =	ssettag s2;
	_ =	strace s9  }
0x27: {  	s1 =	sld [smem:$0x3FA3]  }
0x28: {  	s2 =	sld [smem:$0x3FA4]  }
0x29: {  	s4 =	sld [smem:$0x3FA6]  }
0x2a: {  	p0 =	seq.s32 s5, $0x0;
	s5 =	sld [smem:$0x3FA7]  }
0x2b: {  	s6 =	sld [smem:$0x3FA8]  }
0x2c: {  	s7 =	sld [smem:$0x3FA9]  }
0x2d: {  	s3 =	simm.s32 $0x108;
	s8 =	sld [smem:$0x3FAA]  }
0x2e: {  	s3 =	simm.s32 @!p0 $0x1082;
	s9 =	sld [smem:$0x3FAB]  }
0x2f: {  	lr =	sadd.s32 s0, s3;
	s0 =	sld [smem:$0x3FA2]  }
0x30: {  	s3 =	sld [smem:$0x3FA5]  }
0x31: {  	[smem:$0x3FAE] =	sst s10  }
0x32: {  	s10 =	sld [smem:$0x3FAC];
	_ =	sdelay $0x3  }
0x33: {  	p0 =	seq.s32 s10, $0x1;
	s10 =	sld [smem:$0x3FAE];
	_ =	sdelay $0x3  }
0x34: {  	[smem:$0x3FAE] =	sst s10  }
0x35: {  	s10 =	sld [smem:$0x3FAD];
	_ =	sdelay $0x3  }
0x36: {  	p1 =	seq.s32 s10, $0x1;
	s10 =	sld [smem:$0x3FAE];
	_ =	sdelay $0x3  }
0x37: {  	[smem:$0x3FAE] =	sst s10  }
0x38: {  	s10 =	sld [smem:$0x3FAF]  }
0x39: {  	_ = 	snop;
	(pc) =	sbr.ind lr, $3  }
0x3a: {  	_ = 	snop  }
0x3b: {  	_ = 	snop  }
0x3c: {  	p2 =	seq.s32 s10, $0x1;
	s10 =	sld [smem:$0x3FAE]  }
0x3d: {  	_ =	shalt  }
0x3e: {  	_ =	shalt  }
0x3f: {  	_ =	shalt  }
0x40: {  	_ =	shalt  }
0x41: {  	_ =	shalt  }
0x42: {  	_ =	shalt  }
0x43: {  	_ =	shalt  }
0x44: {  	_ =	shalt  }
0x45: {  	_ =	shalt  }
0x46: {  	_ =	shalt  }
0x47: {  	_ =	shalt  }
0x48: {  	_ =	shalt  }
0x49: {  	_ =	shalt  }
0x4a: {  	_ =	shalt  }
0x4b: {  	_ =	shalt  }
0x4c: {  	_ =	shalt  }
0x4d: {  	_ =	shalt  }
0x4e: {  	_ =	shalt  }
0x4f: {  	_ =	shalt  }
0x50: {  	_ =	shalt  }
0x51: {  	_ =	shalt  }
0x52: {  	_ =	shalt  }
0x53: {  	_ =	shalt  }
0x54: {  	_ =	shalt  }
0x55: {  	_ =	shalt  }
0x56: {  	_ =	shalt  }
0x57: {  	_ =	shalt  }
0x58: {  	_ =	shalt  }
0x59: {  	_ =	shalt  }
0x5a: {  	_ =	shalt  }
0x5b: {  	_ =	shalt  }
0x5c: {  	_ =	shalt  }
0x5d: {  	_ =	shalt  }
0x5e: {  	_ =	shalt  }
0x5f: {  	_ =	shalt  }
0x60: {  	_ =	shalt  }
0x61: {  	_ =	shalt  }
0x62: {  	_ =	shalt  }
0x63: {  	_ =	shalt  }
0x64: {  	_ =	shalt  }
0x65: {  	_ =	shalt  }
0x66: {  	_ =	shalt  }
0x67: {  	_ =	shalt  }
0x68: {  	_ =	shalt  }
0x69: {  	_ =	shalt  }
0x6a: {  	_ =	shalt  }
0x6b: {  	_ =	shalt  }
0x6c: {  	_ =	shalt  }
0x6d: {  	_ =	shalt  }
0x6e: {  	_ =	shalt  }
0x6f: {  	_ =	shalt  }
0x70: {  	_ =	shalt  }
0x71: {  	_ =	shalt  }
0x72: {  	_ =	shalt  }
0x73: {  	_ =	shalt  }
0x74: {  	_ =	shalt  }
0x75: {  	_ =	shalt  }
0x76: {  	_ =	shalt  }
0x77: {  	_ =	shalt  }
0x78: {  	_ =	shalt  }
0x79: {  	_ =	shalt  }
0x7a: {  	_ =	shalt  }
0x7b: {  	_ =	shalt  }
0x7c: {  	_ =	shalt  }
0x7d: {  	_ =	shalt  }
0x7e: {  	_ =	shalt  }
0x7f: {  	_ =	shalt  }
0x80: {  	_ =	shalt  }
0x81: {  	_ =	shalt  }
0x82: {  	_ =	shalt  }
0x83: {  	_ =	shalt  }
0x84: {  	_ =	shalt  }
0x85: {  	_ =	shalt  }
0x86: {  	_ =	shalt  }
0x87: {  	_ =	shalt  }
.Lfunc_end0:
.L_simem_size_0:
called_computation_lowered:
.L_overlay_start_0:
0x88: {  	s2 =	sld [smem:$0x3FD9]  }
0x89: {  	s3 =	sld [smem:$0x3FFE];
	_ =	sdelay $0x1  }
0x8a: {  	s1 =	srdreg.scid  }
0x8b: {  	s0 =	sand.u32 $0x1, s1  }
0x8c: {  	s17 =	sshll.u32 s0, $0xA;
	s2 =	sadd.s32 s3, s2  }
0x8d: {  	s2 =	sadd.s32 s2, s17  }
0x8e: {  	[smem:$0x3FBA] =	sst s2  }
0x8f: {  	_ = 	snop  }
0x90: {  	s2 =	sld [smem:$0x3FD0];
	(tm) =	ssettm $0x1  }
0x91: {  	s18 =	sld [smem:$0x3FFB];
	_ =	sdelay $0x3  }
0x92: {  	_ =	strace s18  }
0x93: {  	s3 =	sld [smem:$0x3FFC];
	_ =	sdelay $0x3  }
0x94: {  	_ =	strace s3  }
0x95: {  	s3 =	sld [smem:$0x3FFD];
	_ =	sdelay $0x3  }
0x96: {  	_ =	strace s3  }
0x97: {  	_ =	strace $0x8FFFFFFF  }
0x98: {  	s19 =	sld [smem:$0x3FDB];
	_ =	sdelay $0x1  }
0x99: {  	s4 =	simm.s32 $_scs_section_size  }
0x9a: {  	s5 =	simm.s32 $_size__tile_overlayer_lowered;
	s6 =	simm.s32 $_tile_overlayer_lowered  }
0x9b: {  	s22 =	simm.s32 $0x1BFF;
	s21 =	sshll.u32 s6, $0x1;
	s3 =	sadd.s32 s4, s19  }
0x9c: {  	s7 =	simm.s32 $0x0;
	s20 =	sshll.u32 s5, $0x1;
	s5 =	sadd.s32 s21, s3  }
0x9d: {  	[timem:s7], [sflag:s22] =	dma.local [hbm:s5], s20  }
0x9e: {  	_ =	swait.ge [sflag:s22], s20  }
0x9f: {  	s4 =	ssub.s32 $0x0, s20;
	[sflag:s22] =	ssyncset.done $0x0  }
0xa0: {  	[sflag:s22] =	ssyncadd.s32 s4;
	_ =	sdelay $0x1  }
0xa1: {  	s23 =	simm.s32 $0x1B8B  }
0xa2: {  	_ =	swait.ge [sflag:s23], $0x1  }
0xa3: {  	[sflag:s23] =	ssyncset.done $0x0  }
0xa4: {  	s25 =	simm.s32 $0x1B8E;
	s24 =	sld [smem:$0x3FFE];
	[sflag:s23] =	ssyncadd.s32 $0xFFFFFFFF  }
0xa5: {  	s26 =	simm.s32 $execute0_lowered;
	[smem:$0x3FD2] =	sst s25  }
0xa6: {  	s5 =	sshll.u32 s26, $0x1;
	_ =	strace $0x80000046;
	[dreg:$0x1] =	wrdreg $0xFFFFFFFF  }
0xa7: {  	s28 =	simm.s32 $_size_execute0_lowered;
	s3 =	sadd.s32 s3, s5;
	[dreg:$0x0] =	wrdreg $0x0  }
0xa8: {  	s5 =	sshll.u32 s28, $0x1;
	[dreg:$0x2] =	wrdreg s3  }
0xa9: {  	[dreg:$0x3] =	wrdreg s5  }
0xaa: {  	[dreg:$0x4] =	wrdreg $0xC0  }
0xab: {  	_ =	task [dreg:s7], $0x5FFFF  }
0xac: {  	[dreg:$0x1] =	wrdreg $0xFFFFFFFF  }
0xad: {  	[dreg:$0x0] =	wrdreg $0x60  }
0xae: {  	[dreg:$0x2] =	wrdreg s24  }
0xaf: {  	[dreg:$0x3] =	wrdreg s2  }
0xb0: {  	[dreg:$0x4] =	wrdreg $0x9  }
0xb1: {  	_ =	task.clear_ibuf [dreg:s7], $0x5FFFF;
	_ =	strace $0x90000046  }
0xb2: {  	s29 =	simm.s32 $0x9;
	_ =	strace $0x80000048  }
0xb3: {  	_ =	swait.ge [sflag:s29], $0x1  }
0xb4: {  	[sflag:s29] =	ssyncadd.s32 $0xFFFFFFFF  }
0xb5: {  	_ =	strace $0x90000048  }
0xb6: {  	_ =	sfence  }
0xb7: {  	s30 =	sld [smem:$0x0];
	_ =	sdelay $0x2  }
0xb8: {  	s31 =	sshll.u32 s1, $0xD;
	s1 =	sshrl.u32 s1, $0x2  }
0xb9: {  	s3 =	sand.u32 $0x4000, s31;
	s1 =	sadd.s32 s1, s30  }
0xba: {  	s0 =	sor.u32 s3, s0;
	s1 =	sshll.u32 s1, $0x11  }
0xbb: {  	s0 =	sor.u32 s1, s0  }
0xbc: {  	s0 =	sadd.s32 $0x8F2B, s0  }
0xbd: {  	[sflag:s0] =	ssyncadd.remote.s32 $0x1  }
0xbe: {  	_ =	sfence.sel $0xFFFF  }
0xbf: {  	[dreg:$0x0] =	wrdreg $0xFFFFFFFF;
	(pc) =	sbr.abs _section_cstart, $3  }
0xc0: {  	[dreg:$0x1] =	wrdreg $0xFFFFFFFF  }
0xc1: {  	_ =	task.clear_ibuf [dreg:s7], $0x2FFFF;
	_ =	strace $0x9FFFFFFF  }
0xc2: {  	(tm) =	ssettm $0x7FFFFFFF  }
0xc3: {  	_ =	shalt  }
tec
execute0_lowered:
.L_overlay_start_1:
0x0: {  	(tag) =	ssettag $0x1  }
0x1: {  	s4 =	rddreg [dreg:$0x0];
	s1 =	srdreg.scid  }
0x2: {  	s0 =	stileid.u32;
	s5 =	rddreg [dreg:$0x1];
	s2 =	simm.s32 $0x0  }
0x3: {  	s3 =	sand.u32 $0x1, s1;
	s6 =	sshll.u32 s0, $0x1;
	s1 =	rddreg [dreg:$0x2]  }
0x4: {  	[smem:$0x7FF] =	sst s2;
	s6 =	sor.u32 s3, s6  }
0x5: {  	_ =	strace $0x80000047;
	s8 =	ssub.s32 $0x2, s3;
	s7 =	smul.u32 $0x2710, s6  }
0x6: {  	s3 =	sadd.s32 $0x17C00, s4;
	s9 =	sshrl.u32 s8, $0x1;
	s6 =	smul.u32 $0x500, s6  }
0x7: {  	s8 =	ssub.s32 s8, s9;
	s9 =	simm.s32 $0x0;
	s7 =	sshrl.u32 s7, $0x3  }
0x8: {  	s5 =	sadd.s32 s5, s6;
	s6 =	smax.u32 s8, $0x1;
	s4 =	sadd.s32 s4, s7  }
0x9: {  	v0 =	vimm.f32 $1.000000000e+00;
	s8 =	simm.s32 $0x2780;
	s7 =	simm.s32 $0x1;
	s4 =	sadd.s32 $0xDE40, s4  }
.LBB2_1:
0xa: {  	[tilespmem:s2], [sflag:$0x1] =	stream.linear.gather [hbm4b:s4+s2], $0x2710, $0x38;
	[tilespmem:$0x4F80] =	vst v63  }
0xb: {  	_ =	swait.ge [sflag:s7], $0x2710  }
0xc: {  	[sflag:s7] =	ssyncset.done $0x0  }
0xd: {  	[sflag:s7] =	ssyncadd.s32 $0xFFFFD8F0  }
0xe: {  	[tilespmem:s8], [sflag:$0x1] =	stream.linear.gather [hbm4b:s3+s2], $0x2800, $0x38;
	[tilespmem:$0x4F80] =	vst v63  }
0xf: {  	_ =	swait.ge [sflag:s7], $0x2800  }
0x10: {  	[sflag:s7] =	ssyncset.done $0x0  }
0x11: {  	s11 =	simm.s32 $0x0;
	s10 =	simm.s32 $0x40;
	[sflag:s7] =	ssyncadd.s32 $0xFFFFD800  }
.LBB2_2:
0x12: {  	p0 =	sne.s32 s10, $0x9C00;
	v1 =	vld [tilespmem:s11+$0x0];
	_ =	sdelay $0x3  }
.Ltmp0:
0x13: {  	(pc) =	sbr.rel @p0 .LBB2_2-.Ltmp0, $2  }
0x14: {  	_ =	sdelay $0x2  }
0x15: {  	s11 =	sshra.s32 s10, $0x2;
	s10 =	sadd.s32 $0x40, s10;
	[tilespmem:v1+s8+$0x0] =	vst.idx.add.f32.msk $0xffff, v0  }
0x16: {  	v1 =	vld [tilespmem:s11+$0x0];
	_ =	sdelay $0x5  }
0x17: {  	s9 =	sadd.s32 $0x1, s9  }
0x18: {  	p0 =	sne.s32 s9, s6  }
.Ltmp1:
0x19: {  	[tilespmem:v1+s8+$0x0] =	vst.idx.add.f32.msk $0xffff, v0;
	(pc) =	sbr.rel @p0 .LBB2_1-.Ltmp1, $4  }
0x1a: {  	[hbm4b:s5+s2] =	stream.linear.scatter [tilespmem:s8], [sflag:$0x1], $0x2800, $0x38;
	[tilespmem:$0x4F80] =	vst v63  }
0x1b: {  	_ =	swait.ge [sflag:s7], $0x2800  }
0x1c: {  	[sflag:s7] =	ssyncset.done $0x0  }
0x1d: {  	[sflag:s7] =	ssyncadd.s32 $0xFFFFD800  }
0x1e: {  	_ =	sfence.sel $0x180000  }
0x1f: {  	[bflag:$0x0] =	sbarrier.arrive $0xFFFF  }
0x20: {  	p0 =	sne.s32 s0, $0x0;
	_ =	strace $0x90000047  }
0x21: {  	s0 =	sadd.s32 @!p0 $0x100000, s1;
	[bflag:$0x2] =	sbarrier.arrive $0xFFFF  }
0x22: {  	[sflag:s0] =	ssyncadd.tile.s32 @!p0 $0x1;
	_ =	shalt  }
.Lfunc_end2:
_tile_overlayer_lowered:
.L_overlay_start_2:
0x23: {  	(tag) =	ssettag $0x2  }
0x24: {  	s0 =	rddreg [dreg:$0x0];
	s2 =	stileid.u32  }
0x25: {  	s1 =	rddreg [dreg:$0x1];
	p0 =	sne.s32 s2, $0x0  }
0x26: {  	s3 =	rddreg [dreg:$0x2];
	[bflag:$0x3] =	sbarrier.arrive $0xFFFF;
	s2 =	simm.s32 @!p0 $0x1C01  }
0x27: {  	[timem:s3], [sflag:s2] =	dma.local @!p0 [hbm:s0], s1  }
0x28: {  	s0 =	simm.s32 @!p0 $0x1  }
0x29: {  	_ =	swait.ge @!p0 [sflag:s0], s1  }
0x2a: {  	s1 =	ssub.s32 @!p0 $0x0, s1;
	[sflag:s0] =	ssyncset.done @!p0 $0x0  }
0x2b: {  	[sflag:s0] =	ssyncadd.s32 @!p0 s1  }
0x2c: {  	[bflag:$0x3] =	sbarrier.arrive $0xFFFF  }
0x2d: {  	_ =	shalt  }

// kernel: kernel.13.cloned.1.call-start
scs
__scs_entry_jumppad:
0x0: {  	(pc) =	sbr.rel $0x88, $3  }
0x1: {  	(tag) =	ssettag $0x0;
	lr =	simm.s32 $0x1  }
0x2: {  	[smem:$0x3F93] =	sst lr;
	_ =	strace $0xD0000000  }
0x3: {  	_ = 	snop  }
0x4: {  	_ = 	snop  }
0x5: {  	_ = 	snop  }
0x6: {  	_ = 	snop  }
0x7: {  	_ = 	snop  }
__scs_overlays_trampoline_lowered:
0x8: {  	[smem:$0x3FA2] =	sst s0  }
0x9: {  	[smem:$0x3FA3] =	sst s1  }
0xa: {  	[smem:$0x3FA4] =	sst s2  }
0xb: {  	[smem:$0x3FA5] =	sst s3  }
0xc: {  	[smem:$0x3FA6] =	sst s4  }
0xd: {  	[smem:$0x3FA7] =	sst s5  }
0xe: {  	[smem:$0x3FA8] =	sst s6  }
0xf: {  	[smem:$0x3FA9] =	sst s7  }
0x10: {  	[smem:$0x3FAA] =	sst s8  }
0x11: {  	[smem:$0x3FAB] =	sst s9;
	s0 =	simm.s32 @!p0 $0x0  }
0x12: {  	s1 =	sld [smem:$0x3F91];
	s0 =	simm.s32 @p0 $0x1  }
0x13: {  	[smem:$0x3FAC] =	sst s0;
	s0 =	simm.s32 @!p1 $0x0  }
0x14: {  	s2 =	sld [smem:$0x3F90];
	s0 =	simm.s32 @p1 $0x1  }
0x15: {  	[smem:$0x3FAD] =	sst s0;
	s0 =	simm.s32 @!p2 $0x0  }
0x16: {  	s3 =	sld [smem:$0x3FDB];
	s0 =	simm.s32 @p2 $0x1  }
0x17: {  	s4 =	simm.s32 $0x1BF5;
	[smem:$0x3FAF] =	sst s0  }
0x18: {  	s0 =	sld [smem:$0x3F92];
	_ =	swait.ge [sflag:s4], $0x0  }
0x19: {  	s7 =	sld [smem:$0x3F93]  }
0x1a: {  	s8 =	sadd.s32 $0xFFFFE003, lr  }
0x1b: {  	s9 =	sadd.s32 $0xFFFFFEF7, lr;
	s5 =	simm.s32 $0xFFFFFFFF;
	p2 =	slt.u32 s8, $0xFFFFF086  }
0x1c: {  	p1 =	slt.u32 s9, $0xF7A;
	s5 =	simm.s32 @!p2 $0x0  }
0x1d: {  	s5 =	simm.s32 @p1 $0x1;
	p0 =	seq.s32 s7, s2  }
0x1e: {  	s7 =	smul.u32 @!p0 $0xF7A, s2;
	p2 =	seq.s32 @!p0 s5, $0x0  }
0x1f: {  	s9 =	smul.u32 $0xF7A, s1;
	s8 =	simm.s32 @!p0 $0x1BF5;
	p2 =	por !p2, p0  }
0x20: {  	[sflag:s8] =	ssyncset.s32 @!p0 $0xFFFFF086;
	s6 =	sadd.s32 @!p0 s3, s7;
	s7 =	simm.s32 @!p0 $0x108  }
0x21: {  	s3 =	sadd.s32 s3, s9;
	s6 =	sadd.s32 @!p0 $0x88, s6;
	s7 =	simm.s32 @p2 $0x1082  }
0x22: {  	[simem:s7], [sflag:s8] =	dma.local @!p0 [hbm:s6], $0xF7A  }
0x23: {  	s9 =	sor.u32 $0xD0000000, s2;
	s6 =	simm.s32 $0x108;
	_ =	swait.ge @!p0 [sflag:s8], $0x0  }
0x24: {  	s3 =	sadd.s32 $0x88, s3;
	s6 =	simm.s32 @!p1 $0x1082;
	[sflag:s4] =	ssyncset.s32 $0xFFFFF086  }
0x25: {  	[simem:s6], [sflag:s4] =	dma.local [hbm:s3], $0xF7A  }
0x26: {  	[smem:$0x3F93] =	sst s1;
	(tag) =	ssettag s2;
	_ =	strace s9  }
0x27: {  	s1 =	sld [smem:$0x3FA3]  }
0x28: {  	s2 =	sld [smem:$0x3FA4]  }
0x29: {  	s4 =	sld [smem:$0x3FA6]  }
0x2a: {  	p0 =	seq.s32 s5, $0x0;
	s5 =	sld [smem:$0x3FA7]  }
0x2b: {  	s6 =	sld [smem:$0x3FA8]  }
0x2c: {  	s7 =	sld [smem:$0x3FA9]  }
0x2d: {  	s3 =	simm.s32 $0x108;
	s8 =	sld [smem:$0x3FAA]  }
0x2e: {  	s3 =	simm.s32 @!p0 $0x1082;
	s9 =	sld [smem:$0x3FAB]  }
0x2f: {  	lr =	sadd.s32 s0, s3;
	s0 =	sld [smem:$0x3FA2]  }
0x30: {  	s3 =	sld [smem:$0x3FA5]  }
0x31: {  	[smem:$0x3FAE] =	sst s10  }
0x32: {  	s10 =	sld [smem:$0x3FAC];
	_ =	sdelay $0x3  }
0x33: {  	p0 =	seq.s32 s10, $0x1;
	s10 =	sld [smem:$0x3FAE];
	_ =	sdelay $0x3  }
0x34: {  	[smem:$0x3FAE] =	sst s10  }
0x35: {  	s10 =	sld [smem:$0x3FAD];
	_ =	sdelay $0x3  }
0x36: {  	p1 =	seq.s32 s10, $0x1;
	s10 =	sld [smem:$0x3FAE];
	_ =	sdelay $0x3  }
0x37: {  	[smem:$0x3FAE] =	sst s10  }
0x38: {  	s10 =	sld [smem:$0x3FAF]  }
0x39: {  	_ = 	snop;
	(pc) =	sbr.ind lr, $3  }
0x3a: {  	_ = 	snop  }
0x3b: {  	_ = 	snop  }
0x3c: {  	p2 =	seq.s32 s10, $0x1;
	s10 =	sld [smem:$0x3FAE]  }
0x3d: {  	_ =	shalt  }
0x3e: {  	_ =	shalt  }
0x3f: {  	_ =	shalt  }
0x40: {  	_ =	shalt  }
0x41: {  	_ =	shalt  }
0x42: {  	_ =	shalt  }
0x43: {  	_ =	shalt  }
0x44: {  	_ =	shalt  }
0x45: {  	_ =	shalt  }
0x46: {  	_ =	shalt  }
0x47: {  	_ =	shalt  }
0x48: {  	_ =	shalt  }
0x49: {  	_ =	shalt  }
0x4a: {  	_ =	shalt  }
0x4b: {  	_ =	shalt  }
0x4c: {  	_ =	shalt  }
0x4d: {  	_ =	shalt  }
0x4e: {  	_ =	shalt  }
0x4f: {  	_ =	shalt  }
0x50: {  	_ =	shalt  }
0x51: {  	_ =	shalt  }
0x52: {  	_ =	shalt  }
0x53: {  	_ =	shalt  }
0x54: {  	_ =	shalt  }
0x55: {  	_ =	shalt  }
0x56: {  	_ =	shalt  }
0x57: {  	_ =	shalt  }
0x58: {  	_ =	shalt  }
0x59: {  	_ =	shalt  }
0x5a: {  	_ =	shalt  }
0x5b: {  	_ =	shalt  }
0x5c: {  	_ =	shalt  }
0x5d: {  	_ =	shalt  }
0x5e: {  	_ =	shalt  }
0x5f: {  	_ =	shalt  }
0x60: {  	_ =	shalt  }
0x61: {  	_ =	shalt  }
0x62: {  	_ =	shalt  }
0x63: {  	_ =	shalt  }
0x64: {  	_ =	shalt  }
0x65: {  	_ =	shalt  }
0x66: {  	_ =	shalt  }
0x67: {  	_ =	shalt  }
0x68: {  	_ =	shalt  }
0x69: {  	_ =	shalt  }
0x6a: {  	_ =	shalt  }
0x6b: {  	_ =	shalt  }
0x6c: {  	_ =	shalt  }
0x6d: {  	_ =	shalt  }
0x6e: {  	_ =	shalt  }
0x6f: {  	_ =	shalt  }
0x70: {  	_ =	shalt  }
0x71: {  	_ =	shalt  }
0x72: {  	_ =	shalt  }
0x73: {  	_ =	shalt  }
0x74: {  	_ =	shalt  }
0x75: {  	_ =	shalt  }
0x76: {  	_ =	shalt  }
0x77: {  	_ =	shalt  }
0x78: {  	_ =	shalt  }
0x79: {  	_ =	shalt  }
0x7a: {  	_ =	shalt  }
0x7b: {  	_ =	shalt  }
0x7c: {  	_ =	shalt  }
0x7d: {  	_ =	shalt  }
0x7e: {  	_ =	shalt  }
0x7f: {  	_ =	shalt  }
0x80: {  	_ =	shalt  }
0x81: {  	_ =	shalt  }
0x82: {  	_ =	shalt  }
0x83: {  	_ =	shalt  }
0x84: {  	_ =	shalt  }
0x85: {  	_ =	shalt  }
0x86: {  	_ =	shalt  }
0x87: {  	_ =	shalt  }
.Lfunc_end0:
.L_simem_size_0:
called_computation.1_lowered:
.L_overlay_start_0:
0x88: {  	s2 =	sld [smem:$0x3FD9]  }
0x89: {  	s3 =	sld [smem:$0x3FFE];
	_ =	sdelay $0x1  }
0x8a: {  	s1 =	srdreg.scid  }
0x8b: {  	s0 =	sand.u32 $0x1, s1  }
0x8c: {  	s17 =	sshll.u32 s0, $0xA;
	s2 =	sadd.s32 s3, s2  }
0x8d: {  	s2 =	sadd.s32 s2, s17  }
0x8e: {  	[smem:$0x3FBA] =	sst s2  }
0x8f: {  	_ = 	snop  }
0x90: {  	s2 =	sld [smem:$0x3FD0];
	(tm) =	ssettm $0x1  }
0x91: {  	s18 =	sld [smem:$0x3FFB];
	_ =	sdelay $0x3  }
0x92: {  	_ =	strace s18  }
0x93: {  	s3 =	sld [smem:$0x3FFC];
	_ =	sdelay $0x3  }
0x94: {  	_ =	strace s3  }
0x95: {  	s3 =	sld [smem:$0x3FFD];
	_ =	sdelay $0x3  }
0x96: {  	_ =	strace s3  }
0x97: {  	_ =	strace $0x8FFFFFFF  }
0x98: {  	s19 =	sld [smem:$0x3FDB];
	_ =	sdelay $0x1  }
0x99: {  	s4 =	simm.s32 $_scs_section_size  }
0x9a: {  	s5 =	simm.s32 $_size__tile_overlayer_lowered;
	s6 =	simm.s32 $_tile_overlayer_lowered  }
0x9b: {  	s22 =	simm.s32 $0x1BFF;
	s21 =	sshll.u32 s6, $0x1;
	s3 =	sadd.s32 s4, s19  }
0x9c: {  	s7 =	simm.s32 $0x0;
	s20 =	sshll.u32 s5, $0x1;
	s5 =	sadd.s32 s21, s3  }
0x9d: {  	[timem:s7], [sflag:s22] =	dma.local [hbm:s5], s20  }
0x9e: {  	_ =	swait.ge [sflag:s22], s20  }
0x9f: {  	s4 =	ssub.s32 $0x0, s20;
	[sflag:s22] =	ssyncset.done $0x0  }
0xa0: {  	[sflag:s22] =	ssyncadd.s32 s4;
	_ =	sdelay $0x1  }
0xa1: {  	s23 =	simm.s32 $0x1B8B  }
0xa2: {  	_ =	swait.ge [sflag:s23], $0x1  }
0xa3: {  	[sflag:s23] =	ssyncset.done $0x0  }
0xa4: {  	s25 =	simm.s32 $0x1B8E;
	s24 =	sld [smem:$0x3FFE];
	[sflag:s23] =	ssyncadd.s32 $0xFFFFFFFF  }
0xa5: {  	s26 =	simm.s32 $execute0_lowered;
	[smem:$0x3FD2] =	sst s25  }
0xa6: {  	s5 =	sshll.u32 s26, $0x1;
	_ =	strace $0x80000049;
	[dreg:$0x1] =	wrdreg $0xFFFFFFFF  }
0xa7: {  	s28 =	simm.s32 $_size_execute0_lowered;
	s3 =	sadd.s32 s3, s5;
	[dreg:$0x0] =	wrdreg $0x0  }
0xa8: {  	s5 =	sshll.u32 s28, $0x1;
	[dreg:$0x2] =	wrdreg s3  }
0xa9: {  	[dreg:$0x3] =	wrdreg s5  }
0xaa: {  	[dreg:$0x4] =	wrdreg $0xC0  }
0xab: {  	_ =	task [dreg:s7], $0x5FFFF  }
0xac: {  	[dreg:$0x1] =	wrdreg $0xFFFFFFFF  }
0xad: {  	[dreg:$0x0] =	wrdreg $0x60  }
0xae: {  	[dreg:$0x2] =	wrdreg s2  }
0xaf: {  	[dreg:$0x3] =	wrdreg s24  }
0xb0: {  	[dreg:$0x4] =	wrdreg $0x7E000  }
0xb1: {  	[dreg:$0x5] =	wrdreg $0x9  }
0xb2: {  	_ =	task.clear_ibuf [dreg:s7], $0x6FFFF;
	_ =	strace $0x90000049  }
0xb3: {  	s29 =	simm.s32 $0x9;
	_ =	strace $0x8000004B  }
0xb4: {  	_ =	swait.ge [sflag:s29], $0x1  }
0xb5: {  	[sflag:s29] =	ssyncadd.s32 $0xFFFFFFFF  }
0xb6: {  	_ =	strace $0x9000004B  }
0xb7: {  	_ =	sfence  }
0xb8: {  	s30 =	sld [smem:$0x0];
	_ =	sdelay $0x2  }
0xb9: {  	s31 =	sshll.u32 s1, $0xD;
	s1 =	sshrl.u32 s1, $0x2  }
0xba: {  	s3 =	sand.u32 $0x4000, s31;
	s1 =	sadd.s32 s1, s30  }
0xbb: {  	s0 =	sor.u32 s3, s0;
	s1 =	sshll.u32 s1, $0x11  }
0xbc: {  	s0 =	sor.u32 s1, s0  }
0xbd: {  	s0 =	sadd.s32 $0x8F2B, s0  }
0xbe: {  	[sflag:s0] =	ssyncadd.remote.s32 $0x1  }
0xbf: {  	_ =	sfence.sel $0xFFFF  }
0xc0: {  	[dreg:$0x0] =	wrdreg $0xFFFFFFFF;
	(pc) =	sbr.abs _section_cstart, $3  }
0xc1: {  	[dreg:$0x1] =	wrdreg $0xFFFFFFFF  }
0xc2: {  	_ =	task.clear_ibuf [dreg:s7], $0x2FFFF;
	_ =	strace $0x9FFFFFFF  }
0xc3: {  	(tm) =	ssettm $0x7FFFFFFF  }
tec
execute0_lowered:
.L_overlay_start_1:
0x0: {  	(tag) =	ssettag $0x1  }
0x1: {  	s1 =	rddreg [dreg:$0x0]  }
0x2: {  	s0 =	rddreg [dreg:$0x1]  }
0x3: {  	s2 =	rddreg [dreg:$0x2];
	s3 =	srdreg.scid  }
0x4: {  	s4 =	simm.s32 $0x0;
	s10 =	stileid.u32;
	s31 =	simm.s32 $0x280  }
0x5: {  	s28 =	simm.s32 $0x8;
	s30 =	simm.s32 $0xA;
	s6 =	smul.u32 $0x14000, s10  }
0x6: {  	s3 =	sand.u32 $0x1, s3;
	[smem:$0x7FF] =	sst s4;
	s8 =	smul.u32 $0x50000, s10  }
0x7: {  	s11 =	sadd.s32 $0x4200, s0;
	s7 =	sadd.s32 $0x17C00, s0;
	s21 =	smul.u32 $0x4E20, s10  }
0x8: {  	s25 =	sshll.u32 s10, $0x1;
	s14 =	sshll.u32 s10, $0x6;
	s5 =	smul.u32 $0x140000, s3  }
0x9: {  	_ =	strace $0x8000004A;
	[dreg:$0x5] =	wrdreg s7;
	s26 =	ssub.s32 $0x2, s3  }
0xa: {  	s17 =	sor.u32 $0x1C19, s14;
	[dreg:$0x4] =	wrdreg s11;
	s9 =	sshrl.u32 s26, $0x1  }
0xb: {  	s13 =	sshrl.u32 s8, $0x2;
	[dreg:$0x7] =	wrdreg s17;
	s5 =	sadd.s32 s6, s5  }
0xc: {  	s6 =	sor.u32 s3, s25;
	s29 =	ssub.s32 s26, s9;
	s3 =	smul.u32 $0x2710, s3  }
0xd: {  	s7 =	sadd.s32 s13, s2;
	s5 =	sshrl.u32 s5, $0x3;
	s6 =	smul.u32 $0x2710, s6  }
0xe: {  	[dreg:$0x6] =	wrdreg s7;
	s0 =	sadd.s32 s5, s0;
	s3 =	sadd.s32 s3, s21  }
0xf: {  	s5 =	smax.u32 s29, $0x1;
	s15 =	sadd.s32 $0x28, s6;
	s16 =	sshrl.u32 s6, $0x3  }
0x10: {  	s19 =	sadd.s32 $0x78, s6;
	s20 =	sadd.s32 $0xC8, s6;
	s23 =	sadd.s32 $0x4E228, s6  }
0x11: {  	s6 =	sadd.s32 $0x4E278, s6;
	s24 =	sadd.s32 $0x4E390, s3;
	s0 =	sadd.s32 $0x1A400, s0  }
0x12: {  	s26 =	sadd.s32 $0x190, s3;
	[dreg:$0xf] =	wrdreg s5;
	s5 =	sadd.s32 $0x168, s3  }
0x13: {  	s10 =	sadd.s32 $0x4E340, s3;
	s13 =	sadd.s32 $0x118, s3;
	s14 =	sadd.s32 $0x4E318, s3  }
0x14: {  	s8 =	sshrl.u32 s15, $0x3;
	s12 =	sadd.s32 s11, s16;
	s7 =	sshrl.u32 s19, $0x3  }
0x15: {  	s22 =	sshrl.u32 s20, $0x3;
	s6 =	sshrl.u32 s6, $0x3;
	[dreg:$0xe] =	wrdreg s0  }
0x16: {  	s25 =	sshrl.u32 s24, $0x3;
	s18 =	sadd.s32 s11, s8;
	[dreg:$0x8] =	wrdreg s12  }
0x17: {  	s29 =	sshrl.u32 s26, $0x3;
	s7 =	sadd.s32 s11, s7;
	[dreg:$0x9] =	wrdreg s18  }
0x18: {  	s16 =	sshrl.u32 s14, $0x3;
	s6 =	sadd.s32 s11, s6;
	[dreg:$0xa] =	wrdreg s7  }
0x19: {  	s19 =	sadd.s32 $0x1B8, s3;
	s0 =	sadd.s32 s25, s11;
	[dreg:$0xd] =	wrdreg s6  }
0x1a: {  	s20 =	sadd.s32 $0x4E2F0, s3;
	s24 =	sadd.s32 $0x14, s12;
	[dreg:$0x10] =	wrdreg s0  }
0x1b: {  	s14 =	simm.s32 $0x3;
	s25 =	sadd.s32 $0x9C40, s12;
	[dreg:$0x1d] =	wrdreg s24  }
0x1c: {  	s26 =	sadd.s32 $0x9C4A, s12;
	s7 =	sadd.s32 s11, s22;
	[dreg:$0x1e] =	wrdreg s25  }
0x1d: {  	s0 =	sadd.s32 s29, s11;
	s6 =	sadd.s32 $0x4E368, s3;
	[dreg:$0x1f] =	wrdreg s26  }
0x1e: {  	s18 =	sadd.s32 $0x4E2C8, s3;
	s22 =	sshrl.u32 s20, $0x3;
	[dreg:$0xb] =	wrdreg s7  }
0x1f: {  	s29 =	sadd.s32 $0x9C54, s12;
	s7 =	sshrl.u32 s23, $0x3;
	[dreg:$0x11] =	wrdreg s0  }
0x20: {  	s0 =	sshrl.u32 s5, $0x3;
	s23 =	sadd.s32 $0xA, s12;
	[smem:$0x7FD] =	sst s29  }
0x21: {  	s5 =	sshrl.u32 s6, $0x3;
	s7 =	sadd.s32 s11, s7;
	[dreg:$0x1c] =	wrdreg s23  }
0x22: {  	s12 =	simm.s32 $0x16;
	s0 =	sadd.s32 s0, s11;
	[dreg:$0xc] =	wrdreg s7  }
0x23: {  	s8 =	sadd.s32 s5, s11;
	s5 =	sshrl.u32 s13, $0x3;
	[dreg:$0x12] =	wrdreg s0  }
0x24: {  	s23 =	simm.s32 $0x380;
	s7 =	sadd.s32 $0x140, s3;
	[dreg:$0x13] =	wrdreg s8  }
0x25: {  	s15 =	sadd.s32 s5, s11;
	s5 =	sshrl.u32 s19, $0x3;
	s3 =	sadd.s32 $0xF0, s3  }
0x26: {  	s19 =	simm.s32 $0x6;
	s8 =	simm.s32 $0xB;
	[dreg:$0x16] =	wrdreg s15  }
0x27: {  	s9 =	sshrl.u32 s7, $0x3;
	s21 =	sadd.s32 s5, s11;
	[dreg:$0x1a] =	wrdreg s3  }
0x28: {  	s7 =	simm.s32 $0x300;
	s15 =	simm.s32 $0x9;
	s0 =	sadd.s32 s9, s11  }
0x29: {  	s3 =	simm.s32 $0x18;
	[dreg:$0x14] =	wrdreg s0;
	s0 =	sshrl.u32 s10, $0x3  }
0x2a: {  	s5 =	simm.s32 $0x0;
	[dreg:$0x19] =	wrdreg s21;
	s0 =	sadd.s32 s0, s11  }
.Ltmp0:
0x2b: {  	[dreg:$0x15] =	wrdreg s0;
	s0 =	sadd.s32 s16, s11;
	(pc) =	sbr.rel .LBB2_1-.Ltmp0, $4  }
0x2c: {  	s9 =	simm.s32 $0x17;
	[dreg:$0x17] =	wrdreg s0;
	s0 =	sshrl.u32 s18, $0x3  }
0x2d: {  	s10 =	simm.s32 $0x15;
	s16 =	simm.s32 $0x6A00;
	s0 =	sadd.s32 s0, s11  }
0x2e: {  	[dreg:$0x18] =	wrdreg s0;
	s0 =	sadd.s32 s22, s11;
	s22 =	simm.s32 $0x19  }
0x2f: {  	s11 =	simm.s32 $0x4;
	[dreg:$0x1b] =	wrdreg s0;
	s0 =	simm.s32 $0x28  }
.LBB2_4:
0x30: {  	_ =	swait.ge [sflag:s3], $0x28  }
0x31: {  	[sflag:s3] =	ssyncset.done $0x0  }
0x32: {  	s5 =	simm.s32 $0x1;
	[sflag:s3] =	ssyncadd.s32 $0xFFFFFFD8  }
0x33: {  	[spmem:s2] =	stream.indirect.scatter.add.f32 [tilespmem:s29], [sflag:$0xC], $0x80, s16, s0, $0xb8;
	[tilespmem:$0x1BE00] =	vst v63  }
0x34: {  	_ =	swait.ge [sflag:s5], $0x1400  }
0x35: {  	[sflag:s5] =	ssyncset.done $0x0  }
0x36: {  	s7 =	simm.s32 $0x13;
	[sflag:s5] =	ssyncadd.s32 $0xFFFFEC00  }
0x37: {  	_ =	swait.ge [sflag:s7], $0x28  }
0x38: {  	s13 =	simm.s32 $0x600;
	[sflag:s7] =	ssyncset.done $0x0  }
0x39: {  	s16 =	simm.s32 $0x2;
	[sflag:s7] =	ssyncadd.s32 $0xFFFFFFD8;
	s7 =	simm.s32 $0x300  }
0x3a: {  	[spmem:s2] =	stream.indirect.scatter.add.f32 [tilespmem:s13], [sflag:$0x7], $0x80, s7, s0, $0xb8;
	[tilespmem:$0x1BE00] =	vst v63  }
0x3b: {  	_ =	swait.ge [sflag:s16], $0x1400  }
0x3c: {  	[sflag:s16] =	ssyncset.done $0x0  }
0x3d: {  	s17 =	simm.s32 $0x14;
	[sflag:s16] =	ssyncadd.s32 $0xFFFFEC00  }
0x3e: {  	_ =	swait.ge [sflag:s17], $0x28  }
0x3f: {  	[sflag:s17] =	ssyncset.done $0x0  }
0x40: {  	s23 =	simm.s32 $0x380;
	s18 =	simm.s32 $0x1A00;
	[sflag:s17] =	ssyncadd.s32 $0xFFFFFFD8  }
0x41: {  	[spmem:s2] =	stream.indirect.scatter.add.f32 [tilespmem:s18], [sflag:$0x8], $0x80, s23, s0, $0xb8;
	[tilespmem:$0x1BE00] =	vst v63  }
0x42: {  	_ =	swait.ge [sflag:s14], $0x1400  }
0x43: {  	[sflag:s14] =	ssyncset.done $0x0  }
0x44: {  	[sflag:s14] =	ssyncadd.s32 $0xFFFFEC00  }
0x45: {  	_ =	swait.ge [sflag:s10], $0x28  }
0x46: {  	[sflag:s10] =	ssyncset.done $0x0  }
0x47: {  	s20 =	simm.s32 $0x400;
	s6 =	simm.s32 $0x2E00;
	[sflag:s10] =	ssyncadd.s32 $0xFFFFFFD8  }
0x48: {  	[spmem:s2] =	stream.indirect.scatter.add.f32 [tilespmem:s6], [sflag:$0x9], $0x80, s20, s0, $0xb8;
	[tilespmem:$0x1BE00] =	vst v63  }
0x49: {  	_ =	swait.ge [sflag:s11], $0x1400  }
0x4a: {  	[sflag:s11] =	ssyncset.done $0x0  }
0x4b: {  	[sflag:s11] =	ssyncadd.s32 $0xFFFFEC00  }
0x4c: {  	_ =	swait.ge [sflag:s12], $0x28  }
0x4d: {  	[sflag:s12] =	ssyncset.done $0x0  }
0x4e: {  	[sflag:s12] =	ssyncadd.s32 $0xFFFFFFD8  }
0x4f: {  	[spmem:s2] =	stream.indirect.scatter.add.f32 [tilespmem:s21], [sflag:$0xA], $0x80, s26, s0, $0xb8;
	[tilespmem:$0x1BE00] =	vst v63  }
0x50: {  	_ =	swait.ge [sflag:s8], $0x1400  }
0x51: {  	[sflag:s8] =	ssyncset.done $0x0  }
0x52: {  	s22 =	simm.s32 $0xC;
	[sflag:s8] =	ssyncadd.s32 $0xFFFFEC00  }
0x53: {  	_ =	swait.ge [sflag:s22], $0x1400  }
0x54: {  	[sflag:s22] =	ssyncset.done $0x0  }
0x55: {  	s24 =	simm.s32 $0x7;
	[sflag:s22] =	ssyncadd.s32 $0xFFFFEC00  }
0x56: {  	_ =	swait.ge [sflag:s24], $0x1400  }
0x57: {  	[sflag:s24] =	ssyncset.done $0x0  }
0x58: {  	[sflag:s24] =	ssyncadd.s32 $0xFFFFEC00  }
0x59: {  	_ =	swait.ge [sflag:s28], $0x1400  }
0x5a: {  	[sflag:s28] =	ssyncset.done $0x0  }
0x5b: {  	[sflag:s28] =	ssyncadd.s32 $0xFFFFEC00  }
0x5c: {  	_ =	swait.ge [sflag:s15], $0x1400  }
0x5d: {  	[sflag:s15] =	ssyncset.done $0x0  }
0x5e: {  	[sflag:s15] =	ssyncadd.s32 $0xFFFFEC00  }
0x5f: {  	_ =	swait.ge [sflag:s30], $0x1400  }
0x60: {  	[sflag:s30] =	ssyncset.done $0x0  }
0x61: {  	[sflag:s30] =	ssyncadd.s32 $0xFFFFEC00  }
0x62: {  	[bflag:$0x0] =	sbarrier.arrive $0xFFFF  }
0x63: {  	s25 =	sld [smem:$0x7FC]  }
0x64: {  	s17 =	rddreg [dreg:$0x7]  }
0x65: {  	s22 =	simm.s32 $0x19;
	s13 =	rddreg [dreg:$0xe]  }
0x66: {  	[hbm:s13], [sflag:s17] =	dma.local [spmem:s25], $0x2800  }
0x67: {  	_ =	swait.ge [sflag:s22], $0x2800  }
0x68: {  	s26 =	sld [smem:$0x7FB];
	_ =	sdelay $0x2  }
0x69: {  	s29 =	rddreg [dreg:$0xf];
	s5 =	sadd.s32 $0x1, s26  }
0x6a: {  	p0 =	sne.s32 s5, s29  }
.Ltmp1:
0x6b: {  	_ = 	snop;
	(pc) =	sbr.rel @!p0 .LBB2_5-.Ltmp1, $3  }
0x6c: {  	_ =	sdelay $0x1  }
0x6d: {  	[sflag:s22] =	ssyncset.done $0x0  }
0x6e: {  	s31 =	simm.s32 $0x280;
	s16 =	simm.s32 $0x6A00;
	[sflag:s22] =	ssyncadd.s32 $0xFFFFD800  }
.LBB2_1:
0x6f: {  	[smem:$0x7FB] =	sst s5  }
0x70: {  	s13 =	rddreg [dreg:$0x6]  }
0x71: {  	s25 =	rddreg [dreg:$0x5];
	s24 =	sshrl.u32 s13, $0x3  }
0x72: {  	[smem:$0x7FC] =	sst s24  }
0x73: {  	[spmem:s24], [sflag:s17] =	dma.local [hbm:s25], $0x2800  }
0x74: {  	_ =	swait.ge [sflag:s22], $0x2800  }
0x75: {  	[sflag:s22] =	ssyncset.done $0x0  }
0x76: {  	s26 =	rddreg [dreg:$0x8];
	[sflag:s22] =	ssyncadd.s32 $0xFFFFD800  }
0x77: {  	[tilespmem:s4], [sflag:$0xD] =	stream.linear.gather [hbm4b:s26+s4], $0x28, $0x38;
	[tilespmem:$0x1BE00] =	vst v63  }
0x78: {  	s17 =	simm.s32 $0x80;
	s29 =	rddreg [dreg:$0x9]  }
0x79: {  	[tilespmem:s17], [sflag:$0xE] =	stream.linear.gather [hbm4b:s29+s4], $0x28, $0x38;
	[tilespmem:$0x1BE00] =	vst v63  }
0x7a: {  	s5 =	rddreg [dreg:$0x1c];
	s22 =	simm.s32 $0x100  }
0x7b: {  	[tilespmem:s22], [sflag:$0xF] =	stream.linear.gather [hbm4b:s5+s4], $0x28, $0x38;
	[tilespmem:$0x1BE00] =	vst v63  }
0x7c: {  	s18 =	simm.s32 $0x180;
	s6 =	rddreg [dreg:$0xa]  }
0x7d: {  	[tilespmem:s18], [sflag:$0x10] =	stream.linear.gather [hbm4b:s6+s4], $0x28, $0x38;
	[tilespmem:$0x1BE00] =	vst v63  }
0x7e: {  	s13 =	rddreg [dreg:$0x1d];
	s6 =	simm.s32 $0x200  }
0x7f: {  	[tilespmem:s6], [sflag:$0x11] =	stream.linear.gather [hbm4b:s13+s4], $0x28, $0x38;
	[tilespmem:$0x1BE00] =	vst v63  }
0x80: {  	s13 =	rddreg [dreg:$0xb]  }
0x81: {  	[tilespmem:s31], [sflag:$0x12] =	stream.linear.gather [hbm4b:s13+s4], $0x28, $0x38;
	[tilespmem:$0x1BE00] =	vst v63  }
0x82: {  	s13 =	rddreg [dreg:$0x1e]  }
0x83: {  	[tilespmem:s7], [sflag:$0x13] =	stream.linear.gather [hbm4b:s13+s4], $0x28, $0x38;
	[tilespmem:$0x1BE00] =	vst v63  }
0x84: {  	s7 =	rddreg [dreg:$0xc]  }
0x85: {  	[tilespmem:s23], [sflag:$0x14] =	stream.linear.gather [hbm4b:s7+s4], $0x28, $0x38;
	[tilespmem:$0x1BE00] =	vst v63  }
0x86: {  	s23 =	rddreg [dreg:$0x1f]  }
0x87: {  	s26 =	simm.s32 $0x400;
	s7 =	rddreg [dreg:$0xd]  }
0x88: {  	[tilespmem:s26], [sflag:$0x15] =	stream.linear.gather [hbm4b:s23+s4], $0x28, $0x38;
	[tilespmem:$0x1BE00] =	vst v63  }
0x89: {  	s5 =	simm.s32 $0x480;
	s23 =	sld [smem:$0x7FD]  }
0x8a: {  	[tilespmem:s5], [sflag:$0x16] =	stream.linear.gather [hbm4b:s7+s4], $0x28, $0x38;
	[tilespmem:$0x1BE00] =	vst v63  }
0x8b: {  	s20 =	simm.s32 $0x500  }
0x8c: {  	[tilespmem:s20], [sflag:$0x17] =	stream.linear.gather [hbm4b:s23+s4], $0x28, $0x38;
	[tilespmem:$0x1BE00] =	vst v63  }
0x8d: {  	s26 =	simm.s32 $0xD;
	[bflag:$0x0] =	sbarrier.arrive $0xFFFF  }
0x8e: {  	_ =	swait.ge [sflag:s26], $0x28  }
0x8f: {  	[sflag:s26] =	ssyncset.done $0x0  }
0x90: {  	s13 =	simm.s32 $0xE;
	s7 =	simm.s32 $0x600;
	[sflag:s26] =	ssyncadd.s32 $0xFFFFFFD8  }
0x91: {  	[tilespmem:s7], [sflag:$0x1] =	stream.indirect.gather [hbm4b:s1+s0], $0x80, s4, s0, $0xb8;
	[tilespmem:$0x1BE00] =	vst v63  }
0x92: {  	_ =	swait.ge [sflag:s13], $0x28  }
0x93: {  	[sflag:s13] =	ssyncset.done $0x0  }
0x94: {  	s29 =	simm.s32 $0x1A00;
	s23 =	simm.s32 $0xF;
	[sflag:s13] =	ssyncadd.s32 $0xFFFFFFD8  }
0x95: {  	[tilespmem:s29], [sflag:$0x2] =	stream.indirect.gather [hbm4b:s1+s0], $0x80, s17, s0, $0xb8;
	[tilespmem:$0x1BE00] =	vst v63  }
0x96: {  	_ =	swait.ge [sflag:s23], $0x28  }
0x97: {  	[sflag:s23] =	ssyncset.done $0x0  }
0x98: {  	s21 =	simm.s32 $0x2E00;
	s26 =	simm.s32 $0x10;
	[sflag:s23] =	ssyncadd.s32 $0xFFFFFFD8  }
0x99: {  	[tilespmem:s21], [sflag:$0x3] =	stream.indirect.gather [hbm4b:s1+s0], $0x80, s22, s0, $0xb8;
	[tilespmem:$0x1BE00] =	vst v63  }
0x9a: {  	_ =	swait.ge [sflag:s26], $0x28  }
0x9b: {  	[sflag:s26] =	ssyncset.done $0x0  }
0x9c: {  	s24 =	simm.s32 $0x4200;
	s29 =	simm.s32 $0x11;
	[sflag:s26] =	ssyncadd.s32 $0xFFFFFFD8  }
0x9d: {  	[tilespmem:s24], [sflag:$0x4] =	stream.indirect.gather [hbm4b:s1+s0], $0x80, s18, s0, $0xb8;
	[tilespmem:$0x1BE00] =	vst v63  }
0x9e: {  	_ =	swait.ge [sflag:s29], $0x28  }
0x9f: {  	s25 =	simm.s32 $0x5600;
	s7 =	simm.s32 $0x580;
	[sflag:s29] =	ssyncset.done $0x0  }
0xa0: {  	s13 =	simm.s32 $0x0;
	s22 =	rddreg [dreg:$0x1a];
	[sflag:s29] =	ssyncadd.s32 $0xFFFFFFD8  }
0xa1: {  	[tilespmem:s25], [sflag:$0x5] =	stream.indirect.gather [hbm4b:s1+s0], $0x80, s6, s0, $0xb8;
	[tilespmem:$0x1BE00] =	vst v63  }
.LBB2_2:
0xa2: {  	s5 =	simm.s32 $0x1  }
0xa3: {  	_ =	swait.ge [sflag:s5], $0x1400  }
0xa4: {  	s23 =	sshrl.u32 s22, $0x3;
	[sflag:s5] =	ssyncset.done $0x0;
	s17 =	rddreg [dreg:$0x4]  }
0xa5: {  	s21 =	simm.s32 $0x13;
	[sflag:s5] =	ssyncadd.s32 $0xFFFFEC00;
	s23 =	sadd.s32 s17, s23  }
0xa6: {  	[tilespmem:s4], [sflag:$0xD] =	stream.linear.gather [hbm4b:s23+s4], $0x28, $0x38;
	[tilespmem:$0x1BE00] =	vst v63  }
0xa7: {  	_ =	swait.ge [sflag:s21], $0x28  }
0xa8: {  	s6 =	simm.s32 $0x300;
	p0 =	seq.s32 s13, $0x0;
	[sflag:s21] =	ssyncset.done $0x0  }
0xa9: {  	s18 =	simm.s32 $0x600;
	s23 =	simm.s32 @!p0 $0xC;
	[sflag:s21] =	ssyncadd.s32 $0xFFFFFFD8  }
0xaa: {  	[spmem:s2] =	stream.indirect.scatter.add.f32 [tilespmem:s18], [sflag:$0x7], $0x80, s6, s0, $0xb8;
	[tilespmem:$0x1BE00] =	vst v63  }
0xab: {  	_ =	swait.ge @!p0 [sflag:s23], $0x1400  }
0xac: {  	[sflag:s23] =	ssyncset.done @!p0 $0x0  }
0xad: {  	[sflag:s23] =	ssyncadd.s32 @!p0 $0xFFFFEC00;
	s23 =	rddreg [dreg:$0x18]  }
0xae: {  	s26 =	simm.s32 $0x12;
	s24 =	sadd.s32 s13, s23  }
0xaf: {  	[tilespmem:s7], [sflag:$0x18] =	stream.linear.gather [hbm4b:s24+s4], $0x28, $0x38;
	[tilespmem:$0x1BE00] =	vst v63  }
0xb0: {  	_ =	swait.ge [sflag:s26], $0x28  }
0xb1: {  	[sflag:s26] =	ssyncset.done $0x0  }
0xb2: {  	s7 =	simm.s32 $0x2;
	[sflag:s26] =	ssyncadd.s32 $0xFFFFFFD8  }
0xb3: {  	[tilespmem:s16], [sflag:$0x6] =	stream.indirect.gather [hbm4b:s1+s0], $0x80, s31, s0, $0xb8;
	[tilespmem:$0x1BE00] =	vst v63  }
0xb4: {  	_ =	swait.ge [sflag:s7], $0x1400  }
0xb5: {  	s21 =	simm.s32 $0x14;
	[sflag:s7] =	ssyncset.done $0x0;
	s16 =	rddreg [dreg:$0x16]  }
0xb6: {  	s31 =	simm.s32 $0x80;
	[sflag:s7] =	ssyncadd.s32 $0xFFFFEC00;
	s17 =	sadd.s32 s13, s16  }
0xb7: {  	[tilespmem:s31], [sflag:$0xE] =	stream.linear.gather [hbm4b:s17+s4], $0x28, $0x38;
	[tilespmem:$0x1BE00] =	vst v63  }
0xb8: {  	_ =	swait.ge [sflag:s21], $0x28  }
0xb9: {  	s23 =	simm.s32 $0x7;
	[sflag:s21] =	ssyncset.done $0x0  }
0xba: {  	s26 =	simm.s32 $0x380;
	[sflag:s21] =	ssyncadd.s32 $0xFFFFFFD8;
	s21 =	simm.s32 $0x1A00  }
0xbb: {  	[spmem:s2] =	stream.indirect.scatter.add.f32 [tilespmem:s21], [sflag:$0x8], $0x80, s26, s0, $0xb8;
	[tilespmem:$0x1BE00] =	vst v63  }
0xbc: {  	_ =	swait.ge [sflag:s23], $0x1400  }
0xbd: {  	[sflag:s23] =	ssyncset.done $0x0;
	s24 =	rddreg [dreg:$0x1b]  }
0xbe: {  	[sflag:s23] =	ssyncadd.s32 $0xFFFFEC00;
	s5 =	sadd.s32 s13, s24  }
0xbf: {  	[tilespmem:s6], [sflag:$0x13] =	stream.linear.gather [hbm4b:s5+s4], $0x28, $0x38;
	[tilespmem:$0x1BE00] =	vst v63  }
0xc0: {  	s6 =	simm.s32 $0xD  }
0xc1: {  	_ =	swait.ge [sflag:s6], $0x28  }
0xc2: {  	[sflag:s6] =	ssyncset.done $0x0  }
0xc3: {  	[sflag:s6] =	ssyncadd.s32 $0xFFFFFFD8  }
0xc4: {  	[tilespmem:s18], [sflag:$0x1] =	stream.indirect.gather [hbm4b:s1+s0], $0x80, s4, s0, $0xb8;
	[tilespmem:$0x1BE00] =	vst v63  }
0xc5: {  	_ =	swait.ge [sflag:s14], $0x1400  }
0xc6: {  	[sflag:s14] =	ssyncset.done $0x0;
	s16 =	rddreg [dreg:$0x14]  }
0xc7: {  	s18 =	simm.s32 $0x100;
	[sflag:s14] =	ssyncadd.s32 $0xFFFFEC00;
	s17 =	sadd.s32 s13, s16  }
0xc8: {  	[tilespmem:s18], [sflag:$0xF] =	stream.linear.gather [hbm4b:s17+s4], $0x28, $0x38;
	[tilespmem:$0x1BE00] =	vst v63  }
0xc9: {  	_ =	swait.ge [sflag:s10], $0x28  }
0xca: {  	[sflag:s10] =	ssyncset.done $0x0  }
0xcb: {  	s24 =	simm.s32 $0x2E00;
	s5 =	simm.s32 $0x400;
	[sflag:s10] =	ssyncadd.s32 $0xFFFFFFD8  }
0xcc: {  	[spmem:s2] =	stream.indirect.scatter.add.f32 [tilespmem:s24], [sflag:$0x9], $0x80, s5, s0, $0xb8;
	[tilespmem:$0x1BE00] =	vst v63  }
0xcd: {  	_ =	swait.ge [sflag:s28], $0x1400  }
0xce: {  	[sflag:s28] =	ssyncset.done $0x0;
	s23 =	rddreg [dreg:$0x17]  }
0xcf: {  	s17 =	simm.s32 $0xE;
	[sflag:s28] =	ssyncadd.s32 $0xFFFFEC00;
	s6 =	sadd.s32 s13, s23  }
0xd0: {  	[tilespmem:s26], [sflag:$0x14] =	stream.linear.gather [hbm4b:s6+s4], $0x28, $0x38;
	[tilespmem:$0x1BE00] =	vst v63  }
0xd1: {  	_ =	swait.ge [sflag:s17], $0x28  }
0xd2: {  	[sflag:s17] =	ssyncset.done $0x0  }
0xd3: {  	[sflag:s17] =	ssyncadd.s32 $0xFFFFFFD8  }
0xd4: {  	[tilespmem:s21], [sflag:$0x2] =	stream.indirect.gather [hbm4b:s1+s0], $0x80, s31, s0, $0xb8;
	[tilespmem:$0x1BE00] =	vst v63  }
0xd5: {  	_ =	swait.ge [sflag:s11], $0x1400  }
0xd6: {  	[sflag:s11] =	ssyncset.done $0x0;
	s23 =	rddreg [dreg:$0x12]  }
0xd7: {  	s6 =	simm.s32 $0x180;
	[sflag:s11] =	ssyncadd.s32 $0xFFFFEC00;
	s26 =	sadd.s32 s13, s23  }
0xd8: {  	[tilespmem:s6], [sflag:$0x10] =	stream.linear.gather [hbm4b:s26+s4], $0x28, $0x38;
	[tilespmem:$0x1BE00] =	vst v63  }
0xd9: {  	_ =	swait.ge [sflag:s12], $0x28  }
0xda: {  	[sflag:s12] =	ssyncset.done $0x0  }
0xdb: {  	s21 =	simm.s32 $0x4200;
	s26 =	simm.s32 $0x480;
	[sflag:s12] =	ssyncadd.s32 $0xFFFFFFD8  }
0xdc: {  	[spmem:s2] =	stream.indirect.scatter.add.f32 [tilespmem:s21], [sflag:$0xA], $0x80, s26, s0, $0xb8;
	[tilespmem:$0x1BE00] =	vst v63  }
0xdd: {  	_ =	swait.ge [sflag:s15], $0x1400  }
0xde: {  	[sflag:s15] =	ssyncset.done $0x0;
	s31 =	rddreg [dreg:$0x15]  }
0xdf: {  	s23 =	simm.s32 $0xF;
	[sflag:s15] =	ssyncadd.s32 $0xFFFFEC00;
	s17 =	sadd.s32 s13, s31  }
0xe0: {  	[tilespmem:s5], [sflag:$0x15] =	stream.linear.gather [hbm4b:s17+s4], $0x28, $0x38;
	[tilespmem:$0x1BE00] =	vst v63  }
0xe1: {  	_ =	swait.ge [sflag:s23], $0x28  }
0xe2: {  	[sflag:s23] =	ssyncset.done $0x0  }
0xe3: {  	[sflag:s23] =	ssyncadd.s32 $0xFFFFFFD8  }
0xe4: {  	[tilespmem:s24], [sflag:$0x3] =	stream.indirect.gather [hbm4b:s1+s0], $0x80, s18, s0, $0xb8;
	[tilespmem:$0x1BE00] =	vst v63  }
0xe5: {  	s24 =	simm.s32 $0x5  }
0xe6: {  	p0 =	seq.s32 s13, $0x4B0;
	_ =	swait.ge [sflag:s24], $0x1400  }
0xe7: {  	s31 =	simm.s32 @!p0 $0x200;
	[sflag:s24] =	ssyncset.done $0x0;
	s17 =	rddreg [dreg:$0x11]  }
0xe8: {  	[sflag:s24] =	ssyncadd.s32 $0xFFFFEC00;
	s23 =	sadd.s32 @!p0 s13, s17;
	s17 =	simm.s32 @!p0 $0x0  }
0xe9: {  	[tilespmem:s31], [sflag:$0x11] =	stream.linear.gather @!p0 [hbm4b:s23+s17], $0x28, $0x38;
	[tilespmem:$0x1BE00] =	vst v63  }
0xea: {  	_ =	swait.ge [sflag:s9], $0x28  }
0xeb: {  	[sflag:s9] =	ssyncset.done $0x0  }
0xec: {  	[sflag:s9] =	ssyncadd.s32 $0xFFFFFFD8  }
0xed: {  	[spmem:s2] =	stream.indirect.scatter.add.f32 [tilespmem:s25], [sflag:$0xB], $0x80, s20, s0, $0xb8;
	[tilespmem:$0x1BE00] =	vst v63  }
0xee: {  	_ =	swait.ge [sflag:s30], $0x1400  }
0xef: {  	[sflag:s30] =	ssyncset.done $0x0;
	s25 =	rddreg [dreg:$0x13]  }
0xf0: {  	s31 =	simm.s32 $0x10;
	[sflag:s30] =	ssyncadd.s32 $0xFFFFEC00;
	s17 =	sadd.s32 s13, s25  }
0xf1: {  	[tilespmem:s26], [sflag:$0x16] =	stream.linear.gather [hbm4b:s17+s4], $0x28, $0x38;
	[tilespmem:$0x1BE00] =	vst v63  }
0xf2: {  	_ =	swait.ge [sflag:s31], $0x28  }
0xf3: {  	[sflag:s31] =	ssyncset.done $0x0  }
.Ltmp2:
0xf4: {  	[sflag:s31] =	ssyncadd.s32 $0xFFFFFFD8;
	(pc) =	sbr.rel @p0 .LBB2_4-.Ltmp2, $4  }
0xf5: {  	[tilespmem:s21], [sflag:$0x4] =	stream.indirect.gather [hbm4b:s1+s0], $0x80, s6, s0, $0xb8;
	[tilespmem:$0x1BE00] =	vst v63  }
0xf6: {  	s29 =	simm.s32 $0x6A00;
	_ =	swait.ge [sflag:s19], $0x1400  }
0xf7: {  	s7 =	simm.s32 $0x280;
	s16 =	simm.s32 $0x580;
	[sflag:s19] =	ssyncset.done $0x0  }
0xf8: {  	s5 =	simm.s32 $0x500;
	s18 =	simm.s32 $0x5600;
	[sflag:s19] =	ssyncadd.s32 $0xFFFFEC00  }
0xf9: {  	s17 =	rddreg [dreg:$0x19]  }
0xfa: {  	s17 =	sadd.s32 s13, s17  }
0xfb: {  	[tilespmem:s7], [sflag:$0x12] =	stream.linear.gather [hbm4b:s17+s4], $0x28, $0x38;
	[tilespmem:$0x1BE00] =	vst v63  }
0xfc: {  	_ =	swait.ge [sflag:s3], $0x28  }
0xfd: {  	[sflag:s3] =	ssyncset.done $0x0  }
0xfe: {  	[sflag:s3] =	ssyncadd.s32 $0xFFFFFFD8  }
0xff: {  	[spmem:s2] =	stream.indirect.scatter.add.f32 [tilespmem:s29], [sflag:$0xC], $0x80, s16, s0, $0xb8;
	[tilespmem:$0x1BE00] =	vst v63  }
0x100: {  	_ =	swait.ge [sflag:s8], $0x1400  }
0x101: {  	[sflag:s8] =	ssyncset.done $0x0;
	s26 =	rddreg [dreg:$0x10]  }
0x102: {  	s6 =	simm.s32 $0x200;
	[sflag:s8] =	ssyncadd.s32 $0xFFFFEC00;
	s17 =	sadd.s32 s13, s26  }
0x103: {  	[tilespmem:s5], [sflag:$0x17] =	stream.linear.gather [hbm4b:s17+s4], $0x28, $0x38;
	[tilespmem:$0x1BE00] =	vst v63  }
.Ltmp3:
0x104: {  	s22 =	sadd.s32 $0xF0, s22;
	s29 =	simm.s32 $0x11;
	(pc) =	sbr.rel .LBB2_2-.Ltmp3, $4  }
0x105: {  	s31 =	simm.s32 $0x280;
	s20 =	simm.s32 $0x500;
	_ =	swait.ge [sflag:s29], $0x28  }
0x106: {  	s25 =	simm.s32 $0x5600;
	s7 =	simm.s32 $0x580;
	[sflag:s29] =	ssyncset.done $0x0  }
0x107: {  	s16 =	simm.s32 $0x6A00;
	s13 =	sadd.s32 $0x1E, s13;
	[sflag:s29] =	ssyncadd.s32 $0xFFFFFFD8  }
0x108: {  	[tilespmem:s18], [sflag:$0x5] =	stream.indirect.gather [hbm4b:s1+s0], $0x80, s6, s0, $0xb8;
	[tilespmem:$0x1BE00] =	vst v63  }
.LBB2_5:
0x109: {  	_ =	sfence.sel $0x180000  }
0x10a: {  	[bflag:$0x0] =	sbarrier.arrive $0xFFFF  }
0x10b: {  	_ =	strace $0x9000004A  }
0x10c: {  	s0 =	stileid.u32;
	[bflag:$0x2] =	sbarrier.arrive $0xFFFF  }
0x10d: {  	p0 =	sne.s32 s0, $0x0;
	s0 =	rddreg [dreg:$0x3]  }
0x10e: {  	s0 =	sadd.s32 @!p0 $0x100000, s0  }
0x10f: {  	[sflag:s0] =	ssyncadd.tile.s32 @!p0 $0x1;
	_ =	shalt  }
.Lfunc_end2:
_tile_overlayer_lowered:
.L_overlay_start_2:
0x110: {  	(tag) =	ssettag $0x2  }
0x111: {  	s0 =	rddreg [dreg:$0x0];
	s2 =	stileid.u32  }
0x112: {  	s1 =	rddreg [dreg:$0x1];
	p0 =	sne.s32 s2, $0x0  }
0x113: {  	s3 =	rddreg [dreg:$0x2];
	[bflag:$0x3] =	sbarrier.arrive $0xFFFF;
	s2 =	simm.s32 @!p0 $0x1C19  }
0x114: {  	[timem:s3], [sflag:s2] =	dma.local @!p0 [hbm:s0], s1  }
0x115: {  	s0 =	simm.s32 @!p0 $0x19  }
0x116: {  	_ =	swait.ge @!p0 [sflag:s0], s1  }
0x117: {  	s1 =	ssub.s32 @!p0 $0x0, s1;
	[sflag:s0] =	ssyncset.done @!p0 $0x0  }
0x118: {  	[sflag:s0] =	ssyncadd.s32 @!p0 s1  }
0x119: {  	[bflag:$0x3] =	sbarrier.arrive $0xFFFF  }
0x11a: {  	_ =	shalt  }

// kernel: kernel.16.cloned.1.call-start
scs
__scs_entry_jumppad:
0x0: {  	(pc) =	sbr.rel $0x88, $3  }
0x1: {  	(tag) =	ssettag $0x0;
	lr =	simm.s32 $0x1  }
0x2: {  	[smem:$0x3F93] =	sst lr;
	_ =	strace $0xD0000000  }
0x3: {  	_ = 	snop  }
0x4: {  	_ = 	snop  }
0x5: {  	_ = 	snop  }
0x6: {  	_ = 	snop  }
0x7: {  	_ = 	snop  }
__scs_overlays_trampoline_lowered:
0x8: {  	[smem:$0x3FA2] =	sst s0  }
0x9: {  	[smem:$0x3FA3] =	sst s1  }
0xa: {  	[smem:$0x3FA4] =	sst s2  }
0xb: {  	[smem:$0x3FA5] =	sst s3  }
0xc: {  	[smem:$0x3FA6] =	sst s4  }
0xd: {  	[smem:$0x3FA7] =	sst s5  }
0xe: {  	[smem:$0x3FA8] =	sst s6  }
0xf: {  	[smem:$0x3FA9] =	sst s7  }
0x10: {  	[smem:$0x3FAA] =	sst s8  }
0x11: {  	[smem:$0x3FAB] =	sst s9;
	s0 =	simm.s32 @!p0 $0x0  }
0x12: {  	s1 =	sld [smem:$0x3F91];
	s0 =	simm.s32 @p0 $0x1  }
0x13: {  	[smem:$0x3FAC] =	sst s0;
	s0 =	simm.s32 @!p1 $0x0  }
0x14: {  	s2 =	sld [smem:$0x3F90];
	s0 =	simm.s32 @p1 $0x1  }
0x15: {  	[smem:$0x3FAD] =	sst s0;
	s0 =	simm.s32 @!p2 $0x0  }
0x16: {  	s3 =	sld [smem:$0x3FDB];
	s0 =	simm.s32 @p2 $0x1  }
0x17: {  	s4 =	simm.s32 $0x1BF5;
	[smem:$0x3FAF] =	sst s0  }
0x18: {  	s0 =	sld [smem:$0x3F92];
	_ =	swait.ge [sflag:s4], $0x0  }
0x19: {  	s7 =	sld [smem:$0x3F93]  }
0x1a: {  	s8 =	sadd.s32 $0xFFFFE003, lr  }
0x1b: {  	s9 =	sadd.s32 $0xFFFFFEF7, lr;
	s5 =	simm.s32 $0xFFFFFFFF;
	p2 =	slt.u32 s8, $0xFFFFF086  }
0x1c: {  	p1 =	slt.u32 s9, $0xF7A;
	s5 =	simm.s32 @!p2 $0x0  }
0x1d: {  	s5 =	simm.s32 @p1 $0x1;
	p0 =	seq.s32 s7, s2  }
0x1e: {  	s7 =	smul.u32 @!p0 $0xF7A, s2;
	p2 =	seq.s32 @!p0 s5, $0x0  }
0x1f: {  	s9 =	smul.u32 $0xF7A, s1;
	s8 =	simm.s32 @!p0 $0x1BF5;
	p2 =	por !p2, p0  }
0x20: {  	[sflag:s8] =	ssyncset.s32 @!p0 $0xFFFFF086;
	s6 =	sadd.s32 @!p0 s3, s7;
	s7 =	simm.s32 @!p0 $0x108  }
0x21: {  	s3 =	sadd.s32 s3, s9;
	s6 =	sadd.s32 @!p0 $0x88, s6;
	s7 =	simm.s32 @p2 $0x1082  }
0x22: {  	[simem:s7], [sflag:s8] =	dma.local @!p0 [hbm:s6], $0xF7A  }
0x23: {  	s9 =	sor.u32 $0xD0000000, s2;
	s6 =	simm.s32 $0x108;
	_ =	swait.ge @!p0 [sflag:s8], $0x0  }
0x24: {  	s3 =	sadd.s32 $0x88, s3;
	s6 =	simm.s32 @!p1 $0x1082;
	[sflag:s4] =	ssyncset.s32 $0xFFFFF086  }
0x25: {  	[simem:s6], [sflag:s4] =	dma.local [hbm:s3], $0xF7A  }
0x26: {  	[smem:$0x3F93] =	sst s1;
	(tag) =	ssettag s2;
	_ =	strace s9  }
0x27: {  	s1 =	sld [smem:$0x3FA3]  }
0x28: {  	s2 =	sld [smem:$0x3FA4]  }
0x29: {  	s4 =	sld [smem:$0x3FA6]  }
0x2a: {  	p0 =	seq.s32 s5, $0x0;
	s5 =	sld [smem:$0x3FA7]  }
0x2b: {  	s6 =	sld [smem:$0x3FA8]  }
0x2c: {  	s7 =	sld [smem:$0x3FA9]  }
0x2d: {  	s3 =	simm.s32 $0x108;
	s8 =	sld [smem:$0x3FAA]  }
0x2e: {  	s3 =	simm.s32 @!p0 $0x1082;
	s9 =	sld [smem:$0x3FAB]  }
0x2f: {  	lr =	sadd.s32 s0, s3;
	s0 =	sld [smem:$0x3FA2]  }
0x30: {  	s3 =	sld [smem:$0x3FA5]  }
0x31: {  	[smem:$0x3FAE] =	sst s10  }
0x32: {  	s10 =	sld [smem:$0x3FAC];
	_ =	sdelay $0x3  }
0x33: {  	p0 =	seq.s32 s10, $0x1;
	s10 =	sld [smem:$0x3FAE];
	_ =	sdelay $0x3  }
0x34: {  	[smem:$0x3FAE] =	sst s10  }
0x35: {  	s10 =	sld [smem:$0x3FAD];
	_ =	sdelay $0x3  }
0x36: {  	p1 =	seq.s32 s10, $0x1;
	s10 =	sld [smem:$0x3FAE];
	_ =	sdelay $0x3  }
0x37: {  	[smem:$0x3FAE] =	sst s10  }
0x38: {  	s10 =	sld [smem:$0x3FAF]  }
0x39: {  	_ = 	snop;
	(pc) =	sbr.ind lr, $3  }
0x3a: {  	_ = 	snop  }
0x3b: {  	_ = 	snop  }
0x3c: {  	p2 =	seq.s32 s10, $0x1;
	s10 =	sld [smem:$0x3FAE]  }
0x3d: {  	_ =	shalt  }
0x3e: {  	_ =	shalt  }
0x3f: {  	_ =	shalt  }
0x40: {  	_ =	shalt  }
0x41: {  	_ =	shalt  }
0x42: {  	_ =	shalt  }
0x43: {  	_ =	shalt  }
0x44: {  	_ =	shalt  }
0x45: {  	_ =	shalt  }
0x46: {  	_ =	shalt  }
0x47: {  	_ =	shalt  }
0x48: {  	_ =	shalt  }
0x49: {  	_ =	shalt  }
0x4a: {  	_ =	shalt  }
0x4b: {  	_ =	shalt  }
0x4c: {  	_ =	shalt  }
0x4d: {  	_ =	shalt  }
0x4e: {  	_ =	shalt  }
0x4f: {  	_ =	shalt  }
0x50: {  	_ =	shalt  }
0x51: {  	_ =	shalt  }
0x52: {  	_ =	shalt  }
0x53: {  	_ =	shalt  }
0x54: {  	_ =	shalt  }
0x55: {  	_ =	shalt  }
0x56: {  	_ =	shalt  }
0x57: {  	_ =	shalt  }
0x58: {  	_ =	shalt  }
0x59: {  	_ =	shalt  }
0x5a: {  	_ =	shalt  }
0x5b: {  	_ =	shalt  }
0x5c: {  	_ =	shalt  }
0x5d: {  	_ =	shalt  }
0x5e: {  	_ =	shalt  }
0x5f: {  	_ =	shalt  }
0x60: {  	_ =	shalt  }
0x61: {  	_ =	shalt  }
0x62: {  	_ =	shalt  }
0x63: {  	_ =	shalt  }
0x64: {  	_ =	shalt  }
0x65: {  	_ =	shalt  }
0x66: {  	_ =	shalt  }
0x67: {  	_ =	shalt  }
0x68: {  	_ =	shalt  }
0x69: {  	_ =	shalt  }
0x6a: {  	_ =	shalt  }
0x6b: {  	_ =	shalt  }
0x6c: {  	_ =	shalt  }
0x6d: {  	_ =	shalt  }
0x6e: {  	_ =	shalt  }
0x6f: {  	_ =	shalt  }
0x70: {  	_ =	shalt  }
0x71: {  	_ =	shalt  }
0x72: {  	_ =	shalt  }
0x73: {  	_ =	shalt  }
0x74: {  	_ =	shalt  }
0x75: {  	_ =	shalt  }
0x76: {  	_ =	shalt  }
0x77: {  	_ =	shalt  }
0x78: {  	_ =	shalt  }
0x79: {  	_ =	shalt  }
0x7a: {  	_ =	shalt  }
0x7b: {  	_ =	shalt  }
0x7c: {  	_ =	shalt  }
0x7d: {  	_ =	shalt  }
0x7e: {  	_ =	shalt  }
0x7f: {  	_ =	shalt  }
0x80: {  	_ =	shalt  }
0x81: {  	_ =	shalt  }
0x82: {  	_ =	shalt  }
0x83: {  	_ =	shalt  }
0x84: {  	_ =	shalt  }
0x85: {  	_ =	shalt  }
0x86: {  	_ =	shalt  }
0x87: {  	_ =	shalt  }
.Lfunc_end0:
.L_simem_size_0:
called_computation.2_lowered:
.L_overlay_start_0:
0x88: {  	s2 =	sld [smem:$0x3FD9]  }
0x89: {  	s3 =	sld [smem:$0x3FFE];
	_ =	sdelay $0x1  }
0x8a: {  	s1 =	srdreg.scid  }
0x8b: {  	s0 =	sand.u32 $0x1, s1  }
0x8c: {  	s17 =	sshll.u32 s0, $0xA;
	s2 =	sadd.s32 s3, s2  }
0x8d: {  	s2 =	sadd.s32 s2, s17  }
0x8e: {  	[smem:$0x3FBA] =	sst s2  }
0x8f: {  	_ = 	snop  }
0x90: {  	s2 =	sld [smem:$0x3FD0];
	(tm) =	ssettm $0x1  }
0x91: {  	s18 =	sld [smem:$0x3FFB];
	_ =	sdelay $0x3  }
0x92: {  	_ =	strace s18  }
0x93: {  	s3 =	sld [smem:$0x3FFC];
	_ =	sdelay $0x3  }
0x94: {  	_ =	strace s3  }
0x95: {  	s3 =	sld [smem:$0x3FFD];
	_ =	sdelay $0x3  }
0x96: {  	_ =	strace s3  }
0x97: {  	_ =	strace $0x8FFFFFFF  }
0x98: {  	s19 =	sld [smem:$0x3FDB];
	_ =	sdelay $0x1  }
0x99: {  	s4 =	simm.s32 $_scs_section_size  }
0x9a: {  	s5 =	simm.s32 $_size__tile_overlayer_lowered;
	s6 =	simm.s32 $_tile_overlayer_lowered  }
0x9b: {  	s22 =	simm.s32 $0x1BFF;
	s21 =	sshll.u32 s6, $0x1;
	s3 =	sadd.s32 s4, s19  }
0x9c: {  	s7 =	simm.s32 $0x0;
	s20 =	sshll.u32 s5, $0x1;
	s5 =	sadd.s32 s21, s3  }
0x9d: {  	[timem:s7], [sflag:s22] =	dma.local [hbm:s5], s20  }
0x9e: {  	_ =	swait.ge [sflag:s22], s20  }
0x9f: {  	s4 =	ssub.s32 $0x0, s20;
	[sflag:s22] =	ssyncset.done $0x0  }
0xa0: {  	[sflag:s22] =	ssyncadd.s32 s4;
	_ =	sdelay $0x1  }
0xa1: {  	s23 =	simm.s32 $0x1B8B  }
0xa2: {  	_ =	swait.ge [sflag:s23], $0x1  }
0xa3: {  	[sflag:s23] =	ssyncset.done $0x0  }
0xa4: {  	s25 =	simm.s32 $0x1B8E;
	s24 =	sld [smem:$0x3FFE];
	[sflag:s23] =	ssyncadd.s32 $0xFFFFFFFF  }
0xa5: {  	s26 =	simm.s32 $execute0_lowered;
	[smem:$0x3FD2] =	sst s25  }
0xa6: {  	s5 =	sshll.u32 s26, $0x1;
	_ =	strace $0x8000004C;
	[dreg:$0x1] =	wrdreg $0xFFFFFFFF  }
0xa7: {  	s28 =	simm.s32 $_size_execute0_lowered;
	s3 =	sadd.s32 s3, s5;
	[dreg:$0x0] =	wrdreg $0x0  }
0xa8: {  	s5 =	sshll.u32 s28, $0x1;
	[dreg:$0x2] =	wrdreg s3  }
0xa9: {  	[dreg:$0x3] =	wrdreg s5  }
0xaa: {  	[dreg:$0x4] =	wrdreg $0xC0  }
0xab: {  	_ =	task [dreg:s7], $0x5FFFF  }
0xac: {  	[dreg:$0x1] =	wrdreg $0xFFFFFFFF  }
0xad: {  	[dreg:$0x0] =	wrdreg $0x60  }
0xae: {  	[dreg:$0x2] =	wrdreg s2  }
0xaf: {  	[dreg:$0x3] =	wrdreg s24  }
0xb0: {  	[dreg:$0x4] =	wrdreg $0x7E000  }
0xb1: {  	[dreg:$0x5] =	wrdreg $0x9  }
0xb2: {  	_ =	task.clear_ibuf [dreg:s7], $0x6FFFF;
	_ =	strace $0x9000004C  }
0xb3: {  	s29 =	simm.s32 $0x9;
	_ =	strace $0x8000004E  }
0xb4: {  	_ =	swait.ge [sflag:s29], $0x1  }
0xb5: {  	[sflag:s29] =	ssyncadd.s32 $0xFFFFFFFF  }
0xb6: {  	_ =	strace $0x9000004E  }
0xb7: {  	_ =	sfence  }
0xb8: {  	s30 =	sld [smem:$0x0];
	_ =	sdelay $0x2  }
0xb9: {  	s31 =	sshll.u32 s1, $0xD;
	s1 =	sshrl.u32 s1, $0x2  }
0xba: {  	s3 =	sand.u32 $0x4000, s31;
	s1 =	sadd.s32 s1, s30  }
0xbb: {  	s0 =	sor.u32 s3, s0;
	s1 =	sshll.u32 s1, $0x11  }
0xbc: {  	s0 =	sor.u32 s1, s0  }
0xbd: {  	s0 =	sadd.s32 $0x8F2B, s0  }
0xbe: {  	[sflag:s0] =	ssyncadd.remote.s32 $0x1  }
0xbf: {  	_ =	sfence.sel $0xFFFF  }
0xc0: {  	[dreg:$0x0] =	wrdreg $0xFFFFFFFF;
	(pc) =	sbr.abs _section_cstart, $3  }
0xc1: {  	[dreg:$0x1] =	wrdreg $0xFFFFFFFF  }
0xc2: {  	_ =	task.clear_ibuf [dreg:s7], $0x2FFFF;
	_ =	strace $0x9FFFFFFF  }
0xc3: {  	(tm) =	ssettm $0x7FFFFFFF  }
tec
execute0_lowered:
.L_overlay_start_1:
0x0: {  	(tag) =	ssettag $0x1  }
0x1: {  	s1 =	rddreg [dreg:$0x0]  }
0x2: {  	s0 =	rddreg [dreg:$0x1]  }
0x3: {  	s2 =	rddreg [dreg:$0x2];
	s3 =	srdreg.scid  }
0x4: {  	s4 =	simm.s32 $0x0;
	s10 =	stileid.u32;
	s31 =	simm.s32 $0x280  }
0x5: {  	s28 =	simm.s32 $0x8;
	s30 =	simm.s32 $0xA;
	s6 =	smul.u32 $0x14000, s10  }
0x6: {  	s3 =	sand.u32 $0x1, s3;
	[smem:$0x7FF] =	sst s4;
	s8 =	smul.u32 $0x50000, s10  }
0x7: {  	s11 =	sadd.s32 $0x4200, s0;
	s7 =	sadd.s32 $0x17C00, s0;
	s21 =	smul.u32 $0x4E20, s10  }
0x8: {  	s25 =	sshll.u32 s10, $0x1;
	s14 =	sshll.u32 s10, $0x6;
	s5 =	smul.u32 $0x140000, s3  }
0x9: {  	_ =	strace $0x8000004D;
	[dreg:$0x5] =	wrdreg s7;
	s26 =	ssub.s32 $0x2, s3  }
0xa: {  	s17 =	sor.u32 $0x1C19, s14;
	[dreg:$0x4] =	wrdreg s11;
	s9 =	sshrl.u32 s26, $0x1  }
0xb: {  	s13 =	sshrl.u32 s8, $0x2;
	[dreg:$0x7] =	wrdreg s17;
	s5 =	sadd.s32 s6, s5  }
0xc: {  	s6 =	sor.u32 s3, s25;
	s29 =	ssub.s32 s26, s9;
	s3 =	smul.u32 $0x2710, s3  }
0xd: {  	s7 =	sadd.s32 s13, s2;
	s5 =	sshrl.u32 s5, $0x3;
	s6 =	smul.u32 $0x2710, s6  }
0xe: {  	[dreg:$0x6] =	wrdreg s7;
	s0 =	sadd.s32 s5, s0;
	s3 =	sadd.s32 s3, s21  }
0xf: {  	s5 =	smax.u32 s29, $0x1;
	s15 =	sadd.s32 $0x28, s6;
	s16 =	sshrl.u32 s6, $0x3  }
0x10: {  	s19 =	sadd.s32 $0x78, s6;
	s20 =	sadd.s32 $0xC8, s6;
	s23 =	sadd.s32 $0x4E228, s6  }
0x11: {  	s6 =	sadd.s32 $0x4E278, s6;
	s24 =	sadd.s32 $0x4E390, s3;
	s0 =	sadd.s32 $0x1A400, s0  }
0x12: {  	s26 =	sadd.s32 $0x190, s3;
	[dreg:$0xf] =	wrdreg s5;
	s5 =	sadd.s32 $0x168, s3  }
0x13: {  	s10 =	sadd.s32 $0x4E340, s3;
	s13 =	sadd.s32 $0x118, s3;
	s14 =	sadd.s32 $0x4E318, s3  }
0x14: {  	s8 =	sshrl.u32 s15, $0x3;
	s12 =	sadd.s32 s11, s16;
	s7 =	sshrl.u32 s19, $0x3  }
0x15: {  	s22 =	sshrl.u32 s20, $0x3;
	s6 =	sshrl.u32 s6, $0x3;
	[dreg:$0xe] =	wrdreg s0  }
0x16: {  	s25 =	sshrl.u32 s24, $0x3;
	s18 =	sadd.s32 s11, s8;
	[dreg:$0x8] =	wrdreg s12  }
0x17: {  	s29 =	sshrl.u32 s26, $0x3;
	s7 =	sadd.s32 s11, s7;
	[dreg:$0x9] =	wrdreg s18  }
0x18: {  	s16 =	sshrl.u32 s14, $0x3;
	s6 =	sadd.s32 s11, s6;
	[dreg:$0xa] =	wrdreg s7  }
0x19: {  	s19 =	sadd.s32 $0x1B8, s3;
	s0 =	sadd.s32 s25, s11;
	[dreg:$0xd] =	wrdreg s6  }
0x1a: {  	s20 =	sadd.s32 $0x4E2F0, s3;
	s24 =	sadd.s32 $0x14, s12;
	[dreg:$0x10] =	wrdreg s0  }
0x1b: {  	s14 =	simm.s32 $0x3;
	s25 =	sadd.s32 $0x9C40, s12;
	[dreg:$0x1d] =	wrdreg s24  }
0x1c: {  	s26 =	sadd.s32 $0x9C4A, s12;
	s7 =	sadd.s32 s11, s22;
	[dreg:$0x1e] =	wrdreg s25  }
0x1d: {  	s0 =	sadd.s32 s29, s11;
	s6 =	sadd.s32 $0x4E368, s3;
	[dreg:$0x1f] =	wrdreg s26  }
0x1e: {  	s18 =	sadd.s32 $0x4E2C8, s3;
	s22 =	sshrl.u32 s20, $0x3;
	[dreg:$0xb] =	wrdreg s7  }
0x1f: {  	s29 =	sadd.s32 $0x9C54, s12;
	s7 =	sshrl.u32 s23, $0x3;
	[dreg:$0x11] =	wrdreg s0  }
0x20: {  	s0 =	sshrl.u32 s5, $0x3;
	s23 =	sadd.s32 $0xA, s12;
	[smem:$0x7FD] =	sst s29  }
0x21: {  	s5 =	sshrl.u32 s6, $0x3;
	s7 =	sadd.s32 s11, s7;
	[dreg:$0x1c] =	wrdreg s23  }
0x22: {  	s12 =	simm.s32 $0x16;
	s0 =	sadd.s32 s0, s11;
	[dreg:$0xc] =	wrdreg s7  }
0x23: {  	s8 =	sadd.s32 s5, s11;
	s5 =	sshrl.u32 s13, $0x3;
	[dreg:$0x12] =	wrdreg s0  }
0x24: {  	s23 =	simm.s32 $0x380;
	s7 =	sadd.s32 $0x140, s3;
	[dreg:$0x13] =	wrdreg s8  }
0x25: {  	s15 =	sadd.s32 s5, s11;
	s5 =	sshrl.u32 s19, $0x3;
	s3 =	sadd.s32 $0xF0, s3  }
0x26: {  	s19 =	simm.s32 $0x6;
	s8 =	simm.s32 $0xB;
	[dreg:$0x16] =	wrdreg s15  }
0x27: {  	s9 =	sshrl.u32 s7, $0x3;
	s21 =	sadd.s32 s5, s11;
	[dreg:$0x1a] =	wrdreg s3  }
0x28: {  	s7 =	simm.s32 $0x300;
	s15 =	simm.s32 $0x9;
	s0 =	sadd.s32 s9, s11  }
0x29: {  	s3 =	simm.s32 $0x18;
	[dreg:$0x14] =	wrdreg s0;
	s0 =	sshrl.u32 s10, $0x3  }
0x2a: {  	s5 =	simm.s32 $0x0;
	[dreg:$0x19] =	wrdreg s21;
	s0 =	sadd.s32 s0, s11  }
.Ltmp0:
0x2b: {  	[dreg:$0x15] =	wrdreg s0;
	s0 =	sadd.s32 s16, s11;
	(pc) =	sbr.rel .LBB2_1-.Ltmp0, $4  }
0x2c: {  	s9 =	simm.s32 $0x17;
	[dreg:$0x17] =	wrdreg s0;
	s0 =	sshrl.u32 s18, $0x3  }
0x2d: {  	s10 =	simm.s32 $0x15;
	s16 =	simm.s32 $0x6A00;
	s0 =	sadd.s32 s0, s11  }
0x2e: {  	[dreg:$0x18] =	wrdreg s0;
	s0 =	sadd.s32 s22, s11;
	s22 =	simm.s32 $0x19  }
0x2f: {  	s11 =	simm.s32 $0x4;
	[dreg:$0x1b] =	wrdreg s0;
	s0 =	simm.s32 $0x28  }
.LBB2_4:
0x30: {  	_ =	swait.ge [sflag:s3], $0x28  }
0x31: {  	[sflag:s3] =	ssyncset.done $0x0  }
0x32: {  	s5 =	simm.s32 $0x1;
	[sflag:s3] =	ssyncadd.s32 $0xFFFFFFD8  }
0x33: {  	[spmem:s2] =	stream.indirect.scatter.add.f32 [tilespmem:s29], [sflag:$0xC], $0x80, s16, s0, $0xb8;
	[tilespmem:$0x1BE00] =	vst v63  }
0x34: {  	_ =	swait.ge [sflag:s5], $0x1400  }
0x35: {  	[sflag:s5] =	ssyncset.done $0x0  }
0x36: {  	s7 =	simm.s32 $0x13;
	[sflag:s5] =	ssyncadd.s32 $0xFFFFEC00  }
0x37: {  	_ =	swait.ge [sflag:s7], $0x28  }
0x38: {  	s13 =	simm.s32 $0x600;
	[sflag:s7] =	ssyncset.done $0x0  }
0x39: {  	s16 =	simm.s32 $0x2;
	[sflag:s7] =	ssyncadd.s32 $0xFFFFFFD8;
	s7 =	simm.s32 $0x300  }
0x3a: {  	[spmem:s2] =	stream.indirect.scatter.add.f32 [tilespmem:s13], [sflag:$0x7], $0x80, s7, s0, $0xb8;
	[tilespmem:$0x1BE00] =	vst v63  }
0x3b: {  	_ =	swait.ge [sflag:s16], $0x1400  }
0x3c: {  	[sflag:s16] =	ssyncset.done $0x0  }
0x3d: {  	s17 =	simm.s32 $0x14;
	[sflag:s16] =	ssyncadd.s32 $0xFFFFEC00  }
0x3e: {  	_ =	swait.ge [sflag:s17], $0x28  }
0x3f: {  	[sflag:s17] =	ssyncset.done $0x0  }
0x40: {  	s23 =	simm.s32 $0x380;
	s18 =	simm.s32 $0x1A00;
	[sflag:s17] =	ssyncadd.s32 $0xFFFFFFD8  }
0x41: {  	[spmem:s2] =	stream.indirect.scatter.add.f32 [tilespmem:s18], [sflag:$0x8], $0x80, s23, s0, $0xb8;
	[tilespmem:$0x1BE00] =	vst v63  }
0x42: {  	_ =	swait.ge [sflag:s14], $0x1400  }
0x43: {  	[sflag:s14] =	ssyncset.done $0x0  }
0x44: {  	[sflag:s14] =	ssyncadd.s32 $0xFFFFEC00  }
0x45: {  	_ =	swait.ge [sflag:s10], $0x28  }
0x46: {  	[sflag:s10] =	ssyncset.done $0x0  }
0x47: {  	s20 =	simm.s32 $0x400;
	s6 =	simm.s32 $0x2E00;
	[sflag:s10] =	ssyncadd.s32 $0xFFFFFFD8  }
0x48: {  	[spmem:s2] =	stream.indirect.scatter.add.f32 [tilespmem:s6], [sflag:$0x9], $0x80, s20, s0, $0xb8;
	[tilespmem:$0x1BE00] =	vst v63  }
0x49: {  	_ =	swait.ge [sflag:s11], $0x1400  }
0x4a: {  	[sflag:s11] =	ssyncset.done $0x0  }
0x4b: {  	[sflag:s11] =	ssyncadd.s32 $0xFFFFEC00  }
0x4c: {  	_ =	swait.ge [sflag:s12], $0x28  }
0x4d: {  	[sflag:s12] =	ssyncset.done $0x0  }
0x4e: {  	[sflag:s12] =	ssyncadd.s32 $0xFFFFFFD8  }
0x4f: {  	[spmem:s2] =	stream.indirect.scatter.add.f32 [tilespmem:s21], [sflag:$0xA], $0x80, s26, s0, $0xb8;
	[tilespmem:$0x1BE00] =	vst v63  }
0x50: {  	_ =	swait.ge [sflag:s8], $0x1400  }
0x51: {  	[sflag:s8] =	ssyncset.done $0x0  }
0x52: {  	s22 =	simm.s32 $0xC;
	[sflag:s8] =	ssyncadd.s32 $0xFFFFEC00  }
0x53: {  	_ =	swait.ge [sflag:s22], $0x1400  }
0x54: {  	[sflag:s22] =	ssyncset.done $0x0  }
0x55: {  	s24 =	simm.s32 $0x7;
	[sflag:s22] =	ssyncadd.s32 $0xFFFFEC00  }
0x56: {  	_ =	swait.ge [sflag:s24], $0x1400  }
0x57: {  	[sflag:s24] =	ssyncset.done $0x0  }
0x58: {  	[sflag:s24] =	ssyncadd.s32 $0xFFFFEC00  }
0x59: {  	_ =	swait.ge [sflag:s28], $0x1400  }
0x5a: {  	[sflag:s28] =	ssyncset.done $0x0  }
0x5b: {  	[sflag:s28] =	ssyncadd.s32 $0xFFFFEC00  }
0x5c: {  	_ =	swait.ge [sflag:s15], $0x1400  }
0x5d: {  	[sflag:s15] =	ssyncset.done $0x0  }
0x5e: {  	[sflag:s15] =	ssyncadd.s32 $0xFFFFEC00  }
0x5f: {  	_ =	swait.ge [sflag:s30], $0x1400  }
0x60: {  	[sflag:s30] =	ssyncset.done $0x0  }
0x61: {  	[sflag:s30] =	ssyncadd.s32 $0xFFFFEC00  }
0x62: {  	[bflag:$0x0] =	sbarrier.arrive $0xFFFF  }
0x63: {  	s25 =	sld [smem:$0x7FC]  }
0x64: {  	s17 =	rddreg [dreg:$0x7]  }
0x65: {  	s22 =	simm.s32 $0x19;
	s13 =	rddreg [dreg:$0xe]  }
0x66: {  	[hbm:s13], [sflag:s17] =	dma.local [spmem:s25], $0x2800  }
0x67: {  	_ =	swait.ge [sflag:s22], $0x2800  }
0x68: {  	s26 =	sld [smem:$0x7FB];
	_ =	sdelay $0x2  }
0x69: {  	s29 =	rddreg [dreg:$0xf];
	s5 =	sadd.s32 $0x1, s26  }
0x6a: {  	p0 =	sne.s32 s5, s29  }
.Ltmp1:
0x6b: {  	_ = 	snop;
	(pc) =	sbr.rel @!p0 .LBB2_5-.Ltmp1, $3  }
0x6c: {  	_ =	sdelay $0x1  }
0x6d: {  	[sflag:s22] =	ssyncset.done $0x0  }
0x6e: {  	s31 =	simm.s32 $0x280;
	s16 =	simm.s32 $0x6A00;
	[sflag:s22] =	ssyncadd.s32 $0xFFFFD800  }
.LBB2_1:
0x6f: {  	[smem:$0x7FB] =	sst s5  }
0x70: {  	s13 =	rddreg [dreg:$0x6]  }
0x71: {  	s25 =	rddreg [dreg:$0x5];
	s24 =	sshrl.u32 s13, $0x3  }
0x72: {  	[smem:$0x7FC] =	sst s24  }
0x73: {  	[spmem:s24], [sflag:s17] =	dma.local [hbm:s25], $0x2800  }
0x74: {  	_ =	swait.ge [sflag:s22], $0x2800  }
0x75: {  	[sflag:s22] =	ssyncset.done $0x0  }
0x76: {  	s26 =	rddreg [dreg:$0x8];
	[sflag:s22] =	ssyncadd.s32 $0xFFFFD800  }
0x77: {  	[tilespmem:s4], [sflag:$0xD] =	stream.linear.gather [hbm4b:s26+s4], $0x28, $0x38;
	[tilespmem:$0x1BE00] =	vst v63  }
0x78: {  	s17 =	simm.s32 $0x80;
	s29 =	rddreg [dreg:$0x9]  }
0x79: {  	[tilespmem:s17], [sflag:$0xE] =	stream.linear.gather [hbm4b:s29+s4], $0x28, $0x38;
	[tilespmem:$0x1BE00] =	vst v63  }
0x7a: {  	s5 =	rddreg [dreg:$0x1c];
	s22 =	simm.s32 $0x100  }
0x7b: {  	[tilespmem:s22], [sflag:$0xF] =	stream.linear.gather [hbm4b:s5+s4], $0x28, $0x38;
	[tilespmem:$0x1BE00] =	vst v63  }
0x7c: {  	s18 =	simm.s32 $0x180;
	s6 =	rddreg [dreg:$0xa]  }
0x7d: {  	[tilespmem:s18], [sflag:$0x10] =	stream.linear.gather [hbm4b:s6+s4], $0x28, $0x38;
	[tilespmem:$0x1BE00] =	vst v63  }
0x7e: {  	s13 =	rddreg [dreg:$0x1d];
	s6 =	simm.s32 $0x200  }
0x7f: {  	[tilespmem:s6], [sflag:$0x11] =	stream.linear.gather [hbm4b:s13+s4], $0x28, $0x38;
	[tilespmem:$0x1BE00] =	vst v63  }
0x80: {  	s13 =	rddreg [dreg:$0xb]  }
0x81: {  	[tilespmem:s31], [sflag:$0x12] =	stream.linear.gather [hbm4b:s13+s4], $0x28, $0x38;
	[tilespmem:$0x1BE00] =	vst v63  }
0x82: {  	s13 =	rddreg [dreg:$0x1e]  }
0x83: {  	[tilespmem:s7], [sflag:$0x13] =	stream.linear.gather [hbm4b:s13+s4], $0x28, $0x38;
	[tilespmem:$0x1BE00] =	vst v63  }
0x84: {  	s7 =	rddreg [dreg:$0xc]  }
0x85: {  	[tilespmem:s23], [sflag:$0x14] =	stream.linear.gather [hbm4b:s7+s4], $0x28, $0x38;
	[tilespmem:$0x1BE00] =	vst v63  }
0x86: {  	s23 =	rddreg [dreg:$0x1f]  }
0x87: {  	s26 =	simm.s32 $0x400;
	s7 =	rddreg [dreg:$0xd]  }
0x88: {  	[tilespmem:s26], [sflag:$0x15] =	stream.linear.gather [hbm4b:s23+s4], $0x28, $0x38;
	[tilespmem:$0x1BE00] =	vst v63  }
0x89: {  	s5 =	simm.s32 $0x480;
	s23 =	sld [smem:$0x7FD]  }
0x8a: {  	[tilespmem:s5], [sflag:$0x16] =	stream.linear.gather [hbm4b:s7+s4], $0x28, $0x38;
	[tilespmem:$0x1BE00] =	vst v63  }
0x8b: {  	s20 =	simm.s32 $0x500  }
0x8c: {  	[tilespmem:s20], [sflag:$0x17] =	stream.linear.gather [hbm4b:s23+s4], $0x28, $0x38;
	[tilespmem:$0x1BE00] =	vst v63  }
0x8d: {  	s26 =	simm.s32 $0xD;
	[bflag:$0x0] =	sbarrier.arrive $0xFFFF  }
0x8e: {  	_ =	swait.ge [sflag:s26], $0x28  }
0x8f: {  	[sflag:s26] =	ssyncset.done $0x0  }
0x90: {  	s13 =	simm.s32 $0xE;
	s7 =	simm.s32 $0x600;
	[sflag:s26] =	ssyncadd.s32 $0xFFFFFFD8  }
0x91: {  	[tilespmem:s7], [sflag:$0x1] =	stream.indirect.gather [hbm4b:s1+s0], $0x80, s4, s0, $0xb8;
	[tilespmem:$0x1BE00] =	vst v63  }
0x92: {  	_ =	swait.ge [sflag:s13], $0x28  }
0x93: {  	[sflag:s13] =	ssyncset.done $0x0  }
0x94: {  	s29 =	simm.s32 $0x1A00;
	s23 =	simm.s32 $0xF;
	[sflag:s13] =	ssyncadd.s32 $0xFFFFFFD8  }
0x95: {  	[tilespmem:s29], [sflag:$0x2] =	stream.indirect.gather [hbm4b:s1+s0], $0x80, s17, s0, $0xb8;
	[tilespmem:$0x1BE00] =	vst v63  }
0x96: {  	_ =	swait.ge [sflag:s23], $0x28  }
0x97: {  	[sflag:s23] =	ssyncset.done $0x0  }
0x98: {  	s21 =	simm.s32 $0x2E00;
	s26 =	simm.s32 $0x10;
	[sflag:s23] =	ssyncadd.s32 $0xFFFFFFD8  }
0x99: {  	[tilespmem:s21], [sflag:$0x3] =	stream.indirect.gather [hbm4b:s1+s0], $0x80, s22, s0, $0xb8;
	[tilespmem:$0x1BE00] =	vst v63  }
0x9a: {  	_ =	swait.ge [sflag:s26], $0x28  }
0x9b: {  	[sflag:s26] =	ssyncset.done $0x0  }
0x9c: {  	s24 =	simm.s32 $0x4200;
	s29 =	simm.s32 $0x11;
	[sflag:s26] =	ssyncadd.s32 $0xFFFFFFD8  }
0x9d: {  	[tilespmem:s24], [sflag:$0x4] =	stream.indirect.gather [hbm4b:s1+s0], $0x80, s18, s0, $0xb8;
	[tilespmem:$0x1BE00] =	vst v63  }
0x9e: {  	_ =	swait.ge [sflag:s29], $0x28  }
0x9f: {  	s25 =	simm.s32 $0x5600;
	s7 =	simm.s32 $0x580;
	[sflag:s29] =	ssyncset.done $0x0  }
0xa0: {  	s13 =	simm.s32 $0x0;
	s22 =	rddreg [dreg:$0x1a];
	[sflag:s29] =	ssyncadd.s32 $0xFFFFFFD8  }
0xa1: {  	[tilespmem:s25], [sflag:$0x5] =	stream.indirect.gather [hbm4b:s1+s0], $0x80, s6, s0, $0xb8;
	[tilespmem:$0x1BE00] =	vst v63  }
.LBB2_2:
0xa2: {  	s5 =	simm.s32 $0x1  }
0xa3: {  	_ =	swait.ge [sflag:s5], $0x1400  }
0xa4: {  	s23 =	sshrl.u32 s22, $0x3;
	[sflag:s5] =	ssyncset.done $0x0;
	s17 =	rddreg [dreg:$0x4]  }
0xa5: {  	s21 =	simm.s32 $0x13;
	[sflag:s5] =	ssyncadd.s32 $0xFFFFEC00;
	s23 =	sadd.s32 s17, s23  }
0xa6: {  	[tilespmem:s4], [sflag:$0xD] =	stream.linear.gather [hbm4b:s23+s4], $0x28, $0x38;
	[tilespmem:$0x1BE00] =	vst v63  }
0xa7: {  	_ =	swait.ge [sflag:s21], $0x28  }
0xa8: {  	s6 =	simm.s32 $0x300;
	p0 =	seq.s32 s13, $0x0;
	[sflag:s21] =	ssyncset.done $0x0  }
0xa9: {  	s18 =	simm.s32 $0x600;
	s23 =	simm.s32 @!p0 $0xC;
	[sflag:s21] =	ssyncadd.s32 $0xFFFFFFD8  }
0xaa: {  	[spmem:s2] =	stream.indirect.scatter.add.f32 [tilespmem:s18], [sflag:$0x7], $0x80, s6, s0, $0xb8;
	[tilespmem:$0x1BE00] =	vst v63  }
0xab: {  	_ =	swait.ge @!p0 [sflag:s23], $0x1400  }
0xac: {  	[sflag:s23] =	ssyncset.done @!p0 $0x0  }
0xad: {  	[sflag:s23] =	ssyncadd.s32 @!p0 $0xFFFFEC00;
	s23 =	rddreg [dreg:$0x18]  }
0xae: {  	s26 =	simm.s32 $0x12;
	s24 =	sadd.s32 s13, s23  }
0xaf: {  	[tilespmem:s7], [sflag:$0x18] =	stream.linear.gather [hbm4b:s24+s4], $0x28, $0x38;
	[tilespmem:$0x1BE00] =	vst v63  }
0xb0: {  	_ =	swait.ge [sflag:s26], $0x28  }
0xb1: {  	[sflag:s26] =	ssyncset.done $0x0  }
0xb2: {  	s7 =	simm.s32 $0x2;
	[sflag:s26] =	ssyncadd.s32 $0xFFFFFFD8  }
0xb3: {  	[tilespmem:s16], [sflag:$0x6] =	stream.indirect.gather [hbm4b:s1+s0], $0x80, s31, s0, $0xb8;
	[tilespmem:$0x1BE00] =	vst v63  }
0xb4: {  	_ =	swait.ge [sflag:s7], $0x1400  }
0xb5: {  	s21 =	simm.s32 $0x14;
	[sflag:s7] =	ssyncset.done $0x0;
	s16 =	rddreg [dreg:$0x16]  }
0xb6: {  	s31 =	simm.s32 $0x80;
	[sflag:s7] =	ssyncadd.s32 $0xFFFFEC00;
	s17 =	sadd.s32 s13, s16  }
0xb7: {  	[tilespmem:s31], [sflag:$0xE] =	stream.linear.gather [hbm4b:s17+s4], $0x28, $0x38;
	[tilespmem:$0x1BE00] =	vst v63  }
0xb8: {  	_ =	swait.ge [sflag:s21], $0x28  }
0xb9: {  	s23 =	simm.s32 $0x7;
	[sflag:s21] =	ssyncset.done $0x0  }
0xba: {  	s26 =	simm.s32 $0x380;
	[sflag:s21] =	ssyncadd.s32 $0xFFFFFFD8;
	s21 =	simm.s32 $0x1A00  }
0xbb: {  	[spmem:s2] =	stream.indirect.scatter.add.f32 [tilespmem:s21], [sflag:$0x8], $0x80, s26, s0, $0xb8;
	[tilespmem:$0x1BE00] =	vst v63  }
0xbc: {  	_ =	swait.ge [sflag:s23], $0x1400  }
0xbd: {  	[sflag:s23] =	ssyncset.done $0x0;
	s24 =	rddreg [dreg:$0x1b]  }
0xbe: {  	[sflag:s23] =	ssyncadd.s32 $0xFFFFEC00;
	s5 =	sadd.s32 s13, s24  }
0xbf: {  	[tilespmem:s6], [sflag:$0x13] =	stream.linear.gather [hbm4b:s5+s4], $0x28, $0x38;
	[tilespmem:$0x1BE00] =	vst v63  }
0xc0: {  	s6 =	simm.s32 $0xD  }
0xc1: {  	_ =	swait.ge [sflag:s6], $0x28  }
0xc2: {  	[sflag:s6] =	ssyncset.done $0x0  }
0xc3: {  	[sflag:s6] =	ssyncadd.s32 $0xFFFFFFD8  }
0xc4: {  	[tilespmem:s18], [sflag:$0x1] =	stream.indirect.gather [hbm4b:s1+s0], $0x80, s4, s0, $0xb8;
	[tilespmem:$0x1BE00] =	vst v63  }
0xc5: {  	_ =	swait.ge [sflag:s14], $0x1400  }
0xc6: {  	[sflag:s14] =	ssyncset.done $0x0;
	s16 =	rddreg [dreg:$0x14]  }
0xc7: {  	s18 =	simm.s32 $0x100;
	[sflag:s14] =	ssyncadd.s32 $0xFFFFEC00;
	s17 =	sadd.s32 s13, s16  }
0xc8: {  	[tilespmem:s18], [sflag:$0xF] =	stream.linear.gather [hbm4b:s17+s4], $0x28, $0x38;
	[tilespmem:$0x1BE00] =	vst v63  }
0xc9: {  	_ =	swait.ge [sflag:s10], $0x28  }
0xca: {  	[sflag:s10] =	ssyncset.done $0x0  }
0xcb: {  	s24 =	simm.s32 $0x2E00;
	s5 =	simm.s32 $0x400;
	[sflag:s10] =	ssyncadd.s32 $0xFFFFFFD8  }
0xcc: {  	[spmem:s2] =	stream.indirect.scatter.add.f32 [tilespmem:s24], [sflag:$0x9], $0x80, s5, s0, $0xb8;
	[tilespmem:$0x1BE00] =	vst v63  }
0xcd: {  	_ =	swait.ge [sflag:s28], $0x1400  }
0xce: {  	[sflag:s28] =	ssyncset.done $0x0;
	s23 =	rddreg [dreg:$0x17]  }
0xcf: {  	s17 =	simm.s32 $0xE;
	[sflag:s28] =	ssyncadd.s32 $0xFFFFEC00;
	s6 =	sadd.s32 s13, s23  }
0xd0: {  	[tilespmem:s26], [sflag:$0x14] =	stream.linear.gather [hbm4b:s6+s4], $0x28, $0x38;
	[tilespmem:$0x1BE00] =	vst v63  }
0xd1: {  	_ =	swait.ge [sflag:s17], $0x28  }
0xd2: {  	[sflag:s17] =	ssyncset.done $0x0  }
0xd3: {  	[sflag:s17] =	ssyncadd.s32 $0xFFFFFFD8  }
0xd4: {  	[tilespmem:s21], [sflag:$0x2] =	stream.indirect.gather [hbm4b:s1+s0], $0x80, s31, s0, $0xb8;
	[tilespmem:$0x1BE00] =	vst v63  }
0xd5: {  	_ =	swait.ge [sflag:s11], $0x1400  }
0xd6: {  	[sflag:s11] =	ssyncset.done $0x0;
	s23 =	rddreg [dreg:$0x12]  }
0xd7: {  	s6 =	simm.s32 $0x180;
	[sflag:s11] =	ssyncadd.s32 $0xFFFFEC00;
	s26 =	sadd.s32 s13, s23  }
0xd8: {  	[tilespmem:s6], [sflag:$0x10] =	stream.linear.gather [hbm4b:s26+s4], $0x28, $0x38;
	[tilespmem:$0x1BE00] =	vst v63  }
0xd9: {  	_ =	swait.ge [sflag:s12], $0x28  }
0xda: {  	[sflag:s12] =	ssyncset.done $0x0  }
0xdb: {  	s21 =	simm.s32 $0x4200;
	s26 =	simm.s32 $0x480;
	[sflag:s12] =	ssyncadd.s32 $0xFFFFFFD8  }
0xdc: {  	[spmem:s2] =	stream.indirect.scatter.add.f32 [tilespmem:s21], [sflag:$0xA], $0x80, s26, s0, $0xb8;
	[tilespmem:$0x1BE00] =	vst v63  }
0xdd: {  	_ =	swait.ge [sflag:s15], $0x1400  }
0xde: {  	[sflag:s15] =	ssyncset.done $0x0;
	s31 =	rddreg [dreg:$0x15]  }
0xdf: {  	s23 =	simm.s32 $0xF;
	[sflag:s15] =	ssyncadd.s32 $0xFFFFEC00;
	s17 =	sadd.s32 s13, s31  }
0xe0: {  	[tilespmem:s5], [sflag:$0x15] =	stream.linear.gather [hbm4b:s17+s4], $0x28, $0x38;
	[tilespmem:$0x1BE00] =	vst v63  }
0xe1: {  	_ =	swait.ge [sflag:s23], $0x28  }
0xe2: {  	[sflag:s23] =	ssyncset.done $0x0  }
0xe3: {  	[sflag:s23] =	ssyncadd.s32 $0xFFFFFFD8  }
0xe4: {  	[tilespmem:s24], [sflag:$0x3] =	stream.indirect.gather [hbm4b:s1+s0], $0x80, s18, s0, $0xb8;
	[tilespmem:$0x1BE00] =	vst v63  }
0xe5: {  	s24 =	simm.s32 $0x5  }
0xe6: {  	p0 =	seq.s32 s13, $0x4B0;
	_ =	swait.ge [sflag:s24], $0x1400  }
0xe7: {  	s31 =	simm.s32 @!p0 $0x200;
	[sflag:s24] =	ssyncset.done $0x0;
	s17 =	rddreg [dreg:$0x11]  }
0xe8: {  	[sflag:s24] =	ssyncadd.s32 $0xFFFFEC00;
	s23 =	sadd.s32 @!p0 s13, s17;
	s17 =	simm.s32 @!p0 $0x0  }
0xe9: {  	[tilespmem:s31], [sflag:$0x11] =	stream.linear.gather @!p0 [hbm4b:s23+s17], $0x28, $0x38;
	[tilespmem:$0x1BE00] =	vst v63  }
0xea: {  	_ =	swait.ge [sflag:s9], $0x28  }
0xeb: {  	[sflag:s9] =	ssyncset.done $0x0  }
0xec: {  	[sflag:s9] =	ssyncadd.s32 $0xFFFFFFD8  }
0xed: {  	[spmem:s2] =	stream.indirect.scatter.add.f32 [tilespmem:s25], [sflag:$0xB], $0x80, s20, s0, $0xb8;
	[tilespmem:$0x1BE00] =	vst v63  }
0xee: {  	_ =	swait.ge [sflag:s30], $0x1400  }
0xef: {  	[sflag:s30] =	ssyncset.done $0x0;
	s25 =	rddreg [dreg:$0x13]  }
0xf0: {  	s31 =	simm.s32 $0x10;
	[sflag:s30] =	ssyncadd.s32 $0xFFFFEC00;
	s17 =	sadd.s32 s13, s25  }
0xf1: {  	[tilespmem:s26], [sflag:$0x16] =	stream.linear.gather [hbm4b:s17+s4], $0x28, $0x38;
	[tilespmem:$0x1BE00] =	vst v63  }
0xf2: {  	_ =	swait.ge [sflag:s31], $0x28  }
0xf3: {  	[sflag:s31] =	ssyncset.done $0x0  }
.Ltmp2:
0xf4: {  	[sflag:s31] =	ssyncadd.s32 $0xFFFFFFD8;
	(pc) =	sbr.rel @p0 .LBB2_4-.Ltmp2, $4  }
0xf5: {  	[tilespmem:s21], [sflag:$0x4] =	stream.indirect.gather [hbm4b:s1+s0], $0x80, s6, s0, $0xb8;
	[tilespmem:$0x1BE00] =	vst v63  }
0xf6: {  	s29 =	simm.s32 $0x6A00;
	_ =	swait.ge [sflag:s19], $0x1400  }
0xf7: {  	s7 =	simm.s32 $0x280;
	s16 =	simm.s32 $0x580;
	[sflag:s19] =	ssyncset.done $0x0  }
0xf8: {  	s5 =	simm.s32 $0x500;
	s18 =	simm.s32 $0x5600;
	[sflag:s19] =	ssyncadd.s32 $0xFFFFEC00  }
0xf9: {  	s17 =	rddreg [dreg:$0x19]  }
0xfa: {  	s17 =	sadd.s32 s13, s17  }
0xfb: {  	[tilespmem:s7], [sflag:$0x12] =	stream.linear.gather [hbm4b:s17+s4], $0x28, $0x38;
	[tilespmem:$0x1BE00] =	vst v63  }
0xfc: {  	_ =	swait.ge [sflag:s3], $0x28  }
0xfd: {  	[sflag:s3] =	ssyncset.done $0x0  }
0xfe: {  	[sflag:s3] =	ssyncadd.s32 $0xFFFFFFD8  }
0xff: {  	[spmem:s2] =	stream.indirect.scatter.add.f32 [tilespmem:s29], [sflag:$0xC], $0x80, s16, s0, $0xb8;
	[tilespmem:$0x1BE00] =	vst v63  }
0x100: {  	_ =	swait.ge [sflag:s8], $0x1400  }
0x101: {  	[sflag:s8] =	ssyncset.done $0x0;
	s26 =	rddreg [dreg:$0x10]  }
0x102: {  	s6 =	simm.s32 $0x200;
	[sflag:s8] =	ssyncadd.s32 $0xFFFFEC00;
	s17 =	sadd.s32 s13, s26  }
0x103: {  	[tilespmem:s5], [sflag:$0x17] =	stream.linear.gather [hbm4b:s17+s4], $0x28, $0x38;
	[tilespmem:$0x1BE00] =	vst v63  }
.Ltmp3:
0x104: {  	s22 =	sadd.s32 $0xF0, s22;
	s29 =	simm.s32 $0x11;
	(pc) =	sbr.rel .LBB2_2-.Ltmp3, $4  }
0x105: {  	s31 =	simm.s32 $0x280;
	s20 =	simm.s32 $0x500;
	_ =	swait.ge [sflag:s29], $0x28  }
0x106: {  	s25 =	simm.s32 $0x5600;
	s7 =	simm.s32 $0x580;
	[sflag:s29] =	ssyncset.done $0x0  }
0x107: {  	s16 =	simm.s32 $0x6A00;
	s13 =	sadd.s32 $0x1E, s13;
	[sflag:s29] =	ssyncadd.s32 $0xFFFFFFD8  }
0x108: {  	[tilespmem:s18], [sflag:$0x5] =	stream.indirect.gather [hbm4b:s1+s0], $0x80, s6, s0, $0xb8;
	[tilespmem:$0x1BE00] =	vst v63  }
.LBB2_5:
0x109: {  	_ =	sfence.sel $0x180000  }
0x10a: {  	[bflag:$0x0] =	sbarrier.arrive $0xFFFF  }
0x10b: {  	_ =	strace $0x9000004D  }
0x10c: {  	s0 =	stileid.u32;
	[bflag:$0x2] =	sbarrier.arrive $0xFFFF  }
0x10d: {  	p0 =	sne.s32 s0, $0x0;
	s0 =	rddreg [dreg:$0x3]  }
0x10e: {  	s0 =	sadd.s32 @!p0 $0x100000, s0  }
0x10f: {  	[sflag:s0] =	ssyncadd.tile.s32 @!p0 $0x1;
	_ =	shalt  }
.Lfunc_end2:
_tile_overlayer_lowered:
.L_overlay_start_2:
0x110: {  	(tag) =	ssettag $0x2  }
0x111: {  	s0 =	rddreg [dreg:$0x0];
	s2 =	stileid.u32  }
0x112: {  	s1 =	rddreg [dreg:$0x1];
	p0 =	sne.s32 s2, $0x0  }
0x113: {  	s3 =	rddreg [dreg:$0x2];
	[bflag:$0x3] =	sbarrier.arrive $0xFFFF;
	s2 =	simm.s32 @!p0 $0x1C19  }
0x114: {  	[timem:s3], [sflag:s2] =	dma.local @!p0 [hbm:s0], s1  }
0x115: {  	s0 =	simm.s32 @!p0 $0x19  }
0x116: {  	_ =	swait.ge @!p0 [sflag:s0], s1  }
0x117: {  	s1 =	ssub.s32 @!p0 $0x0, s1;
	[sflag:s0] =	ssyncset.done @!p0 $0x0  }
0x118: {  	[sflag:s0] =	ssyncadd.s32 @!p0 s1  }
0x119: {  	[bflag:$0x3] =	sbarrier.arrive $0xFFFF  }
0x11a: {  	_ =	shalt  }

// kernel: kernel.19.cloned.1.call-start
scs
__scs_entry_jumppad:
0x0: {  	(pc) =	sbr.rel $0x88, $3  }
0x1: {  	(tag) =	ssettag $0x0;
	lr =	simm.s32 $0x1  }
0x2: {  	[smem:$0x3F93] =	sst lr;
	_ =	strace $0xD0000000  }
0x3: {  	_ = 	snop  }
0x4: {  	_ = 	snop  }
0x5: {  	_ = 	snop  }
0x6: {  	_ = 	snop  }
0x7: {  	_ = 	snop  }
__scs_overlays_trampoline_lowered:
0x8: {  	[smem:$0x3FA2] =	sst s0  }
0x9: {  	[smem:$0x3FA3] =	sst s1  }
0xa: {  	[smem:$0x3FA4] =	sst s2  }
0xb: {  	[smem:$0x3FA5] =	sst s3  }
0xc: {  	[smem:$0x3FA6] =	sst s4  }
0xd: {  	[smem:$0x3FA7] =	sst s5  }
0xe: {  	[smem:$0x3FA8] =	sst s6  }
0xf: {  	[smem:$0x3FA9] =	sst s7  }
0x10: {  	[smem:$0x3FAA] =	sst s8  }
0x11: {  	[smem:$0x3FAB] =	sst s9;
	s0 =	simm.s32 @!p0 $0x0  }
0x12: {  	s1 =	sld [smem:$0x3F91];
	s0 =	simm.s32 @p0 $0x1  }
0x13: {  	[smem:$0x3FAC] =	sst s0;
	s0 =	simm.s32 @!p1 $0x0  }
0x14: {  	s2 =	sld [smem:$0x3F90];
	s0 =	simm.s32 @p1 $0x1  }
0x15: {  	[smem:$0x3FAD] =	sst s0;
	s0 =	simm.s32 @!p2 $0x0  }
0x16: {  	s3 =	sld [smem:$0x3FDB];
	s0 =	simm.s32 @p2 $0x1  }
0x17: {  	s4 =	simm.s32 $0x1BF5;
	[smem:$0x3FAF] =	sst s0  }
0x18: {  	s0 =	sld [smem:$0x3F92];
	_ =	swait.ge [sflag:s4], $0x0  }
0x19: {  	s7 =	sld [smem:$0x3F93]  }
0x1a: {  	s8 =	sadd.s32 $0xFFFFE003, lr  }
0x1b: {  	s9 =	sadd.s32 $0xFFFFFEF7, lr;
	s5 =	simm.s32 $0xFFFFFFFF;
	p2 =	slt.u32 s8, $0xFFFFF086  }
0x1c: {  	p1 =	slt.u32 s9, $0xF7A;
	s5 =	simm.s32 @!p2 $0x0  }
0x1d: {  	s5 =	simm.s32 @p1 $0x1;
	p0 =	seq.s32 s7, s2  }
0x1e: {  	s7 =	smul.u32 @!p0 $0xF7A, s2;
	p2 =	seq.s32 @!p0 s5, $0x0  }
0x1f: {  	s9 =	smul.u32 $0xF7A, s1;
	s8 =	simm.s32 @!p0 $0x1BF5;
	p2 =	por !p2, p0  }
0x20: {  	[sflag:s8] =	ssyncset.s32 @!p0 $0xFFFFF086;
	s6 =	sadd.s32 @!p0 s3, s7;
	s7 =	simm.s32 @!p0 $0x108  }
0x21: {  	s3 =	sadd.s32 s3, s9;
	s6 =	sadd.s32 @!p0 $0x88, s6;
	s7 =	simm.s32 @p2 $0x1082  }
0x22: {  	[simem:s7], [sflag:s8] =	dma.local @!p0 [hbm:s6], $0xF7A  }
0x23: {  	s9 =	sor.u32 $0xD0000000, s2;
	s6 =	simm.s32 $0x108;
	_ =	swait.ge @!p0 [sflag:s8], $0x0  }
0x24: {  	s3 =	sadd.s32 $0x88, s3;
	s6 =	simm.s32 @!p1 $0x1082;
	[sflag:s4] =	ssyncset.s32 $0xFFFFF086  }
0x25: {  	[simem:s6], [sflag:s4] =	dma.local [hbm:s3], $0xF7A  }
0x26: {  	[smem:$0x3F93] =	sst s1;
	(tag) =	ssettag s2;
	_ =	strace s9  }
0x27: {  	s1 =	sld [smem:$0x3FA3]  }
0x28: {  	s2 =	sld [smem:$0x3FA4]  }
0x29: {  	s4 =	sld [smem:$0x3FA6]  }
0x2a: {  	p0 =	seq.s32 s5, $0x0;
	s5 =	sld [smem:$0x3FA7]  }
0x2b: {  	s6 =	sld [smem:$0x3FA8]  }
0x2c: {  	s7 =	sld [smem:$0x3FA9]  }
0x2d: {  	s3 =	simm.s32 $0x108;
	s8 =	sld [smem:$0x3FAA]  }
0x2e: {  	s3 =	simm.s32 @!p0 $0x1082;
	s9 =	sld [smem:$0x3FAB]  }
0x2f: {  	lr =	sadd.s32 s0, s3;
	s0 =	sld [smem:$0x3FA2]  }
0x30: {  	s3 =	sld [smem:$0x3FA5]  }
0x31: {  	[smem:$0x3FAE] =	sst s10  }
0x32: {  	s10 =	sld [smem:$0x3FAC];
	_ =	sdelay $0x3  }
0x33: {  	p0 =	seq.s32 s10, $0x1;
	s10 =	sld [smem:$0x3FAE];
	_ =	sdelay $0x3  }
0x34: {  	[smem:$0x3FAE] =	sst s10  }
0x35: {  	s10 =	sld [smem:$0x3FAD];
	_ =	sdelay $0x3  }
0x36: {  	p1 =	seq.s32 s10, $0x1;
	s10 =	sld [smem:$0x3FAE];
	_ =	sdelay $0x3  }
0x37: {  	[smem:$0x3FAE] =	sst s10  }
0x38: {  	s10 =	sld [smem:$0x3FAF]  }
0x39: {  	_ = 	snop;
	(pc) =	sbr.ind lr, $3  }
0x3a: {  	_ = 	snop  }
0x3b: {  	_ = 	snop  }
0x3c: {  	p2 =	seq.s32 s10, $0x1;
	s10 =	sld [smem:$0x3FAE]  }
0x3d: {  	_ =	shalt  }
0x3e: {  	_ =	shalt  }
0x3f: {  	_ =	shalt  }
0x40: {  	_ =	shalt  }
0x41: {  	_ =	shalt  }
0x42: {  	_ =	shalt  }
0x43: {  	_ =	shalt  }
0x44: {  	_ =	shalt  }
0x45: {  	_ =	shalt  }
0x46: {  	_ =	shalt  }
0x47: {  	_ =	shalt  }
0x48: {  	_ =	shalt  }
0x49: {  	_ =	shalt  }
0x4a: {  	_ =	shalt  }
0x4b: {  	_ =	shalt  }
0x4c: {  	_ =	shalt  }
0x4d: {  	_ =	shalt  }
0x4e: {  	_ =	shalt  }
0x4f: {  	_ =	shalt  }
0x50: {  	_ =	shalt  }
0x51: {  	_ =	shalt  }
0x52: {  	_ =	shalt  }
0x53: {  	_ =	shalt  }
0x54: {  	_ =	shalt  }
0x55: {  	_ =	shalt  }
0x56: {  	_ =	shalt  }
0x57: {  	_ =	shalt  }
0x58: {  	_ =	shalt  }
0x59: {  	_ =	shalt  }
0x5a: {  	_ =	shalt  }
0x5b: {  	_ =	shalt  }
0x5c: {  	_ =	shalt  }
0x5d: {  	_ =	shalt  }
0x5e: {  	_ =	shalt  }
0x5f: {  	_ =	shalt  }
0x60: {  	_ =	shalt  }
0x61: {  	_ =	shalt  }
0x62: {  	_ =	shalt  }
0x63: {  	_ =	shalt  }
0x64: {  	_ =	shalt  }
0x65: {  	_ =	shalt  }
0x66: {  	_ =	shalt  }
0x67: {  	_ =	shalt  }
0x68: {  	_ =	shalt  }
0x69: {  	_ =	shalt  }
0x6a: {  	_ =	shalt  }
0x6b: {  	_ =	shalt  }
0x6c: {  	_ =	shalt  }
0x6d: {  	_ =	shalt  }
0x6e: {  	_ =	shalt  }
0x6f: {  	_ =	shalt  }
0x70: {  	_ =	shalt  }
0x71: {  	_ =	shalt  }
0x72: {  	_ =	shalt  }
0x73: {  	_ =	shalt  }
0x74: {  	_ =	shalt  }
0x75: {  	_ =	shalt  }
0x76: {  	_ =	shalt  }
0x77: {  	_ =	shalt  }
0x78: {  	_ =	shalt  }
0x79: {  	_ =	shalt  }
0x7a: {  	_ =	shalt  }
0x7b: {  	_ =	shalt  }
0x7c: {  	_ =	shalt  }
0x7d: {  	_ =	shalt  }
0x7e: {  	_ =	shalt  }
0x7f: {  	_ =	shalt  }
0x80: {  	_ =	shalt  }
0x81: {  	_ =	shalt  }
0x82: {  	_ =	shalt  }
0x83: {  	_ =	shalt  }
0x84: {  	_ =	shalt  }
0x85: {  	_ =	shalt  }
0x86: {  	_ =	shalt  }
0x87: {  	_ =	shalt  }
.Lfunc_end0:
.L_simem_size_0:
called_computation.3_lowered:
.L_overlay_start_0:
0x88: {  	s2 =	sld [smem:$0x3FD9]  }
0x89: {  	s3 =	sld [smem:$0x3FFE];
	_ =	sdelay $0x1  }
0x8a: {  	s1 =	srdreg.scid  }
0x8b: {  	s0 =	sand.u32 $0x1, s1  }
0x8c: {  	s17 =	sshll.u32 s0, $0xA;
	s2 =	sadd.s32 s3, s2  }
0x8d: {  	s2 =	sadd.s32 s2, s17  }
0x8e: {  	[smem:$0x3FBA] =	sst s2  }
0x8f: {  	_ = 	snop  }
0x90: {  	s2 =	sld [smem:$0x3FD0];
	(tm) =	ssettm $0x1  }
0x91: {  	s18 =	sld [smem:$0x3FFB];
	_ =	sdelay $0x3  }
0x92: {  	_ =	strace s18  }
0x93: {  	s3 =	sld [smem:$0x3FFC];
	_ =	sdelay $0x3  }
0x94: {  	_ =	strace s3  }
0x95: {  	s3 =	sld [smem:$0x3FFD];
	_ =	sdelay $0x3  }
0x96: {  	_ =	strace s3  }
0x97: {  	_ =	strace $0x8FFFFFFF  }
0x98: {  	s19 =	sld [smem:$0x3FDB];
	_ =	sdelay $0x1  }
0x99: {  	s4 =	simm.s32 $_scs_section_size  }
0x9a: {  	s5 =	simm.s32 $_size__tile_overlayer_lowered;
	s6 =	simm.s32 $_tile_overlayer_lowered  }
0x9b: {  	s22 =	simm.s32 $0x1BFF;
	s21 =	sshll.u32 s6, $0x1;
	s3 =	sadd.s32 s4, s19  }
0x9c: {  	s7 =	simm.s32 $0x0;
	s20 =	sshll.u32 s5, $0x1;
	s5 =	sadd.s32 s21, s3  }
0x9d: {  	[timem:s7], [sflag:s22] =	dma.local [hbm:s5], s20  }
0x9e: {  	_ =	swait.ge [sflag:s22], s20  }
0x9f: {  	s4 =	ssub.s32 $0x0, s20;
	[sflag:s22] =	ssyncset.done $0x0  }
0xa0: {  	[sflag:s22] =	ssyncadd.s32 s4;
	_ =	sdelay $0x1  }
0xa1: {  	s23 =	simm.s32 $0x1B8B  }
0xa2: {  	_ =	swait.ge [sflag:s23], $0x1  }
0xa3: {  	[sflag:s23] =	ssyncset.done $0x0  }
0xa4: {  	s25 =	simm.s32 $0x1B8E;
	s24 =	sld [smem:$0x3FFE];
	[sflag:s23] =	ssyncadd.s32 $0xFFFFFFFF  }
0xa5: {  	s26 =	simm.s32 $execute0_lowered;
	[smem:$0x3FD2] =	sst s25  }
0xa6: {  	s5 =	sshll.u32 s26, $0x1;
	_ =	strace $0x8000004F;
	[dreg:$0x1] =	wrdreg $0xFFFFFFFF  }
0xa7: {  	s28 =	simm.s32 $_size_execute0_lowered;
	s3 =	sadd.s32 s3, s5;
	[dreg:$0x0] =	wrdreg $0x0  }
0xa8: {  	s5 =	sshll.u32 s28, $0x1;
	[dreg:$0x2] =	wrdreg s3  }
0xa9: {  	[dreg:$0x3] =	wrdreg s5  }
0xaa: {  	[dreg:$0x4] =	wrdreg $0xC0  }
0xab: {  	_ =	task [dreg:s7], $0x5FFFF  }
0xac: {  	[dreg:$0x1] =	wrdreg $0xFFFFFFFF  }
0xad: {  	[dreg:$0x0] =	wrdreg $0x60  }
0xae: {  	[dreg:$0x2] =	wrdreg s2  }
0xaf: {  	[dreg:$0x3] =	wrdreg s24  }
0xb0: {  	[dreg:$0x4] =	wrdreg $0x7E000  }
0xb1: {  	[dreg:$0x5] =	wrdreg $0x9  }
0xb2: {  	_ =	task.clear_ibuf [dreg:s7], $0x6FFFF;
	_ =	strace $0x9000004F  }
0xb3: {  	s29 =	simm.s32 $0x9;
	_ =	strace $0x80000051  }
0xb4: {  	_ =	swait.ge [sflag:s29], $0x1  }
0xb5: {  	[sflag:s29] =	ssyncadd.s32 $0xFFFFFFFF  }
0xb6: {  	_ =	strace $0x90000051  }
0xb7: {  	_ =	sfence  }
0xb8: {  	s30 =	sld [smem:$0x0];
	_ =	sdelay $0x2  }
0xb9: {  	s31 =	sshll.u32 s1, $0xD;
	s1 =	sshrl.u32 s1, $0x2  }
0xba: {  	s3 =	sand.u32 $0x4000, s31;
	s1 =	sadd.s32 s1, s30  }
0xbb: {  	s0 =	sor.u32 s3, s0;
	s1 =	sshll.u32 s1, $0x11  }
0xbc: {  	s0 =	sor.u32 s1, s0  }
0xbd: {  	s0 =	sadd.s32 $0x8F2B, s0  }
0xbe: {  	[sflag:s0] =	ssyncadd.remote.s32 $0x1  }
0xbf: {  	_ =	sfence.sel $0xFFFF  }
0xc0: {  	[dreg:$0x0] =	wrdreg $0xFFFFFFFF;
	(pc) =	sbr.abs _section_cstart, $3  }
0xc1: {  	[dreg:$0x1] =	wrdreg $0xFFFFFFFF  }
0xc2: {  	_ =	task.clear_ibuf [dreg:s7], $0x2FFFF;
	_ =	strace $0x9FFFFFFF  }
0xc3: {  	(tm) =	ssettm $0x7FFFFFFF  }
tec
execute0_lowered:
.L_overlay_start_1:
0x0: {  	(tag) =	ssettag $0x1  }
0x1: {  	s1 =	rddreg [dreg:$0x0]  }
0x2: {  	s0 =	rddreg [dreg:$0x1]  }
0x3: {  	s2 =	rddreg [dreg:$0x2];
	s3 =	srdreg.scid  }
0x4: {  	s4 =	simm.s32 $0x0;
	s10 =	stileid.u32;
	s31 =	simm.s32 $0x280  }
0x5: {  	s28 =	simm.s32 $0x8;
	s30 =	simm.s32 $0xA;
	s6 =	smul.u32 $0x14000, s10  }
0x6: {  	s3 =	sand.u32 $0x1, s3;
	[smem:$0x7FF] =	sst s4;
	s8 =	smul.u32 $0x50000, s10  }
0x7: {  	s11 =	sadd.s32 $0x4200, s0;
	s7 =	sadd.s32 $0x17C00, s0;
	s21 =	smul.u32 $0x4E20, s10  }
0x8: {  	s25 =	sshll.u32 s10, $0x1;
	s14 =	sshll.u32 s10, $0x6;
	s5 =	smul.u32 $0x140000, s3  }
0x9: {  	_ =	strace $0x80000050;
	[dreg:$0x5] =	wrdreg s7;
	s26 =	ssub.s32 $0x2, s3  }
0xa: {  	s17 =	sor.u32 $0x1C19, s14;
	[dreg:$0x4] =	wrdreg s11;
	s9 =	sshrl.u32 s26, $0x1  }
0xb: {  	s13 =	sshrl.u32 s8, $0x2;
	[dreg:$0x7] =	wrdreg s17;
	s5 =	sadd.s32 s6, s5  }
0xc: {  	s6 =	sor.u32 s3, s25;
	s29 =	ssub.s32 s26, s9;
	s3 =	smul.u32 $0x2710, s3  }
0xd: {  	s7 =	sadd.s32 s13, s2;
	s5 =	sshrl.u32 s5, $0x3;
	s6 =	smul.u32 $0x2710, s6  }
0xe: {  	[dreg:$0x6] =	wrdreg s7;
	s0 =	sadd.s32 s5, s0;
	s3 =	sadd.s32 s3, s21  }
0xf: {  	s5 =	smax.u32 s29, $0x1;
	s15 =	sadd.s32 $0x28, s6;
	s16 =	sshrl.u32 s6, $0x3  }
0x10: {  	s19 =	sadd.s32 $0x78, s6;
	s20 =	sadd.s32 $0xC8, s6;
	s23 =	sadd.s32 $0x4E228, s6  }
0x11: {  	s6 =	sadd.s32 $0x4E278, s6;
	s24 =	sadd.s32 $0x4E390, s3;
	s0 =	sadd.s32 $0x1A400, s0  }
0x12: {  	s26 =	sadd.s32 $0x190, s3;
	[dreg:$0xf] =	wrdreg s5;
	s5 =	sadd.s32 $0x168, s3  }
0x13: {  	s10 =	sadd.s32 $0x4E340, s3;
	s13 =	sadd.s32 $0x118, s3;
	s14 =	sadd.s32 $0x4E318, s3  }
0x14: {  	s8 =	sshrl.u32 s15, $0x3;
	s12 =	sadd.s32 s11, s16;
	s7 =	sshrl.u32 s19, $0x3  }
0x15: {  	s22 =	sshrl.u32 s20, $0x3;
	s6 =	sshrl.u32 s6, $0x3;
	[dreg:$0xe] =	wrdreg s0  }
0x16: {  	s25 =	sshrl.u32 s24, $0x3;
	s18 =	sadd.s32 s11, s8;
	[dreg:$0x8] =	wrdreg s12  }
0x17: {  	s29 =	sshrl.u32 s26, $0x3;
	s7 =	sadd.s32 s11, s7;
	[dreg:$0x9] =	wrdreg s18  }
0x18: {  	s16 =	sshrl.u32 s14, $0x3;
	s6 =	sadd.s32 s11, s6;
	[dreg:$0xa] =	wrdreg s7  }
0x19: {  	s19 =	sadd.s32 $0x1B8, s3;
	s0 =	sadd.s32 s25, s11;
	[dreg:$0xd] =	wrdreg s6  }
0x1a: {  	s20 =	sadd.s32 $0x4E2F0, s3;
	s24 =	sadd.s32 $0x14, s12;
	[dreg:$0x10] =	wrdreg s0  }
0x1b: {  	s14 =	simm.s32 $0x3;
	s25 =	sadd.s32 $0x9C40, s12;
	[dreg:$0x1d] =	wrdreg s24  }
0x1c: {  	s26 =	sadd.s32 $0x9C4A, s12;
	s7 =	sadd.s32 s11, s22;
	[dreg:$0x1e] =	wrdreg s25  }
0x1d: {  	s0 =	sadd.s32 s29, s11;
	s6 =	sadd.s32 $0x4E368, s3;
	[dreg:$0x1f] =	wrdreg s26  }
0x1e: {  	s18 =	sadd.s32 $0x4E2C8, s3;
	s22 =	sshrl.u32 s20, $0x3;
	[dreg:$0xb] =	wrdreg s7  }
0x1f: {  	s29 =	sadd.s32 $0x9C54, s12;
	s7 =	sshrl.u32 s23, $0x3;
	[dreg:$0x11] =	wrdreg s0  }
0x20: {  	s0 =	sshrl.u32 s5, $0x3;
	s23 =	sadd.s32 $0xA, s12;
	[smem:$0x7FD] =	sst s29  }
0x21: {  	s5 =	sshrl.u32 s6, $0x3;
	s7 =	sadd.s32 s11, s7;
	[dreg:$0x1c] =	wrdreg s23  }
0x22: {  	s12 =	simm.s32 $0x16;
	s0 =	sadd.s32 s0, s11;
	[dreg:$0xc] =	wrdreg s7  }
0x23: {  	s8 =	sadd.s32 s5, s11;
	s5 =	sshrl.u32 s13, $0x3;
	[dreg:$0x12] =	wrdreg s0  }
0x24: {  	s23 =	simm.s32 $0x380;
	s7 =	sadd.s32 $0x140, s3;
	[dreg:$0x13] =	wrdreg s8  }
0x25: {  	s15 =	sadd.s32 s5, s11;
	s5 =	sshrl.u32 s19, $0x3;
	s3 =	sadd.s32 $0xF0, s3  }
0x26: {  	s19 =	simm.s32 $0x6;
	s8 =	simm.s32 $0xB;
	[dreg:$0x16] =	wrdreg s15  }
0x27: {  	s9 =	sshrl.u32 s7, $0x3;
	s21 =	sadd.s32 s5, s11;
	[dreg:$0x1a] =	wrdreg s3  }
0x28: {  	s7 =	simm.s32 $0x300;
	s15 =	simm.s32 $0x9;
	s0 =	sadd.s32 s9, s11  }
0x29: {  	s3 =	simm.s32 $0x18;
	[dreg:$0x14] =	wrdreg s0;
	s0 =	sshrl.u32 s10, $0x3  }
0x2a: {  	s5 =	simm.s32 $0x0;
	[dreg:$0x19] =	wrdreg s21;
	s0 =	sadd.s32 s0, s11  }
.Ltmp0:
0x2b: {  	[dreg:$0x15] =	wrdreg s0;
	s0 =	sadd.s32 s16, s11;
	(pc) =	sbr.rel .LBB2_1-.Ltmp0, $4  }
0x2c: {  	s9 =	simm.s32 $0x17;
	[dreg:$0x17] =	wrdreg s0;
	s0 =	sshrl.u32 s18, $0x3  }
0x2d: {  	s10 =	simm.s32 $0x15;
	s16 =	simm.s32 $0x6A00;
	s0 =	sadd.s32 s0, s11  }
0x2e: {  	[dreg:$0x18] =	wrdreg s0;
	s0 =	sadd.s32 s22, s11;
	s22 =	simm.s32 $0x19  }
0x2f: {  	s11 =	simm.s32 $0x4;
	[dreg:$0x1b] =	wrdreg s0;
	s0 =	simm.s32 $0x28  }
.LBB2_4:
0x30: {  	_ =	swait.ge [sflag:s3], $0x28  }
0x31: {  	[sflag:s3] =	ssyncset.done $0x0  }
0x32: {  	s5 =	simm.s32 $0x1;
	[sflag:s3] =	ssyncadd.s32 $0xFFFFFFD8  }
0x33: {  	[spmem:s2] =	stream.indirect.scatter.add.f32 [tilespmem:s29], [sflag:$0xC], $0x80, s16, s0, $0xb8;
	[tilespmem:$0x1BE00] =	vst v63  }
0x34: {  	_ =	swait.ge [sflag:s5], $0x1400  }
0x35: {  	[sflag:s5] =	ssyncset.done $0x0  }
0x36: {  	s7 =	simm.s32 $0x13;
	[sflag:s5] =	ssyncadd.s32 $0xFFFFEC00  }
0x37: {  	_ =	swait.ge [sflag:s7], $0x28  }
0x38: {  	s13 =	simm.s32 $0x600;
	[sflag:s7] =	ssyncset.done $0x0  }
0x39: {  	s16 =	simm.s32 $0x2;
	[sflag:s7] =	ssyncadd.s32 $0xFFFFFFD8;
	s7 =	simm.s32 $0x300  }
0x3a: {  	[spmem:s2] =	stream.indirect.scatter.add.f32 [tilespmem:s13], [sflag:$0x7], $0x80, s7, s0, $0xb8;
	[tilespmem:$0x1BE00] =	vst v63  }
0x3b: {  	_ =	swait.ge [sflag:s16], $0x1400  }
0x3c: {  	[sflag:s16] =	ssyncset.done $0x0  }
0x3d: {  	s17 =	simm.s32 $0x14;
	[sflag:s16] =	ssyncadd.s32 $0xFFFFEC00  }
0x3e: {  	_ =	swait.ge [sflag:s17], $0x28  }
0x3f: {  	[sflag:s17] =	ssyncset.done $0x0  }
0x40: {  	s23 =	simm.s32 $0x380;
	s18 =	simm.s32 $0x1A00;
	[sflag:s17] =	ssyncadd.s32 $0xFFFFFFD8  }
0x41: {  	[spmem:s2] =	stream.indirect.scatter.add.f32 [tilespmem:s18], [sflag:$0x8], $0x80, s23, s0, $0xb8;
	[tilespmem:$0x1BE00] =	vst v63  }
0x42: {  	_ =	swait.ge [sflag:s14], $0x1400  }
0x43: {  	[sflag:s14] =	ssyncset.done $0x0  }
0x44: {  	[sflag:s14] =	ssyncadd.s32 $0xFFFFEC00  }
0x45: {  	_ =	swait.ge [sflag:s10], $0x28  }
0x46: {  	[sflag:s10] =	ssyncset.done $0x0  }
0x47: {  	s20 =	simm.s32 $0x400;
	s6 =	simm.s32 $0x2E00;
	[sflag:s10] =	ssyncadd.s32 $0xFFFFFFD8  }
0x48: {  	[spmem:s2] =	stream.indirect.scatter.add.f32 [tilespmem:s6], [sflag:$0x9], $0x80, s20, s0, $0xb8;
	[tilespmem:$0x1BE00] =	vst v63  }
0x49: {  	_ =	swait.ge [sflag:s11], $0x1400  }
0x4a: {  	[sflag:s11] =	ssyncset.done $0x0  }
0x4b: {  	[sflag:s11] =	ssyncadd.s32 $0xFFFFEC00  }
0x4c: {  	_ =	swait.ge [sflag:s12], $0x28  }
0x4d: {  	[sflag:s12] =	ssyncset.done $0x0  }
0x4e: {  	[sflag:s12] =	ssyncadd.s32 $0xFFFFFFD8  }
0x4f: {  	[spmem:s2] =	stream.indirect.scatter.add.f32 [tilespmem:s21], [sflag:$0xA], $0x80, s26, s0, $0xb8;
	[tilespmem:$0x1BE00] =	vst v63  }
0x50: {  	_ =	swait.ge [sflag:s8], $0x1400  }
0x51: {  	[sflag:s8] =	ssyncset.done $0x0  }
0x52: {  	s22 =	simm.s32 $0xC;
	[sflag:s8] =	ssyncadd.s32 $0xFFFFEC00  }
0x53: {  	_ =	swait.ge [sflag:s22], $0x1400  }
0x54: {  	[sflag:s22] =	ssyncset.done $0x0  }
0x55: {  	s24 =	simm.s32 $0x7;
	[sflag:s22] =	ssyncadd.s32 $0xFFFFEC00  }
0x56: {  	_ =	swait.ge [sflag:s24], $0x1400  }
0x57: {  	[sflag:s24] =	ssyncset.done $0x0  }
0x58: {  	[sflag:s24] =	ssyncadd.s32 $0xFFFFEC00  }
0x59: {  	_ =	swait.ge [sflag:s28], $0x1400  }
0x5a: {  	[sflag:s28] =	ssyncset.done $0x0  }
0x5b: {  	[sflag:s28] =	ssyncadd.s32 $0xFFFFEC00  }
0x5c: {  	_ =	swait.ge [sflag:s15], $0x1400  }
0x5d: {  	[sflag:s15] =	ssyncset.done $0x0  }
0x5e: {  	[sflag:s15] =	ssyncadd.s32 $0xFFFFEC00  }
0x5f: {  	_ =	swait.ge [sflag:s30], $0x1400  }
0x60: {  	[sflag:s30] =	ssyncset.done $0x0  }
0x61: {  	[sflag:s30] =	ssyncadd.s32 $0xFFFFEC00  }
0x62: {  	[bflag:$0x0] =	sbarrier.arrive $0xFFFF  }
0x63: {  	s25 =	sld [smem:$0x7FC]  }
0x64: {  	s17 =	rddreg [dreg:$0x7]  }
0x65: {  	s22 =	simm.s32 $0x19;
	s13 =	rddreg [dreg:$0xe]  }
0x66: {  	[hbm:s13], [sflag:s17] =	dma.local [spmem:s25], $0x2800  }
0x67: {  	_ =	swait.ge [sflag:s22], $0x2800  }
0x68: {  	s26 =	sld [smem:$0x7FB];
	_ =	sdelay $0x2  }
0x69: {  	s29 =	rddreg [dreg:$0xf];
	s5 =	sadd.s32 $0x1, s26  }
0x6a: {  	p0 =	sne.s32 s5, s29  }
.Ltmp1:
0x6b: {  	_ = 	snop;
	(pc) =	sbr.rel @!p0 .LBB2_5-.Ltmp1, $3  }
0x6c: {  	_ =	sdelay $0x1  }
0x6d: {  	[sflag:s22] =	ssyncset.done $0x0  }
0x6e: {  	s31 =	simm.s32 $0x280;
	s16 =	simm.s32 $0x6A00;
	[sflag:s22] =	ssyncadd.s32 $0xFFFFD800  }
.LBB2_1:
0x6f: {  	[smem:$0x7FB] =	sst s5  }
0x70: {  	s13 =	rddreg [dreg:$0x6]  }
0x71: {  	s25 =	rddreg [dreg:$0x5];
	s24 =	sshrl.u32 s13, $0x3  }
0x72: {  	[smem:$0x7FC] =	sst s24  }
0x73: {  	[spmem:s24], [sflag:s17] =	dma.local [hbm:s25], $0x2800  }
0x74: {  	_ =	swait.ge [sflag:s22], $0x2800  }
0x75: {  	[sflag:s22] =	ssyncset.done $0x0  }
0x76: {  	s26 =	rddreg [dreg:$0x8];
	[sflag:s22] =	ssyncadd.s32 $0xFFFFD800  }
0x77: {  	[tilespmem:s4], [sflag:$0xD] =	stream.linear.gather [hbm4b:s26+s4], $0x28, $0x38;
	[tilespmem:$0x1BE00] =	vst v63  }
0x78: {  	s17 =	simm.s32 $0x80;
	s29 =	rddreg [dreg:$0x9]  }
0x79: {  	[tilespmem:s17], [sflag:$0xE] =	stream.linear.gather [hbm4b:s29+s4], $0x28, $0x38;
	[tilespmem:$0x1BE00] =	vst v63  }
0x7a: {  	s5 =	rddreg [dreg:$0x1c];
	s22 =	simm.s32 $0x100  }
0x7b: {  	[tilespmem:s22], [sflag:$0xF] =	stream.linear.gather [hbm4b:s5+s4], $0x28, $0x38;
	[tilespmem:$0x1BE00] =	vst v63  }
0x7c: {  	s18 =	simm.s32 $0x180;
	s6 =	rddreg [dreg:$0xa]  }
0x7d: {  	[tilespmem:s18], [sflag:$0x10] =	stream.linear.gather [hbm4b:s6+s4], $0x28, $0x38;
	[tilespmem:$0x1BE00] =	vst v63  }
0x7e: {  	s13 =	rddreg [dreg:$0x1d];
	s6 =	simm.s32 $0x200  }
0x7f: {  	[tilespmem:s6], [sflag:$0x11] =	stream.linear.gather [hbm4b:s13+s4], $0x28, $0x38;
	[tilespmem:$0x1BE00] =	vst v63  }
0x80: {  	s13 =	rddreg [dreg:$0xb]  }
0x81: {  	[tilespmem:s31], [sflag:$0x12] =	stream.linear.gather [hbm4b:s13+s4], $0x28, $0x38;
	[tilespmem:$0x1BE00] =	vst v63  }
0x82: {  	s13 =	rddreg [dreg:$0x1e]  }
0x83: {  	[tilespmem:s7], [sflag:$0x13] =	stream.linear.gather [hbm4b:s13+s4], $0x28, $0x38;
	[tilespmem:$0x1BE00] =	vst v63  }
0x84: {  	s7 =	rddreg [dreg:$0xc]  }
0x85: {  	[tilespmem:s23], [sflag:$0x14] =	stream.linear.gather [hbm4b:s7+s4], $0x28, $0x38;
	[tilespmem:$0x1BE00] =	vst v63  }
0x86: {  	s23 =	rddreg [dreg:$0x1f]  }
0x87: {  	s26 =	simm.s32 $0x400;
	s7 =	rddreg [dreg:$0xd]  }
0x88: {  	[tilespmem:s26], [sflag:$0x15] =	stream.linear.gather [hbm4b:s23+s4], $0x28, $0x38;
	[tilespmem:$0x1BE00] =	vst v63  }
0x89: {  	s5 =	simm.s32 $0x480;
	s23 =	sld [smem:$0x7FD]  }
0x8a: {  	[tilespmem:s5], [sflag:$0x16] =	stream.linear.gather [hbm4b:s7+s4], $0x28, $0x38;
	[tilespmem:$0x1BE00] =	vst v63  }
0x8b: {  	s20 =	simm.s32 $0x500  }
0x8c: {  	[tilespmem:s20], [sflag:$0x17] =	stream.linear.gather [hbm4b:s23+s4], $0x28, $0x38;
	[tilespmem:$0x1BE00] =	vst v63  }
0x8d: {  	s26 =	simm.s32 $0xD;
	[bflag:$0x0] =	sbarrier.arrive $0xFFFF  }
0x8e: {  	_ =	swait.ge [sflag:s26], $0x28  }
0x8f: {  	[sflag:s26] =	ssyncset.done $0x0  }
0x90: {  	s13 =	simm.s32 $0xE;
	s7 =	simm.s32 $0x600;
	[sflag:s26] =	ssyncadd.s32 $0xFFFFFFD8  }
0x91: {  	[tilespmem:s7], [sflag:$0x1] =	stream.indirect.gather [hbm4b:s1+s0], $0x80, s4, s0, $0xb8;
	[tilespmem:$0x1BE00] =	vst v63  }
0x92: {  	_ =	swait.ge [sflag:s13], $0x28  }
0x93: {  	[sflag:s13] =	ssyncset.done $0x0  }
0x94: {  	s29 =	simm.s32 $0x1A00;
	s23 =	simm.s32 $0xF;
	[sflag:s13] =	ssyncadd.s32 $0xFFFFFFD8  }
0x95: {  	[tilespmem:s29], [sflag:$0x2] =	stream.indirect.gather [hbm4b:s1+s0], $0x80, s17, s0, $0xb8;
	[tilespmem:$0x1BE00] =	vst v63  }
0x96: {  	_ =	swait.ge [sflag:s23], $0x28  }
0x97: {  	[sflag:s23] =	ssyncset.done $0x0  }
0x98: {  	s21 =	simm.s32 $0x2E00;
	s26 =	simm.s32 $0x10;
	[sflag:s23] =	ssyncadd.s32 $0xFFFFFFD8  }
0x99: {  	[tilespmem:s21], [sflag:$0x3] =	stream.indirect.gather [hbm4b:s1+s0], $0x80, s22, s0, $0xb8;
	[tilespmem:$0x1BE00] =	vst v63  }
0x9a: {  	_ =	swait.ge [sflag:s26], $0x28  }
0x9b: {  	[sflag:s26] =	ssyncset.done $0x0  }
0x9c: {  	s24 =	simm.s32 $0x4200;
	s29 =	simm.s32 $0x11;
	[sflag:s26] =	ssyncadd.s32 $0xFFFFFFD8  }
0x9d: {  	[tilespmem:s24], [sflag:$0x4] =	stream.indirect.gather [hbm4b:s1+s0], $0x80, s18, s0, $0xb8;
	[tilespmem:$0x1BE00] =	vst v63  }
0x9e: {  	_ =	swait.ge [sflag:s29], $0x28  }
0x9f: {  	s25 =	simm.s32 $0x5600;
	s7 =	simm.s32 $0x580;
	[sflag:s29] =	ssyncset.done $0x0  }
0xa0: {  	s13 =	simm.s32 $0x0;
	s22 =	rddreg [dreg:$0x1a];
	[sflag:s29] =	ssyncadd.s32 $0xFFFFFFD8  }
0xa1: {  	[tilespmem:s25], [sflag:$0x5] =	stream.indirect.gather [hbm4b:s1+s0], $0x80, s6, s0, $0xb8;
	[tilespmem:$0x1BE00] =	vst v63  }
.LBB2_2:
0xa2: {  	s5 =	simm.s32 $0x1  }
0xa3: {  	_ =	swait.ge [sflag:s5], $0x1400  }
0xa4: {  	s23 =	sshrl.u32 s22, $0x3;
	[sflag:s5] =	ssyncset.done $0x0;
	s17 =	rddreg [dreg:$0x4]  }
0xa5: {  	s21 =	simm.s32 $0x13;
	[sflag:s5] =	ssyncadd.s32 $0xFFFFEC00;
	s23 =	sadd.s32 s17, s23  }
0xa6: {  	[tilespmem:s4], [sflag:$0xD] =	stream.linear.gather [hbm4b:s23+s4], $0x28, $0x38;
	[tilespmem:$0x1BE00] =	vst v63  }
0xa7: {  	_ =	swait.ge [sflag:s21], $0x28  }
0xa8: {  	s6 =	simm.s32 $0x300;
	p0 =	seq.s32 s13, $0x0;
	[sflag:s21] =	ssyncset.done $0x0  }
0xa9: {  	s18 =	simm.s32 $0x600;
	s23 =	simm.s32 @!p0 $0xC;
	[sflag:s21] =	ssyncadd.s32 $0xFFFFFFD8  }
0xaa: {  	[spmem:s2] =	stream.indirect.scatter.add.f32 [tilespmem:s18], [sflag:$0x7], $0x80, s6, s0, $0xb8;
	[tilespmem:$0x1BE00] =	vst v63  }
0xab: {  	_ =	swait.ge @!p0 [sflag:s23], $0x1400  }
0xac: {  	[sflag:s23] =	ssyncset.done @!p0 $0x0  }
0xad: {  	[sflag:s23] =	ssyncadd.s32 @!p0 $0xFFFFEC00;
	s23 =	rddreg [dreg:$0x18]  }
0xae: {  	s26 =	simm.s32 $0x12;
	s24 =	sadd.s32 s13, s23  }
0xaf: {  	[tilespmem:s7], [sflag:$0x18] =	stream.linear.gather [hbm4b:s24+s4], $0x28, $0x38;
	[tilespmem:$0x1BE00] =	vst v63  }
0xb0: {  	_ =	swait.ge [sflag:s26], $0x28  }
0xb1: {  	[sflag:s26] =	ssyncset.done $0x0  }
0xb2: {  	s7 =	simm.s32 $0x2;
	[sflag:s26] =	ssyncadd.s32 $0xFFFFFFD8  }
0xb3: {  	[tilespmem:s16], [sflag:$0x6] =	stream.indirect.gather [hbm4b:s1+s0], $0x80, s31, s0, $0xb8;
	[tilespmem:$0x1BE00] =	vst v63  }
0xb4: {  	_ =	swait.ge [sflag:s7], $0x1400  }
0xb5: {  	s21 =	simm.s32 $0x14;
	[sflag:s7] =	ssyncset.done $0x0;
	s16 =	rddreg [dreg:$0x16]  }
0xb6: {  	s31 =	simm.s32 $0x80;
	[sflag:s7] =	ssyncadd.s32 $0xFFFFEC00;
	s17 =	sadd.s32 s13, s16  }
0xb7: {  	[tilespmem:s31], [sflag:$0xE] =	stream.linear.gather [hbm4b:s17+s4], $0x28, $0x38;
	[tilespmem:$0x1BE00] =	vst v63  }
0xb8: {  	_ =	swait.ge [sflag:s21], $0x28  }
0xb9: {  	s23 =	simm.s32 $0x7;
	[sflag:s21] =	ssyncset.done $0x0  }
0xba: {  	s26 =	simm.s32 $0x380;
	[sflag:s21] =	ssyncadd.s32 $0xFFFFFFD8;
	s21 =	simm.s32 $0x1A00  }
0xbb: {  	[spmem:s2] =	stream.indirect.scatter.add.f32 [tilespmem:s21], [sflag:$0x8], $0x80, s26, s0, $0xb8;
	[tilespmem:$0x1BE00] =	vst v63  }
0xbc: {  	_ =	swait.ge [sflag:s23], $0x1400  }
0xbd: {  	[sflag:s23] =	ssyncset.done $0x0;
	s24 =	rddreg [dreg:$0x1b]  }
0xbe: {  	[sflag:s23] =	ssyncadd.s32 $0xFFFFEC00;
	s5 =	sadd.s32 s13, s24  }
0xbf: {  	[tilespmem:s6], [sflag:$0x13] =	stream.linear.gather [hbm4b:s5+s4], $0x28, $0x38;
	[tilespmem:$0x1BE00] =	vst v63  }
0xc0: {  	s6 =	simm.s32 $0xD  }
0xc1: {  	_ =	swait.ge [sflag:s6], $0x28  }
0xc2: {  	[sflag:s6] =	ssyncset.done $0x0  }
0xc3: {  	[sflag:s6] =	ssyncadd.s32 $0xFFFFFFD8  }
0xc4: {  	[tilespmem:s18], [sflag:$0x1] =	stream.indirect.gather [hbm4b:s1+s0], $0x80, s4, s0, $0xb8;
	[tilespmem:$0x1BE00] =	vst v63  }
0xc5: {  	_ =	swait.ge [sflag:s14], $0x1400  }
0xc6: {  	[sflag:s14] =	ssyncset.done $0x0;
	s16 =	rddreg [dreg:$0x14]  }
0xc7: {  	s18 =	simm.s32 $0x100;
	[sflag:s14] =	ssyncadd.s32 $0xFFFFEC00;
	s17 =	sadd.s32 s13, s16  }
0xc8: {  	[tilespmem:s18], [sflag:$0xF] =	stream.linear.gather [hbm4b:s17+s4], $0x28, $0x38;
	[tilespmem:$0x1BE00] =	vst v63  }
0xc9: {  	_ =	swait.ge [sflag:s10], $0x28  }
0xca: {  	[sflag:s10] =	ssyncset.done $0x0  }
0xcb: {  	s24 =	simm.s32 $0x2E00;
	s5 =	simm.s32 $0x400;
	[sflag:s10] =	ssyncadd.s32 $0xFFFFFFD8  }
0xcc: {  	[spmem:s2] =	stream.indirect.scatter.add.f32 [tilespmem:s24], [sflag:$0x9], $0x80, s5, s0, $0xb8;
	[tilespmem:$0x1BE00] =	vst v63  }
0xcd: {  	_ =	swait.ge [sflag:s28], $0x1400  }
0xce: {  	[sflag:s28] =	ssyncset.done $0x0;
	s23 =	rddreg [dreg:$0x17]  }
0xcf: {  	s17 =	simm.s32 $0xE;
	[sflag:s28] =	ssyncadd.s32 $0xFFFFEC00;
	s6 =	sadd.s32 s13, s23  }
0xd0: {  	[tilespmem:s26], [sflag:$0x14] =	stream.linear.gather [hbm4b:s6+s4], $0x28, $0x38;
	[tilespmem:$0x1BE00] =	vst v63  }
0xd1: {  	_ =	swait.ge [sflag:s17], $0x28  }
0xd2: {  	[sflag:s17] =	ssyncset.done $0x0  }
0xd3: {  	[sflag:s17] =	ssyncadd.s32 $0xFFFFFFD8  }
0xd4: {  	[tilespmem:s21], [sflag:$0x2] =	stream.indirect.gather [hbm4b:s1+s0], $0x80, s31, s0, $0xb8;
	[tilespmem:$0x1BE00] =	vst v63  }
0xd5: {  	_ =	swait.ge [sflag:s11], $0x1400  }
0xd6: {  	[sflag:s11] =	ssyncset.done $0x0;
	s23 =	rddreg [dreg:$0x12]  }
0xd7: {  	s6 =	simm.s32 $0x180;
	[sflag:s11] =	ssyncadd.s32 $0xFFFFEC00;
	s26 =	sadd.s32 s13, s23  }
0xd8: {  	[tilespmem:s6], [sflag:$0x10] =	stream.linear.gather [hbm4b:s26+s4], $0x28, $0x38;
	[tilespmem:$0x1BE00] =	vst v63  }
0xd9: {  	_ =	swait.ge [sflag:s12], $0x28  }
0xda: {  	[sflag:s12] =	ssyncset.done $0x0  }
0xdb: {  	s21 =	simm.s32 $0x4200;
	s26 =	simm.s32 $0x480;
	[sflag:s12] =	ssyncadd.s32 $0xFFFFFFD8  }
0xdc: {  	[spmem:s2] =	stream.indirect.scatter.add.f32 [tilespmem:s21], [sflag:$0xA], $0x80, s26, s0, $0xb8;
	[tilespmem:$0x1BE00] =	vst v63  }
0xdd: {  	_ =	swait.ge [sflag:s15], $0x1400  }
0xde: {  	[sflag:s15] =	ssyncset.done $0x0;
	s31 =	rddreg [dreg:$0x15]  }
0xdf: {  	s23 =	simm.s32 $0xF;
	[sflag:s15] =	ssyncadd.s32 $0xFFFFEC00;
	s17 =	sadd.s32 s13, s31  }
0xe0: {  	[tilespmem:s5], [sflag:$0x15] =	stream.linear.gather [hbm4b:s17+s4], $0x28, $0x38;
	[tilespmem:$0x1BE00] =	vst v63  }
0xe1: {  	_ =	swait.ge [sflag:s23], $0x28  }
0xe2: {  	[sflag:s23] =	ssyncset.done $0x0  }
0xe3: {  	[sflag:s23] =	ssyncadd.s32 $0xFFFFFFD8  }
0xe4: {  	[tilespmem:s24], [sflag:$0x3] =	stream.indirect.gather [hbm4b:s1+s0], $0x80, s18, s0, $0xb8;
	[tilespmem:$0x1BE00] =	vst v63  }
0xe5: {  	s24 =	simm.s32 $0x5  }
0xe6: {  	p0 =	seq.s32 s13, $0x4B0;
	_ =	swait.ge [sflag:s24], $0x1400  }
0xe7: {  	s31 =	simm.s32 @!p0 $0x200;
	[sflag:s24] =	ssyncset.done $0x0;
	s17 =	rddreg [dreg:$0x11]  }
0xe8: {  	[sflag:s24] =	ssyncadd.s32 $0xFFFFEC00;
	s23 =	sadd.s32 @!p0 s13, s17;
	s17 =	simm.s32 @!p0 $0x0  }
0xe9: {  	[tilespmem:s31], [sflag:$0x11] =	stream.linear.gather @!p0 [hbm4b:s23+s17], $0x28, $0x38;
	[tilespmem:$0x1BE00] =	vst v63  }
0xea: {  	_ =	swait.ge [sflag:s9], $0x28  }
0xeb: {  	[sflag:s9] =	ssyncset.done $0x0  }
0xec: {  	[sflag:s9] =	ssyncadd.s32 $0xFFFFFFD8  }
0xed: {  	[spmem:s2] =	stream.indirect.scatter.add.f32 [tilespmem:s25], [sflag:$0xB], $0x80, s20, s0, $0xb8;
	[tilespmem:$0x1BE00] =	vst v63  }
0xee: {  	_ =	swait.ge [sflag:s30], $0x1400  }
0xef: {  	[sflag:s30] =	ssyncset.done $0x0;
	s25 =	rddreg [dreg:$0x13]  }
0xf0: {  	s31 =	simm.s32 $0x10;
	[sflag:s30] =	ssyncadd.s32 $0xFFFFEC00;
	s17 =	sadd.s32 s13, s25  }
0xf1: {  	[tilespmem:s26], [sflag:$0x16] =	stream.linear.gather [hbm4b:s17+s4], $0x28, $0x38;
	[tilespmem:$0x1BE00] =	vst v63  }
0xf2: {  	_ =	swait.ge [sflag:s31], $0x28  }
0xf3: {  	[sflag:s31] =	ssyncset.done $0x0  }
.Ltmp2:
0xf4: {  	[sflag:s31] =	ssyncadd.s32 $0xFFFFFFD8;
	(pc) =	sbr.rel @p0 .LBB2_4-.Ltmp2, $4  }
0xf5: {  	[tilespmem:s21], [sflag:$0x4] =	stream.indirect.gather [hbm4b:s1+s0], $0x80, s6, s0, $0xb8;
	[tilespmem:$0x1BE00] =	vst v63  }
0xf6: {  	s29 =	simm.s32 $0x6A00;
	_ =	swait.ge [sflag:s19], $0x1400  }
0xf7: {  	s7 =	simm.s32 $0x280;
	s16 =	simm.s32 $0x580;
	[sflag:s19] =	ssyncset.done $0x0  }
0xf8: {  	s5 =	simm.s32 $0x500;
	s18 =	simm.s32 $0x5600;
	[sflag:s19] =	ssyncadd.s32 $0xFFFFEC00  }
0xf9: {  	s17 =	rddreg [dreg:$0x19]  }
0xfa: {  	s17 =	sadd.s32 s13, s17  }
0xfb: {  	[tilespmem:s7], [sflag:$0x12] =	stream.linear.gather [hbm4b:s17+s4], $0x28, $0x38;
	[tilespmem:$0x1BE00] =	vst v63  }
0xfc: {  	_ =	swait.ge [sflag:s3], $0x28  }
0xfd: {  	[sflag:s3] =	ssyncset.done $0x0  }
0xfe: {  	[sflag:s3] =	ssyncadd.s32 $0xFFFFFFD8  }
0xff: {  	[spmem:s2] =	stream.indirect.scatter.add.f32 [tilespmem:s29], [sflag:$0xC], $0x80, s16, s0, $0xb8;
	[tilespmem:$0x1BE00] =	vst v63  }
0x100: {  	_ =	swait.ge [sflag:s8], $0x1400  }
0x101: {  	[sflag:s8] =	ssyncset.done $0x0;
	s26 =	rddreg [dreg:$0x10]  }
0x102: {  	s6 =	simm.s32 $0x200;
	[sflag:s8] =	ssyncadd.s32 $0xFFFFEC00;
	s17 =	sadd.s32 s13, s26  }
0x103: {  	[tilespmem:s5], [sflag:$0x17] =	stream.linear.gather [hbm4b:s17+s4], $0x28, $0x38;
	[tilespmem:$0x1BE00] =	vst v63  }
.Ltmp3:
0x104: {  	s22 =	sadd.s32 $0xF0, s22;
	s29 =	simm.s32 $0x11;
	(pc) =	sbr.rel .LBB2_2-.Ltmp3, $4  }
0x105: {  	s31 =	simm.s32 $0x280;
	s20 =	simm.s32 $0x500;
	_ =	swait.ge [sflag:s29], $0x28  }
0x106: {  	s25 =	simm.s32 $0x5600;
	s7 =	simm.s32 $0x580;
	[sflag:s29] =	ssyncset.done $0x0  }
0x107: {  	s16 =	simm.s32 $0x6A00;
	s13 =	sadd.s32 $0x1E, s13;
	[sflag:s29] =	ssyncadd.s32 $0xFFFFFFD8  }
0x108: {  	[tilespmem:s18], [sflag:$0x5] =	stream.indirect.gather [hbm4b:s1+s0], $0x80, s6, s0, $0xb8;
	[tilespmem:$0x1BE00] =	vst v63  }
.LBB2_5:
0x109: {  	_ =	sfence.sel $0x180000  }
0x10a: {  	[bflag:$0x0] =	sbarrier.arrive $0xFFFF  }
0x10b: {  	_ =	strace $0x90000050  }
0x10c: {  	s0 =	stileid.u32;
	[bflag:$0x2] =	sbarrier.arrive $0xFFFF  }
0x10d: {  	p0 =	sne.s32 s0, $0x0;
	s0 =	rddreg [dreg:$0x3]  }
0x10e: {  	s0 =	sadd.s32 @!p0 $0x100000, s0  }
0x10f: {  	[sflag:s0] =	ssyncadd.tile.s32 @!p0 $0x1;
	_ =	shalt  }
.Lfunc_end2:
_tile_overlayer_lowered:
.L_overlay_start_2:
0x110: {  	(tag) =	ssettag $0x2  }
0x111: {  	s0 =	rddreg [dreg:$0x0];
	s2 =	stileid.u32  }
0x112: {  	s1 =	rddreg [dreg:$0x1];
	p0 =	sne.s32 s2, $0x0  }
0x113: {  	s3 =	rddreg [dreg:$0x2];
	[bflag:$0x3] =	sbarrier.arrive $0xFFFF;
	s2 =	simm.s32 @!p0 $0x1C19  }
0x114: {  	[timem:s3], [sflag:s2] =	dma.local @!p0 [hbm:s0], s1  }
0x115: {  	s0 =	simm.s32 @!p0 $0x19  }
0x116: {  	_ =	swait.ge @!p0 [sflag:s0], s1  }
0x117: {  	s1 =	ssub.s32 @!p0 $0x0, s1;
	[sflag:s0] =	ssyncset.done @!p0 $0x0  }
0x118: {  	[sflag:s0] =	ssyncadd.s32 @!p0 s1  }
0x119: {  	[bflag:$0x3] =	sbarrier.arrive $0xFFFF  }
0x11a: {  	_ =	shalt  }

</sc_bundles>
